<compile_context>
chip_gen: v7x
topology: tpu7x:2x2x1
jax: 0.10.2.dev20260603
libtpu: 0.0.44.dev20260713+nightly
codegen_flags: <defaults>
</compile_context>

<pallas_src>
import functools
import math

import jax
import jax.numpy as jnp
from jax import lax
from jax.experimental import pallas as pl
from jax.experimental.pallas import tpu as pltpu
from jax.experimental.pallas import tpu_sc as plsc

_NT = 32
_B = 128


def _lane_shuffle(v, idx):
    dn = lax.GatherDimensionNumbers(
        offset_dims=(), collapsed_slice_dims=(0,), start_index_map=(0,))
    return lax.gather(v, idx[:, None], dn, (1,),
                      mode=lax.GatherScatterMode.PROMISE_IN_BOUNDS)


@functools.cache
def _make_edge_kernel(N, NB):
    RPT = math.ceil((N + 1) / 128) * 8
    NR = 16 * RPT
    mesh = plsc.VectorSubcoreMesh(core_axis_name="c", subcore_axis_name="s")

    @functools.partial(
        pl.kernel,
        out_type=jax.ShapeDtypeStruct((2, NR, 32), jnp.float32),
        mesh=mesh,
        compiler_params=pltpu.CompilerParams(use_tc_tiling_on_sc=False),
        scratch_types=[
            pltpu.VMEM((8, _B), jnp.int32),
            pltpu.VMEM((_B, 16), jnp.float32),
            pltpu.VMEM((_B, 16), jnp.float32),
            pltpu.VMEM((_B, 16), jnp.float32),
            pltpu.VMEM((_B, 16), jnp.float32),
            pltpu.VMEM((_B, 32), jnp.float32),
            pltpu.VMEM((_B, 32), jnp.float32),
            pltpu.VMEM((_B, 32), jnp.float32),
            pltpu.VMEM((_B, 32), jnp.float32),
            pltpu.VMEM((16,), jnp.float32),
            pltpu.VMEM((RPT, 32), jnp.float32),
            pltpu.VMEM_SHARED((NR, 32), jnp.float32),
            pltpu.SemaphoreType.DMA,
            pltpu.SemaphoreType.DMA,
            pltpu.SemaphoreType.DMA,
            pltpu.SemaphoreType.DMA,
        ],
    )
    def edge_kernel(xl_hbm, xr_hbm, idx_hbm, att_hbm, out_hbm,
                    idx_v, xlr0, xrr0, xlr1, xrr1,
                    contrib0, contrib1, contrib2, contrib3, att_v, stage, acc,
                    sxl0, sxr0, sxl1, sxr1):
        cid = lax.axis_index("c")
        sid = lax.axis_index("s")
        wid = sid * 2 + cid

        z16 = jnp.zeros((16,), jnp.float32)

        def zrow(i, carry):
            stage[i, 0:16] = z16
            stage[i, 16:32] = z16
            return carry

        lax.fori_loop(0, RPT, zrow, 0)
        pltpu.sync_copy(stage, acc.at[pl.ds(sid * RPT, RPT)])
        pltpu.sync_copy(att_hbm, att_v)
        plsc.subcore_barrier()

        attv = att_v[...]
        iota = lax.iota(jnp.int32, 16)
        perms = [iota ^ k for k in (8, 4, 2, 1)]

        def compute_block(xlr, xrr, contrib):
            @plsc.parallel_loop(0, _B, 1, unroll=8)
            def edge(j):
                rl = xlr[j]
                a = rl + xrr[j]
                m = jnp.maximum(a, 0.2 * a)
                s = m * attv
                for p in perms:
                    s = s + _lane_shuffle(s, p)
                e = jnp.exp(s)
                contrib[j, 0:16] = e * rl
                contrib[j, 16:32] = jnp.where(iota == 0, e, 0.0)

        NBS = NB // 4
        xlrs = (xlr0, xlr1)
        xrrs = (xrr0, xrr1)
        contribs = (contrib0, contrib1, contrib2, contrib3)
        sxls = (sxl0, sxl1)
        sxrs = (sxr0, sxr1)

        @pl.loop(0, NBS, step=1)
        def _blocks(sb):
            pltpu.sync_copy(idx_hbm.at[wid, sb], idx_v)
            g = (pltpu.async_copy(xl_hbm.at[idx_v.at[0]], xlr0, sxl0),
                 pltpu.async_copy(xr_hbm.at[idx_v.at[1]], xrr0, sxr0))
            for blk in range(4):
                slot = blk % 2
                nslot = 1 - slot
                g[0].wait()
                g[1].wait()
                if blk < 3:
                    g = (pltpu.async_copy(
                            xl_hbm.at[idx_v.at[2 * blk + 2]],
                            xlrs[nslot], sxls[nslot]),
                         pltpu.async_copy(
                            xr_hbm.at[idx_v.at[2 * blk + 3]],
                            xrrs[nslot], sxrs[nslot]))
                compute_block(xlrs[slot], xrrs[slot], contribs[blk])
            for blk in range(4):
                pltpu.sync_copy(
                    contribs[blk], acc.at[idx_v.at[2 * blk + 1]], add=True)

        plsc.subcore_barrier()

        pltpu.sync_copy(acc.at[pl.ds(sid * RPT, RPT)], stage)
        pltpu.sync_copy(stage, out_hbm.at[cid, pl.ds(sid * RPT, RPT)])

    return edge_kernel


def _lin_body(x_ref, wl_ref, wr_ref, xl_ref, xr_ref):
    xv = x_ref[...]
    xl_ref[...] = jnp.dot(xv, wl_ref[...], preferred_element_type=jnp.float32)
    xr_ref[...] = jnp.dot(xv, wr_ref[...], preferred_element_type=jnp.float32)


def _node_update(acc_ref, xl_ref, xr_ref, att_ref, b_ref, n):
    xl = xl_ref[...]
    xr = xr_ref[...]
    acc = acc_ref[...]
    num = acc[0, :n, 0:16] + acc[1, :n, 0:16]
    den = acc[0, :n, 16] + acc[1, :n, 16]
    att = att_ref[0, :]
    a = xl + xr
    m = jnp.maximum(a, 0.2 * a)
    e = jnp.exp(jnp.sum(m * att[None, :], axis=1))
    num = num + e[:, None] * xl
    den = den + e
    return num / (den[:, None] + 1e-16) + b_ref[0, :][None, :]


def _make_mid_body(n):
    def _mid_body(acc_ref, xl_ref, xr_ref, att_ref, b_ref,
                  wl2_ref, wr2_ref, xl2_ref, xr2_ref):
        h = _node_update(acc_ref, xl_ref, xr_ref, att_ref, b_ref, n)
        h = jnp.maximum(h, 0.0)
        xl2_ref[...] = jnp.dot(h, wl2_ref[...], preferred_element_type=jnp.float32)
        xr2_ref[...] = jnp.dot(h, wr2_ref[...], preferred_element_type=jnp.float32)
    return _mid_body


def _make_final_body(n):
    def _final_body(acc_ref, xl_ref, xr_ref, att_ref, b_ref, out_ref):
        h = _node_update(acc_ref, xl_ref, xr_ref, att_ref, b_ref, n)
        mx = jnp.max(h, axis=1, keepdims=True)
        t = h - mx
        out_ref[...] = t - jnp.log(jnp.sum(jnp.exp(t), axis=1, keepdims=True))
    return _final_body


def kernel(x, edge_index, Wl1, Wr1, att1, b1, Wl2, Wr2, att2, b2):
    N, _ = x.shape
    E = edge_index.shape[1]
    NB = 4 * math.ceil(E / (_NT * _B * 4))
    E_pad = _NT * _B * NB

    src = jnp.concatenate(
        [edge_index[0], jnp.zeros((E_pad - E,), jnp.int32)]).reshape(_NT, NB, _B)
    dst = jnp.concatenate(
        [edge_index[1], jnp.full((E_pad - E,), N, jnp.int32)]).reshape(_NT, NB, _B)
    s4 = src.reshape(_NT, NB // 4, 4, 1, _B)
    d4 = dst.reshape(_NT, NB // 4, 4, 1, _B)
    packed = jnp.concatenate([s4, d4], axis=3).reshape(_NT, NB // 4, 8, _B)

    edge_kernel = _make_edge_kernel(N, NB)

    f32 = jnp.float32
    xl1, xr1 = pl.pallas_call(
        _lin_body,
        out_shape=[jax.ShapeDtypeStruct((N, 16), f32)] * 2,
    )(x, Wl1, Wr1)

    acc1 = edge_kernel(xl1, xr1, packed, att1)

    xl2, xr2 = pl.pallas_call(
        _make_mid_body(N),
        out_shape=[jax.ShapeDtypeStruct((N, 16), f32)] * 2,
    )(acc1, xl1, xr1, att1.reshape(1, 16), b1.reshape(1, 16), Wl2, Wr2)

    acc2 = edge_kernel(xl2, xr2, packed, att2)

    out = pl.pallas_call(
        _make_final_body(N),
        out_shape=jax.ShapeDtypeStruct((N, 16), f32),
    )(acc2, xl2, xr2, att2.reshape(1, 16), b2.reshape(1, 16))

    return out

# --- scband reference (transcript-rebuilt; emitter-appended) ---
"""Pipeline reference for scband-gatv2-model-2147483648539 (READ-ONLY COPY).

The authoritative reference and input builder live on the scoring server;
editing this copy changes nothing except your own understanding.
"""

import jax, jax.numpy as jnp
import numpy as np

N = 10000
E = 320000
D_IN = 128
D_HID = 16
D_OUT = 16


def setup_inputs(seed: int = 0) -> dict:
    key = jax.random.key(seed)
    ks = jax.random.split(key, 12)
    x = jax.random.normal(ks[0], (N, D_IN), dtype=jnp.float32)
    edge_index = jax.random.randint(ks[1], (2, E), 0, N, dtype=jnp.int32)
    Wl1 = jax.random.normal(ks[2], (D_IN, D_HID), dtype=jnp.float32) / np.sqrt(D_IN)
    Wr1 = jax.random.normal(ks[3], (D_IN, D_HID), dtype=jnp.float32) / np.sqrt(D_IN)
    att1 = jax.random.normal(ks[4], (D_HID,), dtype=jnp.float32) / np.sqrt(D_HID)
    b1 = jnp.zeros((D_HID,), dtype=jnp.float32)
    Wl2 = jax.random.normal(ks[5], (D_HID, D_OUT), dtype=jnp.float32) / np.sqrt(D_HID)
    Wr2 = jax.random.normal(ks[6], (D_HID, D_OUT), dtype=jnp.float32) / np.sqrt(D_HID)
    att2 = jax.random.normal(ks[7], (D_OUT,), dtype=jnp.float32) / np.sqrt(D_OUT)
    b2 = jnp.zeros((D_OUT,), dtype=jnp.float32)
    return {"x": x, "edge_index": edge_index, "Wl1": Wl1, "Wr1": Wr1, "att1": att1, "b1": b1, "Wl2": Wl2, "Wr2": Wr2, "att2": att2, "b2": b2}


def gatv2_layer(x, src, dst, Wl, Wr, att, b, n):
    # PyG GATv2Conv, heads=1, concat=True, negative_slope=0.2, add_self_loops done by caller
    xl = x @ Wl  # source-side transform (lin_l)
    xr = x @ Wr  # target-side transform (lin_r)
    m = xl[src] + xr[dst]
    m = jax.nn.leaky_relu(m, 0.2)
    score = (m * att).sum(axis=-1)
    # segment softmax over destination nodes
    smax = jax.ops.segment_max(score, dst, num_segments=n)
    e = jnp.exp(score - smax[dst])
    denom = jax.ops.segment_sum(e, dst, num_segments=n)
    alpha = e / (denom[dst] + 1e-16)
    out = jax.ops.segment_sum(alpha[:, None] * xl[src], dst, num_segments=n)
    return out + b


def reference(x, edge_index, Wl1, Wr1, att1, b1, Wl2, Wr2, att2, b2):
    loops = jnp.arange(N, dtype=edge_index.dtype)
    src = jnp.concatenate([edge_index[0], loops])
    dst = jnp.concatenate([edge_index[1], loops])
    h = gatv2_layer(x, src, dst, Wl1, Wr1, att1, b1, N)
    h = jax.nn.relu(h)
    h = gatv2_layer(h, src, dst, Wl2, Wr2, att2, b2, N)
    return jax.nn.log_softmax(h, axis=1)

if __name__ == "__main__":
    import jax
    _d = setup_inputs()
    print(jax.jit(kernel)(*tuple(_d.values())))

</pallas_src>

<mosaic_0001>
#map = affine_map<(d0, d1) -> (0, 0)>
#map1 = affine_map<(d0, d1) -> (0, 0, 0, 0)>
#map2 = affine_map<(d0, d1) -> (0)>
#map3 = affine_map<(d0, d1) -> (0, 0, 0)>
module attributes {stable_mosaic.version = 14 : i64} {
  func.func @edge_kernel(%arg0: i32, %arg1: i32, %arg2: memref<10000x16xf32, #tpu.memory_space<hbm>>, %arg3: memref<10000x16xf32, #tpu.memory_space<hbm>>, %arg4: memref<32x20x8x128xi32, #tpu.memory_space<hbm>>, %arg5: memref<16xf32, #tpu.memory_space<hbm>>, %arg6: memref<2x10112x32xf32, #tpu.memory_space<hbm>>, %arg7: memref<8x128xi32, #tpu.memory_space<vmem>>, %arg8: memref<128x16xf32, #tpu.memory_space<vmem>>, %arg9: memref<128x16xf32, #tpu.memory_space<vmem>>, %arg10: memref<128x16xf32, #tpu.memory_space<vmem>>, %arg11: memref<128x16xf32, #tpu.memory_space<vmem>>, %arg12: memref<128x32xf32, #tpu.memory_space<vmem>>, %arg13: memref<128x32xf32, #tpu.memory_space<vmem>>, %arg14: memref<128x32xf32, #tpu.memory_space<vmem>>, %arg15: memref<128x32xf32, #tpu.memory_space<vmem>>, %arg16: memref<16xf32, #tpu.memory_space<vmem>>, %arg17: memref<632x32xf32, #tpu.memory_space<vmem>>, %arg18: memref<10112x32xf32, #tpu.memory_space<vmem_shared>>, %arg19: memref<!tpu.dma_semaphore, #tpu.memory_space<semaphore_mem>>, %arg20: memref<!tpu.dma_semaphore, #tpu.memory_space<semaphore_mem>>, %arg21: memref<!tpu.dma_semaphore, #tpu.memory_space<semaphore_mem>>, %arg22: memref<!tpu.dma_semaphore, #tpu.memory_space<semaphore_mem>>) attributes {dimension_semantics = [#tpu.dimension_semantics<core_parallel>, #tpu.dimension_semantics<subcore_parallel>], iteration_bounds = array<i64: 2, 16>, scalar_prefetch = 0 : i64, scratch_operands = 16 : i64, tpu.core_type = #tpu.core_type<sc_vector_subcore>, window_params = [{transform_indices = #map}, {transform_indices = #map}, {transform_indices = #map1}, {transform_indices = #map2}, {transform_indices = #map3}]} {
    %mul3A = arith.constant 2 : i32
    %mul3A_0 = arith.muli %arg1, %mul3A : i32
    %add3A = arith.addi %mul3A_0, %arg0 : i32
    %broadcast_in_dim3A = arith.constant 0.000000e+00 : f32
    %broadcast_in_dim3A_1 = vector.broadcast %broadcast_in_dim3A : f32 to vector<16xf32>
    %scan3A = arith.constant 0 : i32
    %scan3A_2 = arith.constant 0 : i32
    %scan3A_3 = arith.constant 632 : i32
    %scan3A_4 = arith.addi %scan3A_2, %scan3A_3 : i32
    %scan3A_5 = arith.constant 1 : i32
    scf.for %scan3A_32 = %scan3A_2 to %scan3A_4 step %scan3A_5  : i32 {
      %swap3A = arith.index_cast %scan3A_32 : i32 to index
      %swap3A_33 = arith.constant 0 : index
      %swap3A_34 = tpu.vector_load %arg17[%swap3A, %swap3A_33] {strides = array<i32>} : memref<632x32xf32, #tpu.memory_space<vmem>>, vector<1x16xf32>,
      %swap3A_35 = vector.shape_cast %swap3A_34 : vector<1x16xf32> to vector<16xf32>
      %swap3A_36 = vector.shape_cast %broadcast_in_dim3A_1 : vector<16xf32> to vector<1x16xf32>
      tpu.vector_store %arg17[%swap3A, %swap3A_33], %swap3A_36 {strides = array<i32>} : memref<632x32xf32, #tpu.memory_space<vmem>>, vector<1x16xf32>,
      %swap3A_37 = arith.index_cast %scan3A_32 : i32 to index
      %swap3A_38 = arith.constant 16 : index
      %swap3A_39 = tpu.vector_load %arg17[%swap3A_37, %swap3A_38] {strides = array<i32>} : memref<632x32xf32, #tpu.memory_space<vmem>>, vector<1x16xf32>,
      %swap3A_40 = vector.shape_cast %swap3A_39 : vector<1x16xf32> to vector<16xf32>
      %swap3A_41 = vector.shape_cast %broadcast_in_dim3A_1 : vector<16xf32> to vector<1x16xf32>
      tpu.vector_store %arg17[%swap3A_37, %swap3A_38], %swap3A_41 {strides = array<i32>} : memref<632x32xf32, #tpu.memory_space<vmem>>, vector<1x16xf32>,
    }
    %scan3A_6 = arith.constant 632 : i32
    %mul3A_7 = arith.constant 632 : i32
    %mul3A_8 = arith.muli %arg1, %mul3A_7 : i32
    "tpu.region"() ({
      %run_scoped3A = tpu.sem_alloc : memref<!tpu.dma_semaphore, #tpu.memory_space<semaphore_mem>>
      %dma_start3A = arith.constant 0 : i32
      %dma_start3A_32 = tpu.memref_slice %arg18[%mul3A_8, %dma_start3A] : memref<10112x32xf32, #tpu.memory_space<vmem_shared>> -> memref<632x32xf32, #tpu.memory_space<vmem_shared>>
      %dma_start3A_33 = arith.constant 0 : i32
      %dma_start3A_34 = tpu.memref_slice %arg18[%mul3A_8, %dma_start3A_33] : memref<10112x32xf32, #tpu.memory_space<vmem_shared>> -> memref<632x32xf32, #tpu.memory_space<vmem_shared>>
      tpu.enqueue_dma source(%arg17 : memref<632x32xf32, #tpu.memory_space<vmem>>) target(%dma_start3A_34 : memref<632x32xf32, #tpu.memory_space<vmem_shared>>) target_semaphore(%run_scoped3A : memref<!tpu.dma_semaphore, #tpu.memory_space<semaphore_mem>>)
      %dma_wait3A = arith.constant 0 : i32
      %dma_wait3A_35 = tpu.memref_slice %arg18[%mul3A_8, %dma_wait3A] : memref<10112x32xf32, #tpu.memory_space<vmem_shared>> -> memref<632x32xf32, #tpu.memory_space<vmem_shared>>
      %dma_wait3A_36 = arith.constant 0 : i32
      %dma_wait3A_37 = tpu.memref_slice %arg18[%mul3A_8, %dma_wait3A_36] : memref<10112x32xf32, #tpu.memory_space<vmem_shared>> -> memref<632x32xf32, #tpu.memory_space<vmem_shared>>
      tpu.wait_dma2 semaphore(%run_scoped3A : memref<!tpu.dma_semaphore, #tpu.memory_space<semaphore_mem>>) src(%arg17 : memref<632x32xf32, #tpu.memory_space<vmem>>) dst(%dma_wait3A_37 : memref<632x32xf32, #tpu.memory_space<vmem_shared>>)
      tpu.yield
    }) : () -> ()
    "tpu.region"() ({
      %run_scoped3A = tpu.sem_alloc : memref<!tpu.dma_semaphore, #tpu.memory_space<semaphore_mem>>
      tpu.enqueue_dma source(%arg5 : memref<16xf32, #tpu.memory_space<hbm>>) target(%arg16 : memref<16xf32, #tpu.memory_space<vmem>>) target_semaphore(%run_scoped3A : memref<!tpu.dma_semaphore, #tpu.memory_space<semaphore_mem>>)
      tpu.wait_dma2 semaphore(%run_scoped3A : memref<!tpu.dma_semaphore, #tpu.memory_space<semaphore_mem>>) src(%arg5 : memref<16xf32, #tpu.memory_space<hbm>>) dst(%arg16 : memref<16xf32, #tpu.memory_space<vmem>>)
      tpu.yield
    }) : () -> ()
    %barrier3A = arith.constant 0 : index
    tpu.barrier barrier_id(%barrier3A)
    %get3A = arith.constant 0 : index
    %get3A_9 = tpu.vector_load %arg16[%get3A] {strides = array<i32>} : memref<16xf32, #tpu.memory_space<vmem>>, vector<16xf32>,
    %get3A_10 = vector.shape_cast %get3A_9 : vector<16xf32> to vector<16xf32>
    %iota3A = tpu.iota {dimensions = array<i32: 0>} : vector<16xi32>
    %xor3A = arith.constant 8 : i32
    %xor3A_11 = vector.broadcast %xor3A : i32 to vector<16xi32>
    %xor3A_12 = arith.xori %iota3A, %xor3A_11 : vector<16xi32>
    %xor3A_13 = arith.constant 4 : i32
    %xor3A_14 = vector.broadcast %xor3A_13 : i32 to vector<16xi32>
    %xor3A_15 = arith.xori %iota3A, %xor3A_14 : vector<16xi32>
    %xor3A_16 = arith.constant 2 : i32
    %xor3A_17 = vector.broadcast %xor3A_16 : i32 to vector<16xi32>
    %xor3A_18 = arith.xori %iota3A, %xor3A_17 : vector<16xi32>
    %xor3A_19 = arith.constant 1 : i32
    %xor3A_20 = vector.broadcast %xor3A_19 : i32 to vector<16xi32>
    %xor3A_21 = arith.xori %iota3A, %xor3A_20 : vector<16xi32>
    %scan3A_22 = arith.constant 0 : i32
    %scan3A_23 = arith.constant 20 : i32
    %scan3A_24 = arith.addi %scan3A_22, %scan3A_23 : i32
    %scan3A_25 = arith.constant 1 : i32
    scf.for %scan3A_32 = %scan3A_22 to %scan3A_24 step %scan3A_25  : i32 {
      %mul3A_33 = arith.constant 1 : i32
      %mul3A_34 = arith.muli %scan3A_32, %mul3A_33 : i32
      %add3A_35 = arith.constant 0 : i32
      %add3A_36 = arith.addi %add3A_35, %mul3A_34 : i32
      "tpu.region"() ({
        %run_scoped3A_161 = tpu.sem_alloc : memref<!tpu.dma_semaphore, #tpu.memory_space<semaphore_mem>>
        %dma_start3A_162 = arith.constant 0 : i32
        %dma_start3A_163 = arith.constant 0 : i32
        %dma_start3A_164 = tpu.memref_slice %arg4[%add3A, %add3A_36, %dma_start3A_162, %dma_start3A_163] : memref<32x20x8x128xi32, #tpu.memory_space<hbm>> -> memref<1x1x8x128xi32, #tpu.memory_space<hbm>>
        %dma_start3A_165 = tpu.memref_squeeze %dma_start3A_164 : memref<1x1x8x128xi32, #tpu.memory_space<hbm>> -> memref<8x128xi32, #tpu.memory_space<hbm>>
        %dma_start3A_166 = arith.constant 0 : i32
        %dma_start3A_167 = arith.constant 0 : i32
        %dma_start3A_168 = tpu.memref_slice %arg4[%add3A, %add3A_36, %dma_start3A_166, %dma_start3A_167] : memref<32x20x8x128xi32, #tpu.memory_space<hbm>> -> memref<1x1x8x128xi32, #tpu.memory_space<hbm>>
        %dma_start3A_169 = tpu.memref_squeeze %dma_start3A_168 : memref<1x1x8x128xi32, #tpu.memory_space<hbm>> -> memref<8x128xi32, #tpu.memory_space<hbm>>
        tpu.enqueue_dma source(%dma_start3A_169 : memref<8x128xi32, #tpu.memory_space<hbm>>) target(%arg7 : memref<8x128xi32, #tpu.memory_space<vmem>>) target_semaphore(%run_scoped3A_161 : memref<!tpu.dma_semaphore, #tpu.memory_space<semaphore_mem>>)
        %dma_wait3A_170 = arith.constant 0 : i32
        %dma_wait3A_171 = arith.constant 0 : i32
        %dma_wait3A_172 = tpu.memref_slice %arg4[%add3A, %add3A_36, %dma_wait3A_170, %dma_wait3A_171] : memref<32x20x8x128xi32, #tpu.memory_space<hbm>> -> memref<1x1x8x128xi32, #tpu.memory_space<hbm>>
        %dma_wait3A_173 = tpu.memref_squeeze %dma_wait3A_172 : memref<1x1x8x128xi32, #tpu.memory_space<hbm>> -> memref<8x128xi32, #tpu.memory_space<hbm>>
        %dma_wait3A_174 = arith.constant 0 : i32
        %dma_wait3A_175 = arith.constant 0 : i32
        %dma_wait3A_176 = tpu.memref_slice %arg4[%add3A, %add3A_36, %dma_wait3A_174, %dma_wait3A_175] : memref<32x20x8x128xi32, #tpu.memory_space<hbm>> -> memref<1x1x8x128xi32, #tpu.memory_space<hbm>>
        %dma_wait3A_177 = tpu.memref_squeeze %dma_wait3A_176 : memref<1x1x8x128xi32, #tpu.memory_space<hbm>> -> memref<8x128xi32, #tpu.memory_space<hbm>>
        tpu.wait_dma2 semaphore(%run_scoped3A_161 : memref<!tpu.dma_semaphore, #tpu.memory_space<semaphore_mem>>) src(%dma_wait3A_177 : memref<8x128xi32, #tpu.memory_space<hbm>>) dst(%arg7 : memref<8x128xi32, #tpu.memory_space<vmem>>)
        tpu.yield
      }) : () -> ()
      %dma_start3A = arith.constant 0 : i32
      %dma_start3A_37 = arith.constant 0 : i32
      %dma_start3A_38 = tpu.memref_slice %arg7[%dma_start3A, %dma_start3A_37] : memref<8x128xi32, #tpu.memory_space<vmem>> -> memref<1x128xi32, #tpu.memory_space<vmem>>
      %dma_start3A_39 = tpu.memref_squeeze %dma_start3A_38 : memref<1x128xi32, #tpu.memory_space<vmem>> -> memref<128xi32, #tpu.memory_space<vmem>>
      %dma_start3A_40 = arith.constant 0 : i32
      %dma_start3A_41 = arith.constant 0 : i32
      %dma_start3A_42 = tpu.memref_slice %arg2[%dma_start3A_40, %dma_start3A_41] : memref<10000x16xf32, #tpu.memory_space<hbm>> -> memref<10000x16xf32, #tpu.memory_space<hbm>>
      tpu.enqueue_indirect_dma source(%dma_start3A_42 : memref<10000x16xf32, #tpu.memory_space<hbm>>) target(%arg8 : memref<128x16xf32, #tpu.memory_space<vmem>>) offsets(%dma_start3A_39 : memref<128xi32, #tpu.memory_space<vmem>>) semaphore(%arg19 : memref<!tpu.dma_semaphore, #tpu.memory_space<semaphore_mem>>)
      %dma_start3A_43 = arith.constant 1 : i32
      %dma_start3A_44 = arith.constant 0 : i32
      %dma_start3A_45 = tpu.memref_slice %arg7[%dma_start3A_43, %dma_start3A_44] : memref<8x128xi32, #tpu.memory_space<vmem>> -> memref<1x128xi32, #tpu.memory_space<vmem>>
      %dma_start3A_46 = tpu.memref_squeeze %dma_start3A_45 : memref<1x128xi32, #tpu.memory_space<vmem>> -> memref<128xi32, #tpu.memory_space<vmem>>
      %dma_start3A_47 = arith.constant 0 : i32
      %dma_start3A_48 = arith.constant 0 : i32
      %dma_start3A_49 = tpu.memref_slice %arg3[%dma_start3A_47, %dma_start3A_48] : memref<10000x16xf32, #tpu.memory_space<hbm>> -> memref<10000x16xf32, #tpu.memory_space<hbm>>
      tpu.enqueue_indirect_dma source(%dma_start3A_49 : memref<10000x16xf32, #tpu.memory_space<hbm>>) target(%arg9 : memref<128x16xf32, #tpu.memory_space<vmem>>) offsets(%dma_start3A_46 : memref<128xi32, #tpu.memory_space<vmem>>) semaphore(%arg20 : memref<!tpu.dma_semaphore, #tpu.memory_space<semaphore_mem>>)
      %dma_wait3A = arith.constant 0 : i32
      %dma_wait3A_50 = arith.constant 0 : i32
      %dma_wait3A_51 = tpu.memref_slice %arg7[%dma_wait3A, %dma_wait3A_50] : memref<8x128xi32, #tpu.memory_space<vmem>> -> memref<1x128xi32, #tpu.memory_space<vmem>>
      %dma_wait3A_52 = tpu.memref_squeeze %dma_wait3A_51 : memref<1x128xi32, #tpu.memory_space<vmem>> -> memref<128xi32, #tpu.memory_space<vmem>>
      %dma_wait3A_53 = arith.constant 0 : i32
      %dma_wait3A_54 = arith.constant 0 : i32
      %dma_wait3A_55 = tpu.memref_slice %arg2[%dma_wait3A_53, %dma_wait3A_54] : memref<10000x16xf32, #tpu.memory_space<hbm>> -> memref<10000x16xf32, #tpu.memory_space<hbm>>
      tpu.wait_indirect_dma semaphore(%arg19 : memref<!tpu.dma_semaphore, #tpu.memory_space<semaphore_mem>>) src(%dma_wait3A_55 : memref<10000x16xf32, #tpu.memory_space<hbm>>) dst(%arg8 : memref<128x16xf32, #tpu.memory_space<vmem>>)
      %dma_wait3A_56 = arith.constant 1 : i32
      %dma_wait3A_57 = arith.constant 0 : i32
      %dma_wait3A_58 = tpu.memref_slice %arg7[%dma_wait3A_56, %dma_wait3A_57] : memref<8x128xi32, #tpu.memory_space<vmem>> -> memref<1x128xi32, #tpu.memory_space<vmem>>
      %dma_wait3A_59 = tpu.memref_squeeze %dma_wait3A_58 : memref<1x128xi32, #tpu.memory_space<vmem>> -> memref<128xi32, #tpu.memory_space<vmem>>
      %dma_wait3A_60 = arith.constant 0 : i32
      %dma_wait3A_61 = arith.constant 0 : i32
      %dma_wait3A_62 = tpu.memref_slice %arg3[%dma_wait3A_60, %dma_wait3A_61] : memref<10000x16xf32, #tpu.memory_space<hbm>> -> memref<10000x16xf32, #tpu.memory_space<hbm>>
      tpu.wait_indirect_dma semaphore(%arg20 : memref<!tpu.dma_semaphore, #tpu.memory_space<semaphore_mem>>) src(%dma_wait3A_62 : memref<10000x16xf32, #tpu.memory_space<hbm>>) dst(%arg9 : memref<128x16xf32, #tpu.memory_space<vmem>>)
      %dma_start3A_63 = arith.constant 2 : i32
      %dma_start3A_64 = arith.constant 0 : i32
      %dma_start3A_65 = tpu.memref_slice %arg7[%dma_start3A_63, %dma_start3A_64] : memref<8x128xi32, #tpu.memory_space<vmem>> -> memref<1x128xi32, #tpu.memory_space<vmem>>
      %dma_start3A_66 = tpu.memref_squeeze %dma_start3A_65 : memref<1x128xi32, #tpu.memory_space<vmem>> -> memref<128xi32, #tpu.memory_space<vmem>>
      %dma_start3A_67 = arith.constant 0 : i32
      %dma_start3A_68 = arith.constant 0 : i32
      %dma_start3A_69 = tpu.memref_slice %arg2[%dma_start3A_67, %dma_start3A_68] : memref<10000x16xf32, #tpu.memory_space<hbm>> -> memref<10000x16xf32, #tpu.memory_space<hbm>>
      tpu.enqueue_indirect_dma source(%dma_start3A_69 : memref<10000x16xf32, #tpu.memory_space<hbm>>) target(%arg10 : memref<128x16xf32, #tpu.memory_space<vmem>>) offsets(%dma_start3A_66 : memref<128xi32, #tpu.memory_space<vmem>>) semaphore(%arg21 : memref<!tpu.dma_semaphore, #tpu.memory_space<semaphore_mem>>)
      %dma_start3A_70 = arith.constant 3 : i32
      %dma_start3A_71 = arith.constant 0 : i32
      %dma_start3A_72 = tpu.memref_slice %arg7[%dma_start3A_70, %dma_start3A_71] : memref<8x128xi32, #tpu.memory_space<vmem>> -> memref<1x128xi32, #tpu.memory_space<vmem>>
      %dma_start3A_73 = tpu.memref_squeeze %dma_start3A_72 : memref<1x128xi32, #tpu.memory_space<vmem>> -> memref<128xi32, #tpu.memory_space<vmem>>
      %dma_start3A_74 = arith.constant 0 : i32
      %dma_start3A_75 = arith.constant 0 : i32
      %dma_start3A_76 = tpu.memref_slice %arg3[%dma_start3A_74, %dma_start3A_75] : memref<10000x16xf32, #tpu.memory_space<hbm>> -> memref<10000x16xf32, #tpu.memory_space<hbm>>
      tpu.enqueue_indirect_dma source(%dma_start3A_76 : memref<10000x16xf32, #tpu.memory_space<hbm>>) target(%arg11 : memref<128x16xf32, #tpu.memory_space<vmem>>) offsets(%dma_start3A_73 : memref<128xi32, #tpu.memory_space<vmem>>) semaphore(%arg22 : memref<!tpu.dma_semaphore, #tpu.memory_space<semaphore_mem>>)
      %parallel_loop3A = arith.constant 0 : i32
      %parallel_loop3A_77 = arith.constant 128 : i32
      %parallel_loop3A_78 = arith.constant 1 : i32
      scf.for %parallel_loop3A_161 = %parallel_loop3A to %parallel_loop3A_77 step %parallel_loop3A_78  : i32 {
        %parallel_loop3A_162 = arith.index_cast %parallel_loop3A_161 : i32 to index
        %parallel_loop3A_163 = arith.constant 0 : index
        %parallel_loop3A_164 = tpu.vector_load %arg8[%parallel_loop3A_162, %parallel_loop3A_163] {strides = array<i32>} : memref<128x16xf32, #tpu.memory_space<vmem>>, vector<1x16xf32>,
        %parallel_loop3A_165 = vector.shape_cast %parallel_loop3A_164 : vector<1x16xf32> to vector<16xf32>
        %parallel_loop3A_166 = arith.index_cast %parallel_loop3A_161 : i32 to index
        %parallel_loop3A_167 = arith.constant 0 : index
        %parallel_loop3A_168 = tpu.vector_load %arg9[%parallel_loop3A_166, %parallel_loop3A_167] {strides = array<i32>} : memref<128x16xf32, #tpu.memory_space<vmem>>, vector<1x16xf32>,
        %parallel_loop3A_169 = vector.shape_cast %parallel_loop3A_168 : vector<1x16xf32> to vector<16xf32>
        %parallel_loop3A_170 = arith.addf %parallel_loop3A_165, %parallel_loop3A_169 : vector<16xf32>
        %parallel_loop3A_171 = arith.constant 2.000000e-01 : f32
        %parallel_loop3A_172 = vector.broadcast %parallel_loop3A_171 : f32 to vector<16xf32>
        %parallel_loop3A_173 = arith.mulf %parallel_loop3A_172, %parallel_loop3A_170 : vector<16xf32>
        %parallel_loop3A_174 = arith.maximumf %parallel_loop3A_170, %parallel_loop3A_173 : vector<16xf32>
        %parallel_loop3A_175 = arith.mulf %parallel_loop3A_174, %get3A_10 : vector<16xf32>
        %parallel_loop3A_176 = vector.shape_cast %xor3A_12 : vector<16xi32> to vector<16x1xi32>
        %parallel_loop3A_177 = vector.shape_cast %parallel_loop3A_176 : vector<16x1xi32> to vector<16xi32>
        %parallel_loop3A_178 = tpu.dynamic_gather %parallel_loop3A_175[%parallel_loop3A_177] in [0] : vector<16xf32>, vector<16xi32> -> vector<16xf32>
        %parallel_loop3A_179 = arith.addf %parallel_loop3A_175, %parallel_loop3A_178 : vector<16xf32>
        %parallel_loop3A_180 = vector.shape_cast %xor3A_15 : vector<16xi32> to vector<16x1xi32>
        %parallel_loop3A_181 = vector.shape_cast %parallel_loop3A_180 : vector<16x1xi32> to vector<16xi32>
        %parallel_loop3A_182 = tpu.dynamic_gather %parallel_loop3A_179[%parallel_loop3A_181] in [0] : vector<16xf32>, vector<16xi32> -> vector<16xf32>
        %parallel_loop3A_183 = arith.addf %parallel_loop3A_179, %parallel_loop3A_182 : vector<16xf32>
        %parallel_loop3A_184 = vector.shape_cast %xor3A_18 : vector<16xi32> to vector<16x1xi32>
        %parallel_loop3A_185 = vector.shape_cast %parallel_loop3A_184 : vector<16x1xi32> to vector<16xi32>
        %parallel_loop3A_186 = tpu.dynamic_gather %parallel_loop3A_183[%parallel_loop3A_185] in [0] : vector<16xf32>, vector<16xi32> -> vector<16xf32>
        %parallel_loop3A_187 = arith.addf %parallel_loop3A_183, %parallel_loop3A_186 : vector<16xf32>
        %parallel_loop3A_188 = vector.shape_cast %xor3A_21 : vector<16xi32> to vector<16x1xi32>
        %parallel_loop3A_189 = vector.shape_cast %parallel_loop3A_188 : vector<16x1xi32> to vector<16xi32>
        %parallel_loop3A_190 = tpu.dynamic_gather %parallel_loop3A_187[%parallel_loop3A_189] in [0] : vector<16xf32>, vector<16xi32> -> vector<16xf32>
        %parallel_loop3A_191 = arith.addf %parallel_loop3A_187, %parallel_loop3A_190 : vector<16xf32>
        %parallel_loop3A_192 = math.exp %parallel_loop3A_191 : vector<16xf32>
        %parallel_loop3A_193 = arith.mulf %parallel_loop3A_192, %parallel_loop3A_165 : vector<16xf32>
        %parallel_loop3A_194 = arith.index_cast %parallel_loop3A_161 : i32 to index
        %parallel_loop3A_195 = arith.constant 0 : index
        %parallel_loop3A_196 = tpu.vector_load %arg12[%parallel_loop3A_194, %parallel_loop3A_195] {strides = array<i32>} : memref<128x32xf32, #tpu.memory_space<vmem>>, vector<1x16xf32>,
        %parallel_loop3A_197 = vector.shape_cast %parallel_loop3A_196 : vector<1x16xf32> to vector<16xf32>
        %parallel_loop3A_198 = vector.shape_cast %parallel_loop3A_193 : vector<16xf32> to vector<1x16xf32>
        tpu.vector_store %arg12[%parallel_loop3A_194, %parallel_loop3A_195], %parallel_loop3A_198 {strides = array<i32>} : memref<128x32xf32, #tpu.memory_space<vmem>>, vector<1x16xf32>,
        %parallel_loop3A_199 = arith.constant 0 : i32
        %parallel_loop3A_200 = vector.broadcast %parallel_loop3A_199 : i32 to vector<16xi32>
        %parallel_loop3A_201 = arith.cmpi eq, %iota3A, %parallel_loop3A_200 : vector<16xi32>
        %parallel_loop3A_202 = arith.constant 0.000000e+00 : f32
        %parallel_loop3A_203 = vector.broadcast %parallel_loop3A_202 : f32 to vector<16xf32>
        %parallel_loop3A_204 = arith.select %parallel_loop3A_201, %parallel_loop3A_192, %parallel_loop3A_203 : vector<16xi1>, vector<16xf32>
        %parallel_loop3A_205 = arith.index_cast %parallel_loop3A_161 : i32 to index
        %parallel_loop3A_206 = arith.constant 16 : index
        %parallel_loop3A_207 = tpu.vector_load %arg12[%parallel_loop3A_205, %parallel_loop3A_206] {strides = array<i32>} : memref<128x32xf32, #tpu.memory_space<vmem>>, vector<1x16xf32>,
        %parallel_loop3A_208 = vector.shape_cast %parallel_loop3A_207 : vector<1x16xf32> to vector<16xf32>
        %parallel_loop3A_209 = vector.shape_cast %parallel_loop3A_204 : vector<16xf32> to vector<1x16xf32>
        tpu.vector_store %arg12[%parallel_loop3A_205, %parallel_loop3A_206], %parallel_loop3A_209 {strides = array<i32>} : memref<128x32xf32, #tpu.memory_space<vmem>>, vector<1x16xf32>,
      } {sc.loop_unroll_factor = 8 : i64, sc.parallel_access}
      %dma_wait3A_79 = arith.constant 2 : i32
      %dma_wait3A_80 = arith.constant 0 : i32
      %dma_wait3A_81 = tpu.memref_slice %arg7[%dma_wait3A_79, %dma_wait3A_80] : memref<8x128xi32, #tpu.memory_space<vmem>> -> memref<1x128xi32, #tpu.memory_space<vmem>>
      %dma_wait3A_82 = tpu.memref_squeeze %dma_wait3A_81 : memref<1x128xi32, #tpu.memory_space<vmem>> -> memref<128xi32, #tpu.memory_space<vmem>>
      %dma_wait3A_83 = arith.constant 0 : i32
      %dma_wait3A_84 = arith.constant 0 : i32
      %dma_wait3A_85 = tpu.memref_slice %arg2[%dma_wait3A_83, %dma_wait3A_84] : memref<10000x16xf32, #tpu.memory_space<hbm>> -> memref<10000x16xf32, #tpu.memory_space<hbm>>
      tpu.wait_indirect_dma semaphore(%arg21 : memref<!tpu.dma_semaphore, #tpu.memory_space<semaphore_mem>>) src(%dma_wait3A_85 : memref<10000x16xf32, #tpu.memory_space<hbm>>) dst(%arg10 : memref<128x16xf32, #tpu.memory_space<vmem>>)
      %dma_wait3A_86 = arith.constant 3 : i32
      %dma_wait3A_87 = arith.constant 0 : i32
      %dma_wait3A_88 = tpu.memref_slice %arg7[%dma_wait3A_86, %dma_wait3A_87] : memref<8x128xi32, #tpu.memory_space<vmem>> -> memref<1x128xi32, #tpu.memory_space<vmem>>
      %dma_wait3A_89 = tpu.memref_squeeze %dma_wait3A_88 : memref<1x128xi32, #tpu.memory_space<vmem>> -> memref<128xi32, #tpu.memory_space<vmem>>
      %dma_wait3A_90 = arith.constant 0 : i32
      %dma_wait3A_91 = arith.constant 0 : i32
      %dma_wait3A_92 = tpu.memref_slice %arg3[%dma_wait3A_90, %dma_wait3A_91] : memref<10000x16xf32, #tpu.memory_space<hbm>> -> memref<10000x16xf32, #tpu.memory_space<hbm>>
      tpu.wait_indirect_dma semaphore(%arg22 : memref<!tpu.dma_semaphore, #tpu.memory_space<semaphore_mem>>) src(%dma_wait3A_92 : memref<10000x16xf32, #tpu.memory_space<hbm>>) dst(%arg11 : memref<128x16xf32, #tpu.memory_space<vmem>>)
      %dma_start3A_93 = arith.constant 4 : i32
      %dma_start3A_94 = arith.constant 0 : i32
      %dma_start3A_95 = tpu.memref_slice %arg7[%dma_start3A_93, %dma_start3A_94] : memref<8x128xi32, #tpu.memory_space<vmem>> -> memref<1x128xi32, #tpu.memory_space<vmem>>
      %dma_start3A_96 = tpu.memref_squeeze %dma_start3A_95 : memref<1x128xi32, #tpu.memory_space<vmem>> -> memref<128xi32, #tpu.memory_space<vmem>>
      %dma_start3A_97 = arith.constant 0 : i32
      %dma_start3A_98 = arith.constant 0 : i32
      %dma_start3A_99 = tpu.memref_slice %arg2[%dma_start3A_97, %dma_start3A_98] : memref<10000x16xf32, #tpu.memory_space<hbm>> -> memref<10000x16xf32, #tpu.memory_space<hbm>>
      tpu.enqueue_indirect_dma source(%dma_start3A_99 : memref<10000x16xf32, #tpu.memory_space<hbm>>) target(%arg8 : memref<128x16xf32, #tpu.memory_space<vmem>>) offsets(%dma_start3A_96 : memref<128xi32, #tpu.memory_space<vmem>>) semaphore(%arg19 : memref<!tpu.dma_semaphore, #tpu.memory_space<semaphore_mem>>)
      %dma_start3A_100 = arith.constant 5 : i32
      %dma_start3A_101 = arith.constant 0 : i32
      %dma_start3A_102 = tpu.memref_slice %arg7[%dma_start3A_100, %dma_start3A_101] : memref<8x128xi32, #tpu.memory_space<vmem>> -> memref<1x128xi32, #tpu.memory_space<vmem>>
      %dma_start3A_103 = tpu.memref_squeeze %dma_start3A_102 : memref<1x128xi32, #tpu.memory_space<vmem>> -> memref<128xi32, #tpu.memory_space<vmem>>
      %dma_start3A_104 = arith.constant 0 : i32
      %dma_start3A_105 = arith.constant 0 : i32
      %dma_start3A_106 = tpu.memref_slice %arg3[%dma_start3A_104, %dma_start3A_105] : memref<10000x16xf32, #tpu.memory_space<hbm>> -> memref<10000x16xf32, #tpu.memory_space<hbm>>
      tpu.enqueue_indirect_dma source(%dma_start3A_106 : memref<10000x16xf32, #tpu.memory_space<hbm>>) target(%arg9 : memref<128x16xf32, #tpu.memory_space<vmem>>) offsets(%dma_start3A_103 : memref<128xi32, #tpu.memory_space<vmem>>) semaphore(%arg20 : memref<!tpu.dma_semaphore, #tpu.memory_space<semaphore_mem>>)
      %parallel_loop3A_107 = arith.constant 0 : i32
      %parallel_loop3A_108 = arith.constant 128 : i32
      %parallel_loop3A_109 = arith.constant 1 : i32
      scf.for %parallel_loop3A_161 = %parallel_loop3A_107 to %parallel_loop3A_108 step %parallel_loop3A_109  : i32 {
        %parallel_loop3A_162 = arith.index_cast %parallel_loop3A_161 : i32 to index
        %parallel_loop3A_163 = arith.constant 0 : index
        %parallel_loop3A_164 = tpu.vector_load %arg10[%parallel_loop3A_162, %parallel_loop3A_163] {strides = array<i32>} : memref<128x16xf32, #tpu.memory_space<vmem>>, vector<1x16xf32>,
        %parallel_loop3A_165 = vector.shape_cast %parallel_loop3A_164 : vector<1x16xf32> to vector<16xf32>
        %parallel_loop3A_166 = arith.index_cast %parallel_loop3A_161 : i32 to index
        %parallel_loop3A_167 = arith.constant 0 : index
        %parallel_loop3A_168 = tpu.vector_load %arg11[%parallel_loop3A_166, %parallel_loop3A_167] {strides = array<i32>} : memref<128x16xf32, #tpu.memory_space<vmem>>, vector<1x16xf32>,
        %parallel_loop3A_169 = vector.shape_cast %parallel_loop3A_168 : vector<1x16xf32> to vector<16xf32>
        %parallel_loop3A_170 = arith.addf %parallel_loop3A_165, %parallel_loop3A_169 : vector<16xf32>
        %parallel_loop3A_171 = arith.constant 2.000000e-01 : f32
        %parallel_loop3A_172 = vector.broadcast %parallel_loop3A_171 : f32 to vector<16xf32>
        %parallel_loop3A_173 = arith.mulf %parallel_loop3A_172, %parallel_loop3A_170 : vector<16xf32>
        %parallel_loop3A_174 = arith.maximumf %parallel_loop3A_170, %parallel_loop3A_173 : vector<16xf32>
        %parallel_loop3A_175 = arith.mulf %parallel_loop3A_174, %get3A_10 : vector<16xf32>
        %parallel_loop3A_176 = vector.shape_cast %xor3A_12 : vector<16xi32> to vector<16x1xi32>
        %parallel_loop3A_177 = vector.shape_cast %parallel_loop3A_176 : vector<16x1xi32> to vector<16xi32>
        %parallel_loop3A_178 = tpu.dynamic_gather %parallel_loop3A_175[%parallel_loop3A_177] in [0] : vector<16xf32>, vector<16xi32> -> vector<16xf32>
        %parallel_loop3A_179 = arith.addf %parallel_loop3A_175, %parallel_loop3A_178 : vector<16xf32>
        %parallel_loop3A_180 = vector.shape_cast %xor3A_15 : vector<16xi32> to vector<16x1xi32>
        %parallel_loop3A_181 = vector.shape_cast %parallel_loop3A_180 : vector<16x1xi32> to vector<16xi32>
        %parallel_loop3A_182 = tpu.dynamic_gather %parallel_loop3A_179[%parallel_loop3A_181] in [0] : vector<16xf32>, vector<16xi32> -> vector<16xf32>
        %parallel_loop3A_183 = arith.addf %parallel_loop3A_179, %parallel_loop3A_182 : vector<16xf32>
        %parallel_loop3A_184 = vector.shape_cast %xor3A_18 : vector<16xi32> to vector<16x1xi32>
        %parallel_loop3A_185 = vector.shape_cast %parallel_loop3A_184 : vector<16x1xi32> to vector<16xi32>
        %parallel_loop3A_186 = tpu.dynamic_gather %parallel_loop3A_183[%parallel_loop3A_185] in [0] : vector<16xf32>, vector<16xi32> -> vector<16xf32>
        %parallel_loop3A_187 = arith.addf %parallel_loop3A_183, %parallel_loop3A_186 : vector<16xf32>
        %parallel_loop3A_188 = vector.shape_cast %xor3A_21 : vector<16xi32> to vector<16x1xi32>
        %parallel_loop3A_189 = vector.shape_cast %parallel_loop3A_188 : vector<16x1xi32> to vector<16xi32>
        %parallel_loop3A_190 = tpu.dynamic_gather %parallel_loop3A_187[%parallel_loop3A_189] in [0] : vector<16xf32>, vector<16xi32> -> vector<16xf32>
        %parallel_loop3A_191 = arith.addf %parallel_loop3A_187, %parallel_loop3A_190 : vector<16xf32>
        %parallel_loop3A_192 = math.exp %parallel_loop3A_191 : vector<16xf32>
        %parallel_loop3A_193 = arith.mulf %parallel_loop3A_192, %parallel_loop3A_165 : vector<16xf32>
        %parallel_loop3A_194 = arith.index_cast %parallel_loop3A_161 : i32 to index
        %parallel_loop3A_195 = arith.constant 0 : index
        %parallel_loop3A_196 = tpu.vector_load %arg13[%parallel_loop3A_194, %parallel_loop3A_195] {strides = array<i32>} : memref<128x32xf32, #tpu.memory_space<vmem>>, vector<1x16xf32>,
        %parallel_loop3A_197 = vector.shape_cast %parallel_loop3A_196 : vector<1x16xf32> to vector<16xf32>
        %parallel_loop3A_198 = vector.shape_cast %parallel_loop3A_193 : vector<16xf32> to vector<1x16xf32>
        tpu.vector_store %arg13[%parallel_loop3A_194, %parallel_loop3A_195], %parallel_loop3A_198 {strides = array<i32>} : memref<128x32xf32, #tpu.memory_space<vmem>>, vector<1x16xf32>,
        %parallel_loop3A_199 = arith.constant 0 : i32
        %parallel_loop3A_200 = vector.broadcast %parallel_loop3A_199 : i32 to vector<16xi32>
        %parallel_loop3A_201 = arith.cmpi eq, %iota3A, %parallel_loop3A_200 : vector<16xi32>
        %parallel_loop3A_202 = arith.constant 0.000000e+00 : f32
        %parallel_loop3A_203 = vector.broadcast %parallel_loop3A_202 : f32 to vector<16xf32>
        %parallel_loop3A_204 = arith.select %parallel_loop3A_201, %parallel_loop3A_192, %parallel_loop3A_203 : vector<16xi1>, vector<16xf32>
        %parallel_loop3A_205 = arith.index_cast %parallel_loop3A_161 : i32 to index
        %parallel_loop3A_206 = arith.constant 16 : index
        %parallel_loop3A_207 = tpu.vector_load %arg13[%parallel_loop3A_205, %parallel_loop3A_206] {strides = array<i32>} : memref<128x32xf32, #tpu.memory_space<vmem>>, vector<1x16xf32>,
        %parallel_loop3A_208 = vector.shape_cast %parallel_loop3A_207 : vector<1x16xf32> to vector<16xf32>
        %parallel_loop3A_209 = vector.shape_cast %parallel_loop3A_204 : vector<16xf32> to vector<1x16xf32>
        tpu.vector_store %arg13[%parallel_loop3A_205, %parallel_loop3A_206], %parallel_loop3A_209 {strides = array<i32>} : memref<128x32xf32, #tpu.memory_space<vmem>>, vector<1x16xf32>,
      } {sc.loop_unroll_factor = 8 : i64, sc.parallel_access}
      %dma_wait3A_110 = arith.constant 4 : i32
      %dma_wait3A_111 = arith.constant 0 : i32
      %dma_wait3A_112 = tpu.memref_slice %arg7[%dma_wait3A_110, %dma_wait3A_111] : memref<8x128xi32, #tpu.memory_space<vmem>> -> memref<1x128xi32, #tpu.memory_space<vmem>>
      %dma_wait3A_113 = tpu.memref_squeeze %dma_wait3A_112 : memref<1x128xi32, #tpu.memory_space<vmem>> -> memref<128xi32, #tpu.memory_space<vmem>>
      %dma_wait3A_114 = arith.constant 0 : i32
      %dma_wait3A_115 = arith.constant 0 : i32
      %dma_wait3A_116 = tpu.memref_slice %arg2[%dma_wait3A_114, %dma_wait3A_115] : memref<10000x16xf32, #tpu.memory_space<hbm>> -> memref<10000x16xf32, #tpu.memory_space<hbm>>
      tpu.wait_indirect_dma semaphore(%arg19 : memref<!tpu.dma_semaphore, #tpu.memory_space<semaphore_mem>>) src(%dma_wait3A_116 : memref<10000x16xf32, #tpu.memory_space<hbm>>) dst(%arg8 : memref<128x16xf32, #tpu.memory_space<vmem>>)
      %dma_wait3A_117 = arith.constant 5 : i32
      %dma_wait3A_118 = arith.constant 0 : i32
      %dma_wait3A_119 = tpu.memref_slice %arg7[%dma_wait3A_117, %dma_wait3A_118] : memref<8x128xi32, #tpu.memory_space<vmem>> -> memref<1x128xi32, #tpu.memory_space<vmem>>
      %dma_wait3A_120 = tpu.memref_squeeze %dma_wait3A_119 : memref<1x128xi32, #tpu.memory_space<vmem>> -> memref<128xi32, #tpu.memory_space<vmem>>
      %dma_wait3A_121 = arith.constant 0 : i32
      %dma_wait3A_122 = arith.constant 0 : i32
      %dma_wait3A_123 = tpu.memref_slice %arg3[%dma_wait3A_121, %dma_wait3A_122] : memref<10000x16xf32, #tpu.memory_space<hbm>> -> memref<10000x16xf32, #tpu.memory_space<hbm>>
      tpu.wait_indirect_dma semaphore(%arg20 : memref<!tpu.dma_semaphore, #tpu.memory_space<semaphore_mem>>) src(%dma_wait3A_123 : memref<10000x16xf32, #tpu.memory_space<hbm>>) dst(%arg9 : memref<128x16xf32, #tpu.memory_space<vmem>>)
      %dma_start3A_124 = arith.constant 6 : i32
      %dma_start3A_125 = arith.constant 0 : i32
      %dma_start3A_126 = tpu.memref_slice %arg7[%dma_start3A_124, %dma_start3A_125] : memref<8x128xi32, #tpu.memory_space<vmem>> -> memref<1x128xi32, #tpu.memory_space<vmem>>
      %dma_start3A_127 = tpu.memref_squeeze %dma_start3A_126 : memref<1x128xi32, #tpu.memory_space<vmem>> -> memref<128xi32, #tpu.memory_space<vmem>>
      %dma_start3A_128 = arith.constant 0 : i32
      %dma_start3A_129 = arith.constant 0 : i32
      %dma_start3A_130 = tpu.memref_slice %arg2[%dma_start3A_128, %dma_start3A_129] : memref<10000x16xf32, #tpu.memory_space<hbm>> -> memref<10000x16xf32, #tpu.memory_space<hbm>>
      tpu.enqueue_indirect_dma source(%dma_start3A_130 : memref<10000x16xf32, #tpu.memory_space<hbm>>) target(%arg10 : memref<128x16xf32, #tpu.memory_space<vmem>>) offsets(%dma_start3A_127 : memref<128xi32, #tpu.memory_space<vmem>>) semaphore(%arg21 : memref<!tpu.dma_semaphore, #tpu.memory_space<semaphore_mem>>)
      %dma_start3A_131 = arith.constant 7 : i32
      %dma_start3A_132 = arith.constant 0 : i32
      %dma_start3A_133 = tpu.memref_slice %arg7[%dma_start3A_131, %dma_start3A_132] : memref<8x128xi32, #tpu.memory_space<vmem>> -> memref<1x128xi32, #tpu.memory_space<vmem>>
      %dma_start3A_134 = tpu.memref_squeeze %dma_start3A_133 : memref<1x128xi32, #tpu.memory_space<vmem>> -> memref<128xi32, #tpu.memory_space<vmem>>
      %dma_start3A_135 = arith.constant 0 : i32
      %dma_start3A_136 = arith.constant 0 : i32
      %dma_start3A_137 = tpu.memref_slice %arg3[%dma_start3A_135, %dma_start3A_136] : memref<10000x16xf32, #tpu.memory_space<hbm>> -> memref<10000x16xf32, #tpu.memory_space<hbm>>
      tpu.enqueue_indirect_dma source(%dma_start3A_137 : memref<10000x16xf32, #tpu.memory_space<hbm>>) target(%arg11 : memref<128x16xf32, #tpu.memory_space<vmem>>) offsets(%dma_start3A_134 : memref<128xi32, #tpu.memory_space<vmem>>) semaphore(%arg22 : memref<!tpu.dma_semaphore, #tpu.memory_space<semaphore_mem>>)
      %parallel_loop3A_138 = arith.constant 0 : i32
      %parallel_loop3A_139 = arith.constant 128 : i32
      %parallel_loop3A_140 = arith.constant 1 : i32
      scf.for %parallel_loop3A_161 = %parallel_loop3A_138 to %parallel_loop3A_139 step %parallel_loop3A_140  : i32 {
        %parallel_loop3A_162 = arith.index_cast %parallel_loop3A_161 : i32 to index
        %parallel_loop3A_163 = arith.constant 0 : index
        %parallel_loop3A_164 = tpu.vector_load %arg8[%parallel_loop3A_162, %parallel_loop3A_163] {strides = array<i32>} : memref<128x16xf32, #tpu.memory_space<vmem>>, vector<1x16xf32>,
        %parallel_loop3A_165 = vector.shape_cast %parallel_loop3A_164 : vector<1x16xf32> to vector<16xf32>
        %parallel_loop3A_166 = arith.index_cast %parallel_loop3A_161 : i32 to index
        %parallel_loop3A_167 = arith.constant 0 : index
        %parallel_loop3A_168 = tpu.vector_load %arg9[%parallel_loop3A_166, %parallel_loop3A_167] {strides = array<i32>} : memref<128x16xf32, #tpu.memory_space<vmem>>, vector<1x16xf32>,
        %parallel_loop3A_169 = vector.shape_cast %parallel_loop3A_168 : vector<1x16xf32> to vector<16xf32>
        %parallel_loop3A_170 = arith.addf %parallel_loop3A_165, %parallel_loop3A_169 : vector<16xf32>
        %parallel_loop3A_171 = arith.constant 2.000000e-01 : f32
        %parallel_loop3A_172 = vector.broadcast %parallel_loop3A_171 : f32 to vector<16xf32>
        %parallel_loop3A_173 = arith.mulf %parallel_loop3A_172, %parallel_loop3A_170 : vector<16xf32>
        %parallel_loop3A_174 = arith.maximumf %parallel_loop3A_170, %parallel_loop3A_173 : vector<16xf32>
        %parallel_loop3A_175 = arith.mulf %parallel_loop3A_174, %get3A_10 : vector<16xf32>
        %parallel_loop3A_176 = vector.shape_cast %xor3A_12 : vector<16xi32> to vector<16x1xi32>
        %parallel_loop3A_177 = vector.shape_cast %parallel_loop3A_176 : vector<16x1xi32> to vector<16xi32>
        %parallel_loop3A_178 = tpu.dynamic_gather %parallel_loop3A_175[%parallel_loop3A_177] in [0] : vector<16xf32>, vector<16xi32> -> vector<16xf32>
        %parallel_loop3A_179 = arith.addf %parallel_loop3A_175, %parallel_loop3A_178 : vector<16xf32>
        %parallel_loop3A_180 = vector.shape_cast %xor3A_15 : vector<16xi32> to vector<16x1xi32>
        %parallel_loop3A_181 = vector.shape_cast %parallel_loop3A_180 : vector<16x1xi32> to vector<16xi32>
        %parallel_loop3A_182 = tpu.dynamic_gather %parallel_loop3A_179[%parallel_loop3A_181] in [0] : vector<16xf32>, vector<16xi32> -> vector<16xf32>
        %parallel_loop3A_183 = arith.addf %parallel_loop3A_179, %parallel_loop3A_182 : vector<16xf32>
        %parallel_loop3A_184 = vector.shape_cast %xor3A_18 : vector<16xi32> to vector<16x1xi32>
        %parallel_loop3A_185 = vector.shape_cast %parallel_loop3A_184 : vector<16x1xi32> to vector<16xi32>
        %parallel_loop3A_186 = tpu.dynamic_gather %parallel_loop3A_183[%parallel_loop3A_185] in [0] : vector<16xf32>, vector<16xi32> -> vector<16xf32>
        %parallel_loop3A_187 = arith.addf %parallel_loop3A_183, %parallel_loop3A_186 : vector<16xf32>
        %parallel_loop3A_188 = vector.shape_cast %xor3A_21 : vector<16xi32> to vector<16x1xi32>
        %parallel_loop3A_189 = vector.shape_cast %parallel_loop3A_188 : vector<16x1xi32> to vector<16xi32>
        %parallel_loop3A_190 = tpu.dynamic_gather %parallel_loop3A_187[%parallel_loop3A_189] in [0] : vector<16xf32>, vector<16xi32> -> vector<16xf32>
        %parallel_loop3A_191 = arith.addf %parallel_loop3A_187, %parallel_loop3A_190 : vector<16xf32>
        %parallel_loop3A_192 = math.exp %parallel_loop3A_191 : vector<16xf32>
        %parallel_loop3A_193 = arith.mulf %parallel_loop3A_192, %parallel_loop3A_165 : vector<16xf32>
        %parallel_loop3A_194 = arith.index_cast %parallel_loop3A_161 : i32 to index
        %parallel_loop3A_195 = arith.constant 0 : index
        %parallel_loop3A_196 = tpu.vector_load %arg14[%parallel_loop3A_194, %parallel_loop3A_195] {strides = array<i32>} : memref<128x32xf32, #tpu.memory_space<vmem>>, vector<1x16xf32>,
        %parallel_loop3A_197 = vector.shape_cast %parallel_loop3A_196 : vector<1x16xf32> to vector<16xf32>
        %parallel_loop3A_198 = vector.shape_cast %parallel_loop3A_193 : vector<16xf32> to vector<1x16xf32>
        tpu.vector_store %arg14[%parallel_loop3A_194, %parallel_loop3A_195], %parallel_loop3A_198 {strides = array<i32>} : memref<128x32xf32, #tpu.memory_space<vmem>>, vector<1x16xf32>,
        %parallel_loop3A_199 = arith.constant 0 : i32
        %parallel_loop3A_200 = vector.broadcast %parallel_loop3A_199 : i32 to vector<16xi32>
        %parallel_loop3A_201 = arith.cmpi eq, %iota3A, %parallel_loop3A_200 : vector<16xi32>
        %parallel_loop3A_202 = arith.constant 0.000000e+00 : f32
        %parallel_loop3A_203 = vector.broadcast %parallel_loop3A_202 : f32 to vector<16xf32>
        %parallel_loop3A_204 = arith.select %parallel_loop3A_201, %parallel_loop3A_192, %parallel_loop3A_203 : vector<16xi1>, vector<16xf32>
        %parallel_loop3A_205 = arith.index_cast %parallel_loop3A_161 : i32 to index
        %parallel_loop3A_206 = arith.constant 16 : index
        %parallel_loop3A_207 = tpu.vector_load %arg14[%parallel_loop3A_205, %parallel_loop3A_206] {strides = array<i32>} : memref<128x32xf32, #tpu.memory_space<vmem>>, vector<1x16xf32>,
        %parallel_loop3A_208 = vector.shape_cast %parallel_loop3A_207 : vector<1x16xf32> to vector<16xf32>
        %parallel_loop3A_209 = vector.shape_cast %parallel_loop3A_204 : vector<16xf32> to vector<1x16xf32>
        tpu.vector_store %arg14[%parallel_loop3A_205, %parallel_loop3A_206], %parallel_loop3A_209 {strides = array<i32>} : memref<128x32xf32, #tpu.memory_space<vmem>>, vector<1x16xf32>,
      } {sc.loop_unroll_factor = 8 : i64, sc.parallel_access}
      %dma_wait3A_141 = arith.constant 6 : i32
      %dma_wait3A_142 = arith.constant 0 : i32
      %dma_wait3A_143 = tpu.memref_slice %arg7[%dma_wait3A_141, %dma_wait3A_142] : memref<8x128xi32, #tpu.memory_space<vmem>> -> memref<1x128xi32, #tpu.memory_space<vmem>>
      %dma_wait3A_144 = tpu.memref_squeeze %dma_wait3A_143 : memref<1x128xi32, #tpu.memory_space<vmem>> -> memref<128xi32, #tpu.memory_space<vmem>>
      %dma_wait3A_145 = arith.constant 0 : i32
      %dma_wait3A_146 = arith.constant 0 : i32
      %dma_wait3A_147 = tpu.memref_slice %arg2[%dma_wait3A_145, %dma_wait3A_146] : memref<10000x16xf32, #tpu.memory_space<hbm>> -> memref<10000x16xf32, #tpu.memory_space<hbm>>
      tpu.wait_indirect_dma semaphore(%arg21 : memref<!tpu.dma_semaphore, #tpu.memory_space<semaphore_mem>>) src(%dma_wait3A_147 : memref<10000x16xf32, #tpu.memory_space<hbm>>) dst(%arg10 : memref<128x16xf32, #tpu.memory_space<vmem>>)
      %dma_wait3A_148 = arith.constant 7 : i32
      %dma_wait3A_149 = arith.constant 0 : i32
      %dma_wait3A_150 = tpu.memref_slice %arg7[%dma_wait3A_148, %dma_wait3A_149] : memref<8x128xi32, #tpu.memory_space<vmem>> -> memref<1x128xi32, #tpu.memory_space<vmem>>
      %dma_wait3A_151 = tpu.memref_squeeze %dma_wait3A_150 : memref<1x128xi32, #tpu.memory_space<vmem>> -> memref<128xi32, #tpu.memory_space<vmem>>
      %dma_wait3A_152 = arith.constant 0 : i32
      %dma_wait3A_153 = arith.constant 0 : i32
      %dma_wait3A_154 = tpu.memref_slice %arg3[%dma_wait3A_152, %dma_wait3A_153] : memref<10000x16xf32, #tpu.memory_space<hbm>> -> memref<10000x16xf32, #tpu.memory_space<hbm>>
      tpu.wait_indirect_dma semaphore(%arg22 : memref<!tpu.dma_semaphore, #tpu.memory_space<semaphore_mem>>) src(%dma_wait3A_154 : memref<10000x16xf32, #tpu.memory_space<hbm>>) dst(%arg11 : memref<128x16xf32, #tpu.memory_space<vmem>>)
      %parallel_loop3A_155 = arith.constant 0 : i32
      %parallel_loop3A_156 = arith.constant 128 : i32
      %parallel_loop3A_157 = arith.constant 1 : i32
      scf.for %parallel_loop3A_161 = %parallel_loop3A_155 to %parallel_loop3A_156 step %parallel_loop3A_157  : i32 {
        %parallel_loop3A_162 = arith.index_cast %parallel_loop3A_161 : i32 to index
        %parallel_loop3A_163 = arith.constant 0 : index
        %parallel_loop3A_164 = tpu.vector_load %arg10[%parallel_loop3A_162, %parallel_loop3A_163] {strides = array<i32>} : memref<128x16xf32, #tpu.memory_space<vmem>>, vector<1x16xf32>,
        %parallel_loop3A_165 = vector.shape_cast %parallel_loop3A_164 : vector<1x16xf32> to vector<16xf32>
        %parallel_loop3A_166 = arith.index_cast %parallel_loop3A_161 : i32 to index
        %parallel_loop3A_167 = arith.constant 0 : index
        %parallel_loop3A_168 = tpu.vector_load %arg11[%parallel_loop3A_166, %parallel_loop3A_167] {strides = array<i32>} : memref<128x16xf32, #tpu.memory_space<vmem>>, vector<1x16xf32>,
        %parallel_loop3A_169 = vector.shape_cast %parallel_loop3A_168 : vector<1x16xf32> to vector<16xf32>
        %parallel_loop3A_170 = arith.addf %parallel_loop3A_165, %parallel_loop3A_169 : vector<16xf32>
        %parallel_loop3A_171 = arith.constant 2.000000e-01 : f32
        %parallel_loop3A_172 = vector.broadcast %parallel_loop3A_171 : f32 to vector<16xf32>
        %parallel_loop3A_173 = arith.mulf %parallel_loop3A_172, %parallel_loop3A_170 : vector<16xf32>
        %parallel_loop3A_174 = arith.maximumf %parallel_loop3A_170, %parallel_loop3A_173 : vector<16xf32>
        %parallel_loop3A_175 = arith.mulf %parallel_loop3A_174, %get3A_10 : vector<16xf32>
        %parallel_loop3A_176 = vector.shape_cast %xor3A_12 : vector<16xi32> to vector<16x1xi32>
        %parallel_loop3A_177 = vector.shape_cast %parallel_loop3A_176 : vector<16x1xi32> to vector<16xi32>
        %parallel_loop3A_178 = tpu.dynamic_gather %parallel_loop3A_175[%parallel_loop3A_177] in [0] : vector<16xf32>, vector<16xi32> -> vector<16xf32>
        %parallel_loop3A_179 = arith.addf %parallel_loop3A_175, %parallel_loop3A_178 : vector<16xf32>
        %parallel_loop3A_180 = vector.shape_cast %xor3A_15 : vector<16xi32> to vector<16x1xi32>
        %parallel_loop3A_181 = vector.shape_cast %parallel_loop3A_180 : vector<16x1xi32> to vector<16xi32>
        %parallel_loop3A_182 = tpu.dynamic_gather %parallel_loop3A_179[%parallel_loop3A_181] in [0] : vector<16xf32>, vector<16xi32> -> vector<16xf32>
        %parallel_loop3A_183 = arith.addf %parallel_loop3A_179, %parallel_loop3A_182 : vector<16xf32>
        %parallel_loop3A_184 = vector.shape_cast %xor3A_18 : vector<16xi32> to vector<16x1xi32>
        %parallel_loop3A_185 = vector.shape_cast %parallel_loop3A_184 : vector<16x1xi32> to vector<16xi32>
        %parallel_loop3A_186 = tpu.dynamic_gather %parallel_loop3A_183[%parallel_loop3A_185] in [0] : vector<16xf32>, vector<16xi32> -> vector<16xf32>
        %parallel_loop3A_187 = arith.addf %parallel_loop3A_183, %parallel_loop3A_186 : vector<16xf32>
        %parallel_loop3A_188 = vector.shape_cast %xor3A_21 : vector<16xi32> to vector<16x1xi32>
        %parallel_loop3A_189 = vector.shape_cast %parallel_loop3A_188 : vector<16x1xi32> to vector<16xi32>
        %parallel_loop3A_190 = tpu.dynamic_gather %parallel_loop3A_187[%parallel_loop3A_189] in [0] : vector<16xf32>, vector<16xi32> -> vector<16xf32>
        %parallel_loop3A_191 = arith.addf %parallel_loop3A_187, %parallel_loop3A_190 : vector<16xf32>
        %parallel_loop3A_192 = math.exp %parallel_loop3A_191 : vector<16xf32>
        %parallel_loop3A_193 = arith.mulf %parallel_loop3A_192, %parallel_loop3A_165 : vector<16xf32>
        %parallel_loop3A_194 = arith.index_cast %parallel_loop3A_161 : i32 to index
        %parallel_loop3A_195 = arith.constant 0 : index
        %parallel_loop3A_196 = tpu.vector_load %arg15[%parallel_loop3A_194, %parallel_loop3A_195] {strides = array<i32>} : memref<128x32xf32, #tpu.memory_space<vmem>>, vector<1x16xf32>,
        %parallel_loop3A_197 = vector.shape_cast %parallel_loop3A_196 : vector<1x16xf32> to vector<16xf32>
        %parallel_loop3A_198 = vector.shape_cast %parallel_loop3A_193 : vector<16xf32> to vector<1x16xf32>
        tpu.vector_store %arg15[%parallel_loop3A_194, %parallel_loop3A_195], %parallel_loop3A_198 {strides = array<i32>} : memref<128x32xf32, #tpu.memory_space<vmem>>, vector<1x16xf32>,
        %parallel_loop3A_199 = arith.constant 0 : i32
        %parallel_loop3A_200 = vector.broadcast %parallel_loop3A_199 : i32 to vector<16xi32>
        %parallel_loop3A_201 = arith.cmpi eq, %iota3A, %parallel_loop3A_200 : vector<16xi32>
        %parallel_loop3A_202 = arith.constant 0.000000e+00 : f32
        %parallel_loop3A_203 = vector.broadcast %parallel_loop3A_202 : f32 to vector<16xf32>
        %parallel_loop3A_204 = arith.select %parallel_loop3A_201, %parallel_loop3A_192, %parallel_loop3A_203 : vector<16xi1>, vector<16xf32>
        %parallel_loop3A_205 = arith.index_cast %parallel_loop3A_161 : i32 to index
        %parallel_loop3A_206 = arith.constant 16 : index
        %parallel_loop3A_207 = tpu.vector_load %arg15[%parallel_loop3A_205, %parallel_loop3A_206] {strides = array<i32>} : memref<128x32xf32, #tpu.memory_space<vmem>>, vector<1x16xf32>,
        %parallel_loop3A_208 = vector.shape_cast %parallel_loop3A_207 : vector<1x16xf32> to vector<16xf32>
        %parallel_loop3A_209 = vector.shape_cast %parallel_loop3A_204 : vector<16xf32> to vector<1x16xf32>
        tpu.vector_store %arg15[%parallel_loop3A_205, %parallel_loop3A_206], %parallel_loop3A_209 {strides = array<i32>} : memref<128x32xf32, #tpu.memory_space<vmem>>, vector<1x16xf32>,
      } {sc.loop_unroll_factor = 8 : i64, sc.parallel_access}
      %run_scoped3A = arith.constant 1 : i32
      "tpu.region"() ({
        %run_scoped3A_161 = tpu.sem_alloc : memref<!tpu.dma_semaphore, #tpu.memory_space<semaphore_mem>>
        %dma_start3A_162 = arith.constant 0 : i32
        %dma_start3A_163 = tpu.memref_slice %arg7[%run_scoped3A, %dma_start3A_162] : memref<8x128xi32, #tpu.memory_space<vmem>> -> memref<1x128xi32, #tpu.memory_space<vmem>>
        %dma_start3A_164 = tpu.memref_squeeze %dma_start3A_163 : memref<1x128xi32, #tpu.memory_space<vmem>> -> memref<128xi32, #tpu.memory_space<vmem>>
        %dma_start3A_165 = arith.constant 0 : i32
        %dma_start3A_166 = arith.constant 0 : i32
        %dma_start3A_167 = tpu.memref_slice %arg18[%dma_start3A_165, %dma_start3A_166] : memref<10112x32xf32, #tpu.memory_space<vmem_shared>> -> memref<10112x32xf32, #tpu.memory_space<vmem_shared>>
        tpu.enqueue_indirect_dma source(%arg12 : memref<128x32xf32, #tpu.memory_space<vmem>>) target(%dma_start3A_167 : memref<10112x32xf32, #tpu.memory_space<vmem_shared>>) offsets(%dma_start3A_164 : memref<128xi32, #tpu.memory_space<vmem>>) semaphore(%run_scoped3A_161 : memref<!tpu.dma_semaphore, #tpu.memory_space<semaphore_mem>>) {add = true}
        %dma_wait3A_168 = arith.constant 0 : i32
        %dma_wait3A_169 = tpu.memref_slice %arg7[%run_scoped3A, %dma_wait3A_168] : memref<8x128xi32, #tpu.memory_space<vmem>> -> memref<1x128xi32, #tpu.memory_space<vmem>>
        %dma_wait3A_170 = tpu.memref_squeeze %dma_wait3A_169 : memref<1x128xi32, #tpu.memory_space<vmem>> -> memref<128xi32, #tpu.memory_space<vmem>>
        %dma_wait3A_171 = arith.constant 0 : i32
        %dma_wait3A_172 = arith.constant 0 : i32
        %dma_wait3A_173 = tpu.memref_slice %arg18[%dma_wait3A_171, %dma_wait3A_172] : memref<10112x32xf32, #tpu.memory_space<vmem_shared>> -> memref<10112x32xf32, #tpu.memory_space<vmem_shared>>
        tpu.wait_indirect_dma semaphore(%run_scoped3A_161 : memref<!tpu.dma_semaphore, #tpu.memory_space<semaphore_mem>>) src(%arg12 : memref<128x32xf32, #tpu.memory_space<vmem>>) dst(%dma_wait3A_173 : memref<10112x32xf32, #tpu.memory_space<vmem_shared>>)
        tpu.yield
      }) : () -> ()
      %run_scoped3A_158 = arith.constant 3 : i32
      "tpu.region"() ({
        %run_scoped3A_161 = tpu.sem_alloc : memref<!tpu.dma_semaphore, #tpu.memory_space<semaphore_mem>>
        %dma_start3A_162 = arith.constant 0 : i32
        %dma_start3A_163 = tpu.memref_slice %arg7[%run_scoped3A_158, %dma_start3A_162] : memref<8x128xi32, #tpu.memory_space<vmem>> -> memref<1x128xi32, #tpu.memory_space<vmem>>
        %dma_start3A_164 = tpu.memref_squeeze %dma_start3A_163 : memref<1x128xi32, #tpu.memory_space<vmem>> -> memref<128xi32, #tpu.memory_space<vmem>>
        %dma_start3A_165 = arith.constant 0 : i32
        %dma_start3A_166 = arith.constant 0 : i32
        %dma_start3A_167 = tpu.memref_slice %arg18[%dma_start3A_165, %dma_start3A_166] : memref<10112x32xf32, #tpu.memory_space<vmem_shared>> -> memref<10112x32xf32, #tpu.memory_space<vmem_shared>>
        tpu.enqueue_indirect_dma source(%arg13 : memref<128x32xf32, #tpu.memory_space<vmem>>) target(%dma_start3A_167 : memref<10112x32xf32, #tpu.memory_space<vmem_shared>>) offsets(%dma_start3A_164 : memref<128xi32, #tpu.memory_space<vmem>>) semaphore(%run_scoped3A_161 : memref<!tpu.dma_semaphore, #tpu.memory_space<semaphore_mem>>) {add = true}
        %dma_wait3A_168 = arith.constant 0 : i32
        %dma_wait3A_169 = tpu.memref_slice %arg7[%run_scoped3A_158, %dma_wait3A_168] : memref<8x128xi32, #tpu.memory_space<vmem>> -> memref<1x128xi32, #tpu.memory_space<vmem>>
        %dma_wait3A_170 = tpu.memref_squeeze %dma_wait3A_169 : memref<1x128xi32, #tpu.memory_space<vmem>> -> memref<128xi32, #tpu.memory_space<vmem>>
        %dma_wait3A_171 = arith.constant 0 : i32
        %dma_wait3A_172 = arith.constant 0 : i32
        %dma_wait3A_173 = tpu.memref_slice %arg18[%dma_wait3A_171, %dma_wait3A_172] : memref<10112x32xf32, #tpu.memory_space<vmem_shared>> -> memref<10112x32xf32, #tpu.memory_space<vmem_shared>>
        tpu.wait_indirect_dma semaphore(%run_scoped3A_161 : memref<!tpu.dma_semaphore, #tpu.memory_space<semaphore_mem>>) src(%arg13 : memref<128x32xf32, #tpu.memory_space<vmem>>) dst(%dma_wait3A_173 : memref<10112x32xf32, #tpu.memory_space<vmem_shared>>)
        tpu.yield
      }) : () -> ()
      %run_scoped3A_159 = arith.constant 5 : i32
      "tpu.region"() ({
        %run_scoped3A_161 = tpu.sem_alloc : memref<!tpu.dma_semaphore, #tpu.memory_space<semaphore_mem>>
        %dma_start3A_162 = arith.constant 0 : i32
        %dma_start3A_163 = tpu.memref_slice %arg7[%run_scoped3A_159, %dma_start3A_162] : memref<8x128xi32, #tpu.memory_space<vmem>> -> memref<1x128xi32, #tpu.memory_space<vmem>>
        %dma_start3A_164 = tpu.memref_squeeze %dma_start3A_163 : memref<1x128xi32, #tpu.memory_space<vmem>> -> memref<128xi32, #tpu.memory_space<vmem>>
        %dma_start3A_165 = arith.constant 0 : i32
        %dma_start3A_166 = arith.constant 0 : i32
        %dma_start3A_167 = tpu.memref_slice %arg18[%dma_start3A_165, %dma_start3A_166] : memref<10112x32xf32, #tpu.memory_space<vmem_shared>> -> memref<10112x32xf32, #tpu.memory_space<vmem_shared>>
        tpu.enqueue_indirect_dma source(%arg14 : memref<128x32xf32, #tpu.memory_space<vmem>>) target(%dma_start3A_167 : memref<10112x32xf32, #tpu.memory_space<vmem_shared>>) offsets(%dma_start3A_164 : memref<128xi32, #tpu.memory_space<vmem>>) semaphore(%run_scoped3A_161 : memref<!tpu.dma_semaphore, #tpu.memory_space<semaphore_mem>>) {add = true}
        %dma_wait3A_168 = arith.constant 0 : i32
        %dma_wait3A_169 = tpu.memref_slice %arg7[%run_scoped3A_159, %dma_wait3A_168] : memref<8x128xi32, #tpu.memory_space<vmem>> -> memref<1x128xi32, #tpu.memory_space<vmem>>
        %dma_wait3A_170 = tpu.memref_squeeze %dma_wait3A_169 : memref<1x128xi32, #tpu.memory_space<vmem>> -> memref<128xi32, #tpu.memory_space<vmem>>
        %dma_wait3A_171 = arith.constant 0 : i32
        %dma_wait3A_172 = arith.constant 0 : i32
        %dma_wait3A_173 = tpu.memref_slice %arg18[%dma_wait3A_171, %dma_wait3A_172] : memref<10112x32xf32, #tpu.memory_space<vmem_shared>> -> memref<10112x32xf32, #tpu.memory_space<vmem_shared>>
        tpu.wait_indirect_dma semaphore(%run_scoped3A_161 : memref<!tpu.dma_semaphore, #tpu.memory_space<semaphore_mem>>) src(%arg14 : memref<128x32xf32, #tpu.memory_space<vmem>>) dst(%dma_wait3A_173 : memref<10112x32xf32, #tpu.memory_space<vmem_shared>>)
        tpu.yield
      }) : () -> ()
      %run_scoped3A_160 = arith.constant 7 : i32
      "tpu.region"() ({
        %run_scoped3A_161 = tpu.sem_alloc : memref<!tpu.dma_semaphore, #tpu.memory_space<semaphore_mem>>
        %dma_start3A_162 = arith.constant 0 : i32
        %dma_start3A_163 = tpu.memref_slice %arg7[%run_scoped3A_160, %dma_start3A_162] : memref<8x128xi32, #tpu.memory_space<vmem>> -> memref<1x128xi32, #tpu.memory_space<vmem>>
        %dma_start3A_164 = tpu.memref_squeeze %dma_start3A_163 : memref<1x128xi32, #tpu.memory_space<vmem>> -> memref<128xi32, #tpu.memory_space<vmem>>
        %dma_start3A_165 = arith.constant 0 : i32
        %dma_start3A_166 = arith.constant 0 : i32
        %dma_start3A_167 = tpu.memref_slice %arg18[%dma_start3A_165, %dma_start3A_166] : memref<10112x32xf32, #tpu.memory_space<vmem_shared>> -> memref<10112x32xf32, #tpu.memory_space<vmem_shared>>
        tpu.enqueue_indirect_dma source(%arg15 : memref<128x32xf32, #tpu.memory_space<vmem>>) target(%dma_start3A_167 : memref<10112x32xf32, #tpu.memory_space<vmem_shared>>) offsets(%dma_start3A_164 : memref<128xi32, #tpu.memory_space<vmem>>) semaphore(%run_scoped3A_161 : memref<!tpu.dma_semaphore, #tpu.memory_space<semaphore_mem>>) {add = true}
        %dma_wait3A_168 = arith.constant 0 : i32
        %dma_wait3A_169 = tpu.memref_slice %arg7[%run_scoped3A_160, %dma_wait3A_168] : memref<8x128xi32, #tpu.memory_space<vmem>> -> memref<1x128xi32, #tpu.memory_space<vmem>>
        %dma_wait3A_170 = tpu.memref_squeeze %dma_wait3A_169 : memref<1x128xi32, #tpu.memory_space<vmem>> -> memref<128xi32, #tpu.memory_space<vmem>>
        %dma_wait3A_171 = arith.constant 0 : i32
        %dma_wait3A_172 = arith.constant 0 : i32
        %dma_wait3A_173 = tpu.memref_slice %arg18[%dma_wait3A_171, %dma_wait3A_172] : memref<10112x32xf32, #tpu.memory_space<vmem_shared>> -> memref<10112x32xf32, #tpu.memory_space<vmem_shared>>
        tpu.wait_indirect_dma semaphore(%run_scoped3A_161 : memref<!tpu.dma_semaphore, #tpu.memory_space<semaphore_mem>>) src(%arg15 : memref<128x32xf32, #tpu.memory_space<vmem>>) dst(%dma_wait3A_173 : memref<10112x32xf32, #tpu.memory_space<vmem_shared>>)
        tpu.yield
      }) : () -> ()
    }
    %scan3A_26 = arith.constant 20 : i32
    %barrier3A_27 = arith.constant 0 : index
    tpu.barrier barrier_id(%barrier3A_27)
    %mul3A_28 = arith.constant 632 : i32
    %mul3A_29 = arith.muli %arg1, %mul3A_28 : i32
    "tpu.region"() ({
      %run_scoped3A = tpu.sem_alloc : memref<!tpu.dma_semaphore, #tpu.memory_space<semaphore_mem>>
      %dma_start3A = arith.constant 0 : i32
      %dma_start3A_32 = tpu.memref_slice %arg18[%mul3A_29, %dma_start3A] : memref<10112x32xf32, #tpu.memory_space<vmem_shared>> -> memref<632x32xf32, #tpu.memory_space<vmem_shared>>
      %dma_start3A_33 = arith.constant 0 : i32
      %dma_start3A_34 = tpu.memref_slice %arg18[%mul3A_29, %dma_start3A_33] : memref<10112x32xf32, #tpu.memory_space<vmem_shared>> -> memref<632x32xf32, #tpu.memory_space<vmem_shared>>
      tpu.enqueue_dma source(%dma_start3A_34 : memref<632x32xf32, #tpu.memory_space<vmem_shared>>) target(%arg17 : memref<632x32xf32, #tpu.memory_space<vmem>>) target_semaphore(%run_scoped3A : memref<!tpu.dma_semaphore, #tpu.memory_space<semaphore_mem>>)
      %dma_wait3A = arith.constant 0 : i32
      %dma_wait3A_35 = tpu.memref_slice %arg18[%mul3A_29, %dma_wait3A] : memref<10112x32xf32, #tpu.memory_space<vmem_shared>> -> memref<632x32xf32, #tpu.memory_space<vmem_shared>>
      %dma_wait3A_36 = arith.constant 0 : i32
      %dma_wait3A_37 = tpu.memref_slice %arg18[%mul3A_29, %dma_wait3A_36] : memref<10112x32xf32, #tpu.memory_space<vmem_shared>> -> memref<632x32xf32, #tpu.memory_space<vmem_shared>>
      tpu.wait_dma2 semaphore(%run_scoped3A : memref<!tpu.dma_semaphore, #tpu.memory_space<semaphore_mem>>) src(%dma_wait3A_37 : memref<632x32xf32, #tpu.memory_space<vmem_shared>>) dst(%arg17 : memref<632x32xf32, #tpu.memory_space<vmem>>)
      tpu.yield
    }) : () -> ()
    %mul3A_30 = arith.constant 632 : i32
    %mul3A_31 = arith.muli %arg1, %mul3A_30 : i32
    "tpu.region"() ({
      %run_scoped3A = tpu.sem_alloc : memref<!tpu.dma_semaphore, #tpu.memory_space<semaphore_mem>>
      %dma_start3A = arith.constant 0 : i32
      %dma_start3A_32 = tpu.memref_slice %arg6[%arg0, %mul3A_31, %dma_start3A] : memref<2x10112x32xf32, #tpu.memory_space<hbm>> -> memref<1x632x32xf32, #tpu.memory_space<hbm>>
      %dma_start3A_33 = tpu.memref_squeeze %dma_start3A_32 : memref<1x632x32xf32, #tpu.memory_space<hbm>> -> memref<632x32xf32, #tpu.memory_space<hbm>>
      %dma_start3A_34 = arith.constant 0 : i32
      %dma_start3A_35 = tpu.memref_slice %arg6[%arg0, %mul3A_31, %dma_start3A_34] : memref<2x10112x32xf32, #tpu.memory_space<hbm>> -> memref<1x632x32xf32, #tpu.memory_space<hbm>>
      %dma_start3A_36 = tpu.memref_squeeze %dma_start3A_35 : memref<1x632x32xf32, #tpu.memory_space<hbm>> -> memref<632x32xf32, #tpu.memory_space<hbm>>
      tpu.enqueue_dma source(%arg17 : memref<632x32xf32, #tpu.memory_space<vmem>>) target(%dma_start3A_36 : memref<632x32xf32, #tpu.memory_space<hbm>>) target_semaphore(%run_scoped3A : memref<!tpu.dma_semaphore, #tpu.memory_space<semaphore_mem>>)
      %dma_wait3A = arith.constant 0 : i32
      %dma_wait3A_37 = tpu.memref_slice %arg6[%arg0, %mul3A_31, %dma_wait3A] : memref<2x10112x32xf32, #tpu.memory_space<hbm>> -> memref<1x632x32xf32, #tpu.memory_space<hbm>>
      %dma_wait3A_38 = tpu.memref_squeeze %dma_wait3A_37 : memref<1x632x32xf32, #tpu.memory_space<hbm>> -> memref<632x32xf32, #tpu.memory_space<hbm>>
      %dma_wait3A_39 = arith.constant 0 : i32
      %dma_wait3A_40 = tpu.memref_slice %arg6[%arg0, %mul3A_31, %dma_wait3A_39] : memref<2x10112x32xf32, #tpu.memory_space<hbm>> -> memref<1x632x32xf32, #tpu.memory_space<hbm>>
      %dma_wait3A_41 = tpu.memref_squeeze %dma_wait3A_40 : memref<1x632x32xf32, #tpu.memory_space<hbm>> -> memref<632x32xf32, #tpu.memory_space<hbm>>
      tpu.wait_dma2 semaphore(%run_scoped3A : memref<!tpu.dma_semaphore, #tpu.memory_space<semaphore_mem>>) src(%arg17 : memref<632x32xf32, #tpu.memory_space<vmem>>) dst(%dma_wait3A_41 : memref<632x32xf32, #tpu.memory_space<hbm>>)
      tpu.yield
    }) : () -> ()
    return
  }
}

#map = affine_map<(d0, d1) -> (0, 0)>
#map1 = affine_map<(d0, d1) -> (0, 0, 0, 0)>
#map2 = affine_map<(d0, d1) -> (0)>
#map3 = affine_map<(d0, d1) -> (0, 0, 0)>
module attributes {stable_mosaic.version = 14 : i64} {
  func.func @edge_kernel(%arg0: i32, %arg1: i32, %arg2: memref<10000x16xf32, #tpu.memory_space<hbm>>, %arg3: memref<10000x16xf32, #tpu.memory_space<hbm>>, %arg4: memref<32x20x8x128xi32, #tpu.memory_space<hbm>>, %arg5: memref<16xf32, #tpu.memory_space<hbm>>, %arg6: memref<2x10112x32xf32, #tpu.memory_space<hbm>>, %arg7: memref<8x128xi32, #tpu.memory_space<vmem>>, %arg8: memref<128x16xf32, #tpu.memory_space<vmem>>, %arg9: memref<128x16xf32, #tpu.memory_space<vmem>>, %arg10: memref<128x16xf32, #tpu.memory_space<vmem>>, %arg11: memref<128x16xf32, #tpu.memory_space<vmem>>, %arg12: memref<128x32xf32, #tpu.memory_space<vmem>>, %arg13: memref<128x32xf32, #tpu.memory_space<vmem>>, %arg14: memref<128x32xf32, #tpu.memory_space<vmem>>, %arg15: memref<128x32xf32, #tpu.memory_space<vmem>>, %arg16: memref<16xf32, #tpu.memory_space<vmem>>, %arg17: memref<632x32xf32, #tpu.memory_space<vmem>>, %arg18: memref<10112x32xf32, #tpu.memory_space<vmem_shared>>, %arg19: memref<!tpu.dma_semaphore, #tpu.memory_space<semaphore_mem>>, %arg20: memref<!tpu.dma_semaphore, #tpu.memory_space<semaphore_mem>>, %arg21: memref<!tpu.dma_semaphore, #tpu.memory_space<semaphore_mem>>, %arg22: memref<!tpu.dma_semaphore, #tpu.memory_space<semaphore_mem>>) attributes {dimension_semantics = [#tpu.dimension_semantics<core_parallel>, #tpu.dimension_semantics<subcore_parallel>], iteration_bounds = array<i64: 2, 16>, scalar_prefetch = 0 : i64, scratch_operands = 16 : i64, tpu.core_type = #tpu.core_type<sc_vector_subcore>, window_params = [{transform_indices = #map}, {transform_indices = #map}, {transform_indices = #map1}, {transform_indices = #map2}, {transform_indices = #map3}]} {
    %mul3A = arith.constant 2 : i32
    %mul3A_0 = arith.muli %arg1, %mul3A : i32
    %add3A = arith.addi %mul3A_0, %arg0 : i32
    %broadcast_in_dim3A = arith.constant 0.000000e+00 : f32
    %broadcast_in_dim3A_1 = vector.broadcast %broadcast_in_dim3A : f32 to vector<16xf32>
    %scan3A = arith.constant 0 : i32
    %scan3A_2 = arith.constant 0 : i32
    %scan3A_3 = arith.constant 632 : i32
    %scan3A_4 = arith.addi %scan3A_2, %scan3A_3 : i32
    %scan3A_5 = arith.constant 1 : i32
    scf.for %scan3A_32 = %scan3A_2 to %scan3A_4 step %scan3A_5  : i32 {
      %swap3A = arith.index_cast %scan3A_32 : i32 to index
      %swap3A_33 = arith.constant 0 : index
      %swap3A_34 = tpu.vector_load %arg17[%swap3A, %swap3A_33] {strides = array<i32>} : memref<632x32xf32, #tpu.memory_space<vmem>>, vector<1x16xf32>,
      %swap3A_35 = vector.shape_cast %swap3A_34 : vector<1x16xf32> to vector<16xf32>
      %swap3A_36 = vector.shape_cast %broadcast_in_dim3A_1 : vector<16xf32> to vector<1x16xf32>
      tpu.vector_store %arg17[%swap3A, %swap3A_33], %swap3A_36 {strides = array<i32>} : memref<632x32xf32, #tpu.memory_space<vmem>>, vector<1x16xf32>,
      %swap3A_37 = arith.index_cast %scan3A_32 : i32 to index
      %swap3A_38 = arith.constant 16 : index
      %swap3A_39 = tpu.vector_load %arg17[%swap3A_37, %swap3A_38] {strides = array<i32>} : memref<632x32xf32, #tpu.memory_space<vmem>>, vector<1x16xf32>,
      %swap3A_40 = vector.shape_cast %swap3A_39 : vector<1x16xf32> to vector<16xf32>
      %swap3A_41 = vector.shape_cast %broadcast_in_dim3A_1 : vector<16xf32> to vector<1x16xf32>
      tpu.vector_store %arg17[%swap3A_37, %swap3A_38], %swap3A_41 {strides = array<i32>} : memref<632x32xf32, #tpu.memory_space<vmem>>, vector<1x16xf32>,
    }
    %scan3A_6 = arith.constant 632 : i32
    %mul3A_7 = arith.constant 632 : i32
    %mul3A_8 = arith.muli %arg1, %mul3A_7 : i32
    "tpu.region"() ({
      %run_scoped3A = tpu.sem_alloc : memref<!tpu.dma_semaphore, #tpu.memory_space<semaphore_mem>>
      %dma_start3A = arith.constant 0 : i32
      %dma_start3A_32 = tpu.memref_slice %arg18[%mul3A_8, %dma_start3A] : memref<10112x32xf32, #tpu.memory_space<vmem_shared>> -> memref<632x32xf32, #tpu.memory_space<vmem_shared>>
      %dma_start3A_33 = arith.constant 0 : i32
      %dma_start3A_34 = tpu.memref_slice %arg18[%mul3A_8, %dma_start3A_33] : memref<10112x32xf32, #tpu.memory_space<vmem_shared>> -> memref<632x32xf32, #tpu.memory_space<vmem_shared>>
      tpu.enqueue_dma source(%arg17 : memref<632x32xf32, #tpu.memory_space<vmem>>) target(%dma_start3A_34 : memref<632x32xf32, #tpu.memory_space<vmem_shared>>) target_semaphore(%run_scoped3A : memref<!tpu.dma_semaphore, #tpu.memory_space<semaphore_mem>>)
      %dma_wait3A = arith.constant 0 : i32
      %dma_wait3A_35 = tpu.memref_slice %arg18[%mul3A_8, %dma_wait3A] : memref<10112x32xf32, #tpu.memory_space<vmem_shared>> -> memref<632x32xf32, #tpu.memory_space<vmem_shared>>
      %dma_wait3A_36 = arith.constant 0 : i32
      %dma_wait3A_37 = tpu.memref_slice %arg18[%mul3A_8, %dma_wait3A_36] : memref<10112x32xf32, #tpu.memory_space<vmem_shared>> -> memref<632x32xf32, #tpu.memory_space<vmem_shared>>
      tpu.wait_dma2 semaphore(%run_scoped3A : memref<!tpu.dma_semaphore, #tpu.memory_space<semaphore_mem>>) src(%arg17 : memref<632x32xf32, #tpu.memory_space<vmem>>) dst(%dma_wait3A_37 : memref<632x32xf32, #tpu.memory_space<vmem_shared>>)
      tpu.yield
    }) : () -> ()
    "tpu.region"() ({
      %run_scoped3A = tpu.sem_alloc : memref<!tpu.dma_semaphore, #tpu.memory_space<semaphore_mem>>
      tpu.enqueue_dma source(%arg5 : memref<16xf32, #tpu.memory_space<hbm>>) target(%arg16 : memref<16xf32, #tpu.memory_space<vmem>>) target_semaphore(%run_scoped3A : memref<!tpu.dma_semaphore, #tpu.memory_space<semaphore_mem>>)
      tpu.wait_dma2 semaphore(%run_scoped3A : memref<!tpu.dma_semaphore, #tpu.memory_space<semaphore_mem>>) src(%arg5 : memref<16xf32, #tpu.memory_space<hbm>>) dst(%arg16 : memref<16xf32, #tpu.memory_space<vmem>>)
      tpu.yield
    }) : () -> ()
    %barrier3A = arith.constant 0 : index
    tpu.barrier barrier_id(%barrier3A)
    %get3A = arith.constant 0 : index
    %get3A_9 = tpu.vector_load %arg16[%get3A] {strides = array<i32>} : memref<16xf32, #tpu.memory_space<vmem>>, vector<16xf32>,
    %get3A_10 = vector.shape_cast %get3A_9 : vector<16xf32> to vector<16xf32>
    %iota3A = tpu.iota {dimensions = array<i32: 0>} : vector<16xi32>
    %xor3A = arith.constant 8 : i32
    %xor3A_11 = vector.broadcast %xor3A : i32 to vector<16xi32>
    %xor3A_12 = arith.xori %iota3A, %xor3A_11 : vector<16xi32>
    %xor3A_13 = arith.constant 4 : i32
    %xor3A_14 = vector.broadcast %xor3A_13 : i32 to vector<16xi32>
    %xor3A_15 = arith.xori %iota3A, %xor3A_14 : vector<16xi32>
    %xor3A_16 = arith.constant 2 : i32
    %xor3A_17 = vector.broadcast %xor3A_16 : i32 to vector<16xi32>
    %xor3A_18 = arith.xori %iota3A, %xor3A_17 : vector<16xi32>
    %xor3A_19 = arith.constant 1 : i32
    %xor3A_20 = vector.broadcast %xor3A_19 : i32 to vector<16xi32>
    %xor3A_21 = arith.xori %iota3A, %xor3A_20 : vector<16xi32>
    %scan3A_22 = arith.constant 0 : i32
    %scan3A_23 = arith.constant 20 : i32
    %scan3A_24 = arith.addi %scan3A_22, %scan3A_23 : i32
    %scan3A_25 = arith.constant 1 : i32
    scf.for %scan3A_32 = %scan3A_22 to %scan3A_24 step %scan3A_25  : i32 {
      %mul3A_33 = arith.constant 1 : i32
      %mul3A_34 = arith.muli %scan3A_32, %mul3A_33 : i32
      %add3A_35 = arith.constant 0 : i32
      %add3A_36 = arith.addi %add3A_35, %mul3A_34 : i32
      "tpu.region"() ({
        %run_scoped3A_161 = tpu.sem_alloc : memref<!tpu.dma_semaphore, #tpu.memory_space<semaphore_mem>>
        %dma_start3A_162 = arith.constant 0 : i32
        %dma_start3A_163 = arith.constant 0 : i32
        %dma_start3A_164 = tpu.memref_slice %arg4[%add3A, %add3A_36, %dma_start3A_162, %dma_start3A_163] : memref<32x20x8x128xi32, #tpu.memory_space<hbm>> -> memref<1x1x8x128xi32, #tpu.memory_space<hbm>>
        %dma_start3A_165 = tpu.memref_squeeze %dma_start3A_164 : memref<1x1x8x128xi32, #tpu.memory_space<hbm>> -> memref<8x128xi32, #tpu.memory_space<hbm>>
        %dma_start3A_166 = arith.constant 0 : i32
        %dma_start3A_167 = arith.constant 0 : i32
        %dma_start3A_168 = tpu.memref_slice %arg4[%add3A, %add3A_36, %dma_start3A_166, %dma_start3A_167] : memref<32x20x8x128xi32, #tpu.memory_space<hbm>> -> memref<1x1x8x128xi32, #tpu.memory_space<hbm>>
        %dma_start3A_169 = tpu.memref_squeeze %dma_start3A_168 : memref<1x1x8x128xi32, #tpu.memory_space<hbm>> -> memref<8x128xi32, #tpu.memory_space<hbm>>
        tpu.enqueue_dma source(%dma_start3A_169 : memref<8x128xi32, #tpu.memory_space<hbm>>) target(%arg7 : memref<8x128xi32, #tpu.memory_space<vmem>>) target_semaphore(%run_scoped3A_161 : memref<!tpu.dma_semaphore, #tpu.memory_space<semaphore_mem>>)
        %dma_wait3A_170 = arith.constant 0 : i32
        %dma_wait3A_171 = arith.constant 0 : i32
        %dma_wait3A_172 = tpu.memref_slice %arg4[%add3A, %add3A_36, %dma_wait3A_170, %dma_wait3A_171] : memref<32x20x8x128xi32, #tpu.memory_space<hbm>> -> memref<1x1x8x128xi32, #tpu.memory_space<hbm>>
        %dma_wait3A_173 = tpu.memref_squeeze %dma_wait3A_172 : memref<1x1x8x128xi32, #tpu.memory_space<hbm>> -> memref<8x128xi32, #tpu.memory_space<hbm>>
        %dma_wait3A_174 = arith.constant 0 : i32
        %dma_wait3A_175 = arith.constant 0 : i32
        %dma_wait3A_176 = tpu.memref_slice %arg4[%add3A, %add3A_36, %dma_wait3A_174, %dma_wait3A_175] : memref<32x20x8x128xi32, #tpu.memory_space<hbm>> -> memref<1x1x8x128xi32, #tpu.memory_space<hbm>>
        %dma_wait3A_177 = tpu.memref_squeeze %dma_wait3A_176 : memref<1x1x8x128xi32, #tpu.memory_space<hbm>> -> memref<8x128xi32, #tpu.memory_space<hbm>>
        tpu.wait_dma2 semaphore(%run_scoped3A_161 : memref<!tpu.dma_semaphore, #tpu.memory_space<semaphore_mem>>) src(%dma_wait3A_177 : memref<8x128xi32, #tpu.memory_space<hbm>>) dst(%arg7 : memref<8x128xi32, #tpu.memory_space<vmem>>)
        tpu.yield
      }) : () -> ()
      %dma_start3A = arith.constant 0 : i32
      %dma_start3A_37 = arith.constant 0 : i32
      %dma_start3A_38 = tpu.memref_slice %arg7[%dma_start3A, %dma_start3A_37] : memref<8x128xi32, #tpu.memory_space<vmem>> -> memref<1x128xi32, #tpu.memory_space<vmem>>
      %dma_start3A_39 = tpu.memref_squeeze %dma_start3A_38 : memref<1x128xi32, #tpu.memory_space<vmem>> -> memref<128xi32, #tpu.memory_space<vmem>>
      %dma_start3A_40 = arith.constant 0 : i32
      %dma_start3A_41 = arith.constant 0 : i32
      %dma_start3A_42 = tpu.memref_slice %arg2[%dma_start3A_40, %dma_start3A_41] : memref<10000x16xf32, #tpu.memory_space<hbm>> -> memref<10000x16xf32, #tpu.memory_space<hbm>>
      tpu.enqueue_indirect_dma source(%dma_start3A_42 : memref<10000x16xf32, #tpu.memory_space<hbm>>) target(%arg8 : memref<128x16xf32, #tpu.memory_space<vmem>>) offsets(%dma_start3A_39 : memref<128xi32, #tpu.memory_space<vmem>>) semaphore(%arg19 : memref<!tpu.dma_semaphore, #tpu.memory_space<semaphore_mem>>)
      %dma_start3A_43 = arith.constant 1 : i32
      %dma_start3A_44 = arith.constant 0 : i32
      %dma_start3A_45 = tpu.memref_slice %arg7[%dma_start3A_43, %dma_start3A_44] : memref<8x128xi32, #tpu.memory_space<vmem>> -> memref<1x128xi32, #tpu.memory_space<vmem>>
      %dma_start3A_46 = tpu.memref_squeeze %dma_start3A_45 : memref<1x128xi32, #tpu.memory_space<vmem>> -> memref<128xi32, #tpu.memory_space<vmem>>
      %dma_start3A_47 = arith.constant 0 : i32
      %dma_start3A_48 = arith.constant 0 : i32
      %dma_start3A_49 = tpu.memref_slice %arg3[%dma_start3A_47, %dma_start3A_48] : memref<10000x16xf32, #tpu.memory_space<hbm>> -> memref<10000x16xf32, #tpu.memory_space<hbm>>
      tpu.enqueue_indirect_dma source(%dma_start3A_49 : memref<10000x16xf32, #tpu.memory_space<hbm>>) target(%arg9 : memref<128x16xf32, #tpu.memory_space<vmem>>) offsets(%dma_start3A_46 : memref<128xi32, #tpu.memory_space<vmem>>) semaphore(%arg20 : memref<!tpu.dma_semaphore, #tpu.memory_space<semaphore_mem>>)
      %dma_wait3A = arith.constant 0 : i32
      %dma_wait3A_50 = arith.constant 0 : i32
      %dma_wait3A_51 = tpu.memref_slice %arg7[%dma_wait3A, %dma_wait3A_50] : memref<8x128xi32, #tpu.memory_space<vmem>> -> memref<1x128xi32, #tpu.memory_space<vmem>>
      %dma_wait3A_52 = tpu.memref_squeeze %dma_wait3A_51 : memref<1x128xi32, #tpu.memory_space<vmem>> -> memref<128xi32, #tpu.memory_space<vmem>>
      %dma_wait3A_53 = arith.constant 0 : i32
      %dma_wait3A_54 = arith.constant 0 : i32
      %dma_wait3A_55 = tpu.memref_slice %arg2[%dma_wait3A_53, %dma_wait3A_54] : memref<10000x16xf32, #tpu.memory_space<hbm>> -> memref<10000x16xf32, #tpu.memory_space<hbm>>
      tpu.wait_indirect_dma semaphore(%arg19 : memref<!tpu.dma_semaphore, #tpu.memory_space<semaphore_mem>>) src(%dma_wait3A_55 : memref<10000x16xf32, #tpu.memory_space<hbm>>) dst(%arg8 : memref<128x16xf32, #tpu.memory_space<vmem>>)
      %dma_wait3A_56 = arith.constant 1 : i32
      %dma_wait3A_57 = arith.constant 0 : i32
      %dma_wait3A_58 = tpu.memref_slice %arg7[%dma_wait3A_56, %dma_wait3A_57] : memref<8x128xi32, #tpu.memory_space<vmem>> -> memref<1x128xi32, #tpu.memory_space<vmem>>
      %dma_wait3A_59 = tpu.memref_squeeze %dma_wait3A_58 : memref<1x128xi32, #tpu.memory_space<vmem>> -> memref<128xi32, #tpu.memory_space<vmem>>
      %dma_wait3A_60 = arith.constant 0 : i32
      %dma_wait3A_61 = arith.constant 0 : i32
      %dma_wait3A_62 = tpu.memref_slice %arg3[%dma_wait3A_60, %dma_wait3A_61] : memref<10000x16xf32, #tpu.memory_space<hbm>> -> memref<10000x16xf32, #tpu.memory_space<hbm>>
      tpu.wait_indirect_dma semaphore(%arg20 : memref<!tpu.dma_semaphore, #tpu.memory_space<semaphore_mem>>) src(%dma_wait3A_62 : memref<10000x16xf32, #tpu.memory_space<hbm>>) dst(%arg9 : memref<128x16xf32, #tpu.memory_space<vmem>>)
      %dma_start3A_63 = arith.constant 2 : i32
      %dma_start3A_64 = arith.constant 0 : i32
      %dma_start3A_65 = tpu.memref_slice %arg7[%dma_start3A_63, %dma_start3A_64] : memref<8x128xi32, #tpu.memory_space<vmem>> -> memref<1x128xi32, #tpu.memory_space<vmem>>
      %dma_start3A_66 = tpu.memref_squeeze %dma_start3A_65 : memref<1x128xi32, #tpu.memory_space<vmem>> -> memref<128xi32, #tpu.memory_space<vmem>>
      %dma_start3A_67 = arith.constant 0 : i32
      %dma_start3A_68 = arith.constant 0 : i32
      %dma_start3A_69 = tpu.memref_slice %arg2[%dma_start3A_67, %dma_start3A_68] : memref<10000x16xf32, #tpu.memory_space<hbm>> -> memref<10000x16xf32, #tpu.memory_space<hbm>>
      tpu.enqueue_indirect_dma source(%dma_start3A_69 : memref<10000x16xf32, #tpu.memory_space<hbm>>) target(%arg10 : memref<128x16xf32, #tpu.memory_space<vmem>>) offsets(%dma_start3A_66 : memref<128xi32, #tpu.memory_space<vmem>>) semaphore(%arg21 : memref<!tpu.dma_semaphore, #tpu.memory_space<semaphore_mem>>)
      %dma_start3A_70 = arith.constant 3 : i32
      %dma_start3A_71 = arith.constant 0 : i32
      %dma_start3A_72 = tpu.memref_slice %arg7[%dma_start3A_70, %dma_start3A_71] : memref<8x128xi32, #tpu.memory_space<vmem>> -> memref<1x128xi32, #tpu.memory_space<vmem>>
      %dma_start3A_73 = tpu.memref_squeeze %dma_start3A_72 : memref<1x128xi32, #tpu.memory_space<vmem>> -> memref<128xi32, #tpu.memory_space<vmem>>
      %dma_start3A_74 = arith.constant 0 : i32
      %dma_start3A_75 = arith.constant 0 : i32
      %dma_start3A_76 = tpu.memref_slice %arg3[%dma_start3A_74, %dma_start3A_75] : memref<10000x16xf32, #tpu.memory_space<hbm>> -> memref<10000x16xf32, #tpu.memory_space<hbm>>
      tpu.enqueue_indirect_dma source(%dma_start3A_76 : memref<10000x16xf32, #tpu.memory_space<hbm>>) target(%arg11 : memref<128x16xf32, #tpu.memory_space<vmem>>) offsets(%dma_start3A_73 : memref<128xi32, #tpu.memory_space<vmem>>) semaphore(%arg22 : memref<!tpu.dma_semaphore, #tpu.memory_space<semaphore_mem>>)
      %parallel_loop3A = arith.constant 0 : i32
      %parallel_loop3A_77 = arith.constant 128 : i32
      %parallel_loop3A_78 = arith.constant 1 : i32
      scf.for %parallel_loop3A_161 = %parallel_loop3A to %parallel_loop3A_77 step %parallel_loop3A_78  : i32 {
        %parallel_loop3A_162 = arith.index_cast %parallel_loop3A_161 : i32 to index
        %parallel_loop3A_163 = arith.constant 0 : index
        %parallel_loop3A_164 = tpu.vector_load %arg8[%parallel_loop3A_162, %parallel_loop3A_163] {strides = array<i32>} : memref<128x16xf32, #tpu.memory_space<vmem>>, vector<1x16xf32>,
        %parallel_loop3A_165 = vector.shape_cast %parallel_loop3A_164 : vector<1x16xf32> to vector<16xf32>
        %parallel_loop3A_166 = arith.index_cast %parallel_loop3A_161 : i32 to index
        %parallel_loop3A_167 = arith.constant 0 : index
        %parallel_loop3A_168 = tpu.vector_load %arg9[%parallel_loop3A_166, %parallel_loop3A_167] {strides = array<i32>} : memref<128x16xf32, #tpu.memory_space<vmem>>, vector<1x16xf32>,
        %parallel_loop3A_169 = vector.shape_cast %parallel_loop3A_168 : vector<1x16xf32> to vector<16xf32>
        %parallel_loop3A_170 = arith.addf %parallel_loop3A_165, %parallel_loop3A_169 : vector<16xf32>
        %parallel_loop3A_171 = arith.constant 2.000000e-01 : f32
        %parallel_loop3A_172 = vector.broadcast %parallel_loop3A_171 : f32 to vector<16xf32>
        %parallel_loop3A_173 = arith.mulf %parallel_loop3A_172, %parallel_loop3A_170 : vector<16xf32>
        %parallel_loop3A_174 = arith.maximumf %parallel_loop3A_170, %parallel_loop3A_173 : vector<16xf32>
        %parallel_loop3A_175 = arith.mulf %parallel_loop3A_174, %get3A_10 : vector<16xf32>
        %parallel_loop3A_176 = vector.shape_cast %xor3A_12 : vector<16xi32> to vector<16x1xi32>
        %parallel_loop3A_177 = vector.shape_cast %parallel_loop3A_176 : vector<16x1xi32> to vector<16xi32>
        %parallel_loop3A_178 = tpu.dynamic_gather %parallel_loop3A_175[%parallel_loop3A_177] in [0] : vector<16xf32>, vector<16xi32> -> vector<16xf32>
        %parallel_loop3A_179 = arith.addf %parallel_loop3A_175, %parallel_loop3A_178 : vector<16xf32>
        %parallel_loop3A_180 = vector.shape_cast %xor3A_15 : vector<16xi32> to vector<16x1xi32>
        %parallel_loop3A_181 = vector.shape_cast %parallel_loop3A_180 : vector<16x1xi32> to vector<16xi32>
        %parallel_loop3A_182 = tpu.dynamic_gather %parallel_loop3A_179[%parallel_loop3A_181] in [0] : vector<16xf32>, vector<16xi32> -> vector<16xf32>
        %parallel_loop3A_183 = arith.addf %parallel_loop3A_179, %parallel_loop3A_182 : vector<16xf32>
        %parallel_loop3A_184 = vector.shape_cast %xor3A_18 : vector<16xi32> to vector<16x1xi32>
        %parallel_loop3A_185 = vector.shape_cast %parallel_loop3A_184 : vector<16x1xi32> to vector<16xi32>
        %parallel_loop3A_186 = tpu.dynamic_gather %parallel_loop3A_183[%parallel_loop3A_185] in [0] : vector<16xf32>, vector<16xi32> -> vector<16xf32>
        %parallel_loop3A_187 = arith.addf %parallel_loop3A_183, %parallel_loop3A_186 : vector<16xf32>
        %parallel_loop3A_188 = vector.shape_cast %xor3A_21 : vector<16xi32> to vector<16x1xi32>
        %parallel_loop3A_189 = vector.shape_cast %parallel_loop3A_188 : vector<16x1xi32> to vector<16xi32>
        %parallel_loop3A_190 = tpu.dynamic_gather %parallel_loop3A_187[%parallel_loop3A_189] in [0] : vector<16xf32>, vector<16xi32> -> vector<16xf32>
        %parallel_loop3A_191 = arith.addf %parallel_loop3A_187, %parallel_loop3A_190 : vector<16xf32>
        %parallel_loop3A_192 = math.exp %parallel_loop3A_191 : vector<16xf32>
        %parallel_loop3A_193 = arith.mulf %parallel_loop3A_192, %parallel_loop3A_165 : vector<16xf32>
        %parallel_loop3A_194 = arith.index_cast %parallel_loop3A_161 : i32 to index
        %parallel_loop3A_195 = arith.constant 0 : index
        %parallel_loop3A_196 = tpu.vector_load %arg12[%parallel_loop3A_194, %parallel_loop3A_195] {strides = array<i32>} : memref<128x32xf32, #tpu.memory_space<vmem>>, vector<1x16xf32>,
        %parallel_loop3A_197 = vector.shape_cast %parallel_loop3A_196 : vector<1x16xf32> to vector<16xf32>
        %parallel_loop3A_198 = vector.shape_cast %parallel_loop3A_193 : vector<16xf32> to vector<1x16xf32>
        tpu.vector_store %arg12[%parallel_loop3A_194, %parallel_loop3A_195], %parallel_loop3A_198 {strides = array<i32>} : memref<128x32xf32, #tpu.memory_space<vmem>>, vector<1x16xf32>,
        %parallel_loop3A_199 = arith.constant 0 : i32
        %parallel_loop3A_200 = vector.broadcast %parallel_loop3A_199 : i32 to vector<16xi32>
        %parallel_loop3A_201 = arith.cmpi eq, %iota3A, %parallel_loop3A_200 : vector<16xi32>
        %parallel_loop3A_202 = arith.constant 0.000000e+00 : f32
        %parallel_loop3A_203 = vector.broadcast %parallel_loop3A_202 : f32 to vector<16xf32>
        %parallel_loop3A_204 = arith.select %parallel_loop3A_201, %parallel_loop3A_192, %parallel_loop3A_203 : vector<16xi1>, vector<16xf32>
        %parallel_loop3A_205 = arith.index_cast %parallel_loop3A_161 : i32 to index
        %parallel_loop3A_206 = arith.constant 16 : index
        %parallel_loop3A_207 = tpu.vector_load %arg12[%parallel_loop3A_205, %parallel_loop3A_206] {strides = array<i32>} : memref<128x32xf32, #tpu.memory_space<vmem>>, vector<1x16xf32>,
        %parallel_loop3A_208 = vector.shape_cast %parallel_loop3A_207 : vector<1x16xf32> to vector<16xf32>
        %parallel_loop3A_209 = vector.shape_cast %parallel_loop3A_204 : vector<16xf32> to vector<1x16xf32>
        tpu.vector_store %arg12[%parallel_loop3A_205, %parallel_loop3A_206], %parallel_loop3A_209 {strides = array<i32>} : memref<128x32xf32, #tpu.memory_space<vmem>>, vector<1x16xf32>,
      } {sc.loop_unroll_factor = 8 : i64, sc.parallel_access}
      %dma_wait3A_79 = arith.constant 2 : i32
      %dma_wait3A_80 = arith.constant 0 : i32
      %dma_wait3A_81 = tpu.memref_slice %arg7[%dma_wait3A_79, %dma_wait3A_80] : memref<8x128xi32, #tpu.memory_space<vmem>> -> memref<1x128xi32, #tpu.memory_space<vmem>>
      %dma_wait3A_82 = tpu.memref_squeeze %dma_wait3A_81 : memref<1x128xi32, #tpu.memory_space<vmem>> -> memref<128xi32, #tpu.memory_space<vmem>>
      %dma_wait3A_83 = arith.constant 0 : i32
      %dma_wait3A_84 = arith.constant 0 : i32
      %dma_wait3A_85 = tpu.memref_slice %arg2[%dma_wait3A_83, %dma_wait3A_84] : memref<10000x16xf32, #tpu.memory_space<hbm>> -> memref<10000x16xf32, #tpu.memory_space<hbm>>
      tpu.wait_indirect_dma semaphore(%arg21 : memref<!tpu.dma_semaphore, #tpu.memory_space<semaphore_mem>>) src(%dma_wait3A_85 : memref<10000x16xf32, #tpu.memory_space<hbm>>) dst(%arg10 : memref<128x16xf32, #tpu.memory_space<vmem>>)
      %dma_wait3A_86 = arith.constant 3 : i32
      %dma_wait3A_87 = arith.constant 0 : i32
      %dma_wait3A_88 = tpu.memref_slice %arg7[%dma_wait3A_86, %dma_wait3A_87] : memref<8x128xi32, #tpu.memory_space<vmem>> -> memref<1x128xi32, #tpu.memory_space<vmem>>
      %dma_wait3A_89 = tpu.memref_squeeze %dma_wait3A_88 : memref<1x128xi32, #tpu.memory_space<vmem>> -> memref<128xi32, #tpu.memory_space<vmem>>
      %dma_wait3A_90 = arith.constant 0 : i32
      %dma_wait3A_91 = arith.constant 0 : i32
      %dma_wait3A_92 = tpu.memref_slice %arg3[%dma_wait3A_90, %dma_wait3A_91] : memref<10000x16xf32, #tpu.memory_space<hbm>> -> memref<10000x16xf32, #tpu.memory_space<hbm>>
      tpu.wait_indirect_dma semaphore(%arg22 : memref<!tpu.dma_semaphore, #tpu.memory_space<semaphore_mem>>) src(%dma_wait3A_92 : memref<10000x16xf32, #tpu.memory_space<hbm>>) dst(%arg11 : memref<128x16xf32, #tpu.memory_space<vmem>>)
      %dma_start3A_93 = arith.constant 4 : i32
      %dma_start3A_94 = arith.constant 0 : i32
      %dma_start3A_95 = tpu.memref_slice %arg7[%dma_start3A_93, %dma_start3A_94] : memref<8x128xi32, #tpu.memory_space<vmem>> -> memref<1x128xi32, #tpu.memory_space<vmem>>
      %dma_start3A_96 = tpu.memref_squeeze %dma_start3A_95 : memref<1x128xi32, #tpu.memory_space<vmem>> -> memref<128xi32, #tpu.memory_space<vmem>>
      %dma_start3A_97 = arith.constant 0 : i32
      %dma_start3A_98 = arith.constant 0 : i32
      %dma_start3A_99 = tpu.memref_slice %arg2[%dma_start3A_97, %dma_start3A_98] : memref<10000x16xf32, #tpu.memory_space<hbm>> -> memref<10000x16xf32, #tpu.memory_space<hbm>>
      tpu.enqueue_indirect_dma source(%dma_start3A_99 : memref<10000x16xf32, #tpu.memory_space<hbm>>) target(%arg8 : memref<128x16xf32, #tpu.memory_space<vmem>>) offsets(%dma_start3A_96 : memref<128xi32, #tpu.memory_space<vmem>>) semaphore(%arg19 : memref<!tpu.dma_semaphore, #tpu.memory_space<semaphore_mem>>)
      %dma_start3A_100 = arith.constant 5 : i32
      %dma_start3A_101 = arith.constant 0 : i32
      %dma_start3A_102 = tpu.memref_slice %arg7[%dma_start3A_100, %dma_start3A_101] : memref<8x128xi32, #tpu.memory_space<vmem>> -> memref<1x128xi32, #tpu.memory_space<vmem>>
      %dma_start3A_103 = tpu.memref_squeeze %dma_start3A_102 : memref<1x128xi32, #tpu.memory_space<vmem>> -> memref<128xi32, #tpu.memory_space<vmem>>
      %dma_start3A_104 = arith.constant 0 : i32
      %dma_start3A_105 = arith.constant 0 : i32
      %dma_start3A_106 = tpu.memref_slice %arg3[%dma_start3A_104, %dma_start3A_105] : memref<10000x16xf32, #tpu.memory_space<hbm>> -> memref<10000x16xf32, #tpu.memory_space<hbm>>
      tpu.enqueue_indirect_dma source(%dma_start3A_106 : memref<10000x16xf32, #tpu.memory_space<hbm>>) target(%arg9 : memref<128x16xf32, #tpu.memory_space<vmem>>) offsets(%dma_start3A_103 : memref<128xi32, #tpu.memory_space<vmem>>) semaphore(%arg20 : memref<!tpu.dma_semaphore, #tpu.memory_space<semaphore_mem>>)
      %parallel_loop3A_107 = arith.constant 0 : i32
      %parallel_loop3A_108 = arith.constant 128 : i32
      %parallel_loop3A_109 = arith.constant 1 : i32
      scf.for %parallel_loop3A_161 = %parallel_loop3A_107 to %parallel_loop3A_108 step %parallel_loop3A_109  : i32 {
        %parallel_loop3A_162 = arith.index_cast %parallel_loop3A_161 : i32 to index
        %parallel_loop3A_163 = arith.constant 0 : index
        %parallel_loop3A_164 = tpu.vector_load %arg10[%parallel_loop3A_162, %parallel_loop3A_163] {strides = array<i32>} : memref<128x16xf32, #tpu.memory_space<vmem>>, vector<1x16xf32>,
        %parallel_loop3A_165 = vector.shape_cast %parallel_loop3A_164 : vector<1x16xf32> to vector<16xf32>
        %parallel_loop3A_166 = arith.index_cast %parallel_loop3A_161 : i32 to index
        %parallel_loop3A_167 = arith.constant 0 : index
        %parallel_loop3A_168 = tpu.vector_load %arg11[%parallel_loop3A_166, %parallel_loop3A_167] {strides = array<i32>} : memref<128x16xf32, #tpu.memory_space<vmem>>, vector<1x16xf32>,
        %parallel_loop3A_169 = vector.shape_cast %parallel_loop3A_168 : vector<1x16xf32> to vector<16xf32>
        %parallel_loop3A_170 = arith.addf %parallel_loop3A_165, %parallel_loop3A_169 : vector<16xf32>
        %parallel_loop3A_171 = arith.constant 2.000000e-01 : f32
        %parallel_loop3A_172 = vector.broadcast %parallel_loop3A_171 : f32 to vector<16xf32>
        %parallel_loop3A_173 = arith.mulf %parallel_loop3A_172, %parallel_loop3A_170 : vector<16xf32>
        %parallel_loop3A_174 = arith.maximumf %parallel_loop3A_170, %parallel_loop3A_173 : vector<16xf32>
        %parallel_loop3A_175 = arith.mulf %parallel_loop3A_174, %get3A_10 : vector<16xf32>
        %parallel_loop3A_176 = vector.shape_cast %xor3A_12 : vector<16xi32> to vector<16x1xi32>
        %parallel_loop3A_177 = vector.shape_cast %parallel_loop3A_176 : vector<16x1xi32> to vector<16xi32>
        %parallel_loop3A_178 = tpu.dynamic_gather %parallel_loop3A_175[%parallel_loop3A_177] in [0] : vector<16xf32>, vector<16xi32> -> vector<16xf32>
        %parallel_loop3A_179 = arith.addf %parallel_loop3A_175, %parallel_loop3A_178 : vector<16xf32>
        %parallel_loop3A_180 = vector.shape_cast %xor3A_15 : vector<16xi32> to vector<16x1xi32>
        %parallel_loop3A_181 = vector.shape_cast %parallel_loop3A_180 : vector<16x1xi32> to vector<16xi32>
        %parallel_loop3A_182 = tpu.dynamic_gather %parallel_loop3A_179[%parallel_loop3A_181] in [0] : vector<16xf32>, vector<16xi32> -> vector<16xf32>
        %parallel_loop3A_183 = arith.addf %parallel_loop3A_179, %parallel_loop3A_182 : vector<16xf32>
        %parallel_loop3A_184 = vector.shape_cast %xor3A_18 : vector<16xi32> to vector<16x1xi32>
        %parallel_loop3A_185 = vector.shape_cast %parallel_loop3A_184 : vector<16x1xi32> to vector<16xi32>
        %parallel_loop3A_186 = tpu.dynamic_gather %parallel_loop3A_183[%parallel_loop3A_185] in [0] : vector<16xf32>, vector<16xi32> -> vector<16xf32>
        %parallel_loop3A_187 = arith.addf %parallel_loop3A_183, %parallel_loop3A_186 : vector<16xf32>
        %parallel_loop3A_188 = vector.shape_cast %xor3A_21 : vector<16xi32> to vector<16x1xi32>
        %parallel_loop3A_189 = vector.shape_cast %parallel_loop3A_188 : vector<16x1xi32> to vector<16xi32>
        %parallel_loop3A_190 = tpu.dynamic_gather %parallel_loop3A_187[%parallel_loop3A_189] in [0] : vector<16xf32>, vector<16xi32> -> vector<16xf32>
        %parallel_loop3A_191 = arith.addf %parallel_loop3A_187, %parallel_loop3A_190 : vector<16xf32>
        %parallel_loop3A_192 = math.exp %parallel_loop3A_191 : vector<16xf32>
        %parallel_loop3A_193 = arith.mulf %parallel_loop3A_192, %parallel_loop3A_165 : vector<16xf32>
        %parallel_loop3A_194 = arith.index_cast %parallel_loop3A_161 : i32 to index
        %parallel_loop3A_195 = arith.constant 0 : index
        %parallel_loop3A_196 = tpu.vector_load %arg13[%parallel_loop3A_194, %parallel_loop3A_195] {strides = array<i32>} : memref<128x32xf32, #tpu.memory_space<vmem>>, vector<1x16xf32>,
        %parallel_loop3A_197 = vector.shape_cast %parallel_loop3A_196 : vector<1x16xf32> to vector<16xf32>
        %parallel_loop3A_198 = vector.shape_cast %parallel_loop3A_193 : vector<16xf32> to vector<1x16xf32>
        tpu.vector_store %arg13[%parallel_loop3A_194, %parallel_loop3A_195], %parallel_loop3A_198 {strides = array<i32>} : memref<128x32xf32, #tpu.memory_space<vmem>>, vector<1x16xf32>,
        %parallel_loop3A_199 = arith.constant 0 : i32
        %parallel_loop3A_200 = vector.broadcast %parallel_loop3A_199 : i32 to vector<16xi32>
        %parallel_loop3A_201 = arith.cmpi eq, %iota3A, %parallel_loop3A_200 : vector<16xi32>
        %parallel_loop3A_202 = arith.constant 0.000000e+00 : f32
        %parallel_loop3A_203 = vector.broadcast %parallel_loop3A_202 : f32 to vector<16xf32>
        %parallel_loop3A_204 = arith.select %parallel_loop3A_201, %parallel_loop3A_192, %parallel_loop3A_203 : vector<16xi1>, vector<16xf32>
        %parallel_loop3A_205 = arith.index_cast %parallel_loop3A_161 : i32 to index
        %parallel_loop3A_206 = arith.constant 16 : index
        %parallel_loop3A_207 = tpu.vector_load %arg13[%parallel_loop3A_205, %parallel_loop3A_206] {strides = array<i32>} : memref<128x32xf32, #tpu.memory_space<vmem>>, vector<1x16xf32>,
        %parallel_loop3A_208 = vector.shape_cast %parallel_loop3A_207 : vector<1x16xf32> to vector<16xf32>
        %parallel_loop3A_209 = vector.shape_cast %parallel_loop3A_204 : vector<16xf32> to vector<1x16xf32>
        tpu.vector_store %arg13[%parallel_loop3A_205, %parallel_loop3A_206], %parallel_loop3A_209 {strides = array<i32>} : memref<128x32xf32, #tpu.memory_space<vmem>>, vector<1x16xf32>,
      } {sc.loop_unroll_factor = 8 : i64, sc.parallel_access}
      %dma_wait3A_110 = arith.constant 4 : i32
      %dma_wait3A_111 = arith.constant 0 : i32
      %dma_wait3A_112 = tpu.memref_slice %arg7[%dma_wait3A_110, %dma_wait3A_111] : memref<8x128xi32, #tpu.memory_space<vmem>> -> memref<1x128xi32, #tpu.memory_space<vmem>>
      %dma_wait3A_113 = tpu.memref_squeeze %dma_wait3A_112 : memref<1x128xi32, #tpu.memory_space<vmem>> -> memref<128xi32, #tpu.memory_space<vmem>>
      %dma_wait3A_114 = arith.constant 0 : i32
      %dma_wait3A_115 = arith.constant 0 : i32
      %dma_wait3A_116 = tpu.memref_slice %arg2[%dma_wait3A_114, %dma_wait3A_115] : memref<10000x16xf32, #tpu.memory_space<hbm>> -> memref<10000x16xf32, #tpu.memory_space<hbm>>
      tpu.wait_indirect_dma semaphore(%arg19 : memref<!tpu.dma_semaphore, #tpu.memory_space<semaphore_mem>>) src(%dma_wait3A_116 : memref<10000x16xf32, #tpu.memory_space<hbm>>) dst(%arg8 : memref<128x16xf32, #tpu.memory_space<vmem>>)
      %dma_wait3A_117 = arith.constant 5 : i32
      %dma_wait3A_118 = arith.constant 0 : i32
      %dma_wait3A_119 = tpu.memref_slice %arg7[%dma_wait3A_117, %dma_wait3A_118] : memref<8x128xi32, #tpu.memory_space<vmem>> -> memref<1x128xi32, #tpu.memory_space<vmem>>
      %dma_wait3A_120 = tpu.memref_squeeze %dma_wait3A_119 : memref<1x128xi32, #tpu.memory_space<vmem>> -> memref<128xi32, #tpu.memory_space<vmem>>
      %dma_wait3A_121 = arith.constant 0 : i32
      %dma_wait3A_122 = arith.constant 0 : i32
      %dma_wait3A_123 = tpu.memref_slice %arg3[%dma_wait3A_121, %dma_wait3A_122] : memref<10000x16xf32, #tpu.memory_space<hbm>> -> memref<10000x16xf32, #tpu.memory_space<hbm>>
      tpu.wait_indirect_dma semaphore(%arg20 : memref<!tpu.dma_semaphore, #tpu.memory_space<semaphore_mem>>) src(%dma_wait3A_123 : memref<10000x16xf32, #tpu.memory_space<hbm>>) dst(%arg9 : memref<128x16xf32, #tpu.memory_space<vmem>>)
      %dma_start3A_124 = arith.constant 6 : i32
      %dma_start3A_125 = arith.constant 0 : i32
      %dma_start3A_126 = tpu.memref_slice %arg7[%dma_start3A_124, %dma_start3A_125] : memref<8x128xi32, #tpu.memory_space<vmem>> -> memref<1x128xi32, #tpu.memory_space<vmem>>
      %dma_start3A_127 = tpu.memref_squeeze %dma_start3A_126 : memref<1x128xi32, #tpu.memory_space<vmem>> -> memref<128xi32, #tpu.memory_space<vmem>>
      %dma_start3A_128 = arith.constant 0 : i32
      %dma_start3A_129 = arith.constant 0 : i32
      %dma_start3A_130 = tpu.memref_slice %arg2[%dma_start3A_128, %dma_start3A_129] : memref<10000x16xf32, #tpu.memory_space<hbm>> -> memref<10000x16xf32, #tpu.memory_space<hbm>>
      tpu.enqueue_indirect_dma source(%dma_start3A_130 : memref<10000x16xf32, #tpu.memory_space<hbm>>) target(%arg10 : memref<128x16xf32, #tpu.memory_space<vmem>>) offsets(%dma_start3A_127 : memref<128xi32, #tpu.memory_space<vmem>>) semaphore(%arg21 : memref<!tpu.dma_semaphore, #tpu.memory_space<semaphore_mem>>)
      %dma_start3A_131 = arith.constant 7 : i32
      %dma_start3A_132 = arith.constant 0 : i32
      %dma_start3A_133 = tpu.memref_slice %arg7[%dma_start3A_131, %dma_start3A_132] : memref<8x128xi32, #tpu.memory_space<vmem>> -> memref<1x128xi32, #tpu.memory_space<vmem>>
      %dma_start3A_134 = tpu.memref_squeeze %dma_start3A_133 : memref<1x128xi32, #tpu.memory_space<vmem>> -> memref<128xi32, #tpu.memory_space<vmem>>
      %dma_start3A_135 = arith.constant 0 : i32
      %dma_start3A_136 = arith.constant 0 : i32
      %dma_start3A_137 = tpu.memref_slice %arg3[%dma_start3A_135, %dma_start3A_136] : memref<10000x16xf32, #tpu.memory_space<hbm>> -> memref<10000x16xf32, #tpu.memory_space<hbm>>
      tpu.enqueue_indirect_dma source(%dma_start3A_137 : memref<10000x16xf32, #tpu.memory_space<hbm>>) target(%arg11 : memref<128x16xf32, #tpu.memory_space<vmem>>) offsets(%dma_start3A_134 : memref<128xi32, #tpu.memory_space<vmem>>) semaphore(%arg22 : memref<!tpu.dma_semaphore, #tpu.memory_space<semaphore_mem>>)
      %parallel_loop3A_138 = arith.constant 0 : i32
      %parallel_loop3A_139 = arith.constant 128 : i32
      %parallel_loop3A_140 = arith.constant 1 : i32
      scf.for %parallel_loop3A_161 = %parallel_loop3A_138 to %parallel_loop3A_139 step %parallel_loop3A_140  : i32 {
        %parallel_loop3A_162 = arith.index_cast %parallel_loop3A_161 : i32 to index
        %parallel_loop3A_163 = arith.constant 0 : index
        %parallel_loop3A_164 = tpu.vector_load %arg8[%parallel_loop3A_162, %parallel_loop3A_163] {strides = array<i32>} : memref<128x16xf32, #tpu.memory_space<vmem>>, vector<1x16xf32>,
        %parallel_loop3A_165 = vector.shape_cast %parallel_loop3A_164 : vector<1x16xf32> to vector<16xf32>
        %parallel_loop3A_166 = arith.index_cast %parallel_loop3A_161 : i32 to index
        %parallel_loop3A_167 = arith.constant 0 : index
        %parallel_loop3A_168 = tpu.vector_load %arg9[%parallel_loop3A_166, %parallel_loop3A_167] {strides = array<i32>} : memref<128x16xf32, #tpu.memory_space<vmem>>, vector<1x16xf32>,
        %parallel_loop3A_169 = vector.shape_cast %parallel_loop3A_168 : vector<1x16xf32> to vector<16xf32>
        %parallel_loop3A_170 = arith.addf %parallel_loop3A_165, %parallel_loop3A_169 : vector<16xf32>
        %parallel_loop3A_171 = arith.constant 2.000000e-01 : f32
        %parallel_loop3A_172 = vector.broadcast %parallel_loop3A_171 : f32 to vector<16xf32>
        %parallel_loop3A_173 = arith.mulf %parallel_loop3A_172, %parallel_loop3A_170 : vector<16xf32>
        %parallel_loop3A_174 = arith.maximumf %parallel_loop3A_170, %parallel_loop3A_173 : vector<16xf32>
        %parallel_loop3A_175 = arith.mulf %parallel_loop3A_174, %get3A_10 : vector<16xf32>
        %parallel_loop3A_176 = vector.shape_cast %xor3A_12 : vector<16xi32> to vector<16x1xi32>
        %parallel_loop3A_177 = vector.shape_cast %parallel_loop3A_176 : vector<16x1xi32> to vector<16xi32>
        %parallel_loop3A_178 = tpu.dynamic_gather %parallel_loop3A_175[%parallel_loop3A_177] in [0] : vector<16xf32>, vector<16xi32> -> vector<16xf32>
        %parallel_loop3A_179 = arith.addf %parallel_loop3A_175, %parallel_loop3A_178 : vector<16xf32>
        %parallel_loop3A_180 = vector.shape_cast %xor3A_15 : vector<16xi32> to vector<16x1xi32>
        %parallel_loop3A_181 = vector.shape_cast %parallel_loop3A_180 : vector<16x1xi32> to vector<16xi32>
        %parallel_loop3A_182 = tpu.dynamic_gather %parallel_loop3A_179[%parallel_loop3A_181] in [0] : vector<16xf32>, vector<16xi32> -> vector<16xf32>
        %parallel_loop3A_183 = arith.addf %parallel_loop3A_179, %parallel_loop3A_182 : vector<16xf32>
        %parallel_loop3A_184 = vector.shape_cast %xor3A_18 : vector<16xi32> to vector<16x1xi32>
        %parallel_loop3A_185 = vector.shape_cast %parallel_loop3A_184 : vector<16x1xi32> to vector<16xi32>
        %parallel_loop3A_186 = tpu.dynamic_gather %parallel_loop3A_183[%parallel_loop3A_185] in [0] : vector<16xf32>, vector<16xi32> -> vector<16xf32>
        %parallel_loop3A_187 = arith.addf %parallel_loop3A_183, %parallel_loop3A_186 : vector<16xf32>
        %parallel_loop3A_188 = vector.shape_cast %xor3A_21 : vector<16xi32> to vector<16x1xi32>
        %parallel_loop3A_189 = vector.shape_cast %parallel_loop3A_188 : vector<16x1xi32> to vector<16xi32>
        %parallel_loop3A_190 = tpu.dynamic_gather %parallel_loop3A_187[%parallel_loop3A_189] in [0] : vector<16xf32>, vector<16xi32> -> vector<16xf32>
        %parallel_loop3A_191 = arith.addf %parallel_loop3A_187, %parallel_loop3A_190 : vector<16xf32>
        %parallel_loop3A_192 = math.exp %parallel_loop3A_191 : vector<16xf32>
        %parallel_loop3A_193 = arith.mulf %parallel_loop3A_192, %parallel_loop3A_165 : vector<16xf32>
        %parallel_loop3A_194 = arith.index_cast %parallel_loop3A_161 : i32 to index
        %parallel_loop3A_195 = arith.constant 0 : index
        %parallel_loop3A_196 = tpu.vector_load %arg14[%parallel_loop3A_194, %parallel_loop3A_195] {strides = array<i32>} : memref<128x32xf32, #tpu.memory_space<vmem>>, vector<1x16xf32>,
        %parallel_loop3A_197 = vector.shape_cast %parallel_loop3A_196 : vector<1x16xf32> to vector<16xf32>
        %parallel_loop3A_198 = vector.shape_cast %parallel_loop3A_193 : vector<16xf32> to vector<1x16xf32>
        tpu.vector_store %arg14[%parallel_loop3A_194, %parallel_loop3A_195], %parallel_loop3A_198 {strides = array<i32>} : memref<128x32xf32, #tpu.memory_space<vmem>>, vector<1x16xf32>,
        %parallel_loop3A_199 = arith.constant 0 : i32
        %parallel_loop3A_200 = vector.broadcast %parallel_loop3A_199 : i32 to vector<16xi32>
        %parallel_loop3A_201 = arith.cmpi eq, %iota3A, %parallel_loop3A_200 : vector<16xi32>
        %parallel_loop3A_202 = arith.constant 0.000000e+00 : f32
        %parallel_loop3A_203 = vector.broadcast %parallel_loop3A_202 : f32 to vector<16xf32>
        %parallel_loop3A_204 = arith.select %parallel_loop3A_201, %parallel_loop3A_192, %parallel_loop3A_203 : vector<16xi1>, vector<16xf32>
        %parallel_loop3A_205 = arith.index_cast %parallel_loop3A_161 : i32 to index
        %parallel_loop3A_206 = arith.constant 16 : index
        %parallel_loop3A_207 = tpu.vector_load %arg14[%parallel_loop3A_205, %parallel_loop3A_206] {strides = array<i32>} : memref<128x32xf32, #tpu.memory_space<vmem>>, vector<1x16xf32>,
        %parallel_loop3A_208 = vector.shape_cast %parallel_loop3A_207 : vector<1x16xf32> to vector<16xf32>
        %parallel_loop3A_209 = vector.shape_cast %parallel_loop3A_204 : vector<16xf32> to vector<1x16xf32>
        tpu.vector_store %arg14[%parallel_loop3A_205, %parallel_loop3A_206], %parallel_loop3A_209 {strides = array<i32>} : memref<128x32xf32, #tpu.memory_space<vmem>>, vector<1x16xf32>,
      } {sc.loop_unroll_factor = 8 : i64, sc.parallel_access}
      %dma_wait3A_141 = arith.constant 6 : i32
      %dma_wait3A_142 = arith.constant 0 : i32
      %dma_wait3A_143 = tpu.memref_slice %arg7[%dma_wait3A_141, %dma_wait3A_142] : memref<8x128xi32, #tpu.memory_space<vmem>> -> memref<1x128xi32, #tpu.memory_space<vmem>>
      %dma_wait3A_144 = tpu.memref_squeeze %dma_wait3A_143 : memref<1x128xi32, #tpu.memory_space<vmem>> -> memref<128xi32, #tpu.memory_space<vmem>>
      %dma_wait3A_145 = arith.constant 0 : i32
      %dma_wait3A_146 = arith.constant 0 : i32
      %dma_wait3A_147 = tpu.memref_slice %arg2[%dma_wait3A_145, %dma_wait3A_146] : memref<10000x16xf32, #tpu.memory_space<hbm>> -> memref<10000x16xf32, #tpu.memory_space<hbm>>
      tpu.wait_indirect_dma semaphore(%arg21 : memref<!tpu.dma_semaphore, #tpu.memory_space<semaphore_mem>>) src(%dma_wait3A_147 : memref<10000x16xf32, #tpu.memory_space<hbm>>) dst(%arg10 : memref<128x16xf32, #tpu.memory_space<vmem>>)
      %dma_wait3A_148 = arith.constant 7 : i32
      %dma_wait3A_149 = arith.constant 0 : i32
      %dma_wait3A_150 = tpu.memref_slice %arg7[%dma_wait3A_148, %dma_wait3A_149] : memref<8x128xi32, #tpu.memory_space<vmem>> -> memref<1x128xi32, #tpu.memory_space<vmem>>
      %dma_wait3A_151 = tpu.memref_squeeze %dma_wait3A_150 : memref<1x128xi32, #tpu.memory_space<vmem>> -> memref<128xi32, #tpu.memory_space<vmem>>
      %dma_wait3A_152 = arith.constant 0 : i32
      %dma_wait3A_153 = arith.constant 0 : i32
      %dma_wait3A_154 = tpu.memref_slice %arg3[%dma_wait3A_152, %dma_wait3A_153] : memref<10000x16xf32, #tpu.memory_space<hbm>> -> memref<10000x16xf32, #tpu.memory_space<hbm>>
      tpu.wait_indirect_dma semaphore(%arg22 : memref<!tpu.dma_semaphore, #tpu.memory_space<semaphore_mem>>) src(%dma_wait3A_154 : memref<10000x16xf32, #tpu.memory_space<hbm>>) dst(%arg11 : memref<128x16xf32, #tpu.memory_space<vmem>>)
      %parallel_loop3A_155 = arith.constant 0 : i32
      %parallel_loop3A_156 = arith.constant 128 : i32
      %parallel_loop3A_157 = arith.constant 1 : i32
      scf.for %parallel_loop3A_161 = %parallel_loop3A_155 to %parallel_loop3A_156 step %parallel_loop3A_157  : i32 {
        %parallel_loop3A_162 = arith.index_cast %parallel_loop3A_161 : i32 to index
        %parallel_loop3A_163 = arith.constant 0 : index
        %parallel_loop3A_164 = tpu.vector_load %arg10[%parallel_loop3A_162, %parallel_loop3A_163] {strides = array<i32>} : memref<128x16xf32, #tpu.memory_space<vmem>>, vector<1x16xf32>,
        %parallel_loop3A_165 = vector.shape_cast %parallel_loop3A_164 : vector<1x16xf32> to vector<16xf32>
        %parallel_loop3A_166 = arith.index_cast %parallel_loop3A_161 : i32 to index
        %parallel_loop3A_167 = arith.constant 0 : index
        %parallel_loop3A_168 = tpu.vector_load %arg11[%parallel_loop3A_166, %parallel_loop3A_167] {strides = array<i32>} : memref<128x16xf32, #tpu.memory_space<vmem>>, vector<1x16xf32>,
        %parallel_loop3A_169 = vector.shape_cast %parallel_loop3A_168 : vector<1x16xf32> to vector<16xf32>
        %parallel_loop3A_170 = arith.addf %parallel_loop3A_165, %parallel_loop3A_169 : vector<16xf32>
        %parallel_loop3A_171 = arith.constant 2.000000e-01 : f32
        %parallel_loop3A_172 = vector.broadcast %parallel_loop3A_171 : f32 to vector<16xf32>
        %parallel_loop3A_173 = arith.mulf %parallel_loop3A_172, %parallel_loop3A_170 : vector<16xf32>
        %parallel_loop3A_174 = arith.maximumf %parallel_loop3A_170, %parallel_loop3A_173 : vector<16xf32>
        %parallel_loop3A_175 = arith.mulf %parallel_loop3A_174, %get3A_10 : vector<16xf32>
        %parallel_loop3A_176 = vector.shape_cast %xor3A_12 : vector<16xi32> to vector<16x1xi32>
        %parallel_loop3A_177 = vector.shape_cast %parallel_loop3A_176 : vector<16x1xi32> to vector<16xi32>
        %parallel_loop3A_178 = tpu.dynamic_gather %parallel_loop3A_175[%parallel_loop3A_177] in [0] : vector<16xf32>, vector<16xi32> -> vector<16xf32>
        %parallel_loop3A_179 = arith.addf %parallel_loop3A_175, %parallel_loop3A_178 : vector<16xf32>
        %parallel_loop3A_180 = vector.shape_cast %xor3A_15 : vector<16xi32> to vector<16x1xi32>
        %parallel_loop3A_181 = vector.shape_cast %parallel_loop3A_180 : vector<16x1xi32> to vector<16xi32>
        %parallel_loop3A_182 = tpu.dynamic_gather %parallel_loop3A_179[%parallel_loop3A_181] in [0] : vector<16xf32>, vector<16xi32> -> vector<16xf32>
        %parallel_loop3A_183 = arith.addf %parallel_loop3A_179, %parallel_loop3A_182 : vector<16xf32>
        %parallel_loop3A_184 = vector.shape_cast %xor3A_18 : vector<16xi32> to vector<16x1xi32>
        %parallel_loop3A_185 = vector.shape_cast %parallel_loop3A_184 : vector<16x1xi32> to vector<16xi32>
        %parallel_loop3A_186 = tpu.dynamic_gather %parallel_loop3A_183[%parallel_loop3A_185] in [0] : vector<16xf32>, vector<16xi32> -> vector<16xf32>
        %parallel_loop3A_187 = arith.addf %parallel_loop3A_183, %parallel_loop3A_186 : vector<16xf32>
        %parallel_loop3A_188 = vector.shape_cast %xor3A_21 : vector<16xi32> to vector<16x1xi32>
        %parallel_loop3A_189 = vector.shape_cast %parallel_loop3A_188 : vector<16x1xi32> to vector<16xi32>
        %parallel_loop3A_190 = tpu.dynamic_gather %parallel_loop3A_187[%parallel_loop3A_189] in [0] : vector<16xf32>, vector<16xi32> -> vector<16xf32>
        %parallel_loop3A_191 = arith.addf %parallel_loop3A_187, %parallel_loop3A_190 : vector<16xf32>
        %parallel_loop3A_192 = math.exp %parallel_loop3A_191 : vector<16xf32>
        %parallel_loop3A_193 = arith.mulf %parallel_loop3A_192, %parallel_loop3A_165 : vector<16xf32>
        %parallel_loop3A_194 = arith.index_cast %parallel_loop3A_161 : i32 to index
        %parallel_loop3A_195 = arith.constant 0 : index
        %parallel_loop3A_196 = tpu.vector_load %arg15[%parallel_loop3A_194, %parallel_loop3A_195] {strides = array<i32>} : memref<128x32xf32, #tpu.memory_space<vmem>>, vector<1x16xf32>,
        %parallel_loop3A_197 = vector.shape_cast %parallel_loop3A_196 : vector<1x16xf32> to vector<16xf32>
        %parallel_loop3A_198 = vector.shape_cast %parallel_loop3A_193 : vector<16xf32> to vector<1x16xf32>
        tpu.vector_store %arg15[%parallel_loop3A_194, %parallel_loop3A_195], %parallel_loop3A_198 {strides = array<i32>} : memref<128x32xf32, #tpu.memory_space<vmem>>, vector<1x16xf32>,
        %parallel_loop3A_199 = arith.constant 0 : i32
        %parallel_loop3A_200 = vector.broadcast %parallel_loop3A_199 : i32 to vector<16xi32>
        %parallel_loop3A_201 = arith.cmpi eq, %iota3A, %parallel_loop3A_200 : vector<16xi32>
        %parallel_loop3A_202 = arith.constant 0.000000e+00 : f32
        %parallel_loop3A_203 = vector.broadcast %parallel_loop3A_202 : f32 to vector<16xf32>
        %parallel_loop3A_204 = arith.select %parallel_loop3A_201, %parallel_loop3A_192, %parallel_loop3A_203 : vector<16xi1>, vector<16xf32>
        %parallel_loop3A_205 = arith.index_cast %parallel_loop3A_161 : i32 to index
        %parallel_loop3A_206 = arith.constant 16 : index
        %parallel_loop3A_207 = tpu.vector_load %arg15[%parallel_loop3A_205, %parallel_loop3A_206] {strides = array<i32>} : memref<128x32xf32, #tpu.memory_space<vmem>>, vector<1x16xf32>,
        %parallel_loop3A_208 = vector.shape_cast %parallel_loop3A_207 : vector<1x16xf32> to vector<16xf32>
        %parallel_loop3A_209 = vector.shape_cast %parallel_loop3A_204 : vector<16xf32> to vector<1x16xf32>
        tpu.vector_store %arg15[%parallel_loop3A_205, %parallel_loop3A_206], %parallel_loop3A_209 {strides = array<i32>} : memref<128x32xf32, #tpu.memory_space<vmem>>, vector<1x16xf32>,
      } {sc.loop_unroll_factor = 8 : i64, sc.parallel_access}
      %run_scoped3A = arith.constant 1 : i32
      "tpu.region"() ({
        %run_scoped3A_161 = tpu.sem_alloc : memref<!tpu.dma_semaphore, #tpu.memory_space<semaphore_mem>>
        %dma_start3A_162 = arith.constant 0 : i32
        %dma_start3A_163 = tpu.memref_slice %arg7[%run_scoped3A, %dma_start3A_162] : memref<8x128xi32, #tpu.memory_space<vmem>> -> memref<1x128xi32, #tpu.memory_space<vmem>>
        %dma_start3A_164 = tpu.memref_squeeze %dma_start3A_163 : memref<1x128xi32, #tpu.memory_space<vmem>> -> memref<128xi32, #tpu.memory_space<vmem>>
        %dma_start3A_165 = arith.constant 0 : i32
        %dma_start3A_166 = arith.constant 0 : i32
        %dma_start3A_167 = tpu.memref_slice %arg18[%dma_start3A_165, %dma_start3A_166] : memref<10112x32xf32, #tpu.memory_space<vmem_shared>> -> memref<10112x32xf32, #tpu.memory_space<vmem_shared>>
        tpu.enqueue_indirect_dma source(%arg12 : memref<128x32xf32, #tpu.memory_space<vmem>>) target(%dma_start3A_167 : memref<10112x32xf32, #tpu.memory_space<vmem_shared>>) offsets(%dma_start3A_164 : memref<128xi32, #tpu.memory_space<vmem>>) semaphore(%run_scoped3A_161 : memref<!tpu.dma_semaphore, #tpu.memory_space<semaphore_mem>>) {add = true}
        %dma_wait3A_168 = arith.constant 0 : i32
        %dma_wait3A_169 = tpu.memref_slice %arg7[%run_scoped3A, %dma_wait3A_168] : memref<8x128xi32, #tpu.memory_space<vmem>> -> memref<1x128xi32, #tpu.memory_space<vmem>>
        %dma_wait3A_170 = tpu.memref_squeeze %dma_wait3A_169 : memref<1x128xi32, #tpu.memory_space<vmem>> -> memref<128xi32, #tpu.memory_space<vmem>>
        %dma_wait3A_171 = arith.constant 0 : i32
        %dma_wait3A_172 = arith.constant 0 : i32
        %dma_wait3A_173 = tpu.memref_slice %arg18[%dma_wait3A_171, %dma_wait3A_172] : memref<10112x32xf32, #tpu.memory_space<vmem_shared>> -> memref<10112x32xf32, #tpu.memory_space<vmem_shared>>
        tpu.wait_indirect_dma semaphore(%run_scoped3A_161 : memref<!tpu.dma_semaphore, #tpu.memory_space<semaphore_mem>>) src(%arg12 : memref<128x32xf32, #tpu.memory_space<vmem>>) dst(%dma_wait3A_173 : memref<10112x32xf32, #tpu.memory_space<vmem_shared>>)
        tpu.yield
      }) : () -> ()
      %run_scoped3A_158 = arith.constant 3 : i32
      "tpu.region"() ({
        %run_scoped3A_161 = tpu.sem_alloc : memref<!tpu.dma_semaphore, #tpu.memory_space<semaphore_mem>>
        %dma_start3A_162 = arith.constant 0 : i32
        %dma_start3A_163 = tpu.memref_slice %arg7[%run_scoped3A_158, %dma_start3A_162] : memref<8x128xi32, #tpu.memory_space<vmem>> -> memref<1x128xi32, #tpu.memory_space<vmem>>
        %dma_start3A_164 = tpu.memref_squeeze %dma_start3A_163 : memref<1x128xi32, #tpu.memory_space<vmem>> -> memref<128xi32, #tpu.memory_space<vmem>>
        %dma_start3A_165 = arith.constant 0 : i32
        %dma_start3A_166 = arith.constant 0 : i32
        %dma_start3A_167 = tpu.memref_slice %arg18[%dma_start3A_165, %dma_start3A_166] : memref<10112x32xf32, #tpu.memory_space<vmem_shared>> -> memref<10112x32xf32, #tpu.memory_space<vmem_shared>>
        tpu.enqueue_indirect_dma source(%arg13 : memref<128x32xf32, #tpu.memory_space<vmem>>) target(%dma_start3A_167 : memref<10112x32xf32, #tpu.memory_space<vmem_shared>>) offsets(%dma_start3A_164 : memref<128xi32, #tpu.memory_space<vmem>>) semaphore(%run_scoped3A_161 : memref<!tpu.dma_semaphore, #tpu.memory_space<semaphore_mem>>) {add = true}
        %dma_wait3A_168 = arith.constant 0 : i32
        %dma_wait3A_169 = tpu.memref_slice %arg7[%run_scoped3A_158, %dma_wait3A_168] : memref<8x128xi32, #tpu.memory_space<vmem>> -> memref<1x128xi32, #tpu.memory_space<vmem>>
        %dma_wait3A_170 = tpu.memref_squeeze %dma_wait3A_169 : memref<1x128xi32, #tpu.memory_space<vmem>> -> memref<128xi32, #tpu.memory_space<vmem>>
        %dma_wait3A_171 = arith.constant 0 : i32
        %dma_wait3A_172 = arith.constant 0 : i32
        %dma_wait3A_173 = tpu.memref_slice %arg18[%dma_wait3A_171, %dma_wait3A_172] : memref<10112x32xf32, #tpu.memory_space<vmem_shared>> -> memref<10112x32xf32, #tpu.memory_space<vmem_shared>>
        tpu.wait_indirect_dma semaphore(%run_scoped3A_161 : memref<!tpu.dma_semaphore, #tpu.memory_space<semaphore_mem>>) src(%arg13 : memref<128x32xf32, #tpu.memory_space<vmem>>) dst(%dma_wait3A_173 : memref<10112x32xf32, #tpu.memory_space<vmem_shared>>)
        tpu.yield
      }) : () -> ()
      %run_scoped3A_159 = arith.constant 5 : i32
      "tpu.region"() ({
        %run_scoped3A_161 = tpu.sem_alloc : memref<!tpu.dma_semaphore, #tpu.memory_space<semaphore_mem>>
        %dma_start3A_162 = arith.constant 0 : i32
        %dma_start3A_163 = tpu.memref_slice %arg7[%run_scoped3A_159, %dma_start3A_162] : memref<8x128xi32, #tpu.memory_space<vmem>> -> memref<1x128xi32, #tpu.memory_space<vmem>>
        %dma_start3A_164 = tpu.memref_squeeze %dma_start3A_163 : memref<1x128xi32, #tpu.memory_space<vmem>> -> memref<128xi32, #tpu.memory_space<vmem>>
        %dma_start3A_165 = arith.constant 0 : i32
        %dma_start3A_166 = arith.constant 0 : i32
        %dma_start3A_167 = tpu.memref_slice %arg18[%dma_start3A_165, %dma_start3A_166] : memref<10112x32xf32, #tpu.memory_space<vmem_shared>> -> memref<10112x32xf32, #tpu.memory_space<vmem_shared>>
        tpu.enqueue_indirect_dma source(%arg14 : memref<128x32xf32, #tpu.memory_space<vmem>>) target(%dma_start3A_167 : memref<10112x32xf32, #tpu.memory_space<vmem_shared>>) offsets(%dma_start3A_164 : memref<128xi32, #tpu.memory_space<vmem>>) semaphore(%run_scoped3A_161 : memref<!tpu.dma_semaphore, #tpu.memory_space<semaphore_mem>>) {add = true}
        %dma_wait3A_168 = arith.constant 0 : i32
        %dma_wait3A_169 = tpu.memref_slice %arg7[%run_scoped3A_159, %dma_wait3A_168] : memref<8x128xi32, #tpu.memory_space<vmem>> -> memref<1x128xi32, #tpu.memory_space<vmem>>
        %dma_wait3A_170 = tpu.memref_squeeze %dma_wait3A_169 : memref<1x128xi32, #tpu.memory_space<vmem>> -> memref<128xi32, #tpu.memory_space<vmem>>
        %dma_wait3A_171 = arith.constant 0 : i32
        %dma_wait3A_172 = arith.constant 0 : i32
        %dma_wait3A_173 = tpu.memref_slice %arg18[%dma_wait3A_171, %dma_wait3A_172] : memref<10112x32xf32, #tpu.memory_space<vmem_shared>> -> memref<10112x32xf32, #tpu.memory_space<vmem_shared>>
        tpu.wait_indirect_dma semaphore(%run_scoped3A_161 : memref<!tpu.dma_semaphore, #tpu.memory_space<semaphore_mem>>) src(%arg14 : memref<128x32xf32, #tpu.memory_space<vmem>>) dst(%dma_wait3A_173 : memref<10112x32xf32, #tpu.memory_space<vmem_shared>>)
        tpu.yield
      }) : () -> ()
      %run_scoped3A_160 = arith.constant 7 : i32
      "tpu.region"() ({
        %run_scoped3A_161 = tpu.sem_alloc : memref<!tpu.dma_semaphore, #tpu.memory_space<semaphore_mem>>
        %dma_start3A_162 = arith.constant 0 : i32
        %dma_start3A_163 = tpu.memref_slice %arg7[%run_scoped3A_160, %dma_start3A_162] : memref<8x128xi32, #tpu.memory_space<vmem>> -> memref<1x128xi32, #tpu.memory_space<vmem>>
        %dma_start3A_164 = tpu.memref_squeeze %dma_start3A_163 : memref<1x128xi32, #tpu.memory_space<vmem>> -> memref<128xi32, #tpu.memory_space<vmem>>
        %dma_start3A_165 = arith.constant 0 : i32
        %dma_start3A_166 = arith.constant 0 : i32
        %dma_start3A_167 = tpu.memref_slice %arg18[%dma_start3A_165, %dma_start3A_166] : memref<10112x32xf32, #tpu.memory_space<vmem_shared>> -> memref<10112x32xf32, #tpu.memory_space<vmem_shared>>
        tpu.enqueue_indirect_dma source(%arg15 : memref<128x32xf32, #tpu.memory_space<vmem>>) target(%dma_start3A_167 : memref<10112x32xf32, #tpu.memory_space<vmem_shared>>) offsets(%dma_start3A_164 : memref<128xi32, #tpu.memory_space<vmem>>) semaphore(%run_scoped3A_161 : memref<!tpu.dma_semaphore, #tpu.memory_space<semaphore_mem>>) {add = true}
        %dma_wait3A_168 = arith.constant 0 : i32
        %dma_wait3A_169 = tpu.memref_slice %arg7[%run_scoped3A_160, %dma_wait3A_168] : memref<8x128xi32, #tpu.memory_space<vmem>> -> memref<1x128xi32, #tpu.memory_space<vmem>>
        %dma_wait3A_170 = tpu.memref_squeeze %dma_wait3A_169 : memref<1x128xi32, #tpu.memory_space<vmem>> -> memref<128xi32, #tpu.memory_space<vmem>>
        %dma_wait3A_171 = arith.constant 0 : i32
        %dma_wait3A_172 = arith.constant 0 : i32
        %dma_wait3A_173 = tpu.memref_slice %arg18[%dma_wait3A_171, %dma_wait3A_172] : memref<10112x32xf32, #tpu.memory_space<vmem_shared>> -> memref<10112x32xf32, #tpu.memory_space<vmem_shared>>
        tpu.wait_indirect_dma semaphore(%run_scoped3A_161 : memref<!tpu.dma_semaphore, #tpu.memory_space<semaphore_mem>>) src(%arg15 : memref<128x32xf32, #tpu.memory_space<vmem>>) dst(%dma_wait3A_173 : memref<10112x32xf32, #tpu.memory_space<vmem_shared>>)
        tpu.yield
      }) : () -> ()
    }
    %scan3A_26 = arith.constant 20 : i32
    %barrier3A_27 = arith.constant 0 : index
    tpu.barrier barrier_id(%barrier3A_27)
    %mul3A_28 = arith.constant 632 : i32
    %mul3A_29 = arith.muli %arg1, %mul3A_28 : i32
    "tpu.region"() ({
      %run_scoped3A = tpu.sem_alloc : memref<!tpu.dma_semaphore, #tpu.memory_space<semaphore_mem>>
      %dma_start3A = arith.constant 0 : i32
      %dma_start3A_32 = tpu.memref_slice %arg18[%mul3A_29, %dma_start3A] : memref<10112x32xf32, #tpu.memory_space<vmem_shared>> -> memref<632x32xf32, #tpu.memory_space<vmem_shared>>
      %dma_start3A_33 = arith.constant 0 : i32
      %dma_start3A_34 = tpu.memref_slice %arg18[%mul3A_29, %dma_start3A_33] : memref<10112x32xf32, #tpu.memory_space<vmem_shared>> -> memref<632x32xf32, #tpu.memory_space<vmem_shared>>
      tpu.enqueue_dma source(%dma_start3A_34 : memref<632x32xf32, #tpu.memory_space<vmem_shared>>) target(%arg17 : memref<632x32xf32, #tpu.memory_space<vmem>>) target_semaphore(%run_scoped3A : memref<!tpu.dma_semaphore, #tpu.memory_space<semaphore_mem>>)
      %dma_wait3A = arith.constant 0 : i32
      %dma_wait3A_35 = tpu.memref_slice %arg18[%mul3A_29, %dma_wait3A] : memref<10112x32xf32, #tpu.memory_space<vmem_shared>> -> memref<632x32xf32, #tpu.memory_space<vmem_shared>>
      %dma_wait3A_36 = arith.constant 0 : i32
      %dma_wait3A_37 = tpu.memref_slice %arg18[%mul3A_29, %dma_wait3A_36] : memref<10112x32xf32, #tpu.memory_space<vmem_shared>> -> memref<632x32xf32, #tpu.memory_space<vmem_shared>>
      tpu.wait_dma2 semaphore(%run_scoped3A : memref<!tpu.dma_semaphore, #tpu.memory_space<semaphore_mem>>) src(%dma_wait3A_37 : memref<632x32xf32, #tpu.memory_space<vmem_shared>>) dst(%arg17 : memref<632x32xf32, #tpu.memory_space<vmem>>)
      tpu.yield
    }) : () -> ()
    %mul3A_30 = arith.constant 632 : i32
    %mul3A_31 = arith.muli %arg1, %mul3A_30 : i32
    "tpu.region"() ({
      %run_scoped3A = tpu.sem_alloc : memref<!tpu.dma_semaphore, #tpu.memory_space<semaphore_mem>>
      %dma_start3A = arith.constant 0 : i32
      %dma_start3A_32 = tpu.memref_slice %arg6[%arg0, %mul3A_31, %dma_start3A] : memref<2x10112x32xf32, #tpu.memory_space<hbm>> -> memref<1x632x32xf32, #tpu.memory_space<hbm>>
      %dma_start3A_33 = tpu.memref_squeeze %dma_start3A_32 : memref<1x632x32xf32, #tpu.memory_space<hbm>> -> memref<632x32xf32, #tpu.memory_space<hbm>>
      %dma_start3A_34 = arith.constant 0 : i32
      %dma_start3A_35 = tpu.memref_slice %arg6[%arg0, %mul3A_31, %dma_start3A_34] : memref<2x10112x32xf32, #tpu.memory_space<hbm>> -> memref<1x632x32xf32, #tpu.memory_space<hbm>>
      %dma_start3A_36 = tpu.memref_squeeze %dma_start3A_35 : memref<1x632x32xf32, #tpu.memory_space<hbm>> -> memref<632x32xf32, #tpu.memory_space<hbm>>
      tpu.enqueue_dma source(%arg17 : memref<632x32xf32, #tpu.memory_space<vmem>>) target(%dma_start3A_36 : memref<632x32xf32, #tpu.memory_space<hbm>>) target_semaphore(%run_scoped3A : memref<!tpu.dma_semaphore, #tpu.memory_space<semaphore_mem>>)
      %dma_wait3A = arith.constant 0 : i32
      %dma_wait3A_37 = tpu.memref_slice %arg6[%arg0, %mul3A_31, %dma_wait3A] : memref<2x10112x32xf32, #tpu.memory_space<hbm>> -> memref<1x632x32xf32, #tpu.memory_space<hbm>>
      %dma_wait3A_38 = tpu.memref_squeeze %dma_wait3A_37 : memref<1x632x32xf32, #tpu.memory_space<hbm>> -> memref<632x32xf32, #tpu.memory_space<hbm>>
      %dma_wait3A_39 = arith.constant 0 : i32
      %dma_wait3A_40 = tpu.memref_slice %arg6[%arg0, %mul3A_31, %dma_wait3A_39] : memref<2x10112x32xf32, #tpu.memory_space<hbm>> -> memref<1x632x32xf32, #tpu.memory_space<hbm>>
      %dma_wait3A_41 = tpu.memref_squeeze %dma_wait3A_40 : memref<1x632x32xf32, #tpu.memory_space<hbm>> -> memref<632x32xf32, #tpu.memory_space<hbm>>
      tpu.wait_dma2 semaphore(%run_scoped3A : memref<!tpu.dma_semaphore, #tpu.memory_space<semaphore_mem>>) src(%arg17 : memref<632x32xf32, #tpu.memory_space<vmem>>) dst(%dma_wait3A_41 : memref<632x32xf32, #tpu.memory_space<hbm>>)
      tpu.yield
    }) : () -> ()
    return
  }
}

module attributes {stable_mosaic.version = 14 : i64} {
  func.func @_lin_body(%arg0: memref<10000x128xf32, #tpu.memory_space<vmem>>, %arg1: memref<128x16xf32, #tpu.memory_space<vmem>>, %arg2: memref<128x16xf32, #tpu.memory_space<vmem>>, %arg3: memref<10000x16xf32, #tpu.memory_space<vmem>>, %arg4: memref<10000x16xf32, #tpu.memory_space<vmem>>) attributes {dimension_semantics = [], scalar_prefetch = 0 : i64, scratch_operands = 0 : i64, tpu.core_type = #tpu.core_type<tc>} {
    %get3A = arith.constant 0 : index
    %get3A_0 = arith.constant 0 : index
    %get3A_1 = vector.load %arg0[%get3A, %get3A_0] : memref<10000x128xf32, #tpu.memory_space<vmem>>, vector<10000x128xf32>
    %get3A_2 = arith.constant 0 : index
    %get3A_3 = arith.constant 0 : index
    %get3A_4 = vector.load %arg1[%get3A_2, %get3A_3] : memref<128x16xf32, #tpu.memory_space<vmem>>, vector<128x16xf32>
    %dot_general3A = arith.constant dense<0.000000e+00> : vector<10000x16xf32>
    %dot_general3A_5 = tpu.matmul %get3A_1, %get3A_4, %dot_general3A {dimension_numbers = #tpu.dot_dimension_numbers<[1], [0], [0], [1], [0, 0, 1, 1], [], []>, transpose_lhs_hint = false} : vector<10000x128xf32>, vector<128x16xf32>, vector<10000x16xf32> -> vector<10000x16xf32>
    %swap3A = arith.constant 0 : index
    %swap3A_6 = arith.constant 0 : index
    %swap3A_7 = vector.load %arg3[%swap3A, %swap3A_6] : memref<10000x16xf32, #tpu.memory_space<vmem>>, vector<10000x16xf32>
    tpu.vector_store %arg3[%swap3A, %swap3A_6], %dot_general3A_5 {strides = array<i32>} : memref<10000x16xf32, #tpu.memory_space<vmem>>, vector<10000x16xf32>,
    %get3A_8 = arith.constant 0 : index
    %get3A_9 = arith.constant 0 : index
    %get3A_10 = vector.load %arg2[%get3A_8, %get3A_9] : memref<128x16xf32, #tpu.memory_space<vmem>>, vector<128x16xf32>
    %dot_general3A_11 = arith.constant dense<0.000000e+00> : vector<10000x16xf32>
    %dot_general3A_12 = tpu.matmul %get3A_1, %get3A_10, %dot_general3A_11 {dimension_numbers = #tpu.dot_dimension_numbers<[1], [0], [0], [1], [0, 0, 1, 1], [], []>, transpose_lhs_hint = false} : vector<10000x128xf32>, vector<128x16xf32>, vector<10000x16xf32> -> vector<10000x16xf32>
    %swap3A_13 = arith.constant 0 : index
    %swap3A_14 = arith.constant 0 : index
    %swap3A_15 = vector.load %arg4[%swap3A_13, %swap3A_14] : memref<10000x16xf32, #tpu.memory_space<vmem>>, vector<10000x16xf32>
    tpu.vector_store %arg4[%swap3A_13, %swap3A_14], %dot_general3A_12 {strides = array<i32>} : memref<10000x16xf32, #tpu.memory_space<vmem>>, vector<10000x16xf32>,
    return
  }
}

module attributes {stable_mosaic.version = 14 : i64} {
  func.func @_mid_body(%arg0: memref<2x10112x32xf32, #tpu.memory_space<vmem>>, %arg1: memref<10000x16xf32, #tpu.memory_space<vmem>>, %arg2: memref<10000x16xf32, #tpu.memory_space<vmem>>, %arg3: memref<1x16xf32, #tpu.memory_space<vmem>>, %arg4: memref<1x16xf32, #tpu.memory_space<vmem>>, %arg5: memref<16x16xf32, #tpu.memory_space<vmem>>, %arg6: memref<16x16xf32, #tpu.memory_space<vmem>>, %arg7: memref<10000x16xf32, #tpu.memory_space<vmem>>, %arg8: memref<10000x16xf32, #tpu.memory_space<vmem>>) attributes {dimension_semantics = [], scalar_prefetch = 0 : i64, scratch_operands = 0 : i64, tpu.core_type = #tpu.core_type<tc>} {
    %get3A = arith.constant 0 : index
    %get3A_0 = arith.constant 0 : index
    %get3A_1 = vector.load %arg1[%get3A, %get3A_0] : memref<10000x16xf32, #tpu.memory_space<vmem>>, vector<10000x16xf32>
    %get3A_2 = arith.constant 0 : index
    %get3A_3 = arith.constant 0 : index
    %get3A_4 = vector.load %arg2[%get3A_2, %get3A_3] : memref<10000x16xf32, #tpu.memory_space<vmem>>, vector<10000x16xf32>
    %get3A_5 = arith.constant 0 : index
    %get3A_6 = arith.constant 0 : index
    %get3A_7 = arith.constant 0 : index
    %get3A_8 = vector.load %arg0[%get3A_5, %get3A_6, %get3A_7] : memref<2x10112x32xf32, #tpu.memory_space<vmem>>, vector<2x10112x32xf32>
    %slice3A = vector.extract_strided_slice %get3A_8 {offsets = [0, 0, 0], sizes = [1, 10000, 16], strides = [1, 1, 1]} : vector<2x10112x32xf32> to vector<1x10000x16xf32>
    %squeeze3A = vector.shape_cast %slice3A : vector<1x10000x16xf32> to vector<10000x16xf32>
    %slice3A_9 = vector.extract_strided_slice %get3A_8 {offsets = [1, 0, 0], sizes = [1, 10000, 16], strides = [1, 1, 1]} : vector<2x10112x32xf32> to vector<1x10000x16xf32>
    %squeeze3A_10 = vector.shape_cast %slice3A_9 : vector<1x10000x16xf32> to vector<10000x16xf32>
    %add3A = arith.addf %squeeze3A, %squeeze3A_10 : vector<10000x16xf32>
    %slice3A_11 = vector.extract_strided_slice %get3A_8 {offsets = [0, 0, 16], sizes = [1, 10000, 1], strides = [1, 1, 1]} : vector<2x10112x32xf32> to vector<1x10000x1xf32>
    %squeeze3A_12 = vector.shape_cast %slice3A_11 : vector<1x10000x1xf32> to vector<10000xf32>
    %slice3A_13 = vector.extract_strided_slice %get3A_8 {offsets = [1, 0, 16], sizes = [1, 10000, 1], strides = [1, 1, 1]} : vector<2x10112x32xf32> to vector<1x10000x1xf32>
    %squeeze3A_14 = vector.shape_cast %slice3A_13 : vector<1x10000x1xf32> to vector<10000xf32>
    %add3A_15 = arith.addf %squeeze3A_12, %squeeze3A_14 : vector<10000xf32>
    %get3A_16 = arith.constant 0 : index
    %get3A_17 = arith.constant 0 : index
    %get3A_18 = vector.load %arg3[%get3A_16, %get3A_17] : memref<1x16xf32, #tpu.memory_space<vmem>>, vector<1x16xf32>
    %get3A_19 = vector.shape_cast %get3A_18 : vector<1x16xf32> to vector<16xf32>
    %add3A_20 = arith.addf %get3A_1, %get3A_4 : vector<10000x16xf32>
    %mul3A = arith.constant 2.000000e-01 : f32
    %mul3A_21 = vector.broadcast %mul3A : f32 to vector<10000x16xf32>
    %mul3A_22 = arith.mulf %mul3A_21, %add3A_20 : vector<10000x16xf32>
    %max3A = arith.maximumf %add3A_20, %mul3A_22 : vector<10000x16xf32>
    %broadcast_in_dim3A = vector.shape_cast %get3A_19 : vector<16xf32> to vector<1x16xf32>
    %mul3A_23 = vector.broadcast %broadcast_in_dim3A : vector<1x16xf32> to vector<10000x16xf32>
    %mul3A_24 = arith.mulf %max3A, %mul3A_23 : vector<10000x16xf32>
    %reduce_sum3A = arith.constant dense<0.000000e+00> : vector<10000xf32>
    %reduce_sum3A_25 = vector.multi_reduction <add>, %mul3A_24, %reduce_sum3A [1] : vector<10000x16xf32> to vector<10000xf32>
    %exp3A = math.exp %reduce_sum3A_25 : vector<10000xf32>
    %broadcast_in_dim3A_26 = vector.shape_cast %exp3A : vector<10000xf32> to vector<10000x1xf32>
    %mul3A_27 = vector.broadcast %broadcast_in_dim3A_26 : vector<10000x1xf32> to vector<10000x16xf32>
    %mul3A_28 = arith.mulf %mul3A_27, %get3A_1 : vector<10000x16xf32>
    %add3A_29 = arith.addf %add3A, %mul3A_28 : vector<10000x16xf32>
    %add3A_30 = arith.addf %add3A_15, %exp3A : vector<10000xf32>
    %broadcast_in_dim3A_31 = vector.shape_cast %add3A_30 : vector<10000xf32> to vector<10000x1xf32>
    %add3A_32 = arith.constant 1.000000e-16 : f32
    %add3A_33 = vector.broadcast %add3A_32 : f32 to vector<10000x1xf32>
    %add3A_34 = arith.addf %broadcast_in_dim3A_31, %add3A_33 : vector<10000x1xf32>
    %div3A = vector.broadcast %add3A_34 : vector<10000x1xf32> to vector<10000x16xf32>
    %div3A_35 = arith.divf %add3A_29, %div3A : vector<10000x16xf32>
    %get3A_36 = arith.constant 0 : index
    %get3A_37 = arith.constant 0 : index
    %get3A_38 = vector.load %arg4[%get3A_36, %get3A_37] : memref<1x16xf32, #tpu.memory_space<vmem>>, vector<1x16xf32>
    %get3A_39 = vector.shape_cast %get3A_38 : vector<1x16xf32> to vector<16xf32>
    %broadcast_in_dim3A_40 = vector.shape_cast %get3A_39 : vector<16xf32> to vector<1x16xf32>
    %add3A_41 = vector.broadcast %broadcast_in_dim3A_40 : vector<1x16xf32> to vector<10000x16xf32>
    %add3A_42 = arith.addf %div3A_35, %add3A_41 : vector<10000x16xf32>
    %max3A_43 = arith.constant 0.000000e+00 : f32
    %max3A_44 = vector.broadcast %max3A_43 : f32 to vector<10000x16xf32>
    %max3A_45 = arith.maximumf %add3A_42, %max3A_44 : vector<10000x16xf32>
    %get3A_46 = arith.constant 0 : index
    %get3A_47 = arith.constant 0 : index
    %get3A_48 = vector.load %arg5[%get3A_46, %get3A_47] : memref<16x16xf32, #tpu.memory_space<vmem>>, vector<16x16xf32>
    %dot_general3A = arith.constant dense<0.000000e+00> : vector<10000x16xf32>
    %dot_general3A_49 = tpu.matmul %max3A_45, %get3A_48, %dot_general3A {dimension_numbers = #tpu.dot_dimension_numbers<[1], [0], [0], [1], [0, 0, 1, 1], [], []>, transpose_lhs_hint = false} : vector<10000x16xf32>, vector<16x16xf32>, vector<10000x16xf32> -> vector<10000x16xf32>
    %swap3A = arith.constant 0 : index
    %swap3A_50 = arith.constant 0 : index
    %swap3A_51 = vector.load %arg7[%swap3A, %swap3A_50] : memref<10000x16xf32, #tpu.memory_space<vmem>>, vector<10000x16xf32>
    tpu.vector_store %arg7[%swap3A, %swap3A_50], %dot_general3A_49 {strides = array<i32>} : memref<10000x16xf32, #tpu.memory_space<vmem>>, vector<10000x16xf32>,
    %get3A_52 = arith.constant 0 : index
    %get3A_53 = arith.constant 0 : index
    %get3A_54 = vector.load %arg6[%get3A_52, %get3A_53] : memref<16x16xf32, #tpu.memory_space<vmem>>, vector<16x16xf32>
    %dot_general3A_55 = arith.constant dense<0.000000e+00> : vector<10000x16xf32>
    %dot_general3A_56 = tpu.matmul %max3A_45, %get3A_54, %dot_general3A_55 {dimension_numbers = #tpu.dot_dimension_numbers<[1], [0], [0], [1], [0, 0, 1, 1], [], []>, transpose_lhs_hint = false} : vector<10000x16xf32>, vector<16x16xf32>, vector<10000x16xf32> -> vector<10000x16xf32>
    %swap3A_57 = arith.constant 0 : index
    %swap3A_58 = arith.constant 0 : index
    %swap3A_59 = vector.load %arg8[%swap3A_57, %swap3A_58] : memref<10000x16xf32, #tpu.memory_space<vmem>>, vector<10000x16xf32>
    tpu.vector_store %arg8[%swap3A_57, %swap3A_58], %dot_general3A_56 {strides = array<i32>} : memref<10000x16xf32, #tpu.memory_space<vmem>>, vector<10000x16xf32>,
    return
  }
}

module attributes {stable_mosaic.version = 14 : i64} {
  func.func @_final_body(%arg0: memref<2x10112x32xf32, #tpu.memory_space<vmem>>, %arg1: memref<10000x16xf32, #tpu.memory_space<vmem>>, %arg2: memref<10000x16xf32, #tpu.memory_space<vmem>>, %arg3: memref<1x16xf32, #tpu.memory_space<vmem>>, %arg4: memref<1x16xf32, #tpu.memory_space<vmem>>, %arg5: memref<10000x16xf32, #tpu.memory_space<vmem>>) attributes {dimension_semantics = [], scalar_prefetch = 0 : i64, scratch_operands = 0 : i64, tpu.core_type = #tpu.core_type<tc>} {
    %get3A = arith.constant 0 : index
    %get3A_0 = arith.constant 0 : index
    %get3A_1 = vector.load %arg1[%get3A, %get3A_0] : memref<10000x16xf32, #tpu.memory_space<vmem>>, vector<10000x16xf32>
    %get3A_2 = arith.constant 0 : index
    %get3A_3 = arith.constant 0 : index
    %get3A_4 = vector.load %arg2[%get3A_2, %get3A_3] : memref<10000x16xf32, #tpu.memory_space<vmem>>, vector<10000x16xf32>
    %get3A_5 = arith.constant 0 : index
    %get3A_6 = arith.constant 0 : index
    %get3A_7 = arith.constant 0 : index
    %get3A_8 = vector.load %arg0[%get3A_5, %get3A_6, %get3A_7] : memref<2x10112x32xf32, #tpu.memory_space<vmem>>, vector<2x10112x32xf32>
    %slice3A = vector.extract_strided_slice %get3A_8 {offsets = [0, 0, 0], sizes = [1, 10000, 16], strides = [1, 1, 1]} : vector<2x10112x32xf32> to vector<1x10000x16xf32>
    %squeeze3A = vector.shape_cast %slice3A : vector<1x10000x16xf32> to vector<10000x16xf32>
    %slice3A_9 = vector.extract_strided_slice %get3A_8 {offsets = [1, 0, 0], sizes = [1, 10000, 16], strides = [1, 1, 1]} : vector<2x10112x32xf32> to vector<1x10000x16xf32>
    %squeeze3A_10 = vector.shape_cast %slice3A_9 : vector<1x10000x16xf32> to vector<10000x16xf32>
    %add3A = arith.addf %squeeze3A, %squeeze3A_10 : vector<10000x16xf32>
    %slice3A_11 = vector.extract_strided_slice %get3A_8 {offsets = [0, 0, 16], sizes = [1, 10000, 1], strides = [1, 1, 1]} : vector<2x10112x32xf32> to vector<1x10000x1xf32>
    %squeeze3A_12 = vector.shape_cast %slice3A_11 : vector<1x10000x1xf32> to vector<10000xf32>
    %slice3A_13 = vector.extract_strided_slice %get3A_8 {offsets = [1, 0, 16], sizes = [1, 10000, 1], strides = [1, 1, 1]} : vector<2x10112x32xf32> to vector<1x10000x1xf32>
    %squeeze3A_14 = vector.shape_cast %slice3A_13 : vector<1x10000x1xf32> to vector<10000xf32>
    %add3A_15 = arith.addf %squeeze3A_12, %squeeze3A_14 : vector<10000xf32>
    %get3A_16 = arith.constant 0 : index
    %get3A_17 = arith.constant 0 : index
    %get3A_18 = vector.load %arg3[%get3A_16, %get3A_17] : memref<1x16xf32, #tpu.memory_space<vmem>>, vector<1x16xf32>
    %get3A_19 = vector.shape_cast %get3A_18 : vector<1x16xf32> to vector<16xf32>
    %add3A_20 = arith.addf %get3A_1, %get3A_4 : vector<10000x16xf32>
    %mul3A = arith.constant 2.000000e-01 : f32
    %mul3A_21 = vector.broadcast %mul3A : f32 to vector<10000x16xf32>
    %mul3A_22 = arith.mulf %mul3A_21, %add3A_20 : vector<10000x16xf32>
    %max3A = arith.maximumf %add3A_20, %mul3A_22 : vector<10000x16xf32>
    %broadcast_in_dim3A = vector.shape_cast %get3A_19 : vector<16xf32> to vector<1x16xf32>
    %mul3A_23 = vector.broadcast %broadcast_in_dim3A : vector<1x16xf32> to vector<10000x16xf32>
    %mul3A_24 = arith.mulf %max3A, %mul3A_23 : vector<10000x16xf32>
    %reduce_sum3A = arith.constant dense<0.000000e+00> : vector<10000xf32>
    %reduce_sum3A_25 = vector.multi_reduction <add>, %mul3A_24, %reduce_sum3A [1] : vector<10000x16xf32> to vector<10000xf32>
    %exp3A = math.exp %reduce_sum3A_25 : vector<10000xf32>
    %broadcast_in_dim3A_26 = vector.shape_cast %exp3A : vector<10000xf32> to vector<10000x1xf32>
    %mul3A_27 = vector.broadcast %broadcast_in_dim3A_26 : vector<10000x1xf32> to vector<10000x16xf32>
    %mul3A_28 = arith.mulf %mul3A_27, %get3A_1 : vector<10000x16xf32>
    %add3A_29 = arith.addf %add3A, %mul3A_28 : vector<10000x16xf32>
    %add3A_30 = arith.addf %add3A_15, %exp3A : vector<10000xf32>
    %broadcast_in_dim3A_31 = vector.shape_cast %add3A_30 : vector<10000xf32> to vector<10000x1xf32>
    %add3A_32 = arith.constant 1.000000e-16 : f32
    %add3A_33 = vector.broadcast %add3A_32 : f32 to vector<10000x1xf32>
    %add3A_34 = arith.addf %broadcast_in_dim3A_31, %add3A_33 : vector<10000x1xf32>
    %div3A = vector.broadcast %add3A_34 : vector<10000x1xf32> to vector<10000x16xf32>
    %div3A_35 = arith.divf %add3A_29, %div3A : vector<10000x16xf32>
    %get3A_36 = arith.constant 0 : index
    %get3A_37 = arith.constant 0 : index
    %get3A_38 = vector.load %arg4[%get3A_36, %get3A_37] : memref<1x16xf32, #tpu.memory_space<vmem>>, vector<1x16xf32>
    %get3A_39 = vector.shape_cast %get3A_38 : vector<1x16xf32> to vector<16xf32>
    %broadcast_in_dim3A_40 = vector.shape_cast %get3A_39 : vector<16xf32> to vector<1x16xf32>
    %add3A_41 = vector.broadcast %broadcast_in_dim3A_40 : vector<1x16xf32> to vector<10000x16xf32>
    %add3A_42 = arith.addf %div3A_35, %add3A_41 : vector<10000x16xf32>
    %reduce_max3A = arith.constant dense<0xFF800000> : vector<10000xf32>
    %reduce_max3A_43 = vector.multi_reduction <maximumf>, %add3A_42, %reduce_max3A [1] : vector<10000x16xf32> to vector<10000xf32>
    %broadcast_in_dim3A_44 = vector.shape_cast %reduce_max3A_43 : vector<10000xf32> to vector<10000x1xf32>
    %sub3A = vector.broadcast %broadcast_in_dim3A_44 : vector<10000x1xf32> to vector<10000x16xf32>
    %sub3A_45 = arith.subf %add3A_42, %sub3A : vector<10000x16xf32>
    %exp3A_46 = math.exp %sub3A_45 : vector<10000x16xf32>
    %reduce_sum3A_47 = arith.constant dense<0.000000e+00> : vector<10000xf32>
    %reduce_sum3A_48 = vector.multi_reduction <add>, %exp3A_46, %reduce_sum3A_47 [1] : vector<10000x16xf32> to vector<10000xf32>
    %broadcast_in_dim3A_49 = vector.shape_cast %reduce_sum3A_48 : vector<10000xf32> to vector<10000x1xf32>
    %log3A = math.log %broadcast_in_dim3A_49 : vector<10000x1xf32>
    %sub3A_50 = vector.broadcast %log3A : vector<10000x1xf32> to vector<10000x16xf32>
    %sub3A_51 = arith.subf %sub3A_45, %sub3A_50 : vector<10000x16xf32>
    %swap3A = arith.constant 0 : index
    %swap3A_52 = arith.constant 0 : index
    %swap3A_53 = vector.load %arg5[%swap3A, %swap3A_52] : memref<10000x16xf32, #tpu.memory_space<vmem>>, vector<10000x16xf32>
    tpu.vector_store %arg5[%swap3A, %swap3A_52], %sub3A_51 {strides = array<i32>} : memref<10000x16xf32, #tpu.memory_space<vmem>>, vector<10000x16xf32>,
    return
  }
}

</mosaic_0001>

<sc_bundles>
// kernel: kernel.10.cloned.1.call-start
scs
__scs_entry_jumppad:
0x0: {  	(pc) =	sbr.rel $0x88, $3  }
0x1: {  	(tag) =	ssettag $0x0;
	lr =	simm.s32 $0x1  }
0x2: {  	[smem:$0x3F97] =	sst lr;
	_ =	strace $0xD0000000  }
0x3: {  	_ = 	snop  }
0x4: {  	_ = 	snop  }
0x5: {  	_ = 	snop  }
0x6: {  	_ = 	snop  }
0x7: {  	_ = 	snop  }
__scs_overlays_trampoline_lowered:
0x8: {  	[smem:$0x3FA6] =	sst s0  }
0x9: {  	[smem:$0x3FA7] =	sst s1  }
0xa: {  	[smem:$0x3FA8] =	sst s2  }
0xb: {  	[smem:$0x3FA9] =	sst s3  }
0xc: {  	[smem:$0x3FAA] =	sst s4  }
0xd: {  	[smem:$0x3FAB] =	sst s5  }
0xe: {  	[smem:$0x3FAC] =	sst s6  }
0xf: {  	[smem:$0x3FAD] =	sst s7  }
0x10: {  	[smem:$0x3FAE] =	sst s8  }
0x11: {  	[smem:$0x3FAF] =	sst s9;
	s0 =	simm.s32 @!p0 $0x0  }
0x12: {  	s1 =	sld [smem:$0x3F95];
	s0 =	simm.s32 @p0 $0x1  }
0x13: {  	[smem:$0x3FB0] =	sst s0;
	s0 =	simm.s32 @!p1 $0x0  }
0x14: {  	s2 =	sld [smem:$0x3F94];
	s0 =	simm.s32 @p1 $0x1  }
0x15: {  	[smem:$0x3FB1] =	sst s0;
	s0 =	simm.s32 @!p2 $0x0  }
0x16: {  	s3 =	sld [smem:$0x3FDB];
	s0 =	simm.s32 @p2 $0x1  }
0x17: {  	s4 =	simm.s32 $0x1BF5;
	[smem:$0x3FB3] =	sst s0  }
0x18: {  	s0 =	sld [smem:$0x3F96];
	_ =	swait.ge [sflag:s4], $0x0  }
0x19: {  	s7 =	sld [smem:$0x3F97]  }
0x1a: {  	s8 =	sadd.s32 $0xFFFFE003, lr  }
0x1b: {  	s9 =	sadd.s32 $0xFFFFFEF7, lr;
	s5 =	simm.s32 $0xFFFFFFFF;
	p2 =	slt.u32 s8, $0xFFFFF086  }
0x1c: {  	p1 =	slt.u32 s9, $0xF7A;
	s5 =	simm.s32 @!p2 $0x0  }
0x1d: {  	s5 =	simm.s32 @p1 $0x1;
	p0 =	seq.s32 s7, s2  }
0x1e: {  	s7 =	smul.u32 @!p0 $0xF7A, s2;
	p2 =	seq.s32 @!p0 s5, $0x0  }
0x1f: {  	s9 =	smul.u32 $0xF7A, s1;
	s8 =	simm.s32 @!p0 $0x1BF5;
	p2 =	por !p2, p0  }
0x20: {  	[sflag:s8] =	ssyncset.s32 @!p0 $0xFFFFF086;
	s6 =	sadd.s32 @!p0 s3, s7;
	s7 =	simm.s32 @!p0 $0x108  }
0x21: {  	s3 =	sadd.s32 s3, s9;
	s6 =	sadd.s32 @!p0 $0x88, s6;
	s7 =	simm.s32 @p2 $0x1082  }
0x22: {  	[simem:s7], [sflag:s8] =	dma.local @!p0 [hbm:s6], $0xF7A  }
0x23: {  	s9 =	sor.u32 $0xD0000000, s2;
	s6 =	simm.s32 $0x108;
	_ =	swait.ge @!p0 [sflag:s8], $0x0  }
0x24: {  	s3 =	sadd.s32 $0x88, s3;
	s6 =	simm.s32 @!p1 $0x1082;
	[sflag:s4] =	ssyncset.s32 $0xFFFFF086  }
0x25: {  	[simem:s6], [sflag:s4] =	dma.local [hbm:s3], $0xF7A  }
0x26: {  	[smem:$0x3F97] =	sst s1;
	(tag) =	ssettag s2;
	_ =	strace s9  }
0x27: {  	s1 =	sld [smem:$0x3FA7]  }
0x28: {  	s2 =	sld [smem:$0x3FA8]  }
0x29: {  	s4 =	sld [smem:$0x3FAA]  }
0x2a: {  	p0 =	seq.s32 s5, $0x0;
	s5 =	sld [smem:$0x3FAB]  }
0x2b: {  	s6 =	sld [smem:$0x3FAC]  }
0x2c: {  	s7 =	sld [smem:$0x3FAD]  }
0x2d: {  	s3 =	simm.s32 $0x108;
	s8 =	sld [smem:$0x3FAE]  }
0x2e: {  	s3 =	simm.s32 @!p0 $0x1082;
	s9 =	sld [smem:$0x3FAF]  }
0x2f: {  	lr =	sadd.s32 s0, s3;
	s0 =	sld [smem:$0x3FA6]  }
0x30: {  	s3 =	sld [smem:$0x3FA9]  }
0x31: {  	[smem:$0x3FB2] =	sst s10  }
0x32: {  	s10 =	sld [smem:$0x3FB0];
	_ =	sdelay $0x3  }
0x33: {  	p0 =	seq.s32 s10, $0x1;
	s10 =	sld [smem:$0x3FB2];
	_ =	sdelay $0x3  }
0x34: {  	[smem:$0x3FB2] =	sst s10  }
0x35: {  	s10 =	sld [smem:$0x3FB1];
	_ =	sdelay $0x3  }
0x36: {  	p1 =	seq.s32 s10, $0x1;
	s10 =	sld [smem:$0x3FB2];
	_ =	sdelay $0x3  }
0x37: {  	[smem:$0x3FB2] =	sst s10  }
0x38: {  	s10 =	sld [smem:$0x3FB3]  }
0x39: {  	_ = 	snop;
	(pc) =	sbr.ind lr, $3  }
0x3a: {  	_ = 	snop  }
0x3b: {  	_ = 	snop  }
0x3c: {  	p2 =	seq.s32 s10, $0x1;
	s10 =	sld [smem:$0x3FB2]  }
0x3d: {  	_ =	shalt  }
0x3e: {  	_ =	shalt  }
0x3f: {  	_ =	shalt  }
0x40: {  	_ =	shalt  }
0x41: {  	_ =	shalt  }
0x42: {  	_ =	shalt  }
0x43: {  	_ =	shalt  }
0x44: {  	_ =	shalt  }
0x45: {  	_ =	shalt  }
0x46: {  	_ =	shalt  }
0x47: {  	_ =	shalt  }
0x48: {  	_ =	shalt  }
0x49: {  	_ =	shalt  }
0x4a: {  	_ =	shalt  }
0x4b: {  	_ =	shalt  }
0x4c: {  	_ =	shalt  }
0x4d: {  	_ =	shalt  }
0x4e: {  	_ =	shalt  }
0x4f: {  	_ =	shalt  }
0x50: {  	_ =	shalt  }
0x51: {  	_ =	shalt  }
0x52: {  	_ =	shalt  }
0x53: {  	_ =	shalt  }
0x54: {  	_ =	shalt  }
0x55: {  	_ =	shalt  }
0x56: {  	_ =	shalt  }
0x57: {  	_ =	shalt  }
0x58: {  	_ =	shalt  }
0x59: {  	_ =	shalt  }
0x5a: {  	_ =	shalt  }
0x5b: {  	_ =	shalt  }
0x5c: {  	_ =	shalt  }
0x5d: {  	_ =	shalt  }
0x5e: {  	_ =	shalt  }
0x5f: {  	_ =	shalt  }
0x60: {  	_ =	shalt  }
0x61: {  	_ =	shalt  }
0x62: {  	_ =	shalt  }
0x63: {  	_ =	shalt  }
0x64: {  	_ =	shalt  }
0x65: {  	_ =	shalt  }
0x66: {  	_ =	shalt  }
0x67: {  	_ =	shalt  }
0x68: {  	_ =	shalt  }
0x69: {  	_ =	shalt  }
0x6a: {  	_ =	shalt  }
0x6b: {  	_ =	shalt  }
0x6c: {  	_ =	shalt  }
0x6d: {  	_ =	shalt  }
0x6e: {  	_ =	shalt  }
0x6f: {  	_ =	shalt  }
0x70: {  	_ =	shalt  }
0x71: {  	_ =	shalt  }
0x72: {  	_ =	shalt  }
0x73: {  	_ =	shalt  }
0x74: {  	_ =	shalt  }
0x75: {  	_ =	shalt  }
0x76: {  	_ =	shalt  }
0x77: {  	_ =	shalt  }
0x78: {  	_ =	shalt  }
0x79: {  	_ =	shalt  }
0x7a: {  	_ =	shalt  }
0x7b: {  	_ =	shalt  }
0x7c: {  	_ =	shalt  }
0x7d: {  	_ =	shalt  }
0x7e: {  	_ =	shalt  }
0x7f: {  	_ =	shalt  }
0x80: {  	_ =	shalt  }
0x81: {  	_ =	shalt  }
0x82: {  	_ =	shalt  }
0x83: {  	_ =	shalt  }
0x84: {  	_ =	shalt  }
0x85: {  	_ =	shalt  }
0x86: {  	_ =	shalt  }
0x87: {  	_ =	shalt  }
.Lfunc_end0:
.L_simem_size_0:
called_computation.1_lowered:
.L_overlay_start_0:
0x88: {  	s2 =	sld [smem:$0x3FD9]  }
0x89: {  	s3 =	sld [smem:$0x3FFE];
	_ =	sdelay $0x1  }
0x8a: {  	s1 =	srdreg.scid  }
0x8b: {  	s0 =	sand.u32 $0x1, s1  }
0x8c: {  	s17 =	sshll.u32 s0, $0xA;
	s2 =	sadd.s32 s3, s2  }
0x8d: {  	s2 =	sadd.s32 s2, s17  }
0x8e: {  	[smem:$0x3FBE] =	sst s2  }
0x8f: {  	_ = 	snop  }
0x90: {  	s2 =	sld [smem:$0x3FC1]  }
0x91: {  	s18 =	sld [smem:$0x3FD0];
	(tm) =	ssettm $0x1  }
0x92: {  	s4 =	sld [smem:$0x3FFB];
	_ =	sdelay $0x3  }
0x93: {  	_ =	strace s4  }
0x94: {  	s4 =	sld [smem:$0x3FFC];
	_ =	sdelay $0x3  }
0x95: {  	_ =	strace s4  }
0x96: {  	s4 =	sld [smem:$0x3FFD];
	_ =	sdelay $0x3  }
0x97: {  	_ =	strace s4  }
0x98: {  	_ =	strace $0x8FFFFFFF  }
0x99: {  	s19 =	sld [smem:$0x3FDB];
	_ =	sdelay $0x1  }
0x9a: {  	s5 =	simm.s32 $_scs_section_size  }
0x9b: {  	s6 =	simm.s32 $_size__tile_overlayer_lowered;
	s7 =	simm.s32 $_tile_overlayer_lowered  }
0x9c: {  	s22 =	simm.s32 $0x1BFF;
	s21 =	sshll.u32 s7, $0x1;
	s4 =	sadd.s32 s5, s19  }
0x9d: {  	s8 =	simm.s32 $0x0;
	s20 =	sshll.u32 s6, $0x1;
	s6 =	sadd.s32 s21, s4  }
0x9e: {  	[timem:s8], [sflag:s22] =	dma.local [hbm:s6], s20  }
0x9f: {  	_ =	swait.ge [sflag:s22], s20  }
0xa0: {  	s5 =	ssub.s32 $0x0, s20;
	[sflag:s22] =	ssyncset.done $0x0  }
0xa1: {  	[sflag:s22] =	ssyncadd.s32 s5;
	_ =	sdelay $0x1  }
0xa2: {  	s23 =	simm.s32 $0x1B8B  }
0xa3: {  	_ =	swait.ge [sflag:s23], $0x1  }
0xa4: {  	[sflag:s23] =	ssyncset.done $0x0  }
0xa5: {  	s25 =	simm.s32 $0x1B8E;
	s24 =	sld [smem:$0x3FFE];
	[sflag:s23] =	ssyncadd.s32 $0xFFFFFFFF  }
0xa6: {  	s26 =	simm.s32 $execute0_lowered;
	[smem:$0x3FD2] =	sst s25  }
0xa7: {  	s6 =	sshll.u32 s26, $0x1;
	_ =	strace $0x80000049;
	[dreg:$0x1] =	wrdreg $0xFFFFFFFF  }
0xa8: {  	s28 =	simm.s32 $_size_execute0_lowered;
	s4 =	sadd.s32 s4, s6;
	[dreg:$0x0] =	wrdreg $0x0  }
0xa9: {  	s6 =	sshll.u32 s28, $0x1;
	[dreg:$0x2] =	wrdreg s4  }
0xaa: {  	[dreg:$0x3] =	wrdreg s6  }
0xab: {  	[dreg:$0x4] =	wrdreg $0xC0  }
0xac: {  	_ =	task [dreg:s8], $0x5FFFF  }
0xad: {  	[dreg:$0x1] =	wrdreg $0xFFFFFFFF  }
0xae: {  	[dreg:$0x0] =	wrdreg $0x60  }
0xaf: {  	[dreg:$0x2] =	wrdreg s18  }
0xb0: {  	[dreg:$0x3] =	wrdreg s24  }
0xb1: {  	[dreg:$0x4] =	wrdreg s2  }
0xb2: {  	[dreg:$0x5] =	wrdreg $0xB3100  }
0xb3: {  	[dreg:$0x6] =	wrdreg $0x9  }
0xb4: {  	_ =	task.clear_ibuf [dreg:s8], $0x7FFFF;
	_ =	strace $0x90000049  }
0xb5: {  	s29 =	simm.s32 $0x9;
	_ =	strace $0x8000004B  }
0xb6: {  	_ =	swait.ge [sflag:s29], $0x1  }
0xb7: {  	[sflag:s29] =	ssyncadd.s32 $0xFFFFFFFF  }
0xb8: {  	_ =	strace $0x9000004B  }
0xb9: {  	_ =	sfence  }
0xba: {  	s30 =	sld [smem:$0x0];
	_ =	sdelay $0x2  }
0xbb: {  	s31 =	sshll.u32 s1, $0xD;
	s1 =	sshrl.u32 s1, $0x2  }
0xbc: {  	s3 =	sand.u32 $0x4000, s31;
	s1 =	sadd.s32 s1, s30  }
0xbd: {  	s0 =	sor.u32 s3, s0;
	s1 =	sshll.u32 s1, $0x11  }
0xbe: {  	s0 =	sor.u32 s1, s0  }
0xbf: {  	s0 =	sadd.s32 $0x8F2B, s0  }
0xc0: {  	[sflag:s0] =	ssyncadd.remote.s32 $0x1  }
0xc1: {  	_ =	sfence.sel $0xFFFF  }
0xc2: {  	[dreg:$0x0] =	wrdreg $0xFFFFFFFF;
	(pc) =	sbr.abs _section_cstart, $3  }
0xc3: {  	[dreg:$0x1] =	wrdreg $0xFFFFFFFF  }
0xc4: {  	_ =	task.clear_ibuf [dreg:s8], $0x2FFFF;
	_ =	strace $0x9FFFFFFF  }
0xc5: {  	(tm) =	ssettm $0x7FFFFFFF  }
tec
execute0_lowered:
.L_overlay_start_1:
0x0: {  	(tag) =	ssettag $0x1  }
0x1: {  	s1 =	rddreg [dreg:$0x0]  }
0x2: {  	s0 =	rddreg [dreg:$0x1]  }
0x3: {  	s4 =	rddreg [dreg:$0x3];
	s2 =	srdreg.scid  }
0x4: {  	s11 =	stileid.u32;
	s5 =	simm.s32 $0x0;
	s12 =	simm.s32 $0x6410  }
0x5: {  	v0 =	vimm.s32 $0xFEDCBA98;
	v1 =	vimm.s32 $0x76543210;
	s13 =	simm.s32 $0x5;
	s15 =	simm.s32 $0x80;
	s16 =	simm.s32 $0x400  }
0x6: {  	v2 =	vimm.s32 $0xBA98FEDC;
	v3 =	vimm.s32 $0x32107654;
	s17 =	simm.s32 $0xC00;
	s18 =	simm.s32 $0x1;
	s19 =	simm.s32 $0x2  }
0x7: {  	v4 =	vimm.s32 $0xDCFE98BA;
	s21 =	simm.s32 $0x1400;
	s22 =	simm.s32 $0x180;
	s23 =	simm.s32 $0x1C00  }
0x8: {  	v5 =	vimm.s32 $0x54761032;
	v6 =	vimm.s32 $0xEFCDAB89;
	s24 =	simm.s32 $0x3;
	s25 =	simm.s32 $0x4;
	s28 =	simm.s32 $0x280  }
0x9: {  	v7 =	vimm.s32 $0x67452301;
	s29 =	simm.s32 $0x300;
	s30 =	simm.s32 $0x380;
	s31 =	simm.s32 $0x2400  }
0xa: {  	s2 =	sand.u32 $0x1, s2;
	s3 =	smul.u32 $0x4F00, s11;
	[smem:$0x7FF] =	sst s5;
	v0 =	vunpack.c.l.s4.s8 v0;
	v1 =	vunpack.c.l.s4.s8 v1;
	v2 =	vunpack.c.l.s4.s8 v2  }
0xb: {  	s6 =	sadd.s32 $0x1C00, s0;
	s7 =	sadd.s32 $0x6C00, s0;
	s11 =	sshll.u32 s11, $0x1;
	v3 =	vunpack.c.l.s4.s8 v3;
	v4 =	vunpack.c.l.s4.s8 v4;
	v5 =	vunpack.c.l.s4.s8 v5  }
0xc: {  	v6 =	vunpack.c.l.s4.s8 v6;
	v7 =	vunpack.c.l.s4.s8 v7;
	s8 =	smul.u32 $0x4F000, s2;
	_ =	strace $0x8000004A;
	s9 =	ssub.s32 $0x2, s2;
	v0 =	vunpack.c.0.s8.s32 v0  }
0xd: {  	s2 =	sor.u32 s2, s11;
	s10 =	sshrl.u32 s9, $0x1;
	s14 =	sadd.s32 s3, s4;
	v2 =	vunpack.c.0.s8.s32 v2;
	v3 =	vunpack.c.0.s8.s32 v3;
	v4 =	vunpack.c.0.s8.s32 v4  }
0xe: {  	v5 =	vunpack.c.0.s8.s32 v5;
	v6 =	vunpack.c.0.s8.s32 v6;
	v7 =	vunpack.c.0.s8.s32 v7;
	s8 =	sadd.s32 s3, s8;
	s9 =	ssub.s32 s9, s10;
	s3 =	simm.s32 $0x5400  }
0xf: {  	v1 =	vunpack.c.0.s8.s32 v1;
	s10 =	simm.s32 $0x0;
	[dreg:$0x6] =	wrdreg s14;
	s8 =	sshrl.u32 s8, $0x3;
	v2 =	vcombine.low v3, v2  }
0x10: {  	s26 =	smax.u32 s9, $0x1;
	v3 =	vcombine.low v5, v4;
	v4 =	vand.u32 $0xF, v0;
	v5 =	vcombine.low v7, v6;
	s0 =	sadd.s32 s8, s0;
	s8 =	smul.u32 $0x5000, s2  }
0x11: {  	vm0 =	vmmov $0x1;
	v0 =	vimm.f32 $0.0e+00;
	[dreg:$0x7] =	wrdreg s26;
	s26 =	simm.s32 $0x200;
	v1 =	vcombine.low v4, v1;
	s0 =	sadd.s32 $0x41E00, s0  }
0x12: {  	s2 =	simm.s32 $0x4400;
	v2 =	vand.u32 $0xF, v2;
	v3 =	vand.u32 $0xF, v3;
	v4 =	vand.u32 $0xF, v5;
	[dreg:$0x5] =	wrdreg s0;
	s0 =	simm.s32 $0x3400  }
.LBB2_1:
0x13: {  	[dreg:$0x8] =	wrdreg s10;
	s9 =	simm.s32 $0x80;
	s10 =	simm.s32 $0x0  }
.LBB2_2:
0x14: {  	p0 =	sne.s32 s9, $0x13B80;
	[tilespmem:s10+$0x6410] =	vst v0;
	s11 =	smov.u32 s9;
	s9 =	sadd.s32 $0x80, s9  }
.Ltmp0:
0x15: {  	[tilespmem:s10+$0x6420] =	vst v0;
	(pc) =	sbr.rel @p0 .LBB2_2-.Ltmp0, $2  }
0x16: {  	_ =	sdelay $0x2  }
0x17: {  	s10 =	sshra.s32 s11, $0x2  }
0x18: {  	[tilespmem:s10+$0x6410] =	vst v0  }
0x19: {  	[tilespmem:s10+$0x6420] =	vst v0  }
0x1a: {  	[spmem:s14] =	stream.linear.scatter [tilespmem:s12], [sflag:$0x5], $0x4F00, $0x38;
	[tilespmem:$0x10210] =	vst v63  }
0x1b: {  	_ =	swait.ge [sflag:s13], $0x4F00  }
0x1c: {  	[sflag:s13] =	ssyncset.done $0x0  }
0x1d: {  	[sflag:s13] =	ssyncadd.s32 $0xFFFFB100  }
0x1e: {  	s9 =	simm.s32 $0x0;
	s11 =	simm.s32 $0x6400;
	s20 =	rddreg [dreg:$0x2]  }
0x1f: {  	[tilespmem:s11], [sflag:$0x5] =	stream.linear.gather [hbm4b:s20+s9], $0x10, $0x38;
	[tilespmem:$0x10210] =	vst v63  }
0x20: {  	_ =	swait.ge [sflag:s13], $0x10  }
0x21: {  	[sflag:s13] =	ssyncset.done $0x0  }
0x22: {  	[sflag:s13] =	ssyncadd.s32 $0xFFFFFFF0  }
0x23: {  	[bflag:$0x0] =	sbarrier.arrive $0xFFFF  }
0x24: {  	v5 =	vld [tilespmem:$0x6400]  }
.LBB2_4:
0x25: {  	s10 =	sshll.u32 s9, $0xA  }
0x26: {  	s10 =	sadd.s32 s8, s10  }
0x27: {  	s10 =	sshrl.u32 s10, $0x3  }
0x28: {  	s10 =	sadd.s32 s7, s10  }
0x29: {  	[tilespmem:s5], [sflag:$0x5] =	stream.linear.gather [hbm4b:s10+s5], $0x400, $0x38;
	[tilespmem:$0x10210] =	vst v63  }
0x2a: {  	_ =	swait.ge [sflag:s13], $0x400  }
0x2b: {  	[sflag:s13] =	ssyncset.done $0x0  }
0x2c: {  	[sflag:s13] =	ssyncadd.s32 $0xFFFFFC00  }
0x2d: {  	[tilespmem:s16], [sflag:$0x1] =	stream.indirect.gather [hbm4b:s1+s15], $0x10, s5, s15, $0xb8;
	[tilespmem:$0x10210] =	vst v63  }
0x2e: {  	_ = 	snop  }
0x2f: {  	[tilespmem:s17], [sflag:$0x2] =	stream.indirect.gather [hbm4b:s6+s15], $0x10, s15, s15, $0xb8;
	[tilespmem:$0x10210] =	vst v63  }
0x30: {  	_ =	swait.ge [sflag:s18], $0x800  }
0x31: {  	[sflag:s18] =	ssyncset.done $0x0  }
0x32: {  	[sflag:s18] =	ssyncadd.s32 $0xFFFFF800  }
0x33: {  	_ =	swait.ge [sflag:s19], $0x800  }
0x34: {  	[sflag:s19] =	ssyncset.done $0x0  }
0x35: {  	s12 =	simm.s32 $0x100;
	[sflag:s19] =	ssyncadd.s32 $0xFFFFF800  }
0x36: {  	[tilespmem:s21], [sflag:$0x3] =	stream.indirect.gather [hbm4b:s1+s15], $0x10, s12, s15, $0xb8;
	[tilespmem:$0x10210] =	vst v63  }
0x37: {  	s14 =	simm.s32 $0x440  }
0x38: {  	[tilespmem:s23], [sflag:$0x4] =	stream.indirect.gather [hbm4b:s6+s15], $0x10, s22, s15, $0xb8;
	[tilespmem:$0x10210] =	vst v63  }
0x39: {  	s11 =	simm.s32 $0xC40;
	v12 =	vld [tilespmem:s14+$0x30]  }
0x3a: {  	v6 =	vld [tilespmem:s11+$0x30]  }
0x3b: {  	v13 =	vld [tilespmem:s11+$0xFFFFFFC0]  }
0x3c: {  	v9 =	vld [tilespmem:s14+$0xFFFFFFD0]  }
0x3d: {  	v11 =	vld [tilespmem:s11+$0xFFFFFFD0]  }
0x3e: {  	v8 =	vld [tilespmem:s14+$0xFFFFFFE0]  }
0x3f: {  	v14 =	vld [tilespmem:s11+$0xFFFFFFE0]  }
0x40: {  	v7 =	vld [tilespmem:s14+$0xFFFFFFF0]  }
0x41: {  	v15 =	vld [tilespmem:s11+$0xFFFFFFF0];
	v6 =	vadd.f32 v6, v12  }
0x42: {  	v10 =	vld [tilespmem:s14+$0x0]  }
0x43: {  	v17 =	vld [tilespmem:s11+$0x0];
	v18 =	vadd.f32 v11, v9;
	v16 =	vmul.f32 $2.000000030e-01, v6  }
0x44: {  	v20 =	vld [tilespmem:s11+$0x10]  }
0x45: {  	v23 =	vld [tilespmem:s11+$0x20];
	v19 =	vmul.f32 $2.000000030e-01, v18;
	v16 =	vmax.f32 v6, v16  }
0x46: {  	v14 =	vadd.f32 v14, v8;
	v6 =	vld [tilespmem:s14+$0x10];
	v16 =	vmul.f32 v16, v5  }
0x47: {  	v18 =	vmax.f32 v18, v19;
	v19 =	vld [tilespmem:s14+$0xFFFFFFC0]  }
0x48: {  	v11 =	vld [tilespmem:s14+$0x20];
	v22 =	vmul.f32 $2.000000030e-01, v14;
	v21 =	vperm.xlane v16, v1  }
0x49: {  	v15 =	vadd.f32 v15, v7;
	v17 =	vadd.f32 v17, v10  }
0x4a: {  	v14 =	vmax.f32 v14, v22;
	v16 =	vadd.f32 v16, v21  }
0x4b: {  	v22 =	vmul.f32 $2.000000030e-01, v17;
	v21 =	vmul.f32 $2.000000030e-01, v15;
	v20 =	vadd.f32 v20, v6  }
0x4c: {  	v18 =	vmul.f32 v18, v5;
	v13 =	vadd.f32 v13, v19;
	v24 =	vperm.xlane v16, v2  }
0x4d: {  	v15 =	vmax.f32 v15, v21;
	v21 =	vadd.f32 v23, v11;
	v23 =	vmul.f32 $2.000000030e-01, v20  }
0x4e: {  	v14 =	vmul.f32 v14, v5;
	v17 =	vmax.f32 v17, v22;
	v25 =	vperm.xlane v18, v1  }
0x4f: {  	v16 =	vadd.f32 v16, v24;
	v20 =	vmax.f32 v20, v23;
	v23 =	vmul.f32 $2.000000030e-01, v13  }
0x50: {  	v17 =	vmul.f32 v17, v5;
	v18 =	vadd.f32 v18, v25;
	v22 =	vmul.f32 $2.000000030e-01, v21  }
0x51: {  	v15 =	vmul.f32 v15, v5;
	v24 =	vperm.xlane v16, v3;
	v13 =	vmax.f32 v13, v23  }
0x52: {  	v21 =	vmax.f32 v21, v22;
	v22 =	vperm.xlane v14, v1;
	v13 =	vmul.f32 v13, v5  }
0x53: {  	v25 =	vperm.xlane v17, v1;
	v21 =	vmul.f32 v21, v5;
	v16 =	vadd.f32 v16, v24  }
0x54: {  	v24 =	vperm.xlane v15, v1;
	v14 =	vadd.f32 v14, v22;
	v22 =	vperm.xlane v13, v1  }
0x55: {  	v20 =	vmul.f32 v20, v5;
	v23 =	vperm.xlane v16, v4  }
0x56: {  	v15 =	vadd.f32 v15, v24;
	v24 =	vperm.xlane v21, v1;
	v13 =	vadd.f32 v13, v22  }
0x57: {  	v16 =	vadd.f32 v16, v23;
	v23 =	vperm.xlane v20, v1  }
0x58: {  	v17 =	vadd.f32 v17, v25;
	v21 =	vadd.f32 v21, v24;
	v24 =	vperm.xlane v13, v2  }
0x59: {  	v22 =	vperm.xlane v18, v2;
	v16 =	vmul.f32 $1.442695020e+00, v16;
	v20 =	vadd.f32 v20, v23  }
0x5a: {  	v23 =	vperm.xlane v14, v2;
	v25 =	vperm.xlane v21, v2;
	v13 =	vadd.f32 v13, v24  }
0x5b: {  	(erf) = vpow2.f32 v16;
	v16 =	vadd.f32 v18, v22;
	v18 =	vperm.xlane v15, v2  }
0x5c: {  	v22 =	vperm.xlane v17, v2;
	v24 =	vperm.xlane v20, v2;
	v14 =	vadd.f32 v14, v23  }
0x5d: {  	v21 =	vadd.f32 v21, v25;
	v15 =	vadd.f32 v15, v18;
	v18 =	vperm.xlane v13, v3  }
0x5e: {  	v26 =	vperm.xlane v16, v3;
	v17 =	vadd.f32 v17, v22;
	v20 =	vadd.f32 v20, v24  }
0x5f: {  	v22 =	vperm.xlane v14, v3;
	v23 =	vperm.xlane v15, v3;
	v13 =	vadd.f32 v13, v18  }
0x60: {  	v18 =	vperm.xlane v17, v3;
	v24 =	vperm.xlane v20, v3;
	v16 =	vadd.f32 v16, v26  }
0x61: {  	v14 =	vadd.f32 v14, v22;
	v22 =	vperm.xlane v21, v3;
	v26 =	vperm.xlane v13, v4  }
0x62: {  	s20 =	simm.s32 $0x4C0;
	v15 =	vadd.f32 v15, v23;
	v17 =	vadd.f32 v17, v18;
	v18 =	vperm.xlane v16, v4  }
0x63: {  	s12 =	simm.s32 $0xCC0;
	v25 =	vld [tilespmem:s20+$0x30];
	v20 =	vadd.f32 v20, v24;
	v21 =	vadd.f32 v21, v22;
	v23 =	vperm.xlane v14, v4  }
0x64: {  	v24 =	vld [tilespmem:s12+$0x30];
	v13 =	vadd.f32 v13, v26;
	v16 =	vadd.f32 v16, v18;
	v18 =	vperm.xlane v15, v4  }
0x65: {  	v27 =	vperm.xlane v17, v4;
	v14 =	vadd.f32 v14, v23;
	v23 =	vperm.xlane v20, v4;
	v22 =	vpop (erf)  }
0x66: {  	v29 =	vperm.xlane v21, v4;
	v26 =	vmul.f32 v22, v12;
	v12 =	vld [tilespmem:s20+$0xFFFFFFD0]  }
0x67: {  	v13 =	vmul.f32 $1.442695020e+00, v13;
	v15 =	vadd.f32 v15, v18;
	v17 =	vadd.f32 v17, v27;
	v18 =	vld [tilespmem:s12+$0xFFFFFFD0]  }
0x68: {  	v16 =	vmul.f32 $1.442695020e+00, v16;
	v20 =	vadd.f32 v20, v23;
	v23 =	vmul.f32 $1.442695020e+00, v14;
	v14 =	vld [tilespmem:s20+$0xFFFFFFE0]  }
0x69: {  	v21 =	vadd.f32 v21, v29;
	v29 =	vld [tilespmem:s12+$0xFFFFFFF0];
	v24 =	vadd.f32 v24, v25;
	v27 =	vmul.f32 $1.442695020e+00, v15  }
0x6a: {  	(erf) = vpow2.f32 v13;
	v13 =	vld [tilespmem:s12+$0xFFFFFFE0];
	v17 =	vmul.f32 $1.442695020e+00, v17  }
0x6b: {  	v15 =	vld [tilespmem:s20+$0xFFFFFFF0];
	(erf) = vpow2.f32 v16;
	v30 =	vmul.f32 $2.000000030e-01, v24  }
0x6c: {  	v20 =	vmul.f32 $1.442695020e+00, v20;
	v16 =	vld [tilespmem:s20+$0x0];
	(erf) = vpow2.f32 v23  }
0x6d: {  	v23 =	vld [tilespmem:s12+$0x0];
	(erf) = vpow2.f32 v27;
	v18 =	vadd.f32 v18, v12;
	v24 =	vmax.f32 v24, v30  }
0x6e: {  	v30 =	vld [tilespmem:s12+$0x10];
	(erf) = vpow2.f32 v17;
	v24 =	vmul.f32 v24, v5  }
0x6f: {  	v17 =	vld [tilespmem:s20+$0x10];
	(erf) = vpow2.f32 v20;
	v20 =	vmul.f32 $2.000000030e-01, v18  }
0x70: {  	v28 =	vld [tilespmem:s12+$0xFFFFFFC0];
	v32 =	vnsel vm0, $0x0, v22;
	v21 =	vmul.f32 $1.442695020e+00, v21;
	v27 =	vadd.f32 v13, v14  }
0x71: {  	v22 =	vadd.f32 v29, v15;
	v29 =	vperm.xlane v24, v1;
	v20 =	vmax.f32 v18, v20;
	v18 =	vld [tilespmem:s20+$0xFFFFFFC0]  }
0x72: {  	v31 =	vld [tilespmem:s12+$0x20];
	(erf) = vpow2.f32 v21;
	v21 =	vmul.f32 $2.000000030e-01, v27  }
0x73: {  	v13 =	vld [tilespmem:s20+$0x20];
	v34 =	vmul.f32 $2.000000030e-01, v22;
	v23 =	vadd.f32 v23, v16;
	v24 =	vadd.f32 v24, v29  }
0x74: {  	v20 =	vmul.f32 v20, v5;
	v33 =	vpop (erf);
	v21 =	vmax.f32 v27, v21;
	v29 =	vadd.f32 v30, v17  }
0x75: {  	v22 =	vmax.f32 v22, v34;
	v27 =	vmul.f32 v33, v19;
	v30 =	vperm.xlane v24, v2  }
0x76: {  	v19 =	vmul.f32 $2.000000030e-01, v23;
	v35 =	vperm.xlane v20, v1;
	v28 =	vadd.f32 v28, v18  }
0x77: {  	v21 =	vmul.f32 v21, v5;
	v52 =	vmul.f32 $2.000000030e-01, v29;
	v24 =	vadd.f32 v24, v30  }
0x78: {  	v22 =	vmul.f32 v22, v5;
	v30 =	vadd.f32 v31, v13;
	v31 =	vmul.f32 $2.000000030e-01, v28  }
0x79: {  	v19 =	vmax.f32 v23, v19;
	v23 =	vmax.f32 v29, v52;
	v29 =	vperm.xlane v24, v3  }
0x7a: {  	v19 =	vmul.f32 v19, v5;
	v53 =	vmul.f32 $2.000000030e-01, v30;
	v28 =	vmax.f32 v28, v31  }
0x7b: {  	v23 =	vmul.f32 v23, v5;
	v24 =	vadd.f32 v24, v29;
	v28 =	vmul.f32 v28, v5  }
0x7c: {  	v55 =	vperm.xlane v19, v1;
	v29 =	vmax.f32 v30, v53;
	v30 =	vperm.xlane v21, v1  }
0x7d: {  	v20 =	vadd.f32 v20, v35;
	v31 =	vperm.xlane v24, v4;
	v54 =	vperm.xlane v28, v1  }
0x7e: {  	v29 =	vmul.f32 v29, v5;
	v21 =	vadd.f32 v21, v30;
	v30 =	vperm.xlane v22, v1  }
0x7f: {  	v36 =	vperm.xlane v23, v1;
	v24 =	vadd.f32 v24, v31;
	v28 =	vadd.f32 v28, v54  }
0x80: {  	v19 =	vadd.f32 v19, v55;
	v22 =	vadd.f32 v22, v30;
	v30 =	vperm.xlane v29, v1  }
0x81: {  	v56 =	vadd.f32 v23, v36;
	v24 =	vmul.f32 $1.442695020e+00, v24;
	v57 =	vperm.xlane v28, v2  }
0x82: {  	v31 =	vperm.xlane v20, v2;
	v23 =	vperm.xlane v21, v2;
	v29 =	vadd.f32 v29, v30  }
0x83: {  	v30 =	vperm.xlane v22, v2;
	(erf) = vpow2.f32 v24;
	v28 =	vadd.f32 v28, v57  }
0x84: {  	v20 =	vadd.f32 v20, v31;
	v31 =	vperm.xlane v19, v2;
	v59 =	vperm.xlane v29, v2  }
0x85: {  	v37 =	vadd.f32 v21, v23;
	v30 =	vadd.f32 v22, v30;
	v22 =	vperm.xlane v28, v3  }
0x86: {  	v58 =	vperm.xlane v56, v2;
	v38 =	vperm.xlane v20, v3;
	v24 =	vpop (erf);
	v36 =	vadd.f32 v29, v59  }
0x87: {  	s11 =	simm.s32 $0x2480;
	v33 =	vnsel vm0, $0x0, v33;
	v39 =	vadd.f32 v19, v31;
	v19 =	vperm.xlane v37, v3;
	v23 =	vpop (erf)  }
0x88: {  	[tilespmem:s11+$0x60] =	vst v26;
	v34 =	vadd.f32 v56, v58;
	v38 =	vadd.f32 v20, v38;
	v21 =	vpop (erf);
	v26 =	vperm.xlane v36, v3  }
0x89: {  	v60 =	vperm.xlane v30, v3;
	v31 =	vadd.f32 v37, v19;
	v40 =	vadd.f32 v28, v22;
	v22 =	vpop (erf)  }
0x8a: {  	v41 =	vperm.xlane v34, v3;
	v61 =	vnsel vm0, $0x0, v24;
	v28 =	vperm.xlane v39, v3;
	v20 =	vpop (erf)  }
0x8b: {  	[tilespmem:s11+$0x70] =	vst v32;
	v29 =	vadd.f32 v30, v60;
	v63 =	vperm.xlane v38, v4;
	v37 =	vperm.xlane v31, v4;
	v19 =	vpop (erf)  }
0x8c: {  	[tilespmem:s11+$0xFFFFFF80] =	vst v27;
	v27 =	vadd.f32 v36, v26;
	v30 =	vadd.f32 v39, v28;
	v62 =	vperm.xlane v40, v4;
	v26 =	vpop (erf)  }
0x8d: {  	[tilespmem:s11+$0xFFFFFF90] =	vst v33;
	v32 =	vadd.f32 v38, v63;
	v28 =	vadd.f32 v34, v41;
	v34 =	vmul.f32 v26, v25  }
0x8e: {  	s10 =	simm.s32 $0x2580;
	s14 =	simm.s32 $0x8;
	s20 =	simm.s32 $0x540;
	[tilespmem:s11+$0xFFFFFFB0] =	vst v61;
	v35 =	vperm.xlane v29, v4;
	v33 =	vadd.f32 v40, v62;
	v36 =	vperm.xlane v30, v4  }
.LBB2_5:
0x8f: {  	v25 =	vld [tilespmem:s20+$0x30];
	v31 =	vadd.f32 v31, v37;
	v37 =	vperm.xlane v28, v4;
	v38 =	vperm.xlane v27, v4;
	[tilespmem:s10+$0x60] =	vst v34;
	s12 =	sadd.s32 $0x80, s12  }
0x90: {  	s14 =	sadd.s32 $0x8, s14;
	v33 =	vmul.f32 $1.442695020e+00, v33;
	v34 =	vld [tilespmem:s12+$0x30];
	v29 =	vadd.f32 v29, v35;
	v30 =	vadd.f32 v30, v36  }
0x91: {  	p0 =	slt.u32 s14, $0x78;
	v32 =	vmul.f32 $1.442695020e+00, v32;
	v35 =	vld [tilespmem:s12+$0xFFFFFFC0];
	v28 =	vadd.f32 v28, v37;
	v27 =	vadd.f32 v27, v38  }
0x92: {  	v31 =	vmul.f32 $1.442695020e+00, v31;
	v37 =	vnsel vm0, $0x0, v23;
	v36 =	vld [tilespmem:s20+$0xFFFFFFD0];
	v29 =	vmul.f32 $1.442695020e+00, v29  }
0x93: {  	v30 =	vmul.f32 $1.442695020e+00, v30;
	v38 =	vld [tilespmem:s12+$0xFFFFFFD0];
	v28 =	vmul.f32 $1.442695020e+00, v28;
	[tilespmem:s11+$0xFFFFFFD0] =	vst v37;
	v37 =	vnsel vm0, $0x0, v21  }
0x94: {  	v27 =	vmul.f32 $1.442695020e+00, v27;
	v39 =	vld [tilespmem:s20+$0xFFFFFFE0];
	(erf) = vpow2.f32 v33;
	[tilespmem:s11+$0xFFFFFFF0] =	vst v37;
	v33 =	vnsel vm0, $0x0, v22  }
0x95: {  	v24 =	vmul.f32 v24, v9;
	v9 =	vmovc v12;
	v37 =	vld [tilespmem:s12+$0xFFFFFFE0];
	v34 =	vadd.f32 v34, v25;
	(erf) = vpow2.f32 v32;
	[tilespmem:s11+$0x10] =	vst v33  }
0x96: {  	v23 =	vmul.f32 v23, v8;
	v8 =	vmovc v14;
	v32 =	vld [tilespmem:s20+$0xFFFFFFF0];
	(erf) = vpow2.f32 v31;
	v31 =	vnsel vm0, $0x0, v20  }
0x97: {  	v33 =	vld [tilespmem:s12+$0xFFFFFFF0];
	v40 =	vmul.f32 $2.000000030e-01, v34;
	(erf) = vpow2.f32 v29;
	[tilespmem:s11+$0xFFFFFFA0] =	vst v24;
	v24 =	vnsel vm0, $0x0, v19;
	v12 =	vmovc v36  }
0x98: {  	v21 =	vmul.f32 v21, v7;
	v7 =	vmovc v15;
	v29 =	vadd.f32 v38, v12;
	v36 =	vld [tilespmem:s20+$0x0];
	(erf) = vpow2.f32 v30;
	[tilespmem:s11+$0xFFFFFFC0] =	vst v23  }
0x99: {  	v22 =	vmul.f32 v22, v10;
	v23 =	vld [tilespmem:s12+$0x0];
	v38 =	vmax.f32 v34, v40;
	(erf) = vpow2.f32 v28;
	[tilespmem:s11+$0x30] =	vst v31;
	v14 =	vmovc v39  }
0x9a: {  	v10 =	vmovc v16;
	v28 =	vmul.f32 $2.000000030e-01, v29;
	v30 =	vadd.f32 v37, v14;
	v31 =	vld [tilespmem:s20+$0x10];
	v34 =	vmul.f32 v38, v5;
	[tilespmem:s11+$0xFFFFFFE0] =	vst v21  }
0x9b: {  	v26 =	vnsel vm0, $0x0, v26;
	v37 =	vmul.f32 v20, v6;
	v6 =	vmovc v17;
	v21 =	vld [tilespmem:s12+$0x10];
	(erf) = vpow2.f32 v27;
	[tilespmem:s11+$0x0] =	vst v22;
	v15 =	vmovc v32  }
0x9c: {  	v17 =	vmul.f32 $2.000000030e-01, v30;
	v20 =	vadd.f32 v33, v15;
	v27 =	vld [tilespmem:s20+$0x20];
	v22 =	vperm.xlane v34, v1;
	[tilespmem:s11+$0x50] =	vst v24  }
0x9d: {  	v11 =	vmul.f32 v19, v11;
	v28 =	vmax.f32 v29, v28;
	v29 =	vld [tilespmem:s12+$0x20];
	v32 =	vpop (erf);
	[tilespmem:s11+$0x20] =	vst v37;
	v16 =	vmov v36  }
0x9e: {  	v33 =	vld [tilespmem:s20+$0xFFFFFFC0];
	v19 =	vmul.f32 $2.000000030e-01, v20;
	v36 =	vadd.f32 v23, v16;
	v34 =	vadd.f32 v34, v22;
	[tilespmem:s10+$0x70] =	vst v26;
	v24 =	vpop (erf)  }
0x9f: {  	v26 =	vmul.f32 v28, v5;
	v17 =	vmax.f32 v30, v17;
	v18 =	vmul.f32 v32, v18;
	v23 =	vpop (erf);
	[tilespmem:s11+$0x40] =	vst v11;
	s11 =	smov.u32 s10  }
0xa0: {  	v11 =	vmul.f32 $2.000000030e-01, v36;
	v28 =	vadd.f32 v21, v31;
	v30 =	vperm.xlane v34, v2;
	v21 =	vpop (erf)  }
0xa1: {  	v38 =	vmul.f32 v17, v5;
	v37 =	vperm.xlane v26, v1;
	v19 =	vmax.f32 v20, v19;
	[tilespmem:s10+$0xFFFFFF80] =	vst v18;
	v22 =	vpop (erf)  }
0xa2: {  	v18 =	vmul.f32 $2.000000030e-01, v28;
	v29 =	vadd.f32 v29, v27;
	v30 =	vadd.f32 v34, v30;
	v20 =	vpop (erf)  }
0xa3: {  	v17 =	vmovc v31;
	v39 =	vmax.f32 v36, v11;
	v34 =	vadd.f32 v35, v33;
	v35 =	vmul.f32 v19, v5  }
0xa4: {  	v40 =	vmax.f32 v28, v18;
	v28 =	vmul.f32 $2.000000030e-01, v29;
	v31 =	vperm.xlane v30, v3;
	v19 =	vpop (erf)  }
0xa5: {  	v26 =	vadd.f32 v26, v37;
	v37 =	vmul.f32 v39, v5;
	v11 =	vmovc v13;
	v13 =	vmovc v27;
	v36 =	vmul.f32 $2.000000030e-01, v34  }
0xa6: {  	v27 =	vmul.f32 v40, v5;
	v28 =	vmax.f32 v29, v28;
	v29 =	vadd.f32 v30, v31;
	v18 =	vmovc v33  }
0xa7: {  	v31 =	vperm.xlane v38, v1;
	v30 =	vmax.f32 v34, v36;
	v28 =	vmul.f32 v28, v5  }
0xa8: {  	v32 =	vnsel vm0, $0x0, v32;
	v30 =	vmul.f32 v30, v5;
	v33 =	vperm.xlane v29, v4  }
0xa9: {  	v34 =	vperm.xlane v35, v1;
	v36 =	vperm.xlane v37, v1;
	v31 =	vadd.f32 v38, v31;
	[tilespmem:s10+$0xFFFFFF90] =	vst v32  }
0xaa: {  	v38 =	vperm.xlane v27, v1;
	v32 =	vperm.xlane v30, v1;
	v29 =	vadd.f32 v29, v33  }
0xab: {  	v33 =	vadd.f32 v35, v34;
	v34 =	vadd.f32 v37, v36;
	v35 =	vperm.xlane v28, v1  }
0xac: {  	v27 =	vadd.f32 v27, v38;
	v30 =	vadd.f32 v30, v32;
	v29 =	vmul.f32 $1.442695020e+00, v29  }
0xad: {  	v36 =	vperm.xlane v31, v2;
	v32 =	vperm.xlane v26, v2;
	v28 =	vadd.f32 v28, v35  }
0xae: {  	v35 =	vperm.xlane v30, v2;
	(erf) = vpow2.f32 v29;
	v29 =	vnsel vm0, $0x0, v24  }
0xaf: {  	v37 =	vperm.xlane v34, v2;
	v26 =	vadd.f32 v26, v32;
	v32 =	vperm.xlane v33, v2;
	[tilespmem:s10+$0xFFFFFFB0] =	vst v29  }
0xb0: {  	v29 =	vadd.f32 v30, v35;
	v30 =	vperm.xlane v27, v2;
	v35 =	vperm.xlane v28, v2  }
0xb1: {  	v31 =	vadd.f32 v31, v36;
	v38 =	vperm.xlane v26, v3;
	v32 =	vadd.f32 v33, v32  }
0xb2: {  	v34 =	vadd.f32 v34, v37;
	v33 =	vperm.xlane v29, v3;
	v27 =	vadd.f32 v27, v30  }
0xb3: {  	v30 =	vperm.xlane v31, v3;
	v36 =	vperm.xlane v32, v3;
	v35 =	vadd.f32 v28, v35  }
0xb4: {  	v28 =	vperm.xlane v34, v3;
	v33 =	vadd.f32 v29, v33;
	v37 =	vperm.xlane v27, v3  }
.Ltmp1:
0xb5: {  	v38 =	vadd.f32 v26, v38;
	v31 =	vadd.f32 v31, v30;
	v40 =	vperm.xlane v35, v3;
	(pc) =	sbr.rel @p0 .LBB2_5-.Ltmp1, $4  }
0xb6: {  	v29 =	vadd.f32 v32, v36;
	v30 =	vadd.f32 v34, v28;
	v39 =	vperm.xlane v33, v4  }
0xb7: {  	v32 =	vperm.xlane v38, v4;
	v28 =	vadd.f32 v27, v37;
	v27 =	vadd.f32 v35, v40;
	v26 =	vpop (erf)  }
0xb8: {  	v37 =	vperm.xlane v31, v4;
	v33 =	vadd.f32 v33, v39;
	v34 =	vmul.f32 v26, v25  }
0xb9: {  	s20 =	sadd.s32 $0x80, s20;
	s10 =	sadd.s32 $0x100, s10;
	v32 =	vadd.f32 v38, v32;
	v35 =	vperm.xlane v29, v4;
	v36 =	vperm.xlane v30, v4  }
0xba: {  	v25 =	vadd.f32 v31, v37  }
0xbb: {  	v31 =	vperm.xlane v28, v4;
	v33 =	vmul.f32 $1.442695020e+00, v33;
	v43 =	vnsel vm0, $0x0, v23  }
0xbc: {  	[tilespmem:s10+$0x60] =	vst v34;
	v44 =	vnsel vm0, $0x0, v21;
	v9 =	vmul.f32 v24, v9;
	v8 =	vmul.f32 v23, v8  }
0xbd: {  	v45 =	vnsel vm0, $0x0, v22;
	v7 =	vmul.f32 v21, v7;
	[tilespmem:s11+$0xFFFFFFD0] =	vst v43;
	(erf) = vpow2.f32 v33  }
0xbe: {  	v10 =	vmul.f32 v22, v10;
	v29 =	vadd.f32 v29, v35;
	v32 =	vmul.f32 $1.442695020e+00, v32;
	[tilespmem:s11+$0xFFFFFFF0] =	vst v44  }
0xbf: {  	v6 =	vmul.f32 v20, v6;
	v30 =	vadd.f32 v30, v36;
	[tilespmem:s11+$0x10] =	vst v45;
	v25 =	vmul.f32 $1.442695020e+00, v25  }
0xc0: {  	[tilespmem:s11+$0xFFFFFFA0] =	vst v9;
	v9 =	vnsel vm0, $0x0, v20;
	v24 =	vmul.f32 $1.442695020e+00, v29;
	(erf) = vpow2.f32 v32  }
0xc1: {  	[tilespmem:s11+$0xFFFFFFC0] =	vst v8;
	v8 =	vadd.f32 v28, v31;
	v23 =	vmul.f32 $1.442695020e+00, v30;
	(erf) = vpow2.f32 v25  }
0xc2: {  	[tilespmem:s11+$0x30] =	vst v9;
	v9 =	vperm.xlane v27, v4;
	(erf) = vpow2.f32 v24  }
0xc3: {  	[tilespmem:s11+$0xFFFFFFE0] =	vst v7;
	v7 =	vmul.f32 $1.442695020e+00, v8;
	v8 =	vnsel vm0, $0x0, v19;
	(erf) = vpow2.f32 v23  }
0xc4: {  	[tilespmem:s11+$0x0] =	vst v10  }
0xc5: {  	[tilespmem:s11+$0x20] =	vst v6;
	v6 =	vmul.f32 v19, v11;
	v9 =	vadd.f32 v27, v9  }
0xc6: {  	[tilespmem:s11+$0x50] =	vst v8;
	(erf) = vpow2.f32 v7;
	v7 =	vnsel vm0, $0x0, v26;
	v8 =	vpop (erf)  }
0xc7: {  	v9 =	vmul.f32 $1.442695020e+00, v9;
	[tilespmem:s10+$0x70] =	vst v7;
	v7 =	vmul.f32 v8, v18  }
0xc8: {  	[tilespmem:s11+$0x40] =	vst v6  }
0xc9: {  	v6 =	vpop (erf);
	[tilespmem:s10+$0xFFFFFF80] =	vst v7;
	v7 =	vnsel vm0, $0x0, v8  }
0xca: {  	(erf) = vpow2.f32 v9;
	v8 =	vpop (erf);
	[tilespmem:s10+$0xFFFFFF90] =	vst v7;
	v7 =	vnsel vm0, $0x0, v6  }
0xcb: {  	v9 =	vpop (erf);
	[tilespmem:s10+$0xFFFFFFB0] =	vst v7;
	v7 =	vnsel vm0, $0x0, v8  }
0xcc: {  	v10 =	vpop (erf);
	[tilespmem:s10+$0xFFFFFFD0] =	vst v7;
	v7 =	vnsel vm0, $0x0, v9  }
0xcd: {  	v6 =	vmul.f32 v6, v12;
	[tilespmem:s10+$0xFFFFFFF0] =	vst v7;
	v7 =	vnsel vm0, $0x0, v10  }
0xce: {  	[tilespmem:s10+$0x10] =	vst v7;
	v7 =	vmul.f32 v8, v14  }
0xcf: {  	[tilespmem:s10+$0xFFFFFFA0] =	vst v6;
	v8 =	vpop (erf)  }
0xd0: {  	v6 =	vnsel vm0, $0x0, v8;
	v8 =	vmul.f32 v8, v17;
	[tilespmem:s10+$0xFFFFFFC0] =	vst v7  }
0xd1: {  	v7 =	vmul.f32 v9, v15;
	[tilespmem:s10+$0x30] =	vst v6  }
0xd2: {  	v9 =	vmul.f32 v10, v16;
	[tilespmem:s10+$0x20] =	vst v8  }
0xd3: {  	v6 =	vpop (erf);
	[tilespmem:s10+$0xFFFFFFE0] =	vst v7  }
0xd4: {  	[tilespmem:s10+$0x0] =	vst v9;
	v7 =	vnsel vm0, $0x0, v6;
	v6 =	vmul.f32 v6, v13  }
0xd5: {  	[tilespmem:s10+$0x50] =	vst v7  }
0xd6: {  	[tilespmem:s10+$0x40] =	vst v6  }
0xd7: {  	_ =	swait.ge [sflag:s24], $0x800  }
0xd8: {  	[sflag:s24] =	ssyncset.done $0x0  }
0xd9: {  	[sflag:s24] =	ssyncadd.s32 $0xFFFFF800  }
0xda: {  	_ =	swait.ge [sflag:s25], $0x800  }
0xdb: {  	[sflag:s25] =	ssyncset.done $0x0  }
0xdc: {  	[sflag:s25] =	ssyncadd.s32 $0xFFFFF800  }
0xdd: {  	[tilespmem:s16], [sflag:$0x1] =	stream.indirect.gather [hbm4b:s1+s15], $0x10, s26, s15, $0xb8;
	[tilespmem:$0x10210] =	vst v63  }
0xde: {  	s12 =	simm.s32 $0x1440  }
0xdf: {  	[tilespmem:s17], [sflag:$0x2] =	stream.indirect.gather [hbm4b:s6+s15], $0x10, s28, s15, $0xb8;
	[tilespmem:$0x10210] =	vst v63  }
0xe0: {  	s14 =	simm.s32 $0x1C40;
	v12 =	vld [tilespmem:s12+$0x30]  }
0xe1: {  	v6 =	vld [tilespmem:s14+$0x30]  }
0xe2: {  	v13 =	vld [tilespmem:s14+$0xFFFFFFC0]  }
0xe3: {  	v9 =	vld [tilespmem:s12+$0xFFFFFFD0]  }
0xe4: {  	v11 =	vld [tilespmem:s14+$0xFFFFFFD0]  }
0xe5: {  	v8 =	vld [tilespmem:s12+$0xFFFFFFE0]  }
0xe6: {  	v14 =	vld [tilespmem:s14+$0xFFFFFFE0]  }
0xe7: {  	v7 =	vld [tilespmem:s12+$0xFFFFFFF0]  }
0xe8: {  	v15 =	vld [tilespmem:s14+$0xFFFFFFF0];
	v6 =	vadd.f32 v6, v12  }
0xe9: {  	v10 =	vld [tilespmem:s12+$0x0]  }
0xea: {  	v17 =	vld [tilespmem:s14+$0x0];
	v18 =	vadd.f32 v11, v9;
	v16 =	vmul.f32 $2.000000030e-01, v6  }
0xeb: {  	v20 =	vld [tilespmem:s14+$0x10]  }
0xec: {  	v23 =	vld [tilespmem:s14+$0x20];
	v19 =	vmul.f32 $2.000000030e-01, v18;
	v16 =	vmax.f32 v6, v16  }
0xed: {  	v14 =	vadd.f32 v14, v8;
	v6 =	vld [tilespmem:s12+$0x10];
	v16 =	vmul.f32 v16, v5  }
0xee: {  	v18 =	vmax.f32 v18, v19;
	v19 =	vld [tilespmem:s12+$0xFFFFFFC0]  }
0xef: {  	v11 =	vld [tilespmem:s12+$0x20];
	v22 =	vmul.f32 $2.000000030e-01, v14;
	v21 =	vperm.xlane v16, v1  }
0xf0: {  	v15 =	vadd.f32 v15, v7;
	v17 =	vadd.f32 v17, v10  }
0xf1: {  	v14 =	vmax.f32 v14, v22;
	v16 =	vadd.f32 v16, v21  }
0xf2: {  	v22 =	vmul.f32 $2.000000030e-01, v17;
	v21 =	vmul.f32 $2.000000030e-01, v15;
	v20 =	vadd.f32 v20, v6  }
0xf3: {  	v18 =	vmul.f32 v18, v5;
	v13 =	vadd.f32 v13, v19;
	v24 =	vperm.xlane v16, v2  }
0xf4: {  	v15 =	vmax.f32 v15, v21;
	v21 =	vadd.f32 v23, v11;
	v23 =	vmul.f32 $2.000000030e-01, v20  }
0xf5: {  	v14 =	vmul.f32 v14, v5;
	v17 =	vmax.f32 v17, v22;
	v25 =	vperm.xlane v18, v1  }
0xf6: {  	v16 =	vadd.f32 v16, v24;
	v20 =	vmax.f32 v20, v23;
	v23 =	vmul.f32 $2.000000030e-01, v13  }
0xf7: {  	v17 =	vmul.f32 v17, v5;
	v18 =	vadd.f32 v18, v25;
	v22 =	vmul.f32 $2.000000030e-01, v21  }
0xf8: {  	v15 =	vmul.f32 v15, v5;
	v24 =	vperm.xlane v16, v3;
	v13 =	vmax.f32 v13, v23  }
0xf9: {  	v21 =	vmax.f32 v21, v22;
	v22 =	vperm.xlane v14, v1;
	v13 =	vmul.f32 v13, v5  }
0xfa: {  	v25 =	vperm.xlane v17, v1;
	v21 =	vmul.f32 v21, v5;
	v16 =	vadd.f32 v16, v24  }
0xfb: {  	v24 =	vperm.xlane v15, v1;
	v14 =	vadd.f32 v14, v22;
	v22 =	vperm.xlane v13, v1  }
0xfc: {  	v20 =	vmul.f32 v20, v5;
	v23 =	vperm.xlane v16, v4  }
0xfd: {  	v15 =	vadd.f32 v15, v24;
	v24 =	vperm.xlane v21, v1;
	v13 =	vadd.f32 v13, v22  }
0xfe: {  	v16 =	vadd.f32 v16, v23;
	v23 =	vperm.xlane v20, v1  }
0xff: {  	v17 =	vadd.f32 v17, v25;
	v21 =	vadd.f32 v21, v24;
	v24 =	vperm.xlane v13, v2  }
0x100: {  	v22 =	vperm.xlane v18, v2;
	v16 =	vmul.f32 $1.442695020e+00, v16;
	v20 =	vadd.f32 v20, v23  }
0x101: {  	v23 =	vperm.xlane v14, v2;
	v25 =	vperm.xlane v21, v2;
	v13 =	vadd.f32 v13, v24  }
0x102: {  	(erf) = vpow2.f32 v16;
	v16 =	vadd.f32 v18, v22;
	v18 =	vperm.xlane v15, v2  }
0x103: {  	v22 =	vperm.xlane v17, v2;
	v24 =	vperm.xlane v20, v2;
	v14 =	vadd.f32 v14, v23  }
0x104: {  	v21 =	vadd.f32 v21, v25;
	v15 =	vadd.f32 v15, v18;
	v18 =	vperm.xlane v13, v3  }
0x105: {  	v26 =	vperm.xlane v16, v3;
	v17 =	vadd.f32 v17, v22;
	v20 =	vadd.f32 v20, v24  }
0x106: {  	v22 =	vperm.xlane v14, v3;
	v23 =	vperm.xlane v15, v3;
	v13 =	vadd.f32 v13, v18  }
0x107: {  	v18 =	vperm.xlane v17, v3;
	v24 =	vperm.xlane v20, v3;
	v16 =	vadd.f32 v16, v26  }
0x108: {  	v14 =	vadd.f32 v14, v22;
	v22 =	vperm.xlane v21, v3;
	v26 =	vperm.xlane v13, v4  }
0x109: {  	s20 =	simm.s32 $0x14C0;
	v15 =	vadd.f32 v15, v23;
	v17 =	vadd.f32 v17, v18;
	v18 =	vperm.xlane v16, v4  }
0x10a: {  	s12 =	simm.s32 $0x1CC0;
	v25 =	vld [tilespmem:s20+$0x30];
	v20 =	vadd.f32 v20, v24;
	v21 =	vadd.f32 v21, v22;
	v23 =	vperm.xlane v14, v4  }
0x10b: {  	v24 =	vld [tilespmem:s12+$0x30];
	v13 =	vadd.f32 v13, v26;
	v16 =	vadd.f32 v16, v18;
	v18 =	vperm.xlane v15, v4  }
0x10c: {  	v27 =	vperm.xlane v17, v4;
	v14 =	vadd.f32 v14, v23;
	v23 =	vperm.xlane v20, v4;
	v22 =	vpop (erf)  }
0x10d: {  	v29 =	vperm.xlane v21, v4;
	v26 =	vmul.f32 v22, v12;
	v12 =	vld [tilespmem:s20+$0xFFFFFFD0]  }
0x10e: {  	v13 =	vmul.f32 $1.442695020e+00, v13;
	v15 =	vadd.f32 v15, v18;
	v17 =	vadd.f32 v17, v27;
	v18 =	vld [tilespmem:s12+$0xFFFFFFD0]  }
0x10f: {  	v16 =	vmul.f32 $1.442695020e+00, v16;
	v20 =	vadd.f32 v20, v23;
	v23 =	vmul.f32 $1.442695020e+00, v14;
	v14 =	vld [tilespmem:s20+$0xFFFFFFE0]  }
0x110: {  	v21 =	vadd.f32 v21, v29;
	v29 =	vld [tilespmem:s12+$0xFFFFFFF0];
	v24 =	vadd.f32 v24, v25;
	v27 =	vmul.f32 $1.442695020e+00, v15  }
0x111: {  	(erf) = vpow2.f32 v13;
	v13 =	vld [tilespmem:s12+$0xFFFFFFE0];
	v17 =	vmul.f32 $1.442695020e+00, v17  }
0x112: {  	v15 =	vld [tilespmem:s20+$0xFFFFFFF0];
	(erf) = vpow2.f32 v16;
	v30 =	vmul.f32 $2.000000030e-01, v24  }
0x113: {  	v20 =	vmul.f32 $1.442695020e+00, v20;
	v16 =	vld [tilespmem:s20+$0x0];
	(erf) = vpow2.f32 v23  }
0x114: {  	v23 =	vld [tilespmem:s12+$0x0];
	(erf) = vpow2.f32 v27;
	v18 =	vadd.f32 v18, v12;
	v24 =	vmax.f32 v24, v30  }
0x115: {  	v30 =	vld [tilespmem:s12+$0x10];
	(erf) = vpow2.f32 v17;
	v24 =	vmul.f32 v24, v5  }
0x116: {  	v17 =	vld [tilespmem:s20+$0x10];
	(erf) = vpow2.f32 v20;
	v20 =	vmul.f32 $2.000000030e-01, v18  }
0x117: {  	v28 =	vld [tilespmem:s12+$0xFFFFFFC0];
	v46 =	vnsel vm0, $0x0, v22;
	v21 =	vmul.f32 $1.442695020e+00, v21;
	v27 =	vadd.f32 v13, v14  }
0x118: {  	v22 =	vadd.f32 v29, v15;
	v29 =	vperm.xlane v24, v1;
	v20 =	vmax.f32 v18, v20;
	v18 =	vld [tilespmem:s20+$0xFFFFFFC0]  }
0x119: {  	v31 =	vld [tilespmem:s12+$0x20];
	(erf) = vpow2.f32 v21;
	v21 =	vmul.f32 $2.000000030e-01, v27  }
0x11a: {  	v13 =	vld [tilespmem:s20+$0x20];
	v48 =	vmul.f32 $2.000000030e-01, v22;
	v23 =	vadd.f32 v23, v16;
	v24 =	vadd.f32 v24, v29  }
0x11b: {  	v20 =	vmul.f32 v20, v5;
	v47 =	vpop (erf);
	v21 =	vmax.f32 v27, v21;
	v29 =	vadd.f32 v30, v17  }
0x11c: {  	v22 =	vmax.f32 v22, v48;
	v27 =	vmul.f32 v47, v19;
	v30 =	vperm.xlane v24, v2  }
0x11d: {  	v19 =	vmul.f32 $2.000000030e-01, v23;
	v49 =	vperm.xlane v20, v1;
	v28 =	vadd.f32 v28, v18  }
0x11e: {  	v21 =	vmul.f32 v21, v5;
	v50 =	vmul.f32 $2.000000030e-01, v29;
	v24 =	vadd.f32 v24, v30  }
0x11f: {  	v22 =	vmul.f32 v22, v5;
	v30 =	vadd.f32 v31, v13;
	v31 =	vmul.f32 $2.000000030e-01, v28  }
0x120: {  	v19 =	vmax.f32 v23, v19;
	v23 =	vmax.f32 v29, v50;
	v29 =	vperm.xlane v24, v3  }
0x121: {  	v19 =	vmul.f32 v19, v5;
	v51 =	vmul.f32 $2.000000030e-01, v30;
	v28 =	vmax.f32 v28, v31  }
0x122: {  	v23 =	vmul.f32 v23, v5;
	v24 =	vadd.f32 v24, v29;
	v28 =	vmul.f32 v28, v5  }
0x123: {  	v53 =	vperm.xlane v19, v1;
	v29 =	vmax.f32 v30, v51;
	v30 =	vperm.xlane v21, v1  }
0x124: {  	v20 =	vadd.f32 v20, v49;
	v31 =	vperm.xlane v24, v4;
	v52 =	vperm.xlane v28, v1  }
0x125: {  	v29 =	vmul.f32 v29, v5;
	v21 =	vadd.f32 v21, v30;
	v30 =	vperm.xlane v22, v1  }
0x126: {  	v54 =	vperm.xlane v23, v1;
	v24 =	vadd.f32 v24, v31;
	v28 =	vadd.f32 v28, v52  }
0x127: {  	v19 =	vadd.f32 v19, v53;
	v22 =	vadd.f32 v22, v30;
	v30 =	vperm.xlane v29, v1  }
0x128: {  	v55 =	vadd.f32 v23, v54;
	v24 =	vmul.f32 $1.442695020e+00, v24;
	v56 =	vperm.xlane v28, v2  }
0x129: {  	v31 =	vperm.xlane v20, v2;
	v23 =	vperm.xlane v21, v2;
	v29 =	vadd.f32 v29, v30  }
0x12a: {  	v30 =	vperm.xlane v22, v2;
	(erf) = vpow2.f32 v24;
	v28 =	vadd.f32 v28, v56  }
0x12b: {  	v20 =	vadd.f32 v20, v31;
	v31 =	vperm.xlane v19, v2;
	v58 =	vperm.xlane v29, v2  }
0x12c: {  	v59 =	vadd.f32 v21, v23;
	v30 =	vadd.f32 v22, v30;
	v22 =	vperm.xlane v28, v3  }
0x12d: {  	v57 =	vperm.xlane v55, v2;
	v38 =	vperm.xlane v20, v3;
	v24 =	vpop (erf);
	v36 =	vadd.f32 v29, v58  }
0x12e: {  	s11 =	simm.s32 $0x3480;
	v33 =	vnsel vm0, $0x0, v47;
	v39 =	vadd.f32 v19, v31;
	v19 =	vperm.xlane v59, v3;
	v23 =	vpop (erf)  }
0x12f: {  	[tilespmem:s11+$0x60] =	vst v26;
	v34 =	vadd.f32 v55, v57;
	v38 =	vadd.f32 v20, v38;
	v21 =	vpop (erf);
	v26 =	vperm.xlane v36, v3  }
0x130: {  	v60 =	vperm.xlane v30, v3;
	v31 =	vadd.f32 v59, v19;
	v40 =	vadd.f32 v28, v22;
	v22 =	vpop (erf)  }
0x131: {  	v41 =	vperm.xlane v34, v3;
	v61 =	vnsel vm0, $0x0, v24;
	v28 =	vperm.xlane v39, v3;
	v20 =	vpop (erf)  }
0x132: {  	[tilespmem:s11+$0x70] =	vst v46;
	v29 =	vadd.f32 v30, v60;
	v63 =	vperm.xlane v38, v4;
	v37 =	vperm.xlane v31, v4;
	v19 =	vpop (erf)  }
0x133: {  	[tilespmem:s11+$0xFFFFFF80] =	vst v27;
	v27 =	vadd.f32 v36, v26;
	v30 =	vadd.f32 v39, v28;
	v62 =	vperm.xlane v40, v4;
	v26 =	vpop (erf)  }
0x134: {  	[tilespmem:s11+$0xFFFFFF90] =	vst v33;
	v32 =	vadd.f32 v38, v63;
	v28 =	vadd.f32 v34, v41;
	v34 =	vmul.f32 v26, v25  }
0x135: {  	s10 =	simm.s32 $0x3580;
	s14 =	simm.s32 $0x8;
	s20 =	simm.s32 $0x1540;
	[tilespmem:s11+$0xFFFFFFB0] =	vst v61;
	v35 =	vperm.xlane v29, v4;
	v33 =	vadd.f32 v40, v62;
	v36 =	vperm.xlane v30, v4  }
.LBB2_7:
0x136: {  	v25 =	vld [tilespmem:s20+$0x30];
	v31 =	vadd.f32 v31, v37;
	v37 =	vperm.xlane v28, v4;
	v38 =	vperm.xlane v27, v4;
	[tilespmem:s10+$0x60] =	vst v34;
	s12 =	sadd.s32 $0x80, s12  }
0x137: {  	s14 =	sadd.s32 $0x8, s14;
	v33 =	vmul.f32 $1.442695020e+00, v33;
	v34 =	vld [tilespmem:s12+$0x30];
	v29 =	vadd.f32 v29, v35;
	v30 =	vadd.f32 v30, v36  }
0x138: {  	p0 =	slt.u32 s14, $0x78;
	v32 =	vmul.f32 $1.442695020e+00, v32;
	v35 =	vld [tilespmem:s12+$0xFFFFFFC0];
	v28 =	vadd.f32 v28, v37;
	v27 =	vadd.f32 v27, v38  }
0x139: {  	v31 =	vmul.f32 $1.442695020e+00, v31;
	v37 =	vnsel vm0, $0x0, v23;
	v36 =	vld [tilespmem:s20+$0xFFFFFFD0];
	v29 =	vmul.f32 $1.442695020e+00, v29  }
0x13a: {  	v30 =	vmul.f32 $1.442695020e+00, v30;
	v38 =	vld [tilespmem:s12+$0xFFFFFFD0];
	v28 =	vmul.f32 $1.442695020e+00, v28;
	[tilespmem:s11+$0xFFFFFFD0] =	vst v37;
	v37 =	vnsel vm0, $0x0, v21  }
0x13b: {  	v27 =	vmul.f32 $1.442695020e+00, v27;
	v39 =	vld [tilespmem:s20+$0xFFFFFFE0];
	(erf) = vpow2.f32 v33;
	[tilespmem:s11+$0xFFFFFFF0] =	vst v37;
	v33 =	vnsel vm0, $0x0, v22  }
0x13c: {  	v24 =	vmul.f32 v24, v9;
	v9 =	vmovc v12;
	v37 =	vld [tilespmem:s12+$0xFFFFFFE0];
	v34 =	vadd.f32 v34, v25;
	(erf) = vpow2.f32 v32;
	[tilespmem:s11+$0x10] =	vst v33  }
0x13d: {  	v23 =	vmul.f32 v23, v8;
	v8 =	vmovc v14;
	v32 =	vld [tilespmem:s20+$0xFFFFFFF0];
	(erf) = vpow2.f32 v31;
	v31 =	vnsel vm0, $0x0, v20  }
0x13e: {  	v33 =	vld [tilespmem:s12+$0xFFFFFFF0];
	v40 =	vmul.f32 $2.000000030e-01, v34;
	(erf) = vpow2.f32 v29;
	[tilespmem:s11+$0xFFFFFFA0] =	vst v24;
	v24 =	vnsel vm0, $0x0, v19;
	v12 =	vmovc v36  }
0x13f: {  	v21 =	vmul.f32 v21, v7;
	v7 =	vmovc v15;
	v29 =	vadd.f32 v38, v12;
	v36 =	vld [tilespmem:s20+$0x0];
	(erf) = vpow2.f32 v30;
	[tilespmem:s11+$0xFFFFFFC0] =	vst v23  }
0x140: {  	v22 =	vmul.f32 v22, v10;
	v23 =	vld [tilespmem:s12+$0x0];
	v38 =	vmax.f32 v34, v40;
	(erf) = vpow2.f32 v28;
	[tilespmem:s11+$0x30] =	vst v31;
	v14 =	vmovc v39  }
0x141: {  	v10 =	vmovc v16;
	v28 =	vmul.f32 $2.000000030e-01, v29;
	v30 =	vadd.f32 v37, v14;
	v31 =	vld [tilespmem:s20+$0x10];
	v34 =	vmul.f32 v38, v5;
	[tilespmem:s11+$0xFFFFFFE0] =	vst v21  }
0x142: {  	v26 =	vnsel vm0, $0x0, v26;
	v37 =	vmul.f32 v20, v6;
	v6 =	vmovc v17;
	v21 =	vld [tilespmem:s12+$0x10];
	(erf) = vpow2.f32 v27;
	[tilespmem:s11+$0x0] =	vst v22;
	v15 =	vmovc v32  }
0x143: {  	v17 =	vmul.f32 $2.000000030e-01, v30;
	v20 =	vadd.f32 v33, v15;
	v27 =	vld [tilespmem:s20+$0x20];
	v22 =	vperm.xlane v34, v1;
	[tilespmem:s11+$0x50] =	vst v24  }
0x144: {  	v11 =	vmul.f32 v19, v11;
	v28 =	vmax.f32 v29, v28;
	v29 =	vld [tilespmem:s12+$0x20];
	v32 =	vpop (erf);
	[tilespmem:s11+$0x20] =	vst v37;
	v16 =	vmov v36  }
0x145: {  	v33 =	vld [tilespmem:s20+$0xFFFFFFC0];
	v19 =	vmul.f32 $2.000000030e-01, v20;
	v36 =	vadd.f32 v23, v16;
	v34 =	vadd.f32 v34, v22;
	[tilespmem:s10+$0x70] =	vst v26;
	v24 =	vpop (erf)  }
0x146: {  	v26 =	vmul.f32 v28, v5;
	v17 =	vmax.f32 v30, v17;
	v18 =	vmul.f32 v32, v18;
	v23 =	vpop (erf);
	[tilespmem:s11+$0x40] =	vst v11;
	s11 =	smov.u32 s10  }
0x147: {  	v11 =	vmul.f32 $2.000000030e-01, v36;
	v28 =	vadd.f32 v21, v31;
	v30 =	vperm.xlane v34, v2;
	v21 =	vpop (erf)  }
0x148: {  	v38 =	vmul.f32 v17, v5;
	v37 =	vperm.xlane v26, v1;
	v19 =	vmax.f32 v20, v19;
	[tilespmem:s10+$0xFFFFFF80] =	vst v18;
	v22 =	vpop (erf)  }
0x149: {  	v18 =	vmul.f32 $2.000000030e-01, v28;
	v29 =	vadd.f32 v29, v27;
	v30 =	vadd.f32 v34, v30;
	v20 =	vpop (erf)  }
0x14a: {  	v17 =	vmovc v31;
	v39 =	vmax.f32 v36, v11;
	v34 =	vadd.f32 v35, v33;
	v35 =	vmul.f32 v19, v5  }
0x14b: {  	v40 =	vmax.f32 v28, v18;
	v28 =	vmul.f32 $2.000000030e-01, v29;
	v31 =	vperm.xlane v30, v3;
	v19 =	vpop (erf)  }
0x14c: {  	v26 =	vadd.f32 v26, v37;
	v37 =	vmul.f32 v39, v5;
	v11 =	vmovc v13;
	v13 =	vmovc v27;
	v36 =	vmul.f32 $2.000000030e-01, v34  }
0x14d: {  	v27 =	vmul.f32 v40, v5;
	v28 =	vmax.f32 v29, v28;
	v29 =	vadd.f32 v30, v31;
	v18 =	vmovc v33  }
0x14e: {  	v31 =	vperm.xlane v38, v1;
	v30 =	vmax.f32 v34, v36;
	v28 =	vmul.f32 v28, v5  }
0x14f: {  	v32 =	vnsel vm0, $0x0, v32;
	v30 =	vmul.f32 v30, v5;
	v33 =	vperm.xlane v29, v4  }
0x150: {  	v34 =	vperm.xlane v35, v1;
	v36 =	vperm.xlane v37, v1;
	v31 =	vadd.f32 v38, v31;
	[tilespmem:s10+$0xFFFFFF90] =	vst v32  }
0x151: {  	v38 =	vperm.xlane v27, v1;
	v32 =	vperm.xlane v30, v1;
	v29 =	vadd.f32 v29, v33  }
0x152: {  	v33 =	vadd.f32 v35, v34;
	v34 =	vadd.f32 v37, v36;
	v35 =	vperm.xlane v28, v1  }
0x153: {  	v27 =	vadd.f32 v27, v38;
	v30 =	vadd.f32 v30, v32;
	v29 =	vmul.f32 $1.442695020e+00, v29  }
0x154: {  	v36 =	vperm.xlane v31, v2;
	v32 =	vperm.xlane v26, v2;
	v28 =	vadd.f32 v28, v35  }
0x155: {  	v35 =	vperm.xlane v30, v2;
	(erf) = vpow2.f32 v29;
	v29 =	vnsel vm0, $0x0, v24  }
0x156: {  	v37 =	vperm.xlane v34, v2;
	v26 =	vadd.f32 v26, v32;
	v32 =	vperm.xlane v33, v2;
	[tilespmem:s10+$0xFFFFFFB0] =	vst v29  }
0x157: {  	v29 =	vadd.f32 v30, v35;
	v30 =	vperm.xlane v27, v2;
	v35 =	vperm.xlane v28, v2  }
0x158: {  	v31 =	vadd.f32 v31, v36;
	v38 =	vperm.xlane v26, v3;
	v32 =	vadd.f32 v33, v32  }
0x159: {  	v34 =	vadd.f32 v34, v37;
	v33 =	vperm.xlane v29, v3;
	v27 =	vadd.f32 v27, v30  }
0x15a: {  	v30 =	vperm.xlane v31, v3;
	v36 =	vperm.xlane v32, v3;
	v35 =	vadd.f32 v28, v35  }
0x15b: {  	v28 =	vperm.xlane v34, v3;
	v33 =	vadd.f32 v29, v33;
	v37 =	vperm.xlane v27, v3  }
.Ltmp2:
0x15c: {  	v38 =	vadd.f32 v26, v38;
	v31 =	vadd.f32 v31, v30;
	v40 =	vperm.xlane v35, v3;
	(pc) =	sbr.rel @p0 .LBB2_7-.Ltmp2, $4  }
0x15d: {  	v29 =	vadd.f32 v32, v36;
	v30 =	vadd.f32 v34, v28;
	v39 =	vperm.xlane v33, v4  }
0x15e: {  	v32 =	vperm.xlane v38, v4;
	v28 =	vadd.f32 v27, v37;
	v27 =	vadd.f32 v35, v40;
	v26 =	vpop (erf)  }
0x15f: {  	v37 =	vperm.xlane v31, v4;
	v33 =	vadd.f32 v33, v39;
	v34 =	vmul.f32 v26, v25  }
0x160: {  	s20 =	sadd.s32 $0x80, s20;
	s10 =	sadd.s32 $0x100, s10;
	v32 =	vadd.f32 v38, v32;
	v35 =	vperm.xlane v29, v4;
	v36 =	vperm.xlane v30, v4  }
0x161: {  	v25 =	vadd.f32 v31, v37  }
0x162: {  	v31 =	vperm.xlane v28, v4;
	v33 =	vmul.f32 $1.442695020e+00, v33;
	v43 =	vnsel vm0, $0x0, v23  }
0x163: {  	[tilespmem:s10+$0x60] =	vst v34;
	v44 =	vnsel vm0, $0x0, v21;
	v9 =	vmul.f32 v24, v9;
	v8 =	vmul.f32 v23, v8  }
0x164: {  	v45 =	vnsel vm0, $0x0, v22;
	v7 =	vmul.f32 v21, v7;
	[tilespmem:s11+$0xFFFFFFD0] =	vst v43;
	(erf) = vpow2.f32 v33  }
0x165: {  	v10 =	vmul.f32 v22, v10;
	v29 =	vadd.f32 v29, v35;
	v32 =	vmul.f32 $1.442695020e+00, v32;
	[tilespmem:s11+$0xFFFFFFF0] =	vst v44  }
0x166: {  	v6 =	vmul.f32 v20, v6;
	v30 =	vadd.f32 v30, v36;
	[tilespmem:s11+$0x10] =	vst v45;
	v25 =	vmul.f32 $1.442695020e+00, v25  }
0x167: {  	[tilespmem:s11+$0xFFFFFFA0] =	vst v9;
	v9 =	vnsel vm0, $0x0, v20;
	v24 =	vmul.f32 $1.442695020e+00, v29;
	(erf) = vpow2.f32 v32  }
0x168: {  	[tilespmem:s11+$0xFFFFFFC0] =	vst v8;
	v8 =	vadd.f32 v28, v31;
	v23 =	vmul.f32 $1.442695020e+00, v30;
	(erf) = vpow2.f32 v25  }
0x169: {  	[tilespmem:s11+$0x30] =	vst v9;
	v9 =	vperm.xlane v27, v4;
	(erf) = vpow2.f32 v24  }
0x16a: {  	[tilespmem:s11+$0xFFFFFFE0] =	vst v7;
	v7 =	vmul.f32 $1.442695020e+00, v8;
	v8 =	vnsel vm0, $0x0, v19;
	(erf) = vpow2.f32 v23  }
0x16b: {  	[tilespmem:s11+$0x0] =	vst v10  }
0x16c: {  	[tilespmem:s11+$0x20] =	vst v6;
	v6 =	vmul.f32 v19, v11;
	v9 =	vadd.f32 v27, v9  }
0x16d: {  	[tilespmem:s11+$0x50] =	vst v8;
	(erf) = vpow2.f32 v7;
	v7 =	vnsel vm0, $0x0, v26;
	v8 =	vpop (erf)  }
0x16e: {  	v9 =	vmul.f32 $1.442695020e+00, v9;
	[tilespmem:s10+$0x70] =	vst v7;
	v7 =	vmul.f32 v8, v18  }
0x16f: {  	[tilespmem:s11+$0x40] =	vst v6  }
0x170: {  	v6 =	vpop (erf);
	[tilespmem:s10+$0xFFFFFF80] =	vst v7;
	v7 =	vnsel vm0, $0x0, v8  }
0x171: {  	(erf) = vpow2.f32 v9;
	v8 =	vpop (erf);
	[tilespmem:s10+$0xFFFFFF90] =	vst v7;
	v7 =	vnsel vm0, $0x0, v6  }
0x172: {  	v9 =	vpop (erf);
	[tilespmem:s10+$0xFFFFFFB0] =	vst v7;
	v7 =	vnsel vm0, $0x0, v8  }
0x173: {  	v10 =	vpop (erf);
	[tilespmem:s10+$0xFFFFFFD0] =	vst v7;
	v7 =	vnsel vm0, $0x0, v9  }
0x174: {  	v6 =	vmul.f32 v6, v12;
	[tilespmem:s10+$0xFFFFFFF0] =	vst v7;
	v7 =	vnsel vm0, $0x0, v10  }
0x175: {  	[tilespmem:s10+$0x10] =	vst v7;
	v7 =	vmul.f32 v8, v14  }
0x176: {  	[tilespmem:s10+$0xFFFFFFA0] =	vst v6;
	v8 =	vpop (erf)  }
0x177: {  	v6 =	vnsel vm0, $0x0, v8;
	v8 =	vmul.f32 v8, v17;
	[tilespmem:s10+$0xFFFFFFC0] =	vst v7  }
0x178: {  	v7 =	vmul.f32 v9, v15;
	[tilespmem:s10+$0x30] =	vst v6  }
0x179: {  	v9 =	vmul.f32 v10, v16;
	[tilespmem:s10+$0x20] =	vst v8  }
0x17a: {  	v6 =	vpop (erf);
	[tilespmem:s10+$0xFFFFFFE0] =	vst v7  }
0x17b: {  	[tilespmem:s10+$0x0] =	vst v9;
	v7 =	vnsel vm0, $0x0, v6;
	v6 =	vmul.f32 v6, v13  }
0x17c: {  	[tilespmem:s10+$0x50] =	vst v7  }
0x17d: {  	[tilespmem:s10+$0x40] =	vst v6  }
0x17e: {  	_ =	swait.ge [sflag:s18], $0x800  }
0x17f: {  	[sflag:s18] =	ssyncset.done $0x0  }
0x180: {  	[sflag:s18] =	ssyncadd.s32 $0xFFFFF800  }
0x181: {  	_ =	swait.ge [sflag:s19], $0x800  }
0x182: {  	[sflag:s19] =	ssyncset.done $0x0  }
0x183: {  	[sflag:s19] =	ssyncadd.s32 $0xFFFFF800  }
0x184: {  	[tilespmem:s21], [sflag:$0x3] =	stream.indirect.gather [hbm4b:s1+s15], $0x10, s29, s15, $0xb8;
	[tilespmem:$0x10210] =	vst v63  }
0x185: {  	s12 =	simm.s32 $0x440  }
0x186: {  	[tilespmem:s23], [sflag:$0x4] =	stream.indirect.gather [hbm4b:s6+s15], $0x10, s30, s15, $0xb8;
	[tilespmem:$0x10210] =	vst v63  }
0x187: {  	s14 =	simm.s32 $0xC40;
	v12 =	vld [tilespmem:s12+$0x30]  }
0x188: {  	v6 =	vld [tilespmem:s14+$0x30]  }
0x189: {  	v13 =	vld [tilespmem:s14+$0xFFFFFFC0]  }
0x18a: {  	v9 =	vld [tilespmem:s12+$0xFFFFFFD0]  }
0x18b: {  	v11 =	vld [tilespmem:s14+$0xFFFFFFD0]  }
0x18c: {  	v8 =	vld [tilespmem:s12+$0xFFFFFFE0]  }
0x18d: {  	v14 =	vld [tilespmem:s14+$0xFFFFFFE0]  }
0x18e: {  	v7 =	vld [tilespmem:s12+$0xFFFFFFF0]  }
0x18f: {  	v15 =	vld [tilespmem:s14+$0xFFFFFFF0];
	v6 =	vadd.f32 v6, v12  }
0x190: {  	v10 =	vld [tilespmem:s12+$0x0]  }
0x191: {  	v17 =	vld [tilespmem:s14+$0x0];
	v18 =	vadd.f32 v11, v9;
	v16 =	vmul.f32 $2.000000030e-01, v6  }
0x192: {  	v20 =	vld [tilespmem:s14+$0x10]  }
0x193: {  	v23 =	vld [tilespmem:s14+$0x20];
	v19 =	vmul.f32 $2.000000030e-01, v18;
	v16 =	vmax.f32 v6, v16  }
0x194: {  	v14 =	vadd.f32 v14, v8;
	v6 =	vld [tilespmem:s12+$0x10];
	v16 =	vmul.f32 v16, v5  }
0x195: {  	v18 =	vmax.f32 v18, v19;
	v19 =	vld [tilespmem:s12+$0xFFFFFFC0]  }
0x196: {  	v11 =	vld [tilespmem:s12+$0x20];
	v22 =	vmul.f32 $2.000000030e-01, v14;
	v21 =	vperm.xlane v16, v1  }
0x197: {  	v15 =	vadd.f32 v15, v7;
	v17 =	vadd.f32 v17, v10  }
0x198: {  	v14 =	vmax.f32 v14, v22;
	v16 =	vadd.f32 v16, v21  }
0x199: {  	v22 =	vmul.f32 $2.000000030e-01, v17;
	v21 =	vmul.f32 $2.000000030e-01, v15;
	v20 =	vadd.f32 v20, v6  }
0x19a: {  	v18 =	vmul.f32 v18, v5;
	v13 =	vadd.f32 v13, v19;
	v24 =	vperm.xlane v16, v2  }
0x19b: {  	v15 =	vmax.f32 v15, v21;
	v21 =	vadd.f32 v23, v11;
	v23 =	vmul.f32 $2.000000030e-01, v20  }
0x19c: {  	v14 =	vmul.f32 v14, v5;
	v17 =	vmax.f32 v17, v22;
	v25 =	vperm.xlane v18, v1  }
0x19d: {  	v16 =	vadd.f32 v16, v24;
	v20 =	vmax.f32 v20, v23;
	v23 =	vmul.f32 $2.000000030e-01, v13  }
0x19e: {  	v17 =	vmul.f32 v17, v5;
	v18 =	vadd.f32 v18, v25;
	v22 =	vmul.f32 $2.000000030e-01, v21  }
0x19f: {  	v15 =	vmul.f32 v15, v5;
	v24 =	vperm.xlane v16, v3;
	v13 =	vmax.f32 v13, v23  }
0x1a0: {  	v21 =	vmax.f32 v21, v22;
	v22 =	vperm.xlane v14, v1;
	v13 =	vmul.f32 v13, v5  }
0x1a1: {  	v25 =	vperm.xlane v17, v1;
	v21 =	vmul.f32 v21, v5;
	v16 =	vadd.f32 v16, v24  }
0x1a2: {  	v24 =	vperm.xlane v15, v1;
	v14 =	vadd.f32 v14, v22;
	v22 =	vperm.xlane v13, v1  }
0x1a3: {  	v20 =	vmul.f32 v20, v5;
	v23 =	vperm.xlane v16, v4  }
0x1a4: {  	v15 =	vadd.f32 v15, v24;
	v24 =	vperm.xlane v21, v1;
	v13 =	vadd.f32 v13, v22  }
0x1a5: {  	v16 =	vadd.f32 v16, v23;
	v23 =	vperm.xlane v20, v1  }
0x1a6: {  	v17 =	vadd.f32 v17, v25;
	v21 =	vadd.f32 v21, v24;
	v24 =	vperm.xlane v13, v2  }
0x1a7: {  	v22 =	vperm.xlane v18, v2;
	v16 =	vmul.f32 $1.442695020e+00, v16;
	v20 =	vadd.f32 v20, v23  }
0x1a8: {  	v23 =	vperm.xlane v14, v2;
	v25 =	vperm.xlane v21, v2;
	v13 =	vadd.f32 v13, v24  }
0x1a9: {  	(erf) = vpow2.f32 v16;
	v16 =	vadd.f32 v18, v22;
	v18 =	vperm.xlane v15, v2  }
0x1aa: {  	v22 =	vperm.xlane v17, v2;
	v24 =	vperm.xlane v20, v2;
	v14 =	vadd.f32 v14, v23  }
0x1ab: {  	v21 =	vadd.f32 v21, v25;
	v15 =	vadd.f32 v15, v18;
	v18 =	vperm.xlane v13, v3  }
0x1ac: {  	v26 =	vperm.xlane v16, v3;
	v17 =	vadd.f32 v17, v22;
	v20 =	vadd.f32 v20, v24  }
0x1ad: {  	v22 =	vperm.xlane v14, v3;
	v23 =	vperm.xlane v15, v3;
	v13 =	vadd.f32 v13, v18  }
0x1ae: {  	v18 =	vperm.xlane v17, v3;
	v24 =	vperm.xlane v20, v3;
	v16 =	vadd.f32 v16, v26  }
0x1af: {  	v14 =	vadd.f32 v14, v22;
	v22 =	vperm.xlane v21, v3;
	v26 =	vperm.xlane v13, v4  }
0x1b0: {  	s20 =	simm.s32 $0x4C0;
	v15 =	vadd.f32 v15, v23;
	v17 =	vadd.f32 v17, v18;
	v18 =	vperm.xlane v16, v4  }
0x1b1: {  	s12 =	simm.s32 $0xCC0;
	v25 =	vld [tilespmem:s20+$0x30];
	v20 =	vadd.f32 v20, v24;
	v21 =	vadd.f32 v21, v22;
	v23 =	vperm.xlane v14, v4  }
0x1b2: {  	v24 =	vld [tilespmem:s12+$0x30];
	v13 =	vadd.f32 v13, v26;
	v16 =	vadd.f32 v16, v18;
	v18 =	vperm.xlane v15, v4  }
0x1b3: {  	v27 =	vperm.xlane v17, v4;
	v14 =	vadd.f32 v14, v23;
	v23 =	vperm.xlane v20, v4;
	v22 =	vpop (erf)  }
0x1b4: {  	v29 =	vperm.xlane v21, v4;
	v26 =	vmul.f32 v22, v12;
	v12 =	vld [tilespmem:s20+$0xFFFFFFD0]  }
0x1b5: {  	v13 =	vmul.f32 $1.442695020e+00, v13;
	v15 =	vadd.f32 v15, v18;
	v17 =	vadd.f32 v17, v27;
	v18 =	vld [tilespmem:s12+$0xFFFFFFD0]  }
0x1b6: {  	v16 =	vmul.f32 $1.442695020e+00, v16;
	v20 =	vadd.f32 v20, v23;
	v23 =	vmul.f32 $1.442695020e+00, v14;
	v14 =	vld [tilespmem:s20+$0xFFFFFFE0]  }
0x1b7: {  	v21 =	vadd.f32 v21, v29;
	v29 =	vld [tilespmem:s12+$0xFFFFFFF0];
	v24 =	vadd.f32 v24, v25;
	v27 =	vmul.f32 $1.442695020e+00, v15  }
0x1b8: {  	(erf) = vpow2.f32 v13;
	v13 =	vld [tilespmem:s12+$0xFFFFFFE0];
	v17 =	vmul.f32 $1.442695020e+00, v17  }
0x1b9: {  	v15 =	vld [tilespmem:s20+$0xFFFFFFF0];
	(erf) = vpow2.f32 v16;
	v30 =	vmul.f32 $2.000000030e-01, v24  }
0x1ba: {  	v20 =	vmul.f32 $1.442695020e+00, v20;
	v16 =	vld [tilespmem:s20+$0x0];
	(erf) = vpow2.f32 v23  }
0x1bb: {  	v23 =	vld [tilespmem:s12+$0x0];
	(erf) = vpow2.f32 v27;
	v18 =	vadd.f32 v18, v12;
	v24 =	vmax.f32 v24, v30  }
0x1bc: {  	v30 =	vld [tilespmem:s12+$0x10];
	(erf) = vpow2.f32 v17;
	v24 =	vmul.f32 v24, v5  }
0x1bd: {  	v17 =	vld [tilespmem:s20+$0x10];
	(erf) = vpow2.f32 v20;
	v20 =	vmul.f32 $2.000000030e-01, v18  }
0x1be: {  	v28 =	vld [tilespmem:s12+$0xFFFFFFC0];
	v46 =	vnsel vm0, $0x0, v22;
	v21 =	vmul.f32 $1.442695020e+00, v21;
	v27 =	vadd.f32 v13, v14  }
0x1bf: {  	v22 =	vadd.f32 v29, v15;
	v29 =	vperm.xlane v24, v1;
	v20 =	vmax.f32 v18, v20;
	v18 =	vld [tilespmem:s20+$0xFFFFFFC0]  }
0x1c0: {  	v31 =	vld [tilespmem:s12+$0x20];
	(erf) = vpow2.f32 v21;
	v21 =	vmul.f32 $2.000000030e-01, v27  }
0x1c1: {  	v13 =	vld [tilespmem:s20+$0x20];
	v48 =	vmul.f32 $2.000000030e-01, v22;
	v23 =	vadd.f32 v23, v16;
	v24 =	vadd.f32 v24, v29  }
0x1c2: {  	v20 =	vmul.f32 v20, v5;
	v47 =	vpop (erf);
	v21 =	vmax.f32 v27, v21;
	v29 =	vadd.f32 v30, v17  }
0x1c3: {  	v22 =	vmax.f32 v22, v48;
	v27 =	vmul.f32 v47, v19;
	v30 =	vperm.xlane v24, v2  }
0x1c4: {  	v19 =	vmul.f32 $2.000000030e-01, v23;
	v49 =	vperm.xlane v20, v1;
	v28 =	vadd.f32 v28, v18  }
0x1c5: {  	v21 =	vmul.f32 v21, v5;
	v50 =	vmul.f32 $2.000000030e-01, v29;
	v24 =	vadd.f32 v24, v30  }
0x1c6: {  	v22 =	vmul.f32 v22, v5;
	v30 =	vadd.f32 v31, v13;
	v31 =	vmul.f32 $2.000000030e-01, v28  }
0x1c7: {  	v19 =	vmax.f32 v23, v19;
	v23 =	vmax.f32 v29, v50;
	v29 =	vperm.xlane v24, v3  }
0x1c8: {  	v19 =	vmul.f32 v19, v5;
	v51 =	vmul.f32 $2.000000030e-01, v30;
	v28 =	vmax.f32 v28, v31  }
0x1c9: {  	v23 =	vmul.f32 v23, v5;
	v24 =	vadd.f32 v24, v29;
	v28 =	vmul.f32 v28, v5  }
0x1ca: {  	v53 =	vperm.xlane v19, v1;
	v29 =	vmax.f32 v30, v51;
	v30 =	vperm.xlane v21, v1  }
0x1cb: {  	v20 =	vadd.f32 v20, v49;
	v31 =	vperm.xlane v24, v4;
	v52 =	vperm.xlane v28, v1  }
0x1cc: {  	v29 =	vmul.f32 v29, v5;
	v21 =	vadd.f32 v21, v30;
	v30 =	vperm.xlane v22, v1  }
0x1cd: {  	v54 =	vperm.xlane v23, v1;
	v24 =	vadd.f32 v24, v31;
	v28 =	vadd.f32 v28, v52  }
0x1ce: {  	v19 =	vadd.f32 v19, v53;
	v22 =	vadd.f32 v22, v30;
	v30 =	vperm.xlane v29, v1  }
0x1cf: {  	v55 =	vadd.f32 v23, v54;
	v24 =	vmul.f32 $1.442695020e+00, v24;
	v56 =	vperm.xlane v28, v2  }
0x1d0: {  	v31 =	vperm.xlane v20, v2;
	v23 =	vperm.xlane v21, v2;
	v29 =	vadd.f32 v29, v30  }
0x1d1: {  	v30 =	vperm.xlane v22, v2;
	(erf) = vpow2.f32 v24;
	v28 =	vadd.f32 v28, v56  }
0x1d2: {  	v20 =	vadd.f32 v20, v31;
	v31 =	vperm.xlane v19, v2;
	v58 =	vperm.xlane v29, v2  }
0x1d3: {  	v59 =	vadd.f32 v21, v23;
	v30 =	vadd.f32 v22, v30;
	v22 =	vperm.xlane v28, v3  }
0x1d4: {  	v57 =	vperm.xlane v55, v2;
	v38 =	vperm.xlane v20, v3;
	v24 =	vpop (erf);
	v36 =	vadd.f32 v29, v58  }
0x1d5: {  	s11 =	simm.s32 $0x4480;
	v33 =	vnsel vm0, $0x0, v47;
	v39 =	vadd.f32 v19, v31;
	v19 =	vperm.xlane v59, v3;
	v23 =	vpop (erf)  }
0x1d6: {  	[tilespmem:s11+$0x60] =	vst v26;
	v34 =	vadd.f32 v55, v57;
	v38 =	vadd.f32 v20, v38;
	v21 =	vpop (erf);
	v26 =	vperm.xlane v36, v3  }
0x1d7: {  	v60 =	vperm.xlane v30, v3;
	v31 =	vadd.f32 v59, v19;
	v40 =	vadd.f32 v28, v22;
	v22 =	vpop (erf)  }
0x1d8: {  	v41 =	vperm.xlane v34, v3;
	v61 =	vnsel vm0, $0x0, v24;
	v28 =	vperm.xlane v39, v3;
	v20 =	vpop (erf)  }
0x1d9: {  	[tilespmem:s11+$0x70] =	vst v46;
	v29 =	vadd.f32 v30, v60;
	v63 =	vperm.xlane v38, v4;
	v37 =	vperm.xlane v31, v4;
	v19 =	vpop (erf)  }
0x1da: {  	[tilespmem:s11+$0xFFFFFF80] =	vst v27;
	v27 =	vadd.f32 v36, v26;
	v30 =	vadd.f32 v39, v28;
	v62 =	vperm.xlane v40, v4;
	v26 =	vpop (erf)  }
0x1db: {  	[tilespmem:s11+$0xFFFFFF90] =	vst v33;
	v32 =	vadd.f32 v38, v63;
	v28 =	vadd.f32 v34, v41;
	v34 =	vmul.f32 v26, v25  }
0x1dc: {  	s10 =	simm.s32 $0x4580;
	s14 =	simm.s32 $0x8;
	s20 =	simm.s32 $0x540;
	[tilespmem:s11+$0xFFFFFFB0] =	vst v61;
	v35 =	vperm.xlane v29, v4;
	v33 =	vadd.f32 v40, v62;
	v36 =	vperm.xlane v30, v4  }
.LBB2_9:
0x1dd: {  	v25 =	vld [tilespmem:s20+$0x30];
	v31 =	vadd.f32 v31, v37;
	v37 =	vperm.xlane v28, v4;
	v38 =	vperm.xlane v27, v4;
	[tilespmem:s10+$0x60] =	vst v34;
	s12 =	sadd.s32 $0x80, s12  }
0x1de: {  	s14 =	sadd.s32 $0x8, s14;
	v33 =	vmul.f32 $1.442695020e+00, v33;
	v34 =	vld [tilespmem:s12+$0x30];
	v29 =	vadd.f32 v29, v35;
	v30 =	vadd.f32 v30, v36  }
0x1df: {  	p0 =	slt.u32 s14, $0x78;
	v32 =	vmul.f32 $1.442695020e+00, v32;
	v35 =	vld [tilespmem:s12+$0xFFFFFFC0];
	v28 =	vadd.f32 v28, v37;
	v27 =	vadd.f32 v27, v38  }
0x1e0: {  	v31 =	vmul.f32 $1.442695020e+00, v31;
	v37 =	vnsel vm0, $0x0, v23;
	v36 =	vld [tilespmem:s20+$0xFFFFFFD0];
	v29 =	vmul.f32 $1.442695020e+00, v29  }
0x1e1: {  	v30 =	vmul.f32 $1.442695020e+00, v30;
	v38 =	vld [tilespmem:s12+$0xFFFFFFD0];
	v28 =	vmul.f32 $1.442695020e+00, v28;
	[tilespmem:s11+$0xFFFFFFD0] =	vst v37;
	v37 =	vnsel vm0, $0x0, v21  }
0x1e2: {  	v27 =	vmul.f32 $1.442695020e+00, v27;
	v39 =	vld [tilespmem:s20+$0xFFFFFFE0];
	(erf) = vpow2.f32 v33;
	[tilespmem:s11+$0xFFFFFFF0] =	vst v37;
	v33 =	vnsel vm0, $0x0, v22  }
0x1e3: {  	v24 =	vmul.f32 v24, v9;
	v9 =	vmovc v12;
	v37 =	vld [tilespmem:s12+$0xFFFFFFE0];
	v34 =	vadd.f32 v34, v25;
	(erf) = vpow2.f32 v32;
	[tilespmem:s11+$0x10] =	vst v33  }
0x1e4: {  	v23 =	vmul.f32 v23, v8;
	v8 =	vmovc v14;
	v32 =	vld [tilespmem:s20+$0xFFFFFFF0];
	(erf) = vpow2.f32 v31;
	v31 =	vnsel vm0, $0x0, v20  }
0x1e5: {  	v33 =	vld [tilespmem:s12+$0xFFFFFFF0];
	v40 =	vmul.f32 $2.000000030e-01, v34;
	(erf) = vpow2.f32 v29;
	[tilespmem:s11+$0xFFFFFFA0] =	vst v24;
	v24 =	vnsel vm0, $0x0, v19;
	v12 =	vmovc v36  }
0x1e6: {  	v21 =	vmul.f32 v21, v7;
	v7 =	vmovc v15;
	v29 =	vadd.f32 v38, v12;
	v36 =	vld [tilespmem:s20+$0x0];
	(erf) = vpow2.f32 v30;
	[tilespmem:s11+$0xFFFFFFC0] =	vst v23  }
0x1e7: {  	v22 =	vmul.f32 v22, v10;
	v23 =	vld [tilespmem:s12+$0x0];
	v38 =	vmax.f32 v34, v40;
	(erf) = vpow2.f32 v28;
	[tilespmem:s11+$0x30] =	vst v31;
	v14 =	vmovc v39  }
0x1e8: {  	v10 =	vmovc v16;
	v28 =	vmul.f32 $2.000000030e-01, v29;
	v30 =	vadd.f32 v37, v14;
	v31 =	vld [tilespmem:s20+$0x10];
	v34 =	vmul.f32 v38, v5;
	[tilespmem:s11+$0xFFFFFFE0] =	vst v21  }
0x1e9: {  	v26 =	vnsel vm0, $0x0, v26;
	v37 =	vmul.f32 v20, v6;
	v6 =	vmovc v17;
	v21 =	vld [tilespmem:s12+$0x10];
	(erf) = vpow2.f32 v27;
	[tilespmem:s11+$0x0] =	vst v22;
	v15 =	vmovc v32  }
0x1ea: {  	v17 =	vmul.f32 $2.000000030e-01, v30;
	v20 =	vadd.f32 v33, v15;
	v27 =	vld [tilespmem:s20+$0x20];
	v22 =	vperm.xlane v34, v1;
	[tilespmem:s11+$0x50] =	vst v24  }
0x1eb: {  	v11 =	vmul.f32 v19, v11;
	v28 =	vmax.f32 v29, v28;
	v29 =	vld [tilespmem:s12+$0x20];
	v32 =	vpop (erf);
	[tilespmem:s11+$0x20] =	vst v37;
	v16 =	vmov v36  }
0x1ec: {  	v33 =	vld [tilespmem:s20+$0xFFFFFFC0];
	v19 =	vmul.f32 $2.000000030e-01, v20;
	v36 =	vadd.f32 v23, v16;
	v34 =	vadd.f32 v34, v22;
	[tilespmem:s10+$0x70] =	vst v26;
	v24 =	vpop (erf)  }
0x1ed: {  	v26 =	vmul.f32 v28, v5;
	v17 =	vmax.f32 v30, v17;
	v18 =	vmul.f32 v32, v18;
	v23 =	vpop (erf);
	[tilespmem:s11+$0x40] =	vst v11;
	s11 =	smov.u32 s10  }
0x1ee: {  	v11 =	vmul.f32 $2.000000030e-01, v36;
	v28 =	vadd.f32 v21, v31;
	v30 =	vperm.xlane v34, v2;
	v21 =	vpop (erf)  }
0x1ef: {  	v38 =	vmul.f32 v17, v5;
	v37 =	vperm.xlane v26, v1;
	v19 =	vmax.f32 v20, v19;
	[tilespmem:s10+$0xFFFFFF80] =	vst v18;
	v22 =	vpop (erf)  }
0x1f0: {  	v18 =	vmul.f32 $2.000000030e-01, v28;
	v29 =	vadd.f32 v29, v27;
	v30 =	vadd.f32 v34, v30;
	v20 =	vpop (erf)  }
0x1f1: {  	v17 =	vmovc v31;
	v39 =	vmax.f32 v36, v11;
	v34 =	vadd.f32 v35, v33;
	v35 =	vmul.f32 v19, v5  }
0x1f2: {  	v40 =	vmax.f32 v28, v18;
	v28 =	vmul.f32 $2.000000030e-01, v29;
	v31 =	vperm.xlane v30, v3;
	v19 =	vpop (erf)  }
0x1f3: {  	v26 =	vadd.f32 v26, v37;
	v37 =	vmul.f32 v39, v5;
	v11 =	vmovc v13;
	v13 =	vmovc v27;
	v36 =	vmul.f32 $2.000000030e-01, v34  }
0x1f4: {  	v27 =	vmul.f32 v40, v5;
	v28 =	vmax.f32 v29, v28;
	v29 =	vadd.f32 v30, v31;
	v18 =	vmovc v33  }
0x1f5: {  	v31 =	vperm.xlane v38, v1;
	v30 =	vmax.f32 v34, v36;
	v28 =	vmul.f32 v28, v5  }
0x1f6: {  	v32 =	vnsel vm0, $0x0, v32;
	v30 =	vmul.f32 v30, v5;
	v33 =	vperm.xlane v29, v4  }
0x1f7: {  	v34 =	vperm.xlane v35, v1;
	v36 =	vperm.xlane v37, v1;
	v31 =	vadd.f32 v38, v31;
	[tilespmem:s10+$0xFFFFFF90] =	vst v32  }
0x1f8: {  	v38 =	vperm.xlane v27, v1;
	v32 =	vperm.xlane v30, v1;
	v29 =	vadd.f32 v29, v33  }
0x1f9: {  	v33 =	vadd.f32 v35, v34;
	v34 =	vadd.f32 v37, v36;
	v35 =	vperm.xlane v28, v1  }
0x1fa: {  	v27 =	vadd.f32 v27, v38;
	v30 =	vadd.f32 v30, v32;
	v29 =	vmul.f32 $1.442695020e+00, v29  }
0x1fb: {  	v36 =	vperm.xlane v31, v2;
	v32 =	vperm.xlane v26, v2;
	v28 =	vadd.f32 v28, v35  }
0x1fc: {  	v35 =	vperm.xlane v30, v2;
	(erf) = vpow2.f32 v29;
	v29 =	vnsel vm0, $0x0, v24  }
0x1fd: {  	v37 =	vperm.xlane v34, v2;
	v26 =	vadd.f32 v26, v32;
	v32 =	vperm.xlane v33, v2;
	[tilespmem:s10+$0xFFFFFFB0] =	vst v29  }
0x1fe: {  	v29 =	vadd.f32 v30, v35;
	v30 =	vperm.xlane v27, v2;
	v35 =	vperm.xlane v28, v2  }
0x1ff: {  	v31 =	vadd.f32 v31, v36;
	v38 =	vperm.xlane v26, v3;
	v32 =	vadd.f32 v33, v32  }
0x200: {  	v34 =	vadd.f32 v34, v37;
	v33 =	vperm.xlane v29, v3;
	v27 =	vadd.f32 v27, v30  }
0x201: {  	v30 =	vperm.xlane v31, v3;
	v36 =	vperm.xlane v32, v3;
	v35 =	vadd.f32 v28, v35  }
0x202: {  	v28 =	vperm.xlane v34, v3;
	v33 =	vadd.f32 v29, v33;
	v37 =	vperm.xlane v27, v3  }
.Ltmp3:
0x203: {  	v38 =	vadd.f32 v26, v38;
	v31 =	vadd.f32 v31, v30;
	v40 =	vperm.xlane v35, v3;
	(pc) =	sbr.rel @p0 .LBB2_9-.Ltmp3, $4  }
0x204: {  	v29 =	vadd.f32 v32, v36;
	v30 =	vadd.f32 v34, v28;
	v39 =	vperm.xlane v33, v4  }
0x205: {  	v32 =	vperm.xlane v38, v4;
	v28 =	vadd.f32 v27, v37;
	v27 =	vadd.f32 v35, v40;
	v26 =	vpop (erf)  }
0x206: {  	v37 =	vperm.xlane v31, v4;
	v33 =	vadd.f32 v33, v39;
	v34 =	vmul.f32 v26, v25  }
0x207: {  	s20 =	sadd.s32 $0x80, s20;
	s10 =	sadd.s32 $0x100, s10;
	v32 =	vadd.f32 v38, v32;
	v35 =	vperm.xlane v29, v4;
	v36 =	vperm.xlane v30, v4  }
0x208: {  	v25 =	vadd.f32 v31, v37  }
0x209: {  	v31 =	vperm.xlane v28, v4;
	v33 =	vmul.f32 $1.442695020e+00, v33;
	v43 =	vnsel vm0, $0x0, v23  }
0x20a: {  	[tilespmem:s10+$0x60] =	vst v34;
	v44 =	vnsel vm0, $0x0, v21;
	v9 =	vmul.f32 v24, v9;
	v8 =	vmul.f32 v23, v8  }
0x20b: {  	v45 =	vnsel vm0, $0x0, v22;
	v7 =	vmul.f32 v21, v7;
	[tilespmem:s11+$0xFFFFFFD0] =	vst v43;
	(erf) = vpow2.f32 v33  }
0x20c: {  	v10 =	vmul.f32 v22, v10;
	v29 =	vadd.f32 v29, v35;
	v32 =	vmul.f32 $1.442695020e+00, v32;
	[tilespmem:s11+$0xFFFFFFF0] =	vst v44  }
0x20d: {  	v6 =	vmul.f32 v20, v6;
	v30 =	vadd.f32 v30, v36;
	[tilespmem:s11+$0x10] =	vst v45;
	v25 =	vmul.f32 $1.442695020e+00, v25  }
0x20e: {  	[tilespmem:s11+$0xFFFFFFA0] =	vst v9;
	v9 =	vnsel vm0, $0x0, v20;
	v24 =	vmul.f32 $1.442695020e+00, v29;
	(erf) = vpow2.f32 v32  }
0x20f: {  	[tilespmem:s11+$0xFFFFFFC0] =	vst v8;
	v8 =	vadd.f32 v28, v31;
	v23 =	vmul.f32 $1.442695020e+00, v30;
	(erf) = vpow2.f32 v25  }
0x210: {  	[tilespmem:s11+$0x30] =	vst v9;
	v9 =	vperm.xlane v27, v4;
	(erf) = vpow2.f32 v24  }
0x211: {  	[tilespmem:s11+$0xFFFFFFE0] =	vst v7;
	v7 =	vmul.f32 $1.442695020e+00, v8;
	v8 =	vnsel vm0, $0x0, v19;
	(erf) = vpow2.f32 v23  }
0x212: {  	[tilespmem:s11+$0x0] =	vst v10  }
0x213: {  	[tilespmem:s11+$0x20] =	vst v6;
	v6 =	vmul.f32 v19, v11;
	v9 =	vadd.f32 v27, v9  }
0x214: {  	[tilespmem:s11+$0x50] =	vst v8;
	(erf) = vpow2.f32 v7;
	v7 =	vnsel vm0, $0x0, v26;
	v8 =	vpop (erf)  }
0x215: {  	v9 =	vmul.f32 $1.442695020e+00, v9;
	[tilespmem:s10+$0x70] =	vst v7;
	v7 =	vmul.f32 v8, v18  }
0x216: {  	[tilespmem:s11+$0x40] =	vst v6  }
0x217: {  	v6 =	vpop (erf);
	[tilespmem:s10+$0xFFFFFF80] =	vst v7;
	v7 =	vnsel vm0, $0x0, v8  }
0x218: {  	(erf) = vpow2.f32 v9;
	v8 =	vpop (erf);
	[tilespmem:s10+$0xFFFFFF90] =	vst v7;
	v7 =	vnsel vm0, $0x0, v6  }
0x219: {  	v9 =	vpop (erf);
	[tilespmem:s10+$0xFFFFFFB0] =	vst v7;
	v7 =	vnsel vm0, $0x0, v8  }
0x21a: {  	v10 =	vpop (erf);
	[tilespmem:s10+$0xFFFFFFD0] =	vst v7;
	v7 =	vnsel vm0, $0x0, v9  }
0x21b: {  	v6 =	vmul.f32 v6, v12;
	[tilespmem:s10+$0xFFFFFFF0] =	vst v7;
	v7 =	vnsel vm0, $0x0, v10  }
0x21c: {  	[tilespmem:s10+$0x10] =	vst v7;
	v7 =	vmul.f32 v8, v14  }
0x21d: {  	[tilespmem:s10+$0xFFFFFFA0] =	vst v6;
	v8 =	vpop (erf)  }
0x21e: {  	v6 =	vnsel vm0, $0x0, v8;
	v8 =	vmul.f32 v8, v17;
	[tilespmem:s10+$0xFFFFFFC0] =	vst v7  }
0x21f: {  	v7 =	vmul.f32 v9, v15;
	[tilespmem:s10+$0x30] =	vst v6  }
0x220: {  	v9 =	vmul.f32 v10, v16;
	[tilespmem:s10+$0x20] =	vst v8  }
0x221: {  	v6 =	vpop (erf);
	[tilespmem:s10+$0xFFFFFFE0] =	vst v7  }
0x222: {  	[tilespmem:s10+$0x0] =	vst v9;
	v7 =	vnsel vm0, $0x0, v6;
	v6 =	vmul.f32 v6, v13  }
0x223: {  	[tilespmem:s10+$0x50] =	vst v7  }
0x224: {  	[tilespmem:s10+$0x40] =	vst v6  }
0x225: {  	_ =	swait.ge [sflag:s24], $0x800  }
0x226: {  	[sflag:s24] =	ssyncset.done $0x0  }
0x227: {  	[sflag:s24] =	ssyncadd.s32 $0xFFFFF800  }
0x228: {  	_ =	swait.ge [sflag:s25], $0x800  }
0x229: {  	[sflag:s25] =	ssyncset.done $0x0  }
0x22a: {  	s12 =	simm.s32 $0x1440;
	[sflag:s25] =	ssyncadd.s32 $0xFFFFF800  }
0x22b: {  	s14 =	simm.s32 $0x1C40;
	v12 =	vld [tilespmem:s12+$0x30]  }
0x22c: {  	v6 =	vld [tilespmem:s14+$0x30]  }
0x22d: {  	v13 =	vld [tilespmem:s14+$0xFFFFFFC0]  }
0x22e: {  	v9 =	vld [tilespmem:s12+$0xFFFFFFD0]  }
0x22f: {  	v11 =	vld [tilespmem:s14+$0xFFFFFFD0]  }
0x230: {  	v8 =	vld [tilespmem:s12+$0xFFFFFFE0]  }
0x231: {  	v14 =	vld [tilespmem:s14+$0xFFFFFFE0]  }
0x232: {  	v7 =	vld [tilespmem:s12+$0xFFFFFFF0]  }
0x233: {  	v15 =	vld [tilespmem:s14+$0xFFFFFFF0];
	v6 =	vadd.f32 v6, v12  }
0x234: {  	v10 =	vld [tilespmem:s12+$0x0]  }
0x235: {  	v17 =	vld [tilespmem:s14+$0x0];
	v18 =	vadd.f32 v11, v9;
	v16 =	vmul.f32 $2.000000030e-01, v6  }
0x236: {  	v20 =	vld [tilespmem:s14+$0x10]  }
0x237: {  	v23 =	vld [tilespmem:s14+$0x20];
	v19 =	vmul.f32 $2.000000030e-01, v18;
	v16 =	vmax.f32 v6, v16  }
0x238: {  	v14 =	vadd.f32 v14, v8;
	v6 =	vld [tilespmem:s12+$0x10];
	v16 =	vmul.f32 v16, v5  }
0x239: {  	v18 =	vmax.f32 v18, v19;
	v19 =	vld [tilespmem:s12+$0xFFFFFFC0]  }
0x23a: {  	v11 =	vld [tilespmem:s12+$0x20];
	v22 =	vmul.f32 $2.000000030e-01, v14;
	v21 =	vperm.xlane v16, v1  }
0x23b: {  	v15 =	vadd.f32 v15, v7;
	v17 =	vadd.f32 v17, v10  }
0x23c: {  	v14 =	vmax.f32 v14, v22;
	v16 =	vadd.f32 v16, v21  }
0x23d: {  	v22 =	vmul.f32 $2.000000030e-01, v17;
	v21 =	vmul.f32 $2.000000030e-01, v15;
	v20 =	vadd.f32 v20, v6  }
0x23e: {  	v18 =	vmul.f32 v18, v5;
	v13 =	vadd.f32 v13, v19;
	v24 =	vperm.xlane v16, v2  }
0x23f: {  	v15 =	vmax.f32 v15, v21;
	v21 =	vadd.f32 v23, v11;
	v23 =	vmul.f32 $2.000000030e-01, v20  }
0x240: {  	v14 =	vmul.f32 v14, v5;
	v17 =	vmax.f32 v17, v22;
	v25 =	vperm.xlane v18, v1  }
0x241: {  	v16 =	vadd.f32 v16, v24;
	v20 =	vmax.f32 v20, v23;
	v23 =	vmul.f32 $2.000000030e-01, v13  }
0x242: {  	v17 =	vmul.f32 v17, v5;
	v18 =	vadd.f32 v18, v25;
	v22 =	vmul.f32 $2.000000030e-01, v21  }
0x243: {  	v15 =	vmul.f32 v15, v5;
	v24 =	vperm.xlane v16, v3;
	v13 =	vmax.f32 v13, v23  }
0x244: {  	v21 =	vmax.f32 v21, v22;
	v22 =	vperm.xlane v14, v1;
	v13 =	vmul.f32 v13, v5  }
0x245: {  	v25 =	vperm.xlane v17, v1;
	v21 =	vmul.f32 v21, v5;
	v16 =	vadd.f32 v16, v24  }
0x246: {  	v24 =	vperm.xlane v15, v1;
	v14 =	vadd.f32 v14, v22;
	v22 =	vperm.xlane v13, v1  }
0x247: {  	v20 =	vmul.f32 v20, v5;
	v23 =	vperm.xlane v16, v4  }
0x248: {  	v15 =	vadd.f32 v15, v24;
	v24 =	vperm.xlane v21, v1;
	v13 =	vadd.f32 v13, v22  }
0x249: {  	v16 =	vadd.f32 v16, v23;
	v23 =	vperm.xlane v20, v1  }
0x24a: {  	v17 =	vadd.f32 v17, v25;
	v21 =	vadd.f32 v21, v24;
	v24 =	vperm.xlane v13, v2  }
0x24b: {  	v22 =	vperm.xlane v18, v2;
	v16 =	vmul.f32 $1.442695020e+00, v16;
	v20 =	vadd.f32 v20, v23  }
0x24c: {  	v23 =	vperm.xlane v14, v2;
	v25 =	vperm.xlane v21, v2;
	v13 =	vadd.f32 v13, v24  }
0x24d: {  	(erf) = vpow2.f32 v16;
	v16 =	vadd.f32 v18, v22;
	v18 =	vperm.xlane v15, v2  }
0x24e: {  	v22 =	vperm.xlane v17, v2;
	v24 =	vperm.xlane v20, v2;
	v14 =	vadd.f32 v14, v23  }
0x24f: {  	v21 =	vadd.f32 v21, v25;
	v15 =	vadd.f32 v15, v18;
	v18 =	vperm.xlane v13, v3  }
0x250: {  	v26 =	vperm.xlane v16, v3;
	v17 =	vadd.f32 v17, v22;
	v20 =	vadd.f32 v20, v24  }
0x251: {  	v22 =	vperm.xlane v14, v3;
	v23 =	vperm.xlane v15, v3;
	v13 =	vadd.f32 v13, v18  }
0x252: {  	v18 =	vperm.xlane v17, v3;
	v24 =	vperm.xlane v20, v3;
	v16 =	vadd.f32 v16, v26  }
0x253: {  	v14 =	vadd.f32 v14, v22;
	v22 =	vperm.xlane v21, v3;
	v26 =	vperm.xlane v13, v4  }
0x254: {  	s20 =	simm.s32 $0x14C0;
	v15 =	vadd.f32 v15, v23;
	v17 =	vadd.f32 v17, v18;
	v18 =	vperm.xlane v16, v4  }
0x255: {  	s12 =	simm.s32 $0x1CC0;
	v25 =	vld [tilespmem:s20+$0x30];
	v20 =	vadd.f32 v20, v24;
	v21 =	vadd.f32 v21, v22;
	v23 =	vperm.xlane v14, v4  }
0x256: {  	v24 =	vld [tilespmem:s12+$0x30];
	v13 =	vadd.f32 v13, v26;
	v16 =	vadd.f32 v16, v18;
	v18 =	vperm.xlane v15, v4  }
0x257: {  	v27 =	vperm.xlane v17, v4;
	v14 =	vadd.f32 v14, v23;
	v23 =	vperm.xlane v20, v4;
	v22 =	vpop (erf)  }
0x258: {  	v29 =	vperm.xlane v21, v4;
	v26 =	vmul.f32 v22, v12;
	v12 =	vld [tilespmem:s20+$0xFFFFFFD0]  }
0x259: {  	v13 =	vmul.f32 $1.442695020e+00, v13;
	v15 =	vadd.f32 v15, v18;
	v17 =	vadd.f32 v17, v27;
	v18 =	vld [tilespmem:s12+$0xFFFFFFD0]  }
0x25a: {  	v16 =	vmul.f32 $1.442695020e+00, v16;
	v20 =	vadd.f32 v20, v23;
	v23 =	vmul.f32 $1.442695020e+00, v14;
	v14 =	vld [tilespmem:s20+$0xFFFFFFE0]  }
0x25b: {  	v21 =	vadd.f32 v21, v29;
	v29 =	vld [tilespmem:s12+$0xFFFFFFF0];
	v24 =	vadd.f32 v24, v25;
	v27 =	vmul.f32 $1.442695020e+00, v15  }
0x25c: {  	(erf) = vpow2.f32 v13;
	v13 =	vld [tilespmem:s12+$0xFFFFFFE0];
	v17 =	vmul.f32 $1.442695020e+00, v17  }
0x25d: {  	v15 =	vld [tilespmem:s20+$0xFFFFFFF0];
	(erf) = vpow2.f32 v16;
	v30 =	vmul.f32 $2.000000030e-01, v24  }
0x25e: {  	v20 =	vmul.f32 $1.442695020e+00, v20;
	v16 =	vld [tilespmem:s20+$0x0];
	(erf) = vpow2.f32 v23  }
0x25f: {  	v23 =	vld [tilespmem:s12+$0x0];
	(erf) = vpow2.f32 v27;
	v18 =	vadd.f32 v18, v12;
	v24 =	vmax.f32 v24, v30  }
0x260: {  	v30 =	vld [tilespmem:s12+$0x10];
	(erf) = vpow2.f32 v17;
	v24 =	vmul.f32 v24, v5  }
0x261: {  	v17 =	vld [tilespmem:s20+$0x10];
	(erf) = vpow2.f32 v20;
	v20 =	vmul.f32 $2.000000030e-01, v18  }
0x262: {  	v28 =	vld [tilespmem:s12+$0xFFFFFFC0];
	v46 =	vnsel vm0, $0x0, v22;
	v21 =	vmul.f32 $1.442695020e+00, v21;
	v27 =	vadd.f32 v13, v14  }
0x263: {  	v22 =	vadd.f32 v29, v15;
	v29 =	vperm.xlane v24, v1;
	v20 =	vmax.f32 v18, v20;
	v18 =	vld [tilespmem:s20+$0xFFFFFFC0]  }
0x264: {  	v31 =	vld [tilespmem:s12+$0x20];
	(erf) = vpow2.f32 v21;
	v21 =	vmul.f32 $2.000000030e-01, v27  }
0x265: {  	v13 =	vld [tilespmem:s20+$0x20];
	v48 =	vmul.f32 $2.000000030e-01, v22;
	v23 =	vadd.f32 v23, v16;
	v24 =	vadd.f32 v24, v29  }
0x266: {  	v20 =	vmul.f32 v20, v5;
	v47 =	vpop (erf);
	v21 =	vmax.f32 v27, v21;
	v29 =	vadd.f32 v30, v17  }
0x267: {  	v22 =	vmax.f32 v22, v48;
	v27 =	vmul.f32 v47, v19;
	v30 =	vperm.xlane v24, v2  }
0x268: {  	v19 =	vmul.f32 $2.000000030e-01, v23;
	v49 =	vperm.xlane v20, v1;
	v28 =	vadd.f32 v28, v18  }
0x269: {  	v21 =	vmul.f32 v21, v5;
	v50 =	vmul.f32 $2.000000030e-01, v29;
	v24 =	vadd.f32 v24, v30  }
0x26a: {  	v22 =	vmul.f32 v22, v5;
	v30 =	vadd.f32 v31, v13;
	v31 =	vmul.f32 $2.000000030e-01, v28  }
0x26b: {  	v19 =	vmax.f32 v23, v19;
	v23 =	vmax.f32 v29, v50;
	v29 =	vperm.xlane v24, v3  }
0x26c: {  	v19 =	vmul.f32 v19, v5;
	v51 =	vmul.f32 $2.000000030e-01, v30;
	v28 =	vmax.f32 v28, v31  }
0x26d: {  	v23 =	vmul.f32 v23, v5;
	v24 =	vadd.f32 v24, v29;
	v28 =	vmul.f32 v28, v5  }
0x26e: {  	v53 =	vperm.xlane v19, v1;
	v29 =	vmax.f32 v30, v51;
	v30 =	vperm.xlane v21, v1  }
0x26f: {  	v20 =	vadd.f32 v20, v49;
	v31 =	vperm.xlane v24, v4;
	v52 =	vperm.xlane v28, v1  }
0x270: {  	v29 =	vmul.f32 v29, v5;
	v21 =	vadd.f32 v21, v30;
	v30 =	vperm.xlane v22, v1  }
0x271: {  	v54 =	vperm.xlane v23, v1;
	v24 =	vadd.f32 v24, v31;
	v28 =	vadd.f32 v28, v52  }
0x272: {  	v19 =	vadd.f32 v19, v53;
	v22 =	vadd.f32 v22, v30;
	v30 =	vperm.xlane v29, v1  }
0x273: {  	v55 =	vadd.f32 v23, v54;
	v24 =	vmul.f32 $1.442695020e+00, v24;
	v56 =	vperm.xlane v28, v2  }
0x274: {  	v31 =	vperm.xlane v20, v2;
	v23 =	vperm.xlane v21, v2;
	v29 =	vadd.f32 v29, v30  }
0x275: {  	v30 =	vperm.xlane v22, v2;
	(erf) = vpow2.f32 v24;
	v28 =	vadd.f32 v28, v56  }
0x276: {  	v20 =	vadd.f32 v20, v31;
	v31 =	vperm.xlane v19, v2;
	v58 =	vperm.xlane v29, v2  }
0x277: {  	v59 =	vadd.f32 v21, v23;
	v30 =	vadd.f32 v22, v30;
	v22 =	vperm.xlane v28, v3  }
0x278: {  	v57 =	vperm.xlane v55, v2;
	v38 =	vperm.xlane v20, v3;
	v24 =	vpop (erf);
	v36 =	vadd.f32 v29, v58  }
0x279: {  	s11 =	simm.s32 $0x5480;
	v33 =	vnsel vm0, $0x0, v47;
	v39 =	vadd.f32 v19, v31;
	v19 =	vperm.xlane v59, v3;
	v23 =	vpop (erf)  }
0x27a: {  	[tilespmem:s11+$0x60] =	vst v26;
	v34 =	vadd.f32 v55, v57;
	v38 =	vadd.f32 v20, v38;
	v21 =	vpop (erf);
	v26 =	vperm.xlane v36, v3  }
0x27b: {  	v60 =	vperm.xlane v30, v3;
	v31 =	vadd.f32 v59, v19;
	v40 =	vadd.f32 v28, v22;
	v22 =	vpop (erf)  }
0x27c: {  	v41 =	vperm.xlane v34, v3;
	v61 =	vnsel vm0, $0x0, v24;
	v28 =	vperm.xlane v39, v3;
	v20 =	vpop (erf)  }
0x27d: {  	[tilespmem:s11+$0x70] =	vst v46;
	v29 =	vadd.f32 v30, v60;
	v63 =	vperm.xlane v38, v4;
	v37 =	vperm.xlane v31, v4;
	v19 =	vpop (erf)  }
0x27e: {  	[tilespmem:s11+$0xFFFFFF80] =	vst v27;
	v27 =	vadd.f32 v36, v26;
	v30 =	vadd.f32 v39, v28;
	v62 =	vperm.xlane v40, v4;
	v26 =	vpop (erf)  }
0x27f: {  	[tilespmem:s11+$0xFFFFFF90] =	vst v33;
	v32 =	vadd.f32 v38, v63;
	v28 =	vadd.f32 v34, v41;
	v34 =	vmul.f32 v26, v25  }
0x280: {  	s10 =	simm.s32 $0x5580;
	s14 =	simm.s32 $0x8;
	s20 =	simm.s32 $0x1540;
	[tilespmem:s11+$0xFFFFFFB0] =	vst v61;
	v35 =	vperm.xlane v29, v4;
	v33 =	vadd.f32 v40, v62;
	v36 =	vperm.xlane v30, v4  }
.LBB2_11:
0x281: {  	v25 =	vld [tilespmem:s20+$0x30];
	v31 =	vadd.f32 v31, v37;
	v37 =	vperm.xlane v28, v4;
	v38 =	vperm.xlane v27, v4;
	[tilespmem:s10+$0x60] =	vst v34;
	s12 =	sadd.s32 $0x80, s12  }
0x282: {  	s14 =	sadd.s32 $0x8, s14;
	v33 =	vmul.f32 $1.442695020e+00, v33;
	v34 =	vld [tilespmem:s12+$0x30];
	v29 =	vadd.f32 v29, v35;
	v30 =	vadd.f32 v30, v36  }
0x283: {  	p0 =	slt.u32 s14, $0x78;
	v32 =	vmul.f32 $1.442695020e+00, v32;
	v35 =	vld [tilespmem:s12+$0xFFFFFFC0];
	v28 =	vadd.f32 v28, v37;
	v27 =	vadd.f32 v27, v38  }
0x284: {  	v31 =	vmul.f32 $1.442695020e+00, v31;
	v37 =	vnsel vm0, $0x0, v23;
	v36 =	vld [tilespmem:s20+$0xFFFFFFD0];
	v29 =	vmul.f32 $1.442695020e+00, v29  }
0x285: {  	v30 =	vmul.f32 $1.442695020e+00, v30;
	v38 =	vld [tilespmem:s12+$0xFFFFFFD0];
	v28 =	vmul.f32 $1.442695020e+00, v28;
	[tilespmem:s11+$0xFFFFFFD0] =	vst v37;
	v37 =	vnsel vm0, $0x0, v21  }
0x286: {  	v27 =	vmul.f32 $1.442695020e+00, v27;
	v39 =	vld [tilespmem:s20+$0xFFFFFFE0];
	(erf) = vpow2.f32 v33;
	[tilespmem:s11+$0xFFFFFFF0] =	vst v37;
	v33 =	vnsel vm0, $0x0, v22  }
0x287: {  	v24 =	vmul.f32 v24, v9;
	v9 =	vmovc v12;
	v37 =	vld [tilespmem:s12+$0xFFFFFFE0];
	v34 =	vadd.f32 v34, v25;
	(erf) = vpow2.f32 v32;
	[tilespmem:s11+$0x10] =	vst v33  }
0x288: {  	v23 =	vmul.f32 v23, v8;
	v8 =	vmovc v14;
	v32 =	vld [tilespmem:s20+$0xFFFFFFF0];
	(erf) = vpow2.f32 v31;
	v31 =	vnsel vm0, $0x0, v20  }
0x289: {  	v33 =	vld [tilespmem:s12+$0xFFFFFFF0];
	v40 =	vmul.f32 $2.000000030e-01, v34;
	(erf) = vpow2.f32 v29;
	[tilespmem:s11+$0xFFFFFFA0] =	vst v24;
	v24 =	vnsel vm0, $0x0, v19;
	v12 =	vmovc v36  }
0x28a: {  	v21 =	vmul.f32 v21, v7;
	v7 =	vmovc v15;
	v29 =	vadd.f32 v38, v12;
	v36 =	vld [tilespmem:s20+$0x0];
	(erf) = vpow2.f32 v30;
	[tilespmem:s11+$0xFFFFFFC0] =	vst v23  }
0x28b: {  	v22 =	vmul.f32 v22, v10;
	v23 =	vld [tilespmem:s12+$0x0];
	v38 =	vmax.f32 v34, v40;
	(erf) = vpow2.f32 v28;
	[tilespmem:s11+$0x30] =	vst v31;
	v14 =	vmovc v39  }
0x28c: {  	v10 =	vmovc v16;
	v28 =	vmul.f32 $2.000000030e-01, v29;
	v30 =	vadd.f32 v37, v14;
	v31 =	vld [tilespmem:s20+$0x10];
	v34 =	vmul.f32 v38, v5;
	[tilespmem:s11+$0xFFFFFFE0] =	vst v21  }
0x28d: {  	v26 =	vnsel vm0, $0x0, v26;
	v37 =	vmul.f32 v20, v6;
	v6 =	vmovc v17;
	v21 =	vld [tilespmem:s12+$0x10];
	(erf) = vpow2.f32 v27;
	[tilespmem:s11+$0x0] =	vst v22;
	v15 =	vmovc v32  }
0x28e: {  	v17 =	vmul.f32 $2.000000030e-01, v30;
	v20 =	vadd.f32 v33, v15;
	v27 =	vld [tilespmem:s20+$0x20];
	v22 =	vperm.xlane v34, v1;
	[tilespmem:s11+$0x50] =	vst v24  }
0x28f: {  	v11 =	vmul.f32 v19, v11;
	v28 =	vmax.f32 v29, v28;
	v29 =	vld [tilespmem:s12+$0x20];
	v32 =	vpop (erf);
	[tilespmem:s11+$0x20] =	vst v37;
	v16 =	vmov v36  }
0x290: {  	v33 =	vld [tilespmem:s20+$0xFFFFFFC0];
	v19 =	vmul.f32 $2.000000030e-01, v20;
	v36 =	vadd.f32 v23, v16;
	v34 =	vadd.f32 v34, v22;
	[tilespmem:s10+$0x70] =	vst v26;
	v24 =	vpop (erf)  }
0x291: {  	v26 =	vmul.f32 v28, v5;
	v17 =	vmax.f32 v30, v17;
	v18 =	vmul.f32 v32, v18;
	v23 =	vpop (erf);
	[tilespmem:s11+$0x40] =	vst v11;
	s11 =	smov.u32 s10  }
0x292: {  	v11 =	vmul.f32 $2.000000030e-01, v36;
	v28 =	vadd.f32 v21, v31;
	v30 =	vperm.xlane v34, v2;
	v21 =	vpop (erf)  }
0x293: {  	v38 =	vmul.f32 v17, v5;
	v37 =	vperm.xlane v26, v1;
	v19 =	vmax.f32 v20, v19;
	[tilespmem:s10+$0xFFFFFF80] =	vst v18;
	v22 =	vpop (erf)  }
0x294: {  	v18 =	vmul.f32 $2.000000030e-01, v28;
	v29 =	vadd.f32 v29, v27;
	v30 =	vadd.f32 v34, v30;
	v20 =	vpop (erf)  }
0x295: {  	v17 =	vmovc v31;
	v39 =	vmax.f32 v36, v11;
	v34 =	vadd.f32 v35, v33;
	v35 =	vmul.f32 v19, v5  }
0x296: {  	v40 =	vmax.f32 v28, v18;
	v28 =	vmul.f32 $2.000000030e-01, v29;
	v31 =	vperm.xlane v30, v3;
	v19 =	vpop (erf)  }
0x297: {  	v26 =	vadd.f32 v26, v37;
	v37 =	vmul.f32 v39, v5;
	v11 =	vmovc v13;
	v13 =	vmovc v27;
	v36 =	vmul.f32 $2.000000030e-01, v34  }
0x298: {  	v27 =	vmul.f32 v40, v5;
	v28 =	vmax.f32 v29, v28;
	v29 =	vadd.f32 v30, v31;
	v18 =	vmovc v33  }
0x299: {  	v31 =	vperm.xlane v38, v1;
	v30 =	vmax.f32 v34, v36;
	v28 =	vmul.f32 v28, v5  }
0x29a: {  	v32 =	vnsel vm0, $0x0, v32;
	v30 =	vmul.f32 v30, v5;
	v33 =	vperm.xlane v29, v4  }
0x29b: {  	v34 =	vperm.xlane v35, v1;
	v36 =	vperm.xlane v37, v1;
	v31 =	vadd.f32 v38, v31;
	[tilespmem:s10+$0xFFFFFF90] =	vst v32  }
0x29c: {  	v38 =	vperm.xlane v27, v1;
	v32 =	vperm.xlane v30, v1;
	v29 =	vadd.f32 v29, v33  }
0x29d: {  	v33 =	vadd.f32 v35, v34;
	v34 =	vadd.f32 v37, v36;
	v35 =	vperm.xlane v28, v1  }
0x29e: {  	v27 =	vadd.f32 v27, v38;
	v30 =	vadd.f32 v30, v32;
	v29 =	vmul.f32 $1.442695020e+00, v29  }
0x29f: {  	v36 =	vperm.xlane v31, v2;
	v32 =	vperm.xlane v26, v2;
	v28 =	vadd.f32 v28, v35  }
0x2a0: {  	v35 =	vperm.xlane v30, v2;
	(erf) = vpow2.f32 v29;
	v29 =	vnsel vm0, $0x0, v24  }
0x2a1: {  	v37 =	vperm.xlane v34, v2;
	v26 =	vadd.f32 v26, v32;
	v32 =	vperm.xlane v33, v2;
	[tilespmem:s10+$0xFFFFFFB0] =	vst v29  }
0x2a2: {  	v29 =	vadd.f32 v30, v35;
	v30 =	vperm.xlane v27, v2;
	v35 =	vperm.xlane v28, v2  }
0x2a3: {  	v31 =	vadd.f32 v31, v36;
	v38 =	vperm.xlane v26, v3;
	v32 =	vadd.f32 v33, v32  }
0x2a4: {  	v34 =	vadd.f32 v34, v37;
	v33 =	vperm.xlane v29, v3;
	v27 =	vadd.f32 v27, v30  }
0x2a5: {  	v30 =	vperm.xlane v31, v3;
	v36 =	vperm.xlane v32, v3;
	v35 =	vadd.f32 v28, v35  }
0x2a6: {  	v28 =	vperm.xlane v34, v3;
	v33 =	vadd.f32 v29, v33;
	v37 =	vperm.xlane v27, v3  }
.Ltmp4:
0x2a7: {  	v38 =	vadd.f32 v26, v38;
	v31 =	vadd.f32 v31, v30;
	v40 =	vperm.xlane v35, v3;
	(pc) =	sbr.rel @p0 .LBB2_11-.Ltmp4, $4  }
0x2a8: {  	v29 =	vadd.f32 v32, v36;
	v30 =	vadd.f32 v34, v28;
	v39 =	vperm.xlane v33, v4  }
0x2a9: {  	v32 =	vperm.xlane v38, v4;
	v28 =	vadd.f32 v27, v37;
	v27 =	vadd.f32 v35, v40;
	v26 =	vpop (erf)  }
0x2aa: {  	v37 =	vperm.xlane v31, v4;
	v33 =	vadd.f32 v33, v39;
	v34 =	vmul.f32 v26, v25  }
0x2ab: {  	s20 =	sadd.s32 $0x80, s20;
	s10 =	sadd.s32 $0x100, s10;
	v32 =	vadd.f32 v38, v32;
	v35 =	vperm.xlane v29, v4;
	v36 =	vperm.xlane v30, v4  }
0x2ac: {  	v25 =	vadd.f32 v31, v37;
	v48 =	vperm.xlane v28, v4  }
0x2ad: {  	v33 =	vmul.f32 $1.442695020e+00, v33;
	v49 =	vnsel vm0, $0x0, v23;
	v50 =	vnsel vm0, $0x0, v21  }
0x2ae: {  	[tilespmem:s10+$0x60] =	vst v34;
	v51 =	vnsel vm0, $0x0, v22;
	v9 =	vmul.f32 v24, v9;
	v8 =	vmul.f32 v23, v8  }
0x2af: {  	v54 =	vnsel vm0, $0x0, v20;
	v7 =	vmul.f32 v21, v7;
	[tilespmem:s11+$0xFFFFFFD0] =	vst v49;
	(erf) = vpow2.f32 v33  }
0x2b0: {  	v10 =	vmul.f32 v22, v10;
	v29 =	vadd.f32 v29, v35;
	v32 =	vmul.f32 $1.442695020e+00, v32;
	[tilespmem:s11+$0xFFFFFFF0] =	vst v50  }
0x2b1: {  	v57 =	vnsel vm0, $0x0, v19;
	v30 =	vadd.f32 v30, v36;
	[tilespmem:s11+$0x10] =	vst v51;
	v25 =	vmul.f32 $1.442695020e+00, v25  }
0x2b2: {  	[tilespmem:s11+$0x30] =	vst v54;
	v55 =	vadd.f32 v28, v48;
	v52 =	vmul.f32 $1.442695020e+00, v29;
	(erf) = vpow2.f32 v32  }
0x2b3: {  	[tilespmem:s11+$0x50] =	vst v57;
	v53 =	vmul.f32 $1.442695020e+00, v30;
	(erf) = vpow2.f32 v25  }
0x2b4: {  	[tilespmem:s11+$0xFFFFFFE0] =	vst v7;
	v7 =	vmul.f32 $1.442695020e+00, v55;
	(erf) = vpow2.f32 v52  }
0x2b5: {  	v6 =	vmul.f32 v20, v6;
	[tilespmem:s11+$0xFFFFFFA0] =	vst v9;
	(erf) = vpow2.f32 v53  }
0x2b6: {  	v56 =	vperm.xlane v27, v4;
	[tilespmem:s11+$0xFFFFFFC0] =	vst v8;
	(erf) = vpow2.f32 v7  }
0x2b7: {  	[tilespmem:s11+$0x20] =	vst v6;
	v6 =	vmul.f32 v19, v11  }
0x2b8: {  	[tilespmem:s11+$0x0] =	vst v10;
	v9 =	vadd.f32 v27, v56;
	v7 =	vnsel vm0, $0x0, v26;
	v58 =	vpop (erf)  }
0x2b9: {  	[tilespmem:s10+$0x70] =	vst v7;
	v7 =	vmul.f32 v58, v18  }
0x2ba: {  	v9 =	vmul.f32 $1.442695020e+00, v9;
	[tilespmem:s11+$0x40] =	vst v6  }
0x2bb: {  	v6 =	vpop (erf);
	[tilespmem:s10+$0xFFFFFF80] =	vst v7;
	v7 =	vnsel vm0, $0x0, v58  }
0x2bc: {  	(erf) = vpow2.f32 v9;
	v59 =	vpop (erf);
	[tilespmem:s10+$0xFFFFFF90] =	vst v7;
	v7 =	vnsel vm0, $0x0, v6  }
0x2bd: {  	v60 =	vpop (erf);
	v6 =	vmul.f32 v6, v12;
	[tilespmem:s10+$0xFFFFFFB0] =	vst v7;
	v7 =	vnsel vm0, $0x0, v59  }
0x2be: {  	v61 =	vpop (erf);
	[tilespmem:s10+$0xFFFFFFD0] =	vst v7  }
0x2bf: {  	v62 =	vpop (erf);
	v7 =	vnsel vm0, $0x0, v60;
	[tilespmem:s10+$0xFFFFFFA0] =	vst v6  }
0x2c0: {  	v6 =	vnsel vm0, $0x0, v62;
	[tilespmem:s10+$0xFFFFFFF0] =	vst v7  }
0x2c1: {  	v63 =	vmul.f32 v61, v16;
	v7 =	vnsel vm0, $0x0, v61;
	[tilespmem:s10+$0x30] =	vst v6  }
0x2c2: {  	[tilespmem:s10+$0x10] =	vst v7;
	v7 =	vmul.f32 v59, v14  }
0x2c3: {  	v8 =	vmul.f32 v62, v17;
	[tilespmem:s10+$0x0] =	vst v63  }
0x2c4: {  	[tilespmem:s10+$0xFFFFFFC0] =	vst v7;
	v7 =	vmul.f32 v60, v15  }
0x2c5: {  	[tilespmem:s10+$0x20] =	vst v8;
	v6 =	vpop (erf)  }
0x2c6: {  	[tilespmem:s10+$0xFFFFFFE0] =	vst v7;
	v7 =	vnsel vm0, $0x0, v6;
	v6 =	vmul.f32 v6, v13  }
0x2c7: {  	[tilespmem:s10+$0x50] =	vst v7  }
0x2c8: {  	[tilespmem:s10+$0x40] =	vst v6  }
0x2c9: {  	[spmem:s4] =	stream.indirect.scatter.add.f32 [tilespmem:s31], [sflag:$0x5], $0x20, s15, s15, $0xb8;
	[tilespmem:$0x10210] =	vst v63  }
0x2ca: {  	_ =	swait.ge [sflag:s13], $0x1000  }
0x2cb: {  	[sflag:s13] =	ssyncset.done $0x0  }
0x2cc: {  	[sflag:s13] =	ssyncadd.s32 $0xFFFFF000  }
0x2cd: {  	[spmem:s4] =	stream.indirect.scatter.add.f32 [tilespmem:s0], [sflag:$0x5], $0x20, s22, s15, $0xb8;
	[tilespmem:$0x10210] =	vst v63  }
0x2ce: {  	_ =	swait.ge [sflag:s13], $0x1000  }
0x2cf: {  	[sflag:s13] =	ssyncset.done $0x0  }
0x2d0: {  	[sflag:s13] =	ssyncadd.s32 $0xFFFFF000  }
0x2d1: {  	[spmem:s4] =	stream.indirect.scatter.add.f32 [tilespmem:s2], [sflag:$0x5], $0x20, s28, s15, $0xb8;
	[tilespmem:$0x10210] =	vst v63  }
0x2d2: {  	s9 =	sadd.s32 $0x1, s9;
	_ =	swait.ge [sflag:s13], $0x1000  }
0x2d3: {  	p0 =	sne.s32 s9, $0x14;
	[sflag:s13] =	ssyncset.done $0x0  }
.Ltmp5:
0x2d4: {  	[sflag:s13] =	ssyncadd.s32 $0xFFFFF000;
	(pc) =	sbr.rel @p0 .LBB2_4-.Ltmp5, $4  }
0x2d5: {  	[spmem:s4] =	stream.indirect.scatter.add.f32 [tilespmem:s3], [sflag:$0x5], $0x20, s30, s15, $0xb8;
	[tilespmem:$0x10210] =	vst v63  }
0x2d6: {  	_ =	swait.ge [sflag:s13], $0x1000  }
0x2d7: {  	[sflag:s13] =	ssyncset.done $0x0  }
0x2d8: {  	[sflag:s13] =	ssyncadd.s32 $0xFFFFF000  }
0x2d9: {  	[bflag:$0x0] =	sbarrier.arrive $0xFFFF  }
0x2da: {  	s12 =	simm.s32 $0x6410;
	s14 =	rddreg [dreg:$0x6]  }
0x2db: {  	[tilespmem:s12], [sflag:$0x5] =	stream.linear.gather [spmem:s14], $0x4F00, $0x38;
	[tilespmem:$0x10210] =	vst v63  }
0x2dc: {  	_ =	swait.ge [sflag:s13], $0x4F00  }
0x2dd: {  	[sflag:s13] =	ssyncset.done $0x0  }
0x2de: {  	s9 =	rddreg [dreg:$0x5];
	[sflag:s13] =	ssyncadd.s32 $0xFFFFB100  }
0x2df: {  	[hbm4b:s9+s5] =	stream.linear.scatter [tilespmem:s12], [sflag:$0x5], $0x4F00, $0x38;
	[tilespmem:$0x10210] =	vst v63  }
0x2e0: {  	_ =	swait.ge [sflag:s13], $0x4F00  }
0x2e1: {  	s10 =	rddreg [dreg:$0x8]  }
0x2e2: {  	s20 =	rddreg [dreg:$0x7];
	s10 =	sadd.s32 $0x1, s10  }
0x2e3: {  	p0 =	sne.s32 s10, s20  }
.Ltmp6:
0x2e4: {  	_ = 	snop;
	(pc) =	sbr.rel @p0 .LBB2_1-.Ltmp6, $3  }
0x2e5: {  	_ =	sdelay $0x1  }
0x2e6: {  	[sflag:s13] =	ssyncset.done $0x0  }
0x2e7: {  	[sflag:s13] =	ssyncadd.s32 $0xFFFFB100  }
0x2e8: {  	_ =	sfence.sel $0x180000  }
0x2e9: {  	[bflag:$0x0] =	sbarrier.arrive $0xFFFF  }
0x2ea: {  	_ =	strace $0x9000004A  }
0x2eb: {  	s0 =	stileid.u32;
	[bflag:$0x2] =	sbarrier.arrive $0xFFFF  }
0x2ec: {  	p0 =	sne.s32 s0, $0x0;
	s0 =	rddreg [dreg:$0x4]  }
0x2ed: {  	s0 =	sadd.s32 @!p0 $0x100000, s0  }
0x2ee: {  	[sflag:s0] =	ssyncadd.tile.s32 @!p0 $0x1;
	_ =	shalt  }
.Lfunc_end2:
_tile_overlayer_lowered:
.L_overlay_start_2:
0x2ef: {  	(tag) =	ssettag $0x2  }
0x2f0: {  	s0 =	rddreg [dreg:$0x0];
	s2 =	stileid.u32  }
0x2f1: {  	s1 =	rddreg [dreg:$0x1];
	p0 =	sne.s32 s2, $0x0  }
0x2f2: {  	s3 =	rddreg [dreg:$0x2];
	[bflag:$0x3] =	sbarrier.arrive $0xFFFF;
	s2 =	simm.s32 @!p0 $0x1C05  }
0x2f3: {  	[timem:s3], [sflag:s2] =	dma.local @!p0 [hbm:s0], s1  }
0x2f4: {  	s0 =	simm.s32 @!p0 $0x5  }
0x2f5: {  	_ =	swait.ge @!p0 [sflag:s0], s1  }
0x2f6: {  	s1 =	ssub.s32 @!p0 $0x0, s1;
	[sflag:s0] =	ssyncset.done @!p0 $0x0  }
0x2f7: {  	[sflag:s0] =	ssyncadd.s32 @!p0 s1  }
0x2f8: {  	[bflag:$0x3] =	sbarrier.arrive $0xFFFF  }
0x2f9: {  	_ =	shalt  }

// kernel: kernel.7.cloned.1.call-start
scs
__scs_entry_jumppad:
0x0: {  	(pc) =	sbr.rel $0x88, $3  }
0x1: {  	(tag) =	ssettag $0x0;
	lr =	simm.s32 $0x1  }
0x2: {  	[smem:$0x3F97] =	sst lr;
	_ =	strace $0xD0000000  }
0x3: {  	_ = 	snop  }
0x4: {  	_ = 	snop  }
0x5: {  	_ = 	snop  }
0x6: {  	_ = 	snop  }
0x7: {  	_ = 	snop  }
__scs_overlays_trampoline_lowered:
0x8: {  	[smem:$0x3FA6] =	sst s0  }
0x9: {  	[smem:$0x3FA7] =	sst s1  }
0xa: {  	[smem:$0x3FA8] =	sst s2  }
0xb: {  	[smem:$0x3FA9] =	sst s3  }
0xc: {  	[smem:$0x3FAA] =	sst s4  }
0xd: {  	[smem:$0x3FAB] =	sst s5  }
0xe: {  	[smem:$0x3FAC] =	sst s6  }
0xf: {  	[smem:$0x3FAD] =	sst s7  }
0x10: {  	[smem:$0x3FAE] =	sst s8  }
0x11: {  	[smem:$0x3FAF] =	sst s9;
	s0 =	simm.s32 @!p0 $0x0  }
0x12: {  	s1 =	sld [smem:$0x3F95];
	s0 =	simm.s32 @p0 $0x1  }
0x13: {  	[smem:$0x3FB0] =	sst s0;
	s0 =	simm.s32 @!p1 $0x0  }
0x14: {  	s2 =	sld [smem:$0x3F94];
	s0 =	simm.s32 @p1 $0x1  }
0x15: {  	[smem:$0x3FB1] =	sst s0;
	s0 =	simm.s32 @!p2 $0x0  }
0x16: {  	s3 =	sld [smem:$0x3FDB];
	s0 =	simm.s32 @p2 $0x1  }
0x17: {  	s4 =	simm.s32 $0x1BF5;
	[smem:$0x3FB3] =	sst s0  }
0x18: {  	s0 =	sld [smem:$0x3F96];
	_ =	swait.ge [sflag:s4], $0x0  }
0x19: {  	s7 =	sld [smem:$0x3F97]  }
0x1a: {  	s8 =	sadd.s32 $0xFFFFE003, lr  }
0x1b: {  	s9 =	sadd.s32 $0xFFFFFEF7, lr;
	s5 =	simm.s32 $0xFFFFFFFF;
	p2 =	slt.u32 s8, $0xFFFFF086  }
0x1c: {  	p1 =	slt.u32 s9, $0xF7A;
	s5 =	simm.s32 @!p2 $0x0  }
0x1d: {  	s5 =	simm.s32 @p1 $0x1;
	p0 =	seq.s32 s7, s2  }
0x1e: {  	s7 =	smul.u32 @!p0 $0xF7A, s2;
	p2 =	seq.s32 @!p0 s5, $0x0  }
0x1f: {  	s9 =	smul.u32 $0xF7A, s1;
	s8 =	simm.s32 @!p0 $0x1BF5;
	p2 =	por !p2, p0  }
0x20: {  	[sflag:s8] =	ssyncset.s32 @!p0 $0xFFFFF086;
	s6 =	sadd.s32 @!p0 s3, s7;
	s7 =	simm.s32 @!p0 $0x108  }
0x21: {  	s3 =	sadd.s32 s3, s9;
	s6 =	sadd.s32 @!p0 $0x88, s6;
	s7 =	simm.s32 @p2 $0x1082  }
0x22: {  	[simem:s7], [sflag:s8] =	dma.local @!p0 [hbm:s6], $0xF7A  }
0x23: {  	s9 =	sor.u32 $0xD0000000, s2;
	s6 =	simm.s32 $0x108;
	_ =	swait.ge @!p0 [sflag:s8], $0x0  }
0x24: {  	s3 =	sadd.s32 $0x88, s3;
	s6 =	simm.s32 @!p1 $0x1082;
	[sflag:s4] =	ssyncset.s32 $0xFFFFF086  }
0x25: {  	[simem:s6], [sflag:s4] =	dma.local [hbm:s3], $0xF7A  }
0x26: {  	[smem:$0x3F97] =	sst s1;
	(tag) =	ssettag s2;
	_ =	strace s9  }
0x27: {  	s1 =	sld [smem:$0x3FA7]  }
0x28: {  	s2 =	sld [smem:$0x3FA8]  }
0x29: {  	s4 =	sld [smem:$0x3FAA]  }
0x2a: {  	p0 =	seq.s32 s5, $0x0;
	s5 =	sld [smem:$0x3FAB]  }
0x2b: {  	s6 =	sld [smem:$0x3FAC]  }
0x2c: {  	s7 =	sld [smem:$0x3FAD]  }
0x2d: {  	s3 =	simm.s32 $0x108;
	s8 =	sld [smem:$0x3FAE]  }
0x2e: {  	s3 =	simm.s32 @!p0 $0x1082;
	s9 =	sld [smem:$0x3FAF]  }
0x2f: {  	lr =	sadd.s32 s0, s3;
	s0 =	sld [smem:$0x3FA6]  }
0x30: {  	s3 =	sld [smem:$0x3FA9]  }
0x31: {  	[smem:$0x3FB2] =	sst s10  }
0x32: {  	s10 =	sld [smem:$0x3FB0];
	_ =	sdelay $0x3  }
0x33: {  	p0 =	seq.s32 s10, $0x1;
	s10 =	sld [smem:$0x3FB2];
	_ =	sdelay $0x3  }
0x34: {  	[smem:$0x3FB2] =	sst s10  }
0x35: {  	s10 =	sld [smem:$0x3FB1];
	_ =	sdelay $0x3  }
0x36: {  	p1 =	seq.s32 s10, $0x1;
	s10 =	sld [smem:$0x3FB2];
	_ =	sdelay $0x3  }
0x37: {  	[smem:$0x3FB2] =	sst s10  }
0x38: {  	s10 =	sld [smem:$0x3FB3]  }
0x39: {  	_ = 	snop;
	(pc) =	sbr.ind lr, $3  }
0x3a: {  	_ = 	snop  }
0x3b: {  	_ = 	snop  }
0x3c: {  	p2 =	seq.s32 s10, $0x1;
	s10 =	sld [smem:$0x3FB2]  }
0x3d: {  	_ =	shalt  }
0x3e: {  	_ =	shalt  }
0x3f: {  	_ =	shalt  }
0x40: {  	_ =	shalt  }
0x41: {  	_ =	shalt  }
0x42: {  	_ =	shalt  }
0x43: {  	_ =	shalt  }
0x44: {  	_ =	shalt  }
0x45: {  	_ =	shalt  }
0x46: {  	_ =	shalt  }
0x47: {  	_ =	shalt  }
0x48: {  	_ =	shalt  }
0x49: {  	_ =	shalt  }
0x4a: {  	_ =	shalt  }
0x4b: {  	_ =	shalt  }
0x4c: {  	_ =	shalt  }
0x4d: {  	_ =	shalt  }
0x4e: {  	_ =	shalt  }
0x4f: {  	_ =	shalt  }
0x50: {  	_ =	shalt  }
0x51: {  	_ =	shalt  }
0x52: {  	_ =	shalt  }
0x53: {  	_ =	shalt  }
0x54: {  	_ =	shalt  }
0x55: {  	_ =	shalt  }
0x56: {  	_ =	shalt  }
0x57: {  	_ =	shalt  }
0x58: {  	_ =	shalt  }
0x59: {  	_ =	shalt  }
0x5a: {  	_ =	shalt  }
0x5b: {  	_ =	shalt  }
0x5c: {  	_ =	shalt  }
0x5d: {  	_ =	shalt  }
0x5e: {  	_ =	shalt  }
0x5f: {  	_ =	shalt  }
0x60: {  	_ =	shalt  }
0x61: {  	_ =	shalt  }
0x62: {  	_ =	shalt  }
0x63: {  	_ =	shalt  }
0x64: {  	_ =	shalt  }
0x65: {  	_ =	shalt  }
0x66: {  	_ =	shalt  }
0x67: {  	_ =	shalt  }
0x68: {  	_ =	shalt  }
0x69: {  	_ =	shalt  }
0x6a: {  	_ =	shalt  }
0x6b: {  	_ =	shalt  }
0x6c: {  	_ =	shalt  }
0x6d: {  	_ =	shalt  }
0x6e: {  	_ =	shalt  }
0x6f: {  	_ =	shalt  }
0x70: {  	_ =	shalt  }
0x71: {  	_ =	shalt  }
0x72: {  	_ =	shalt  }
0x73: {  	_ =	shalt  }
0x74: {  	_ =	shalt  }
0x75: {  	_ =	shalt  }
0x76: {  	_ =	shalt  }
0x77: {  	_ =	shalt  }
0x78: {  	_ =	shalt  }
0x79: {  	_ =	shalt  }
0x7a: {  	_ =	shalt  }
0x7b: {  	_ =	shalt  }
0x7c: {  	_ =	shalt  }
0x7d: {  	_ =	shalt  }
0x7e: {  	_ =	shalt  }
0x7f: {  	_ =	shalt  }
0x80: {  	_ =	shalt  }
0x81: {  	_ =	shalt  }
0x82: {  	_ =	shalt  }
0x83: {  	_ =	shalt  }
0x84: {  	_ =	shalt  }
0x85: {  	_ =	shalt  }
0x86: {  	_ =	shalt  }
0x87: {  	_ =	shalt  }
.Lfunc_end0:
.L_simem_size_0:
called_computation_lowered:
.L_overlay_start_0:
0x88: {  	s2 =	sld [smem:$0x3FD9]  }
0x89: {  	s3 =	sld [smem:$0x3FFE];
	_ =	sdelay $0x1  }
0x8a: {  	s1 =	srdreg.scid  }
0x8b: {  	s0 =	sand.u32 $0x1, s1  }
0x8c: {  	s17 =	sshll.u32 s0, $0xA;
	s2 =	sadd.s32 s3, s2  }
0x8d: {  	s2 =	sadd.s32 s2, s17  }
0x8e: {  	[smem:$0x3FBE] =	sst s2  }
0x8f: {  	_ = 	snop  }
0x90: {  	s2 =	sld [smem:$0x3FC5]  }
0x91: {  	s18 =	sld [smem:$0x3FD0];
	(tm) =	ssettm $0x1  }
0x92: {  	s4 =	sld [smem:$0x3FFB];
	_ =	sdelay $0x3  }
0x93: {  	_ =	strace s4  }
0x94: {  	s4 =	sld [smem:$0x3FFC];
	_ =	sdelay $0x3  }
0x95: {  	_ =	strace s4  }
0x96: {  	s4 =	sld [smem:$0x3FFD];
	_ =	sdelay $0x3  }
0x97: {  	_ =	strace s4  }
0x98: {  	_ =	strace $0x8FFFFFFF  }
0x99: {  	s19 =	sld [smem:$0x3FDB];
	_ =	sdelay $0x1  }
0x9a: {  	s5 =	simm.s32 $_scs_section_size  }
0x9b: {  	s6 =	simm.s32 $_size__tile_overlayer_lowered;
	s7 =	simm.s32 $_tile_overlayer_lowered  }
0x9c: {  	s22 =	simm.s32 $0x1BFF;
	s21 =	sshll.u32 s7, $0x1;
	s4 =	sadd.s32 s5, s19  }
0x9d: {  	s8 =	simm.s32 $0x0;
	s20 =	sshll.u32 s6, $0x1;
	s6 =	sadd.s32 s21, s4  }
0x9e: {  	[timem:s8], [sflag:s22] =	dma.local [hbm:s6], s20  }
0x9f: {  	_ =	swait.ge [sflag:s22], s20  }
0xa0: {  	s5 =	ssub.s32 $0x0, s20;
	[sflag:s22] =	ssyncset.done $0x0  }
0xa1: {  	[sflag:s22] =	ssyncadd.s32 s5;
	_ =	sdelay $0x1  }
0xa2: {  	s23 =	simm.s32 $0x1B8B  }
0xa3: {  	_ =	swait.ge [sflag:s23], $0x1  }
0xa4: {  	[sflag:s23] =	ssyncset.done $0x0  }
0xa5: {  	s25 =	simm.s32 $0x1B8E;
	s24 =	sld [smem:$0x3FFE];
	[sflag:s23] =	ssyncadd.s32 $0xFFFFFFFF  }
0xa6: {  	s26 =	simm.s32 $execute0_lowered;
	[smem:$0x3FD2] =	sst s25  }
0xa7: {  	s6 =	sshll.u32 s26, $0x1;
	_ =	strace $0x80000046;
	[dreg:$0x1] =	wrdreg $0xFFFFFFFF  }
0xa8: {  	s28 =	simm.s32 $_size_execute0_lowered;
	s4 =	sadd.s32 s4, s6;
	[dreg:$0x0] =	wrdreg $0x0  }
0xa9: {  	s6 =	sshll.u32 s28, $0x1;
	[dreg:$0x2] =	wrdreg s4  }
0xaa: {  	[dreg:$0x3] =	wrdreg s6  }
0xab: {  	[dreg:$0x4] =	wrdreg $0xC0  }
0xac: {  	_ =	task [dreg:s8], $0x5FFFF  }
0xad: {  	[dreg:$0x1] =	wrdreg $0xFFFFFFFF  }
0xae: {  	[dreg:$0x0] =	wrdreg $0x60  }
0xaf: {  	[dreg:$0x2] =	wrdreg s18  }
0xb0: {  	[dreg:$0x3] =	wrdreg s24  }
0xb1: {  	[dreg:$0x4] =	wrdreg s2  }
0xb2: {  	[dreg:$0x5] =	wrdreg $0xB3100  }
0xb3: {  	[dreg:$0x6] =	wrdreg $0x9  }
0xb4: {  	_ =	task.clear_ibuf [dreg:s8], $0x7FFFF;
	_ =	strace $0x90000046  }
0xb5: {  	s29 =	simm.s32 $0x9;
	_ =	strace $0x80000048  }
0xb6: {  	_ =	swait.ge [sflag:s29], $0x1  }
0xb7: {  	[sflag:s29] =	ssyncadd.s32 $0xFFFFFFFF  }
0xb8: {  	_ =	strace $0x90000048  }
0xb9: {  	_ =	sfence  }
0xba: {  	s30 =	sld [smem:$0x0];
	_ =	sdelay $0x2  }
0xbb: {  	s31 =	sshll.u32 s1, $0xD;
	s1 =	sshrl.u32 s1, $0x2  }
0xbc: {  	s3 =	sand.u32 $0x4000, s31;
	s1 =	sadd.s32 s1, s30  }
0xbd: {  	s0 =	sor.u32 s3, s0;
	s1 =	sshll.u32 s1, $0x11  }
0xbe: {  	s0 =	sor.u32 s1, s0  }
0xbf: {  	s0 =	sadd.s32 $0x8F2B, s0  }
0xc0: {  	[sflag:s0] =	ssyncadd.remote.s32 $0x1  }
0xc1: {  	_ =	sfence.sel $0xFFFF  }
0xc2: {  	[dreg:$0x0] =	wrdreg $0xFFFFFFFF;
	(pc) =	sbr.abs _section_cstart, $3  }
0xc3: {  	[dreg:$0x1] =	wrdreg $0xFFFFFFFF  }
0xc4: {  	_ =	task.clear_ibuf [dreg:s8], $0x2FFFF;
	_ =	strace $0x9FFFFFFF  }
0xc5: {  	(tm) =	ssettm $0x7FFFFFFF  }
tec
execute0_lowered:
.L_overlay_start_1:
0x0: {  	(tag) =	ssettag $0x1  }
0x1: {  	s1 =	rddreg [dreg:$0x0]  }
0x2: {  	s0 =	rddreg [dreg:$0x1]  }
0x3: {  	s4 =	rddreg [dreg:$0x3];
	s2 =	srdreg.scid  }
0x4: {  	s11 =	stileid.u32;
	s5 =	simm.s32 $0x0;
	s12 =	simm.s32 $0x6410  }
0x5: {  	v0 =	vimm.s32 $0xFEDCBA98;
	v1 =	vimm.s32 $0x76543210;
	s13 =	simm.s32 $0x5;
	s15 =	simm.s32 $0x80;
	s16 =	simm.s32 $0x400  }
0x6: {  	v2 =	vimm.s32 $0xBA98FEDC;
	v3 =	vimm.s32 $0x32107654;
	s17 =	simm.s32 $0xC00;
	s18 =	simm.s32 $0x1;
	s19 =	simm.s32 $0x2  }
0x7: {  	v4 =	vimm.s32 $0xDCFE98BA;
	s21 =	simm.s32 $0x1400;
	s22 =	simm.s32 $0x180;
	s23 =	simm.s32 $0x1C00  }
0x8: {  	v5 =	vimm.s32 $0x54761032;
	v6 =	vimm.s32 $0xEFCDAB89;
	s24 =	simm.s32 $0x3;
	s25 =	simm.s32 $0x4;
	s28 =	simm.s32 $0x280  }
0x9: {  	v7 =	vimm.s32 $0x67452301;
	s29 =	simm.s32 $0x300;
	s30 =	simm.s32 $0x380;
	s31 =	simm.s32 $0x2400  }
0xa: {  	s2 =	sand.u32 $0x1, s2;
	s3 =	smul.u32 $0x4F00, s11;
	[smem:$0x7FF] =	sst s5;
	v0 =	vunpack.c.l.s4.s8 v0;
	v1 =	vunpack.c.l.s4.s8 v1;
	v2 =	vunpack.c.l.s4.s8 v2  }
0xb: {  	s6 =	sadd.s32 $0x1C00, s0;
	s7 =	sadd.s32 $0x6C00, s0;
	s11 =	sshll.u32 s11, $0x1;
	v3 =	vunpack.c.l.s4.s8 v3;
	v4 =	vunpack.c.l.s4.s8 v4;
	v5 =	vunpack.c.l.s4.s8 v5  }
0xc: {  	v6 =	vunpack.c.l.s4.s8 v6;
	v7 =	vunpack.c.l.s4.s8 v7;
	s8 =	smul.u32 $0x4F000, s2;
	_ =	strace $0x80000047;
	s9 =	ssub.s32 $0x2, s2;
	v0 =	vunpack.c.0.s8.s32 v0  }
0xd: {  	s2 =	sor.u32 s2, s11;
	s10 =	sshrl.u32 s9, $0x1;
	s14 =	sadd.s32 s3, s4;
	v2 =	vunpack.c.0.s8.s32 v2;
	v3 =	vunpack.c.0.s8.s32 v3;
	v4 =	vunpack.c.0.s8.s32 v4  }
0xe: {  	v5 =	vunpack.c.0.s8.s32 v5;
	v6 =	vunpack.c.0.s8.s32 v6;
	v7 =	vunpack.c.0.s8.s32 v7;
	s8 =	sadd.s32 s3, s8;
	s9 =	ssub.s32 s9, s10;
	s3 =	simm.s32 $0x5400  }
0xf: {  	v1 =	vunpack.c.0.s8.s32 v1;
	s10 =	simm.s32 $0x0;
	[dreg:$0x6] =	wrdreg s14;
	s8 =	sshrl.u32 s8, $0x3;
	v2 =	vcombine.low v3, v2  }
0x10: {  	s26 =	smax.u32 s9, $0x1;
	v3 =	vcombine.low v5, v4;
	v4 =	vand.u32 $0xF, v0;
	v5 =	vcombine.low v7, v6;
	s0 =	sadd.s32 s8, s0;
	s8 =	smul.u32 $0x5000, s2  }
0x11: {  	vm0 =	vmmov $0x1;
	v0 =	vimm.f32 $0.0e+00;
	[dreg:$0x7] =	wrdreg s26;
	s26 =	simm.s32 $0x200;
	v1 =	vcombine.low v4, v1;
	s0 =	sadd.s32 $0x1AC00, s0  }
0x12: {  	s2 =	simm.s32 $0x4400;
	v2 =	vand.u32 $0xF, v2;
	v3 =	vand.u32 $0xF, v3;
	v4 =	vand.u32 $0xF, v5;
	[dreg:$0x5] =	wrdreg s0;
	s0 =	simm.s32 $0x3400  }
.LBB2_1:
0x13: {  	[dreg:$0x8] =	wrdreg s10;
	s9 =	simm.s32 $0x80;
	s10 =	simm.s32 $0x0  }
.LBB2_2:
0x14: {  	p0 =	sne.s32 s9, $0x13B80;
	[tilespmem:s10+$0x6410] =	vst v0;
	s11 =	smov.u32 s9;
	s9 =	sadd.s32 $0x80, s9  }
.Ltmp0:
0x15: {  	[tilespmem:s10+$0x6420] =	vst v0;
	(pc) =	sbr.rel @p0 .LBB2_2-.Ltmp0, $2  }
0x16: {  	_ =	sdelay $0x2  }
0x17: {  	s10 =	sshra.s32 s11, $0x2  }
0x18: {  	[tilespmem:s10+$0x6410] =	vst v0  }
0x19: {  	[tilespmem:s10+$0x6420] =	vst v0  }
0x1a: {  	[spmem:s14] =	stream.linear.scatter [tilespmem:s12], [sflag:$0x5], $0x4F00, $0x38;
	[tilespmem:$0x10210] =	vst v63  }
0x1b: {  	_ =	swait.ge [sflag:s13], $0x4F00  }
0x1c: {  	[sflag:s13] =	ssyncset.done $0x0  }
0x1d: {  	[sflag:s13] =	ssyncadd.s32 $0xFFFFB100  }
0x1e: {  	s9 =	simm.s32 $0x0;
	s11 =	simm.s32 $0x6400;
	s20 =	rddreg [dreg:$0x2]  }
0x1f: {  	[tilespmem:s11], [sflag:$0x5] =	stream.linear.gather [hbm4b:s20+s9], $0x10, $0x38;
	[tilespmem:$0x10210] =	vst v63  }
0x20: {  	_ =	swait.ge [sflag:s13], $0x10  }
0x21: {  	[sflag:s13] =	ssyncset.done $0x0  }
0x22: {  	[sflag:s13] =	ssyncadd.s32 $0xFFFFFFF0  }
0x23: {  	[bflag:$0x0] =	sbarrier.arrive $0xFFFF  }
0x24: {  	v5 =	vld [tilespmem:$0x6400]  }
.LBB2_4:
0x25: {  	s10 =	sshll.u32 s9, $0xA  }
0x26: {  	s10 =	sadd.s32 s8, s10  }
0x27: {  	s10 =	sshrl.u32 s10, $0x3  }
0x28: {  	s10 =	sadd.s32 s7, s10  }
0x29: {  	[tilespmem:s5], [sflag:$0x5] =	stream.linear.gather [hbm4b:s10+s5], $0x400, $0x38;
	[tilespmem:$0x10210] =	vst v63  }
0x2a: {  	_ =	swait.ge [sflag:s13], $0x400  }
0x2b: {  	[sflag:s13] =	ssyncset.done $0x0  }
0x2c: {  	[sflag:s13] =	ssyncadd.s32 $0xFFFFFC00  }
0x2d: {  	[tilespmem:s16], [sflag:$0x1] =	stream.indirect.gather [hbm4b:s1+s15], $0x10, s5, s15, $0xb8;
	[tilespmem:$0x10210] =	vst v63  }
0x2e: {  	_ = 	snop  }
0x2f: {  	[tilespmem:s17], [sflag:$0x2] =	stream.indirect.gather [hbm4b:s6+s15], $0x10, s15, s15, $0xb8;
	[tilespmem:$0x10210] =	vst v63  }
0x30: {  	_ =	swait.ge [sflag:s18], $0x800  }
0x31: {  	[sflag:s18] =	ssyncset.done $0x0  }
0x32: {  	[sflag:s18] =	ssyncadd.s32 $0xFFFFF800  }
0x33: {  	_ =	swait.ge [sflag:s19], $0x800  }
0x34: {  	[sflag:s19] =	ssyncset.done $0x0  }
0x35: {  	s12 =	simm.s32 $0x100;
	[sflag:s19] =	ssyncadd.s32 $0xFFFFF800  }
0x36: {  	[tilespmem:s21], [sflag:$0x3] =	stream.indirect.gather [hbm4b:s1+s15], $0x10, s12, s15, $0xb8;
	[tilespmem:$0x10210] =	vst v63  }
0x37: {  	s14 =	simm.s32 $0x440  }
0x38: {  	[tilespmem:s23], [sflag:$0x4] =	stream.indirect.gather [hbm4b:s6+s15], $0x10, s22, s15, $0xb8;
	[tilespmem:$0x10210] =	vst v63  }
0x39: {  	s11 =	simm.s32 $0xC40;
	v12 =	vld [tilespmem:s14+$0x30]  }
0x3a: {  	v6 =	vld [tilespmem:s11+$0x30]  }
0x3b: {  	v13 =	vld [tilespmem:s11+$0xFFFFFFC0]  }
0x3c: {  	v9 =	vld [tilespmem:s14+$0xFFFFFFD0]  }
0x3d: {  	v11 =	vld [tilespmem:s11+$0xFFFFFFD0]  }
0x3e: {  	v8 =	vld [tilespmem:s14+$0xFFFFFFE0]  }
0x3f: {  	v14 =	vld [tilespmem:s11+$0xFFFFFFE0]  }
0x40: {  	v7 =	vld [tilespmem:s14+$0xFFFFFFF0]  }
0x41: {  	v15 =	vld [tilespmem:s11+$0xFFFFFFF0];
	v6 =	vadd.f32 v6, v12  }
0x42: {  	v10 =	vld [tilespmem:s14+$0x0]  }
0x43: {  	v17 =	vld [tilespmem:s11+$0x0];
	v18 =	vadd.f32 v11, v9;
	v16 =	vmul.f32 $2.000000030e-01, v6  }
0x44: {  	v20 =	vld [tilespmem:s11+$0x10]  }
0x45: {  	v23 =	vld [tilespmem:s11+$0x20];
	v19 =	vmul.f32 $2.000000030e-01, v18;
	v16 =	vmax.f32 v6, v16  }
0x46: {  	v14 =	vadd.f32 v14, v8;
	v6 =	vld [tilespmem:s14+$0x10];
	v16 =	vmul.f32 v16, v5  }
0x47: {  	v18 =	vmax.f32 v18, v19;
	v19 =	vld [tilespmem:s14+$0xFFFFFFC0]  }
0x48: {  	v11 =	vld [tilespmem:s14+$0x20];
	v22 =	vmul.f32 $2.000000030e-01, v14;
	v21 =	vperm.xlane v16, v1  }
0x49: {  	v15 =	vadd.f32 v15, v7;
	v17 =	vadd.f32 v17, v10  }
0x4a: {  	v14 =	vmax.f32 v14, v22;
	v16 =	vadd.f32 v16, v21  }
0x4b: {  	v22 =	vmul.f32 $2.000000030e-01, v17;
	v21 =	vmul.f32 $2.000000030e-01, v15;
	v20 =	vadd.f32 v20, v6  }
0x4c: {  	v18 =	vmul.f32 v18, v5;
	v13 =	vadd.f32 v13, v19;
	v24 =	vperm.xlane v16, v2  }
0x4d: {  	v15 =	vmax.f32 v15, v21;
	v21 =	vadd.f32 v23, v11;
	v23 =	vmul.f32 $2.000000030e-01, v20  }
0x4e: {  	v14 =	vmul.f32 v14, v5;
	v17 =	vmax.f32 v17, v22;
	v25 =	vperm.xlane v18, v1  }
0x4f: {  	v16 =	vadd.f32 v16, v24;
	v20 =	vmax.f32 v20, v23;
	v23 =	vmul.f32 $2.000000030e-01, v13  }
0x50: {  	v17 =	vmul.f32 v17, v5;
	v18 =	vadd.f32 v18, v25;
	v22 =	vmul.f32 $2.000000030e-01, v21  }
0x51: {  	v15 =	vmul.f32 v15, v5;
	v24 =	vperm.xlane v16, v3;
	v13 =	vmax.f32 v13, v23  }
0x52: {  	v21 =	vmax.f32 v21, v22;
	v22 =	vperm.xlane v14, v1;
	v13 =	vmul.f32 v13, v5  }
0x53: {  	v25 =	vperm.xlane v17, v1;
	v21 =	vmul.f32 v21, v5;
	v16 =	vadd.f32 v16, v24  }
0x54: {  	v24 =	vperm.xlane v15, v1;
	v14 =	vadd.f32 v14, v22;
	v22 =	vperm.xlane v13, v1  }
0x55: {  	v20 =	vmul.f32 v20, v5;
	v23 =	vperm.xlane v16, v4  }
0x56: {  	v15 =	vadd.f32 v15, v24;
	v24 =	vperm.xlane v21, v1;
	v13 =	vadd.f32 v13, v22  }
0x57: {  	v16 =	vadd.f32 v16, v23;
	v23 =	vperm.xlane v20, v1  }
0x58: {  	v17 =	vadd.f32 v17, v25;
	v21 =	vadd.f32 v21, v24;
	v24 =	vperm.xlane v13, v2  }
0x59: {  	v22 =	vperm.xlane v18, v2;
	v16 =	vmul.f32 $1.442695020e+00, v16;
	v20 =	vadd.f32 v20, v23  }
0x5a: {  	v23 =	vperm.xlane v14, v2;
	v25 =	vperm.xlane v21, v2;
	v13 =	vadd.f32 v13, v24  }
0x5b: {  	(erf) = vpow2.f32 v16;
	v16 =	vadd.f32 v18, v22;
	v18 =	vperm.xlane v15, v2  }
0x5c: {  	v22 =	vperm.xlane v17, v2;
	v24 =	vperm.xlane v20, v2;
	v14 =	vadd.f32 v14, v23  }
0x5d: {  	v21 =	vadd.f32 v21, v25;
	v15 =	vadd.f32 v15, v18;
	v18 =	vperm.xlane v13, v3  }
0x5e: {  	v26 =	vperm.xlane v16, v3;
	v17 =	vadd.f32 v17, v22;
	v20 =	vadd.f32 v20, v24  }
0x5f: {  	v22 =	vperm.xlane v14, v3;
	v23 =	vperm.xlane v15, v3;
	v13 =	vadd.f32 v13, v18  }
0x60: {  	v18 =	vperm.xlane v17, v3;
	v24 =	vperm.xlane v20, v3;
	v16 =	vadd.f32 v16, v26  }
0x61: {  	v14 =	vadd.f32 v14, v22;
	v22 =	vperm.xlane v21, v3;
	v26 =	vperm.xlane v13, v4  }
0x62: {  	s20 =	simm.s32 $0x4C0;
	v15 =	vadd.f32 v15, v23;
	v17 =	vadd.f32 v17, v18;
	v18 =	vperm.xlane v16, v4  }
0x63: {  	s12 =	simm.s32 $0xCC0;
	v25 =	vld [tilespmem:s20+$0x30];
	v20 =	vadd.f32 v20, v24;
	v21 =	vadd.f32 v21, v22;
	v23 =	vperm.xlane v14, v4  }
0x64: {  	v24 =	vld [tilespmem:s12+$0x30];
	v13 =	vadd.f32 v13, v26;
	v16 =	vadd.f32 v16, v18;
	v18 =	vperm.xlane v15, v4  }
0x65: {  	v27 =	vperm.xlane v17, v4;
	v14 =	vadd.f32 v14, v23;
	v23 =	vperm.xlane v20, v4;
	v22 =	vpop (erf)  }
0x66: {  	v29 =	vperm.xlane v21, v4;
	v26 =	vmul.f32 v22, v12;
	v12 =	vld [tilespmem:s20+$0xFFFFFFD0]  }
0x67: {  	v13 =	vmul.f32 $1.442695020e+00, v13;
	v15 =	vadd.f32 v15, v18;
	v17 =	vadd.f32 v17, v27;
	v18 =	vld [tilespmem:s12+$0xFFFFFFD0]  }
0x68: {  	v16 =	vmul.f32 $1.442695020e+00, v16;
	v20 =	vadd.f32 v20, v23;
	v23 =	vmul.f32 $1.442695020e+00, v14;
	v14 =	vld [tilespmem:s20+$0xFFFFFFE0]  }
0x69: {  	v21 =	vadd.f32 v21, v29;
	v29 =	vld [tilespmem:s12+$0xFFFFFFF0];
	v24 =	vadd.f32 v24, v25;
	v27 =	vmul.f32 $1.442695020e+00, v15  }
0x6a: {  	(erf) = vpow2.f32 v13;
	v13 =	vld [tilespmem:s12+$0xFFFFFFE0];
	v17 =	vmul.f32 $1.442695020e+00, v17  }
0x6b: {  	v15 =	vld [tilespmem:s20+$0xFFFFFFF0];
	(erf) = vpow2.f32 v16;
	v30 =	vmul.f32 $2.000000030e-01, v24  }
0x6c: {  	v20 =	vmul.f32 $1.442695020e+00, v20;
	v16 =	vld [tilespmem:s20+$0x0];
	(erf) = vpow2.f32 v23  }
0x6d: {  	v23 =	vld [tilespmem:s12+$0x0];
	(erf) = vpow2.f32 v27;
	v18 =	vadd.f32 v18, v12;
	v24 =	vmax.f32 v24, v30  }
0x6e: {  	v30 =	vld [tilespmem:s12+$0x10];
	(erf) = vpow2.f32 v17;
	v24 =	vmul.f32 v24, v5  }
0x6f: {  	v17 =	vld [tilespmem:s20+$0x10];
	(erf) = vpow2.f32 v20;
	v20 =	vmul.f32 $2.000000030e-01, v18  }
0x70: {  	v28 =	vld [tilespmem:s12+$0xFFFFFFC0];
	v32 =	vnsel vm0, $0x0, v22;
	v21 =	vmul.f32 $1.442695020e+00, v21;
	v27 =	vadd.f32 v13, v14  }
0x71: {  	v22 =	vadd.f32 v29, v15;
	v29 =	vperm.xlane v24, v1;
	v20 =	vmax.f32 v18, v20;
	v18 =	vld [tilespmem:s20+$0xFFFFFFC0]  }
0x72: {  	v31 =	vld [tilespmem:s12+$0x20];
	(erf) = vpow2.f32 v21;
	v21 =	vmul.f32 $2.000000030e-01, v27  }
0x73: {  	v13 =	vld [tilespmem:s20+$0x20];
	v34 =	vmul.f32 $2.000000030e-01, v22;
	v23 =	vadd.f32 v23, v16;
	v24 =	vadd.f32 v24, v29  }
0x74: {  	v20 =	vmul.f32 v20, v5;
	v33 =	vpop (erf);
	v21 =	vmax.f32 v27, v21;
	v29 =	vadd.f32 v30, v17  }
0x75: {  	v22 =	vmax.f32 v22, v34;
	v27 =	vmul.f32 v33, v19;
	v30 =	vperm.xlane v24, v2  }
0x76: {  	v19 =	vmul.f32 $2.000000030e-01, v23;
	v35 =	vperm.xlane v20, v1;
	v28 =	vadd.f32 v28, v18  }
0x77: {  	v21 =	vmul.f32 v21, v5;
	v52 =	vmul.f32 $2.000000030e-01, v29;
	v24 =	vadd.f32 v24, v30  }
0x78: {  	v22 =	vmul.f32 v22, v5;
	v30 =	vadd.f32 v31, v13;
	v31 =	vmul.f32 $2.000000030e-01, v28  }
0x79: {  	v19 =	vmax.f32 v23, v19;
	v23 =	vmax.f32 v29, v52;
	v29 =	vperm.xlane v24, v3  }
0x7a: {  	v19 =	vmul.f32 v19, v5;
	v53 =	vmul.f32 $2.000000030e-01, v30;
	v28 =	vmax.f32 v28, v31  }
0x7b: {  	v23 =	vmul.f32 v23, v5;
	v24 =	vadd.f32 v24, v29;
	v28 =	vmul.f32 v28, v5  }
0x7c: {  	v55 =	vperm.xlane v19, v1;
	v29 =	vmax.f32 v30, v53;
	v30 =	vperm.xlane v21, v1  }
0x7d: {  	v20 =	vadd.f32 v20, v35;
	v31 =	vperm.xlane v24, v4;
	v54 =	vperm.xlane v28, v1  }
0x7e: {  	v29 =	vmul.f32 v29, v5;
	v21 =	vadd.f32 v21, v30;
	v30 =	vperm.xlane v22, v1  }
0x7f: {  	v36 =	vperm.xlane v23, v1;
	v24 =	vadd.f32 v24, v31;
	v28 =	vadd.f32 v28, v54  }
0x80: {  	v19 =	vadd.f32 v19, v55;
	v22 =	vadd.f32 v22, v30;
	v30 =	vperm.xlane v29, v1  }
0x81: {  	v56 =	vadd.f32 v23, v36;
	v24 =	vmul.f32 $1.442695020e+00, v24;
	v57 =	vperm.xlane v28, v2  }
0x82: {  	v31 =	vperm.xlane v20, v2;
	v23 =	vperm.xlane v21, v2;
	v29 =	vadd.f32 v29, v30  }
0x83: {  	v30 =	vperm.xlane v22, v2;
	(erf) = vpow2.f32 v24;
	v28 =	vadd.f32 v28, v57  }
0x84: {  	v20 =	vadd.f32 v20, v31;
	v31 =	vperm.xlane v19, v2;
	v59 =	vperm.xlane v29, v2  }
0x85: {  	v37 =	vadd.f32 v21, v23;
	v30 =	vadd.f32 v22, v30;
	v22 =	vperm.xlane v28, v3  }
0x86: {  	v58 =	vperm.xlane v56, v2;
	v38 =	vperm.xlane v20, v3;
	v24 =	vpop (erf);
	v36 =	vadd.f32 v29, v59  }
0x87: {  	s11 =	simm.s32 $0x2480;
	v33 =	vnsel vm0, $0x0, v33;
	v39 =	vadd.f32 v19, v31;
	v19 =	vperm.xlane v37, v3;
	v23 =	vpop (erf)  }
0x88: {  	[tilespmem:s11+$0x60] =	vst v26;
	v34 =	vadd.f32 v56, v58;
	v38 =	vadd.f32 v20, v38;
	v21 =	vpop (erf);
	v26 =	vperm.xlane v36, v3  }
0x89: {  	v60 =	vperm.xlane v30, v3;
	v31 =	vadd.f32 v37, v19;
	v40 =	vadd.f32 v28, v22;
	v22 =	vpop (erf)  }
0x8a: {  	v41 =	vperm.xlane v34, v3;
	v61 =	vnsel vm0, $0x0, v24;
	v28 =	vperm.xlane v39, v3;
	v20 =	vpop (erf)  }
0x8b: {  	[tilespmem:s11+$0x70] =	vst v32;
	v29 =	vadd.f32 v30, v60;
	v63 =	vperm.xlane v38, v4;
	v37 =	vperm.xlane v31, v4;
	v19 =	vpop (erf)  }
0x8c: {  	[tilespmem:s11+$0xFFFFFF80] =	vst v27;
	v27 =	vadd.f32 v36, v26;
	v30 =	vadd.f32 v39, v28;
	v62 =	vperm.xlane v40, v4;
	v26 =	vpop (erf)  }
0x8d: {  	[tilespmem:s11+$0xFFFFFF90] =	vst v33;
	v32 =	vadd.f32 v38, v63;
	v28 =	vadd.f32 v34, v41;
	v34 =	vmul.f32 v26, v25  }
0x8e: {  	s10 =	simm.s32 $0x2580;
	s14 =	simm.s32 $0x8;
	s20 =	simm.s32 $0x540;
	[tilespmem:s11+$0xFFFFFFB0] =	vst v61;
	v35 =	vperm.xlane v29, v4;
	v33 =	vadd.f32 v40, v62;
	v36 =	vperm.xlane v30, v4  }
.LBB2_5:
0x8f: {  	v25 =	vld [tilespmem:s20+$0x30];
	v31 =	vadd.f32 v31, v37;
	v37 =	vperm.xlane v28, v4;
	v38 =	vperm.xlane v27, v4;
	[tilespmem:s10+$0x60] =	vst v34;
	s12 =	sadd.s32 $0x80, s12  }
0x90: {  	s14 =	sadd.s32 $0x8, s14;
	v33 =	vmul.f32 $1.442695020e+00, v33;
	v34 =	vld [tilespmem:s12+$0x30];
	v29 =	vadd.f32 v29, v35;
	v30 =	vadd.f32 v30, v36  }
0x91: {  	p0 =	slt.u32 s14, $0x78;
	v32 =	vmul.f32 $1.442695020e+00, v32;
	v35 =	vld [tilespmem:s12+$0xFFFFFFC0];
	v28 =	vadd.f32 v28, v37;
	v27 =	vadd.f32 v27, v38  }
0x92: {  	v31 =	vmul.f32 $1.442695020e+00, v31;
	v37 =	vnsel vm0, $0x0, v23;
	v36 =	vld [tilespmem:s20+$0xFFFFFFD0];
	v29 =	vmul.f32 $1.442695020e+00, v29  }
0x93: {  	v30 =	vmul.f32 $1.442695020e+00, v30;
	v38 =	vld [tilespmem:s12+$0xFFFFFFD0];
	v28 =	vmul.f32 $1.442695020e+00, v28;
	[tilespmem:s11+$0xFFFFFFD0] =	vst v37;
	v37 =	vnsel vm0, $0x0, v21  }
0x94: {  	v27 =	vmul.f32 $1.442695020e+00, v27;
	v39 =	vld [tilespmem:s20+$0xFFFFFFE0];
	(erf) = vpow2.f32 v33;
	[tilespmem:s11+$0xFFFFFFF0] =	vst v37;
	v33 =	vnsel vm0, $0x0, v22  }
0x95: {  	v24 =	vmul.f32 v24, v9;
	v9 =	vmovc v12;
	v37 =	vld [tilespmem:s12+$0xFFFFFFE0];
	v34 =	vadd.f32 v34, v25;
	(erf) = vpow2.f32 v32;
	[tilespmem:s11+$0x10] =	vst v33  }
0x96: {  	v23 =	vmul.f32 v23, v8;
	v8 =	vmovc v14;
	v32 =	vld [tilespmem:s20+$0xFFFFFFF0];
	(erf) = vpow2.f32 v31;
	v31 =	vnsel vm0, $0x0, v20  }
0x97: {  	v33 =	vld [tilespmem:s12+$0xFFFFFFF0];
	v40 =	vmul.f32 $2.000000030e-01, v34;
	(erf) = vpow2.f32 v29;
	[tilespmem:s11+$0xFFFFFFA0] =	vst v24;
	v24 =	vnsel vm0, $0x0, v19;
	v12 =	vmovc v36  }
0x98: {  	v21 =	vmul.f32 v21, v7;
	v7 =	vmovc v15;
	v29 =	vadd.f32 v38, v12;
	v36 =	vld [tilespmem:s20+$0x0];
	(erf) = vpow2.f32 v30;
	[tilespmem:s11+$0xFFFFFFC0] =	vst v23  }
0x99: {  	v22 =	vmul.f32 v22, v10;
	v23 =	vld [tilespmem:s12+$0x0];
	v38 =	vmax.f32 v34, v40;
	(erf) = vpow2.f32 v28;
	[tilespmem:s11+$0x30] =	vst v31;
	v14 =	vmovc v39  }
0x9a: {  	v10 =	vmovc v16;
	v28 =	vmul.f32 $2.000000030e-01, v29;
	v30 =	vadd.f32 v37, v14;
	v31 =	vld [tilespmem:s20+$0x10];
	v34 =	vmul.f32 v38, v5;
	[tilespmem:s11+$0xFFFFFFE0] =	vst v21  }
0x9b: {  	v26 =	vnsel vm0, $0x0, v26;
	v37 =	vmul.f32 v20, v6;
	v6 =	vmovc v17;
	v21 =	vld [tilespmem:s12+$0x10];
	(erf) = vpow2.f32 v27;
	[tilespmem:s11+$0x0] =	vst v22;
	v15 =	vmovc v32  }
0x9c: {  	v17 =	vmul.f32 $2.000000030e-01, v30;
	v20 =	vadd.f32 v33, v15;
	v27 =	vld [tilespmem:s20+$0x20];
	v22 =	vperm.xlane v34, v1;
	[tilespmem:s11+$0x50] =	vst v24  }
0x9d: {  	v11 =	vmul.f32 v19, v11;
	v28 =	vmax.f32 v29, v28;
	v29 =	vld [tilespmem:s12+$0x20];
	v32 =	vpop (erf);
	[tilespmem:s11+$0x20] =	vst v37;
	v16 =	vmov v36  }
0x9e: {  	v33 =	vld [tilespmem:s20+$0xFFFFFFC0];
	v19 =	vmul.f32 $2.000000030e-01, v20;
	v36 =	vadd.f32 v23, v16;
	v34 =	vadd.f32 v34, v22;
	[tilespmem:s10+$0x70] =	vst v26;
	v24 =	vpop (erf)  }
0x9f: {  	v26 =	vmul.f32 v28, v5;
	v17 =	vmax.f32 v30, v17;
	v18 =	vmul.f32 v32, v18;
	v23 =	vpop (erf);
	[tilespmem:s11+$0x40] =	vst v11;
	s11 =	smov.u32 s10  }
0xa0: {  	v11 =	vmul.f32 $2.000000030e-01, v36;
	v28 =	vadd.f32 v21, v31;
	v30 =	vperm.xlane v34, v2;
	v21 =	vpop (erf)  }
0xa1: {  	v38 =	vmul.f32 v17, v5;
	v37 =	vperm.xlane v26, v1;
	v19 =	vmax.f32 v20, v19;
	[tilespmem:s10+$0xFFFFFF80] =	vst v18;
	v22 =	vpop (erf)  }
0xa2: {  	v18 =	vmul.f32 $2.000000030e-01, v28;
	v29 =	vadd.f32 v29, v27;
	v30 =	vadd.f32 v34, v30;
	v20 =	vpop (erf)  }
0xa3: {  	v17 =	vmovc v31;
	v39 =	vmax.f32 v36, v11;
	v34 =	vadd.f32 v35, v33;
	v35 =	vmul.f32 v19, v5  }
0xa4: {  	v40 =	vmax.f32 v28, v18;
	v28 =	vmul.f32 $2.000000030e-01, v29;
	v31 =	vperm.xlane v30, v3;
	v19 =	vpop (erf)  }
0xa5: {  	v26 =	vadd.f32 v26, v37;
	v37 =	vmul.f32 v39, v5;
	v11 =	vmovc v13;
	v13 =	vmovc v27;
	v36 =	vmul.f32 $2.000000030e-01, v34  }
0xa6: {  	v27 =	vmul.f32 v40, v5;
	v28 =	vmax.f32 v29, v28;
	v29 =	vadd.f32 v30, v31;
	v18 =	vmovc v33  }
0xa7: {  	v31 =	vperm.xlane v38, v1;
	v30 =	vmax.f32 v34, v36;
	v28 =	vmul.f32 v28, v5  }
0xa8: {  	v32 =	vnsel vm0, $0x0, v32;
	v30 =	vmul.f32 v30, v5;
	v33 =	vperm.xlane v29, v4  }
0xa9: {  	v34 =	vperm.xlane v35, v1;
	v36 =	vperm.xlane v37, v1;
	v31 =	vadd.f32 v38, v31;
	[tilespmem:s10+$0xFFFFFF90] =	vst v32  }
0xaa: {  	v38 =	vperm.xlane v27, v1;
	v32 =	vperm.xlane v30, v1;
	v29 =	vadd.f32 v29, v33  }
0xab: {  	v33 =	vadd.f32 v35, v34;
	v34 =	vadd.f32 v37, v36;
	v35 =	vperm.xlane v28, v1  }
0xac: {  	v27 =	vadd.f32 v27, v38;
	v30 =	vadd.f32 v30, v32;
	v29 =	vmul.f32 $1.442695020e+00, v29  }
0xad: {  	v36 =	vperm.xlane v31, v2;
	v32 =	vperm.xlane v26, v2;
	v28 =	vadd.f32 v28, v35  }
0xae: {  	v35 =	vperm.xlane v30, v2;
	(erf) = vpow2.f32 v29;
	v29 =	vnsel vm0, $0x0, v24  }
0xaf: {  	v37 =	vperm.xlane v34, v2;
	v26 =	vadd.f32 v26, v32;
	v32 =	vperm.xlane v33, v2;
	[tilespmem:s10+$0xFFFFFFB0] =	vst v29  }
0xb0: {  	v29 =	vadd.f32 v30, v35;
	v30 =	vperm.xlane v27, v2;
	v35 =	vperm.xlane v28, v2  }
0xb1: {  	v31 =	vadd.f32 v31, v36;
	v38 =	vperm.xlane v26, v3;
	v32 =	vadd.f32 v33, v32  }
0xb2: {  	v34 =	vadd.f32 v34, v37;
	v33 =	vperm.xlane v29, v3;
	v27 =	vadd.f32 v27, v30  }
0xb3: {  	v30 =	vperm.xlane v31, v3;
	v36 =	vperm.xlane v32, v3;
	v35 =	vadd.f32 v28, v35  }
0xb4: {  	v28 =	vperm.xlane v34, v3;
	v33 =	vadd.f32 v29, v33;
	v37 =	vperm.xlane v27, v3  }
.Ltmp1:
0xb5: {  	v38 =	vadd.f32 v26, v38;
	v31 =	vadd.f32 v31, v30;
	v40 =	vperm.xlane v35, v3;
	(pc) =	sbr.rel @p0 .LBB2_5-.Ltmp1, $4  }
0xb6: {  	v29 =	vadd.f32 v32, v36;
	v30 =	vadd.f32 v34, v28;
	v39 =	vperm.xlane v33, v4  }
0xb7: {  	v32 =	vperm.xlane v38, v4;
	v28 =	vadd.f32 v27, v37;
	v27 =	vadd.f32 v35, v40;
	v26 =	vpop (erf)  }
0xb8: {  	v37 =	vperm.xlane v31, v4;
	v33 =	vadd.f32 v33, v39;
	v34 =	vmul.f32 v26, v25  }
0xb9: {  	s20 =	sadd.s32 $0x80, s20;
	s10 =	sadd.s32 $0x100, s10;
	v32 =	vadd.f32 v38, v32;
	v35 =	vperm.xlane v29, v4;
	v36 =	vperm.xlane v30, v4  }
0xba: {  	v25 =	vadd.f32 v31, v37  }
0xbb: {  	v31 =	vperm.xlane v28, v4;
	v33 =	vmul.f32 $1.442695020e+00, v33;
	v43 =	vnsel vm0, $0x0, v23  }
0xbc: {  	[tilespmem:s10+$0x60] =	vst v34;
	v44 =	vnsel vm0, $0x0, v21;
	v9 =	vmul.f32 v24, v9;
	v8 =	vmul.f32 v23, v8  }
0xbd: {  	v45 =	vnsel vm0, $0x0, v22;
	v7 =	vmul.f32 v21, v7;
	[tilespmem:s11+$0xFFFFFFD0] =	vst v43;
	(erf) = vpow2.f32 v33  }
0xbe: {  	v10 =	vmul.f32 v22, v10;
	v29 =	vadd.f32 v29, v35;
	v32 =	vmul.f32 $1.442695020e+00, v32;
	[tilespmem:s11+$0xFFFFFFF0] =	vst v44  }
0xbf: {  	v6 =	vmul.f32 v20, v6;
	v30 =	vadd.f32 v30, v36;
	[tilespmem:s11+$0x10] =	vst v45;
	v25 =	vmul.f32 $1.442695020e+00, v25  }
0xc0: {  	[tilespmem:s11+$0xFFFFFFA0] =	vst v9;
	v9 =	vnsel vm0, $0x0, v20;
	v24 =	vmul.f32 $1.442695020e+00, v29;
	(erf) = vpow2.f32 v32  }
0xc1: {  	[tilespmem:s11+$0xFFFFFFC0] =	vst v8;
	v8 =	vadd.f32 v28, v31;
	v23 =	vmul.f32 $1.442695020e+00, v30;
	(erf) = vpow2.f32 v25  }
0xc2: {  	[tilespmem:s11+$0x30] =	vst v9;
	v9 =	vperm.xlane v27, v4;
	(erf) = vpow2.f32 v24  }
0xc3: {  	[tilespmem:s11+$0xFFFFFFE0] =	vst v7;
	v7 =	vmul.f32 $1.442695020e+00, v8;
	v8 =	vnsel vm0, $0x0, v19;
	(erf) = vpow2.f32 v23  }
0xc4: {  	[tilespmem:s11+$0x0] =	vst v10  }
0xc5: {  	[tilespmem:s11+$0x20] =	vst v6;
	v6 =	vmul.f32 v19, v11;
	v9 =	vadd.f32 v27, v9  }
0xc6: {  	[tilespmem:s11+$0x50] =	vst v8;
	(erf) = vpow2.f32 v7;
	v7 =	vnsel vm0, $0x0, v26;
	v8 =	vpop (erf)  }
0xc7: {  	v9 =	vmul.f32 $1.442695020e+00, v9;
	[tilespmem:s10+$0x70] =	vst v7;
	v7 =	vmul.f32 v8, v18  }
0xc8: {  	[tilespmem:s11+$0x40] =	vst v6  }
0xc9: {  	v6 =	vpop (erf);
	[tilespmem:s10+$0xFFFFFF80] =	vst v7;
	v7 =	vnsel vm0, $0x0, v8  }
0xca: {  	(erf) = vpow2.f32 v9;
	v8 =	vpop (erf);
	[tilespmem:s10+$0xFFFFFF90] =	vst v7;
	v7 =	vnsel vm0, $0x0, v6  }
0xcb: {  	v9 =	vpop (erf);
	[tilespmem:s10+$0xFFFFFFB0] =	vst v7;
	v7 =	vnsel vm0, $0x0, v8  }
0xcc: {  	v10 =	vpop (erf);
	[tilespmem:s10+$0xFFFFFFD0] =	vst v7;
	v7 =	vnsel vm0, $0x0, v9  }
0xcd: {  	v6 =	vmul.f32 v6, v12;
	[tilespmem:s10+$0xFFFFFFF0] =	vst v7;
	v7 =	vnsel vm0, $0x0, v10  }
0xce: {  	[tilespmem:s10+$0x10] =	vst v7;
	v7 =	vmul.f32 v8, v14  }
0xcf: {  	[tilespmem:s10+$0xFFFFFFA0] =	vst v6;
	v8 =	vpop (erf)  }
0xd0: {  	v6 =	vnsel vm0, $0x0, v8;
	v8 =	vmul.f32 v8, v17;
	[tilespmem:s10+$0xFFFFFFC0] =	vst v7  }
0xd1: {  	v7 =	vmul.f32 v9, v15;
	[tilespmem:s10+$0x30] =	vst v6  }
0xd2: {  	v9 =	vmul.f32 v10, v16;
	[tilespmem:s10+$0x20] =	vst v8  }
0xd3: {  	v6 =	vpop (erf);
	[tilespmem:s10+$0xFFFFFFE0] =	vst v7  }
0xd4: {  	[tilespmem:s10+$0x0] =	vst v9;
	v7 =	vnsel vm0, $0x0, v6;
	v6 =	vmul.f32 v6, v13  }
0xd5: {  	[tilespmem:s10+$0x50] =	vst v7  }
0xd6: {  	[tilespmem:s10+$0x40] =	vst v6  }
0xd7: {  	_ =	swait.ge [sflag:s24], $0x800  }
0xd8: {  	[sflag:s24] =	ssyncset.done $0x0  }
0xd9: {  	[sflag:s24] =	ssyncadd.s32 $0xFFFFF800  }
0xda: {  	_ =	swait.ge [sflag:s25], $0x800  }
0xdb: {  	[sflag:s25] =	ssyncset.done $0x0  }
0xdc: {  	[sflag:s25] =	ssyncadd.s32 $0xFFFFF800  }
0xdd: {  	[tilespmem:s16], [sflag:$0x1] =	stream.indirect.gather [hbm4b:s1+s15], $0x10, s26, s15, $0xb8;
	[tilespmem:$0x10210] =	vst v63  }
0xde: {  	s12 =	simm.s32 $0x1440  }
0xdf: {  	[tilespmem:s17], [sflag:$0x2] =	stream.indirect.gather [hbm4b:s6+s15], $0x10, s28, s15, $0xb8;
	[tilespmem:$0x10210] =	vst v63  }
0xe0: {  	s14 =	simm.s32 $0x1C40;
	v12 =	vld [tilespmem:s12+$0x30]  }
0xe1: {  	v6 =	vld [tilespmem:s14+$0x30]  }
0xe2: {  	v13 =	vld [tilespmem:s14+$0xFFFFFFC0]  }
0xe3: {  	v9 =	vld [tilespmem:s12+$0xFFFFFFD0]  }
0xe4: {  	v11 =	vld [tilespmem:s14+$0xFFFFFFD0]  }
0xe5: {  	v8 =	vld [tilespmem:s12+$0xFFFFFFE0]  }
0xe6: {  	v14 =	vld [tilespmem:s14+$0xFFFFFFE0]  }
0xe7: {  	v7 =	vld [tilespmem:s12+$0xFFFFFFF0]  }
0xe8: {  	v15 =	vld [tilespmem:s14+$0xFFFFFFF0];
	v6 =	vadd.f32 v6, v12  }
0xe9: {  	v10 =	vld [tilespmem:s12+$0x0]  }
0xea: {  	v17 =	vld [tilespmem:s14+$0x0];
	v18 =	vadd.f32 v11, v9;
	v16 =	vmul.f32 $2.000000030e-01, v6  }
0xeb: {  	v20 =	vld [tilespmem:s14+$0x10]  }
0xec: {  	v23 =	vld [tilespmem:s14+$0x20];
	v19 =	vmul.f32 $2.000000030e-01, v18;
	v16 =	vmax.f32 v6, v16  }
0xed: {  	v14 =	vadd.f32 v14, v8;
	v6 =	vld [tilespmem:s12+$0x10];
	v16 =	vmul.f32 v16, v5  }
0xee: {  	v18 =	vmax.f32 v18, v19;
	v19 =	vld [tilespmem:s12+$0xFFFFFFC0]  }
0xef: {  	v11 =	vld [tilespmem:s12+$0x20];
	v22 =	vmul.f32 $2.000000030e-01, v14;
	v21 =	vperm.xlane v16, v1  }
0xf0: {  	v15 =	vadd.f32 v15, v7;
	v17 =	vadd.f32 v17, v10  }
0xf1: {  	v14 =	vmax.f32 v14, v22;
	v16 =	vadd.f32 v16, v21  }
0xf2: {  	v22 =	vmul.f32 $2.000000030e-01, v17;
	v21 =	vmul.f32 $2.000000030e-01, v15;
	v20 =	vadd.f32 v20, v6  }
0xf3: {  	v18 =	vmul.f32 v18, v5;
	v13 =	vadd.f32 v13, v19;
	v24 =	vperm.xlane v16, v2  }
0xf4: {  	v15 =	vmax.f32 v15, v21;
	v21 =	vadd.f32 v23, v11;
	v23 =	vmul.f32 $2.000000030e-01, v20  }
0xf5: {  	v14 =	vmul.f32 v14, v5;
	v17 =	vmax.f32 v17, v22;
	v25 =	vperm.xlane v18, v1  }
0xf6: {  	v16 =	vadd.f32 v16, v24;
	v20 =	vmax.f32 v20, v23;
	v23 =	vmul.f32 $2.000000030e-01, v13  }
0xf7: {  	v17 =	vmul.f32 v17, v5;
	v18 =	vadd.f32 v18, v25;
	v22 =	vmul.f32 $2.000000030e-01, v21  }
0xf8: {  	v15 =	vmul.f32 v15, v5;
	v24 =	vperm.xlane v16, v3;
	v13 =	vmax.f32 v13, v23  }
0xf9: {  	v21 =	vmax.f32 v21, v22;
	v22 =	vperm.xlane v14, v1;
	v13 =	vmul.f32 v13, v5  }
0xfa: {  	v25 =	vperm.xlane v17, v1;
	v21 =	vmul.f32 v21, v5;
	v16 =	vadd.f32 v16, v24  }
0xfb: {  	v24 =	vperm.xlane v15, v1;
	v14 =	vadd.f32 v14, v22;
	v22 =	vperm.xlane v13, v1  }
0xfc: {  	v20 =	vmul.f32 v20, v5;
	v23 =	vperm.xlane v16, v4  }
0xfd: {  	v15 =	vadd.f32 v15, v24;
	v24 =	vperm.xlane v21, v1;
	v13 =	vadd.f32 v13, v22  }
0xfe: {  	v16 =	vadd.f32 v16, v23;
	v23 =	vperm.xlane v20, v1  }
0xff: {  	v17 =	vadd.f32 v17, v25;
	v21 =	vadd.f32 v21, v24;
	v24 =	vperm.xlane v13, v2  }
0x100: {  	v22 =	vperm.xlane v18, v2;
	v16 =	vmul.f32 $1.442695020e+00, v16;
	v20 =	vadd.f32 v20, v23  }
0x101: {  	v23 =	vperm.xlane v14, v2;
	v25 =	vperm.xlane v21, v2;
	v13 =	vadd.f32 v13, v24  }
0x102: {  	(erf) = vpow2.f32 v16;
	v16 =	vadd.f32 v18, v22;
	v18 =	vperm.xlane v15, v2  }
0x103: {  	v22 =	vperm.xlane v17, v2;
	v24 =	vperm.xlane v20, v2;
	v14 =	vadd.f32 v14, v23  }
0x104: {  	v21 =	vadd.f32 v21, v25;
	v15 =	vadd.f32 v15, v18;
	v18 =	vperm.xlane v13, v3  }
0x105: {  	v26 =	vperm.xlane v16, v3;
	v17 =	vadd.f32 v17, v22;
	v20 =	vadd.f32 v20, v24  }
0x106: {  	v22 =	vperm.xlane v14, v3;
	v23 =	vperm.xlane v15, v3;
	v13 =	vadd.f32 v13, v18  }
0x107: {  	v18 =	vperm.xlane v17, v3;
	v24 =	vperm.xlane v20, v3;
	v16 =	vadd.f32 v16, v26  }
0x108: {  	v14 =	vadd.f32 v14, v22;
	v22 =	vperm.xlane v21, v3;
	v26 =	vperm.xlane v13, v4  }
0x109: {  	s20 =	simm.s32 $0x14C0;
	v15 =	vadd.f32 v15, v23;
	v17 =	vadd.f32 v17, v18;
	v18 =	vperm.xlane v16, v4  }
0x10a: {  	s12 =	simm.s32 $0x1CC0;
	v25 =	vld [tilespmem:s20+$0x30];
	v20 =	vadd.f32 v20, v24;
	v21 =	vadd.f32 v21, v22;
	v23 =	vperm.xlane v14, v4  }
0x10b: {  	v24 =	vld [tilespmem:s12+$0x30];
	v13 =	vadd.f32 v13, v26;
	v16 =	vadd.f32 v16, v18;
	v18 =	vperm.xlane v15, v4  }
0x10c: {  	v27 =	vperm.xlane v17, v4;
	v14 =	vadd.f32 v14, v23;
	v23 =	vperm.xlane v20, v4;
	v22 =	vpop (erf)  }
0x10d: {  	v29 =	vperm.xlane v21, v4;
	v26 =	vmul.f32 v22, v12;
	v12 =	vld [tilespmem:s20+$0xFFFFFFD0]  }
0x10e: {  	v13 =	vmul.f32 $1.442695020e+00, v13;
	v15 =	vadd.f32 v15, v18;
	v17 =	vadd.f32 v17, v27;
	v18 =	vld [tilespmem:s12+$0xFFFFFFD0]  }
0x10f: {  	v16 =	vmul.f32 $1.442695020e+00, v16;
	v20 =	vadd.f32 v20, v23;
	v23 =	vmul.f32 $1.442695020e+00, v14;
	v14 =	vld [tilespmem:s20+$0xFFFFFFE0]  }
0x110: {  	v21 =	vadd.f32 v21, v29;
	v29 =	vld [tilespmem:s12+$0xFFFFFFF0];
	v24 =	vadd.f32 v24, v25;
	v27 =	vmul.f32 $1.442695020e+00, v15  }
0x111: {  	(erf) = vpow2.f32 v13;
	v13 =	vld [tilespmem:s12+$0xFFFFFFE0];
	v17 =	vmul.f32 $1.442695020e+00, v17  }
0x112: {  	v15 =	vld [tilespmem:s20+$0xFFFFFFF0];
	(erf) = vpow2.f32 v16;
	v30 =	vmul.f32 $2.000000030e-01, v24  }
0x113: {  	v20 =	vmul.f32 $1.442695020e+00, v20;
	v16 =	vld [tilespmem:s20+$0x0];
	(erf) = vpow2.f32 v23  }
0x114: {  	v23 =	vld [tilespmem:s12+$0x0];
	(erf) = vpow2.f32 v27;
	v18 =	vadd.f32 v18, v12;
	v24 =	vmax.f32 v24, v30  }
0x115: {  	v30 =	vld [tilespmem:s12+$0x10];
	(erf) = vpow2.f32 v17;
	v24 =	vmul.f32 v24, v5  }
0x116: {  	v17 =	vld [tilespmem:s20+$0x10];
	(erf) = vpow2.f32 v20;
	v20 =	vmul.f32 $2.000000030e-01, v18  }
0x117: {  	v28 =	vld [tilespmem:s12+$0xFFFFFFC0];
	v46 =	vnsel vm0, $0x0, v22;
	v21 =	vmul.f32 $1.442695020e+00, v21;
	v27 =	vadd.f32 v13, v14  }
0x118: {  	v22 =	vadd.f32 v29, v15;
	v29 =	vperm.xlane v24, v1;
	v20 =	vmax.f32 v18, v20;
	v18 =	vld [tilespmem:s20+$0xFFFFFFC0]  }
0x119: {  	v31 =	vld [tilespmem:s12+$0x20];
	(erf) = vpow2.f32 v21;
	v21 =	vmul.f32 $2.000000030e-01, v27  }
0x11a: {  	v13 =	vld [tilespmem:s20+$0x20];
	v48 =	vmul.f32 $2.000000030e-01, v22;
	v23 =	vadd.f32 v23, v16;
	v24 =	vadd.f32 v24, v29  }
0x11b: {  	v20 =	vmul.f32 v20, v5;
	v47 =	vpop (erf);
	v21 =	vmax.f32 v27, v21;
	v29 =	vadd.f32 v30, v17  }
0x11c: {  	v22 =	vmax.f32 v22, v48;
	v27 =	vmul.f32 v47, v19;
	v30 =	vperm.xlane v24, v2  }
0x11d: {  	v19 =	vmul.f32 $2.000000030e-01, v23;
	v49 =	vperm.xlane v20, v1;
	v28 =	vadd.f32 v28, v18  }
0x11e: {  	v21 =	vmul.f32 v21, v5;
	v50 =	vmul.f32 $2.000000030e-01, v29;
	v24 =	vadd.f32 v24, v30  }
0x11f: {  	v22 =	vmul.f32 v22, v5;
	v30 =	vadd.f32 v31, v13;
	v31 =	vmul.f32 $2.000000030e-01, v28  }
0x120: {  	v19 =	vmax.f32 v23, v19;
	v23 =	vmax.f32 v29, v50;
	v29 =	vperm.xlane v24, v3  }
0x121: {  	v19 =	vmul.f32 v19, v5;
	v51 =	vmul.f32 $2.000000030e-01, v30;
	v28 =	vmax.f32 v28, v31  }
0x122: {  	v23 =	vmul.f32 v23, v5;
	v24 =	vadd.f32 v24, v29;
	v28 =	vmul.f32 v28, v5  }
0x123: {  	v53 =	vperm.xlane v19, v1;
	v29 =	vmax.f32 v30, v51;
	v30 =	vperm.xlane v21, v1  }
0x124: {  	v20 =	vadd.f32 v20, v49;
	v31 =	vperm.xlane v24, v4;
	v52 =	vperm.xlane v28, v1  }
0x125: {  	v29 =	vmul.f32 v29, v5;
	v21 =	vadd.f32 v21, v30;
	v30 =	vperm.xlane v22, v1  }
0x126: {  	v54 =	vperm.xlane v23, v1;
	v24 =	vadd.f32 v24, v31;
	v28 =	vadd.f32 v28, v52  }
0x127: {  	v19 =	vadd.f32 v19, v53;
	v22 =	vadd.f32 v22, v30;
	v30 =	vperm.xlane v29, v1  }
0x128: {  	v55 =	vadd.f32 v23, v54;
	v24 =	vmul.f32 $1.442695020e+00, v24;
	v56 =	vperm.xlane v28, v2  }
0x129: {  	v31 =	vperm.xlane v20, v2;
	v23 =	vperm.xlane v21, v2;
	v29 =	vadd.f32 v29, v30  }
0x12a: {  	v30 =	vperm.xlane v22, v2;
	(erf) = vpow2.f32 v24;
	v28 =	vadd.f32 v28, v56  }
0x12b: {  	v20 =	vadd.f32 v20, v31;
	v31 =	vperm.xlane v19, v2;
	v58 =	vperm.xlane v29, v2  }
0x12c: {  	v59 =	vadd.f32 v21, v23;
	v30 =	vadd.f32 v22, v30;
	v22 =	vperm.xlane v28, v3  }
0x12d: {  	v57 =	vperm.xlane v55, v2;
	v38 =	vperm.xlane v20, v3;
	v24 =	vpop (erf);
	v36 =	vadd.f32 v29, v58  }
0x12e: {  	s11 =	simm.s32 $0x3480;
	v33 =	vnsel vm0, $0x0, v47;
	v39 =	vadd.f32 v19, v31;
	v19 =	vperm.xlane v59, v3;
	v23 =	vpop (erf)  }
0x12f: {  	[tilespmem:s11+$0x60] =	vst v26;
	v34 =	vadd.f32 v55, v57;
	v38 =	vadd.f32 v20, v38;
	v21 =	vpop (erf);
	v26 =	vperm.xlane v36, v3  }
0x130: {  	v60 =	vperm.xlane v30, v3;
	v31 =	vadd.f32 v59, v19;
	v40 =	vadd.f32 v28, v22;
	v22 =	vpop (erf)  }
0x131: {  	v41 =	vperm.xlane v34, v3;
	v61 =	vnsel vm0, $0x0, v24;
	v28 =	vperm.xlane v39, v3;
	v20 =	vpop (erf)  }
0x132: {  	[tilespmem:s11+$0x70] =	vst v46;
	v29 =	vadd.f32 v30, v60;
	v63 =	vperm.xlane v38, v4;
	v37 =	vperm.xlane v31, v4;
	v19 =	vpop (erf)  }
0x133: {  	[tilespmem:s11+$0xFFFFFF80] =	vst v27;
	v27 =	vadd.f32 v36, v26;
	v30 =	vadd.f32 v39, v28;
	v62 =	vperm.xlane v40, v4;
	v26 =	vpop (erf)  }
0x134: {  	[tilespmem:s11+$0xFFFFFF90] =	vst v33;
	v32 =	vadd.f32 v38, v63;
	v28 =	vadd.f32 v34, v41;
	v34 =	vmul.f32 v26, v25  }
0x135: {  	s10 =	simm.s32 $0x3580;
	s14 =	simm.s32 $0x8;
	s20 =	simm.s32 $0x1540;
	[tilespmem:s11+$0xFFFFFFB0] =	vst v61;
	v35 =	vperm.xlane v29, v4;
	v33 =	vadd.f32 v40, v62;
	v36 =	vperm.xlane v30, v4  }
.LBB2_7:
0x136: {  	v25 =	vld [tilespmem:s20+$0x30];
	v31 =	vadd.f32 v31, v37;
	v37 =	vperm.xlane v28, v4;
	v38 =	vperm.xlane v27, v4;
	[tilespmem:s10+$0x60] =	vst v34;
	s12 =	sadd.s32 $0x80, s12  }
0x137: {  	s14 =	sadd.s32 $0x8, s14;
	v33 =	vmul.f32 $1.442695020e+00, v33;
	v34 =	vld [tilespmem:s12+$0x30];
	v29 =	vadd.f32 v29, v35;
	v30 =	vadd.f32 v30, v36  }
0x138: {  	p0 =	slt.u32 s14, $0x78;
	v32 =	vmul.f32 $1.442695020e+00, v32;
	v35 =	vld [tilespmem:s12+$0xFFFFFFC0];
	v28 =	vadd.f32 v28, v37;
	v27 =	vadd.f32 v27, v38  }
0x139: {  	v31 =	vmul.f32 $1.442695020e+00, v31;
	v37 =	vnsel vm0, $0x0, v23;
	v36 =	vld [tilespmem:s20+$0xFFFFFFD0];
	v29 =	vmul.f32 $1.442695020e+00, v29  }
0x13a: {  	v30 =	vmul.f32 $1.442695020e+00, v30;
	v38 =	vld [tilespmem:s12+$0xFFFFFFD0];
	v28 =	vmul.f32 $1.442695020e+00, v28;
	[tilespmem:s11+$0xFFFFFFD0] =	vst v37;
	v37 =	vnsel vm0, $0x0, v21  }
0x13b: {  	v27 =	vmul.f32 $1.442695020e+00, v27;
	v39 =	vld [tilespmem:s20+$0xFFFFFFE0];
	(erf) = vpow2.f32 v33;
	[tilespmem:s11+$0xFFFFFFF0] =	vst v37;
	v33 =	vnsel vm0, $0x0, v22  }
0x13c: {  	v24 =	vmul.f32 v24, v9;
	v9 =	vmovc v12;
	v37 =	vld [tilespmem:s12+$0xFFFFFFE0];
	v34 =	vadd.f32 v34, v25;
	(erf) = vpow2.f32 v32;
	[tilespmem:s11+$0x10] =	vst v33  }
0x13d: {  	v23 =	vmul.f32 v23, v8;
	v8 =	vmovc v14;
	v32 =	vld [tilespmem:s20+$0xFFFFFFF0];
	(erf) = vpow2.f32 v31;
	v31 =	vnsel vm0, $0x0, v20  }
0x13e: {  	v33 =	vld [tilespmem:s12+$0xFFFFFFF0];
	v40 =	vmul.f32 $2.000000030e-01, v34;
	(erf) = vpow2.f32 v29;
	[tilespmem:s11+$0xFFFFFFA0] =	vst v24;
	v24 =	vnsel vm0, $0x0, v19;
	v12 =	vmovc v36  }
0x13f: {  	v21 =	vmul.f32 v21, v7;
	v7 =	vmovc v15;
	v29 =	vadd.f32 v38, v12;
	v36 =	vld [tilespmem:s20+$0x0];
	(erf) = vpow2.f32 v30;
	[tilespmem:s11+$0xFFFFFFC0] =	vst v23  }
0x140: {  	v22 =	vmul.f32 v22, v10;
	v23 =	vld [tilespmem:s12+$0x0];
	v38 =	vmax.f32 v34, v40;
	(erf) = vpow2.f32 v28;
	[tilespmem:s11+$0x30] =	vst v31;
	v14 =	vmovc v39  }
0x141: {  	v10 =	vmovc v16;
	v28 =	vmul.f32 $2.000000030e-01, v29;
	v30 =	vadd.f32 v37, v14;
	v31 =	vld [tilespmem:s20+$0x10];
	v34 =	vmul.f32 v38, v5;
	[tilespmem:s11+$0xFFFFFFE0] =	vst v21  }
0x142: {  	v26 =	vnsel vm0, $0x0, v26;
	v37 =	vmul.f32 v20, v6;
	v6 =	vmovc v17;
	v21 =	vld [tilespmem:s12+$0x10];
	(erf) = vpow2.f32 v27;
	[tilespmem:s11+$0x0] =	vst v22;
	v15 =	vmovc v32  }
0x143: {  	v17 =	vmul.f32 $2.000000030e-01, v30;
	v20 =	vadd.f32 v33, v15;
	v27 =	vld [tilespmem:s20+$0x20];
	v22 =	vperm.xlane v34, v1;
	[tilespmem:s11+$0x50] =	vst v24  }
0x144: {  	v11 =	vmul.f32 v19, v11;
	v28 =	vmax.f32 v29, v28;
	v29 =	vld [tilespmem:s12+$0x20];
	v32 =	vpop (erf);
	[tilespmem:s11+$0x20] =	vst v37;
	v16 =	vmov v36  }
0x145: {  	v33 =	vld [tilespmem:s20+$0xFFFFFFC0];
	v19 =	vmul.f32 $2.000000030e-01, v20;
	v36 =	vadd.f32 v23, v16;
	v34 =	vadd.f32 v34, v22;
	[tilespmem:s10+$0x70] =	vst v26;
	v24 =	vpop (erf)  }
0x146: {  	v26 =	vmul.f32 v28, v5;
	v17 =	vmax.f32 v30, v17;
	v18 =	vmul.f32 v32, v18;
	v23 =	vpop (erf);
	[tilespmem:s11+$0x40] =	vst v11;
	s11 =	smov.u32 s10  }
0x147: {  	v11 =	vmul.f32 $2.000000030e-01, v36;
	v28 =	vadd.f32 v21, v31;
	v30 =	vperm.xlane v34, v2;
	v21 =	vpop (erf)  }
0x148: {  	v38 =	vmul.f32 v17, v5;
	v37 =	vperm.xlane v26, v1;
	v19 =	vmax.f32 v20, v19;
	[tilespmem:s10+$0xFFFFFF80] =	vst v18;
	v22 =	vpop (erf)  }
0x149: {  	v18 =	vmul.f32 $2.000000030e-01, v28;
	v29 =	vadd.f32 v29, v27;
	v30 =	vadd.f32 v34, v30;
	v20 =	vpop (erf)  }
0x14a: {  	v17 =	vmovc v31;
	v39 =	vmax.f32 v36, v11;
	v34 =	vadd.f32 v35, v33;
	v35 =	vmul.f32 v19, v5  }
0x14b: {  	v40 =	vmax.f32 v28, v18;
	v28 =	vmul.f32 $2.000000030e-01, v29;
	v31 =	vperm.xlane v30, v3;
	v19 =	vpop (erf)  }
0x14c: {  	v26 =	vadd.f32 v26, v37;
	v37 =	vmul.f32 v39, v5;
	v11 =	vmovc v13;
	v13 =	vmovc v27;
	v36 =	vmul.f32 $2.000000030e-01, v34  }
0x14d: {  	v27 =	vmul.f32 v40, v5;
	v28 =	vmax.f32 v29, v28;
	v29 =	vadd.f32 v30, v31;
	v18 =	vmovc v33  }
0x14e: {  	v31 =	vperm.xlane v38, v1;
	v30 =	vmax.f32 v34, v36;
	v28 =	vmul.f32 v28, v5  }
0x14f: {  	v32 =	vnsel vm0, $0x0, v32;
	v30 =	vmul.f32 v30, v5;
	v33 =	vperm.xlane v29, v4  }
0x150: {  	v34 =	vperm.xlane v35, v1;
	v36 =	vperm.xlane v37, v1;
	v31 =	vadd.f32 v38, v31;
	[tilespmem:s10+$0xFFFFFF90] =	vst v32  }
0x151: {  	v38 =	vperm.xlane v27, v1;
	v32 =	vperm.xlane v30, v1;
	v29 =	vadd.f32 v29, v33  }
0x152: {  	v33 =	vadd.f32 v35, v34;
	v34 =	vadd.f32 v37, v36;
	v35 =	vperm.xlane v28, v1  }
0x153: {  	v27 =	vadd.f32 v27, v38;
	v30 =	vadd.f32 v30, v32;
	v29 =	vmul.f32 $1.442695020e+00, v29  }
0x154: {  	v36 =	vperm.xlane v31, v2;
	v32 =	vperm.xlane v26, v2;
	v28 =	vadd.f32 v28, v35  }
0x155: {  	v35 =	vperm.xlane v30, v2;
	(erf) = vpow2.f32 v29;
	v29 =	vnsel vm0, $0x0, v24  }
0x156: {  	v37 =	vperm.xlane v34, v2;
	v26 =	vadd.f32 v26, v32;
	v32 =	vperm.xlane v33, v2;
	[tilespmem:s10+$0xFFFFFFB0] =	vst v29  }
0x157: {  	v29 =	vadd.f32 v30, v35;
	v30 =	vperm.xlane v27, v2;
	v35 =	vperm.xlane v28, v2  }
0x158: {  	v31 =	vadd.f32 v31, v36;
	v38 =	vperm.xlane v26, v3;
	v32 =	vadd.f32 v33, v32  }
0x159: {  	v34 =	vadd.f32 v34, v37;
	v33 =	vperm.xlane v29, v3;
	v27 =	vadd.f32 v27, v30  }
0x15a: {  	v30 =	vperm.xlane v31, v3;
	v36 =	vperm.xlane v32, v3;
	v35 =	vadd.f32 v28, v35  }
0x15b: {  	v28 =	vperm.xlane v34, v3;
	v33 =	vadd.f32 v29, v33;
	v37 =	vperm.xlane v27, v3  }
.Ltmp2:
0x15c: {  	v38 =	vadd.f32 v26, v38;
	v31 =	vadd.f32 v31, v30;
	v40 =	vperm.xlane v35, v3;
	(pc) =	sbr.rel @p0 .LBB2_7-.Ltmp2, $4  }
0x15d: {  	v29 =	vadd.f32 v32, v36;
	v30 =	vadd.f32 v34, v28;
	v39 =	vperm.xlane v33, v4  }
0x15e: {  	v32 =	vperm.xlane v38, v4;
	v28 =	vadd.f32 v27, v37;
	v27 =	vadd.f32 v35, v40;
	v26 =	vpop (erf)  }
0x15f: {  	v37 =	vperm.xlane v31, v4;
	v33 =	vadd.f32 v33, v39;
	v34 =	vmul.f32 v26, v25  }
0x160: {  	s20 =	sadd.s32 $0x80, s20;
	s10 =	sadd.s32 $0x100, s10;
	v32 =	vadd.f32 v38, v32;
	v35 =	vperm.xlane v29, v4;
	v36 =	vperm.xlane v30, v4  }
0x161: {  	v25 =	vadd.f32 v31, v37  }
0x162: {  	v31 =	vperm.xlane v28, v4;
	v33 =	vmul.f32 $1.442695020e+00, v33;
	v43 =	vnsel vm0, $0x0, v23  }
0x163: {  	[tilespmem:s10+$0x60] =	vst v34;
	v44 =	vnsel vm0, $0x0, v21;
	v9 =	vmul.f32 v24, v9;
	v8 =	vmul.f32 v23, v8  }
0x164: {  	v45 =	vnsel vm0, $0x0, v22;
	v7 =	vmul.f32 v21, v7;
	[tilespmem:s11+$0xFFFFFFD0] =	vst v43;
	(erf) = vpow2.f32 v33  }
0x165: {  	v10 =	vmul.f32 v22, v10;
	v29 =	vadd.f32 v29, v35;
	v32 =	vmul.f32 $1.442695020e+00, v32;
	[tilespmem:s11+$0xFFFFFFF0] =	vst v44  }
0x166: {  	v6 =	vmul.f32 v20, v6;
	v30 =	vadd.f32 v30, v36;
	[tilespmem:s11+$0x10] =	vst v45;
	v25 =	vmul.f32 $1.442695020e+00, v25  }
0x167: {  	[tilespmem:s11+$0xFFFFFFA0] =	vst v9;
	v9 =	vnsel vm0, $0x0, v20;
	v24 =	vmul.f32 $1.442695020e+00, v29;
	(erf) = vpow2.f32 v32  }
0x168: {  	[tilespmem:s11+$0xFFFFFFC0] =	vst v8;
	v8 =	vadd.f32 v28, v31;
	v23 =	vmul.f32 $1.442695020e+00, v30;
	(erf) = vpow2.f32 v25  }
0x169: {  	[tilespmem:s11+$0x30] =	vst v9;
	v9 =	vperm.xlane v27, v4;
	(erf) = vpow2.f32 v24  }
0x16a: {  	[tilespmem:s11+$0xFFFFFFE0] =	vst v7;
	v7 =	vmul.f32 $1.442695020e+00, v8;
	v8 =	vnsel vm0, $0x0, v19;
	(erf) = vpow2.f32 v23  }
0x16b: {  	[tilespmem:s11+$0x0] =	vst v10  }
0x16c: {  	[tilespmem:s11+$0x20] =	vst v6;
	v6 =	vmul.f32 v19, v11;
	v9 =	vadd.f32 v27, v9  }
0x16d: {  	[tilespmem:s11+$0x50] =	vst v8;
	(erf) = vpow2.f32 v7;
	v7 =	vnsel vm0, $0x0, v26;
	v8 =	vpop (erf)  }
0x16e: {  	v9 =	vmul.f32 $1.442695020e+00, v9;
	[tilespmem:s10+$0x70] =	vst v7;
	v7 =	vmul.f32 v8, v18  }
0x16f: {  	[tilespmem:s11+$0x40] =	vst v6  }
0x170: {  	v6 =	vpop (erf);
	[tilespmem:s10+$0xFFFFFF80] =	vst v7;
	v7 =	vnsel vm0, $0x0, v8  }
0x171: {  	(erf) = vpow2.f32 v9;
	v8 =	vpop (erf);
	[tilespmem:s10+$0xFFFFFF90] =	vst v7;
	v7 =	vnsel vm0, $0x0, v6  }
0x172: {  	v9 =	vpop (erf);
	[tilespmem:s10+$0xFFFFFFB0] =	vst v7;
	v7 =	vnsel vm0, $0x0, v8  }
0x173: {  	v10 =	vpop (erf);
	[tilespmem:s10+$0xFFFFFFD0] =	vst v7;
	v7 =	vnsel vm0, $0x0, v9  }
0x174: {  	v6 =	vmul.f32 v6, v12;
	[tilespmem:s10+$0xFFFFFFF0] =	vst v7;
	v7 =	vnsel vm0, $0x0, v10  }
0x175: {  	[tilespmem:s10+$0x10] =	vst v7;
	v7 =	vmul.f32 v8, v14  }
0x176: {  	[tilespmem:s10+$0xFFFFFFA0] =	vst v6;
	v8 =	vpop (erf)  }
0x177: {  	v6 =	vnsel vm0, $0x0, v8;
	v8 =	vmul.f32 v8, v17;
	[tilespmem:s10+$0xFFFFFFC0] =	vst v7  }
0x178: {  	v7 =	vmul.f32 v9, v15;
	[tilespmem:s10+$0x30] =	vst v6  }
0x179: {  	v9 =	vmul.f32 v10, v16;
	[tilespmem:s10+$0x20] =	vst v8  }
0x17a: {  	v6 =	vpop (erf);
	[tilespmem:s10+$0xFFFFFFE0] =	vst v7  }
0x17b: {  	[tilespmem:s10+$0x0] =	vst v9;
	v7 =	vnsel vm0, $0x0, v6;
	v6 =	vmul.f32 v6, v13  }
0x17c: {  	[tilespmem:s10+$0x50] =	vst v7  }
0x17d: {  	[tilespmem:s10+$0x40] =	vst v6  }
0x17e: {  	_ =	swait.ge [sflag:s18], $0x800  }
0x17f: {  	[sflag:s18] =	ssyncset.done $0x0  }
0x180: {  	[sflag:s18] =	ssyncadd.s32 $0xFFFFF800  }
0x181: {  	_ =	swait.ge [sflag:s19], $0x800  }
0x182: {  	[sflag:s19] =	ssyncset.done $0x0  }
0x183: {  	[sflag:s19] =	ssyncadd.s32 $0xFFFFF800  }
0x184: {  	[tilespmem:s21], [sflag:$0x3] =	stream.indirect.gather [hbm4b:s1+s15], $0x10, s29, s15, $0xb8;
	[tilespmem:$0x10210] =	vst v63  }
0x185: {  	s12 =	simm.s32 $0x440  }
0x186: {  	[tilespmem:s23], [sflag:$0x4] =	stream.indirect.gather [hbm4b:s6+s15], $0x10, s30, s15, $0xb8;
	[tilespmem:$0x10210] =	vst v63  }
0x187: {  	s14 =	simm.s32 $0xC40;
	v12 =	vld [tilespmem:s12+$0x30]  }
0x188: {  	v6 =	vld [tilespmem:s14+$0x30]  }
0x189: {  	v13 =	vld [tilespmem:s14+$0xFFFFFFC0]  }
0x18a: {  	v9 =	vld [tilespmem:s12+$0xFFFFFFD0]  }
0x18b: {  	v11 =	vld [tilespmem:s14+$0xFFFFFFD0]  }
0x18c: {  	v8 =	vld [tilespmem:s12+$0xFFFFFFE0]  }
0x18d: {  	v14 =	vld [tilespmem:s14+$0xFFFFFFE0]  }
0x18e: {  	v7 =	vld [tilespmem:s12+$0xFFFFFFF0]  }
0x18f: {  	v15 =	vld [tilespmem:s14+$0xFFFFFFF0];
	v6 =	vadd.f32 v6, v12  }
0x190: {  	v10 =	vld [tilespmem:s12+$0x0]  }
0x191: {  	v17 =	vld [tilespmem:s14+$0x0];
	v18 =	vadd.f32 v11, v9;
	v16 =	vmul.f32 $2.000000030e-01, v6  }
0x192: {  	v20 =	vld [tilespmem:s14+$0x10]  }
0x193: {  	v23 =	vld [tilespmem:s14+$0x20];
	v19 =	vmul.f32 $2.000000030e-01, v18;
	v16 =	vmax.f32 v6, v16  }
0x194: {  	v14 =	vadd.f32 v14, v8;
	v6 =	vld [tilespmem:s12+$0x10];
	v16 =	vmul.f32 v16, v5  }
0x195: {  	v18 =	vmax.f32 v18, v19;
	v19 =	vld [tilespmem:s12+$0xFFFFFFC0]  }
0x196: {  	v11 =	vld [tilespmem:s12+$0x20];
	v22 =	vmul.f32 $2.000000030e-01, v14;
	v21 =	vperm.xlane v16, v1  }
0x197: {  	v15 =	vadd.f32 v15, v7;
	v17 =	vadd.f32 v17, v10  }
0x198: {  	v14 =	vmax.f32 v14, v22;
	v16 =	vadd.f32 v16, v21  }
0x199: {  	v22 =	vmul.f32 $2.000000030e-01, v17;
	v21 =	vmul.f32 $2.000000030e-01, v15;
	v20 =	vadd.f32 v20, v6  }
0x19a: {  	v18 =	vmul.f32 v18, v5;
	v13 =	vadd.f32 v13, v19;
	v24 =	vperm.xlane v16, v2  }
0x19b: {  	v15 =	vmax.f32 v15, v21;
	v21 =	vadd.f32 v23, v11;
	v23 =	vmul.f32 $2.000000030e-01, v20  }
0x19c: {  	v14 =	vmul.f32 v14, v5;
	v17 =	vmax.f32 v17, v22;
	v25 =	vperm.xlane v18, v1  }
0x19d: {  	v16 =	vadd.f32 v16, v24;
	v20 =	vmax.f32 v20, v23;
	v23 =	vmul.f32 $2.000000030e-01, v13  }
0x19e: {  	v17 =	vmul.f32 v17, v5;
	v18 =	vadd.f32 v18, v25;
	v22 =	vmul.f32 $2.000000030e-01, v21  }
0x19f: {  	v15 =	vmul.f32 v15, v5;
	v24 =	vperm.xlane v16, v3;
	v13 =	vmax.f32 v13, v23  }
0x1a0: {  	v21 =	vmax.f32 v21, v22;
	v22 =	vperm.xlane v14, v1;
	v13 =	vmul.f32 v13, v5  }
0x1a1: {  	v25 =	vperm.xlane v17, v1;
	v21 =	vmul.f32 v21, v5;
	v16 =	vadd.f32 v16, v24  }
0x1a2: {  	v24 =	vperm.xlane v15, v1;
	v14 =	vadd.f32 v14, v22;
	v22 =	vperm.xlane v13, v1  }
0x1a3: {  	v20 =	vmul.f32 v20, v5;
	v23 =	vperm.xlane v16, v4  }
0x1a4: {  	v15 =	vadd.f32 v15, v24;
	v24 =	vperm.xlane v21, v1;
	v13 =	vadd.f32 v13, v22  }
0x1a5: {  	v16 =	vadd.f32 v16, v23;
	v23 =	vperm.xlane v20, v1  }
0x1a6: {  	v17 =	vadd.f32 v17, v25;
	v21 =	vadd.f32 v21, v24;
	v24 =	vperm.xlane v13, v2  }
0x1a7: {  	v22 =	vperm.xlane v18, v2;
	v16 =	vmul.f32 $1.442695020e+00, v16;
	v20 =	vadd.f32 v20, v23  }
0x1a8: {  	v23 =	vperm.xlane v14, v2;
	v25 =	vperm.xlane v21, v2;
	v13 =	vadd.f32 v13, v24  }
0x1a9: {  	(erf) = vpow2.f32 v16;
	v16 =	vadd.f32 v18, v22;
	v18 =	vperm.xlane v15, v2  }
0x1aa: {  	v22 =	vperm.xlane v17, v2;
	v24 =	vperm.xlane v20, v2;
	v14 =	vadd.f32 v14, v23  }
0x1ab: {  	v21 =	vadd.f32 v21, v25;
	v15 =	vadd.f32 v15, v18;
	v18 =	vperm.xlane v13, v3  }
0x1ac: {  	v26 =	vperm.xlane v16, v3;
	v17 =	vadd.f32 v17, v22;
	v20 =	vadd.f32 v20, v24  }
0x1ad: {  	v22 =	vperm.xlane v14, v3;
	v23 =	vperm.xlane v15, v3;
	v13 =	vadd.f32 v13, v18  }
0x1ae: {  	v18 =	vperm.xlane v17, v3;
	v24 =	vperm.xlane v20, v3;
	v16 =	vadd.f32 v16, v26  }
0x1af: {  	v14 =	vadd.f32 v14, v22;
	v22 =	vperm.xlane v21, v3;
	v26 =	vperm.xlane v13, v4  }
0x1b0: {  	s20 =	simm.s32 $0x4C0;
	v15 =	vadd.f32 v15, v23;
	v17 =	vadd.f32 v17, v18;
	v18 =	vperm.xlane v16, v4  }
0x1b1: {  	s12 =	simm.s32 $0xCC0;
	v25 =	vld [tilespmem:s20+$0x30];
	v20 =	vadd.f32 v20, v24;
	v21 =	vadd.f32 v21, v22;
	v23 =	vperm.xlane v14, v4  }
0x1b2: {  	v24 =	vld [tilespmem:s12+$0x30];
	v13 =	vadd.f32 v13, v26;
	v16 =	vadd.f32 v16, v18;
	v18 =	vperm.xlane v15, v4  }
0x1b3: {  	v27 =	vperm.xlane v17, v4;
	v14 =	vadd.f32 v14, v23;
	v23 =	vperm.xlane v20, v4;
	v22 =	vpop (erf)  }
0x1b4: {  	v29 =	vperm.xlane v21, v4;
	v26 =	vmul.f32 v22, v12;
	v12 =	vld [tilespmem:s20+$0xFFFFFFD0]  }
0x1b5: {  	v13 =	vmul.f32 $1.442695020e+00, v13;
	v15 =	vadd.f32 v15, v18;
	v17 =	vadd.f32 v17, v27;
	v18 =	vld [tilespmem:s12+$0xFFFFFFD0]  }
0x1b6: {  	v16 =	vmul.f32 $1.442695020e+00, v16;
	v20 =	vadd.f32 v20, v23;
	v23 =	vmul.f32 $1.442695020e+00, v14;
	v14 =	vld [tilespmem:s20+$0xFFFFFFE0]  }
0x1b7: {  	v21 =	vadd.f32 v21, v29;
	v29 =	vld [tilespmem:s12+$0xFFFFFFF0];
	v24 =	vadd.f32 v24, v25;
	v27 =	vmul.f32 $1.442695020e+00, v15  }
0x1b8: {  	(erf) = vpow2.f32 v13;
	v13 =	vld [tilespmem:s12+$0xFFFFFFE0];
	v17 =	vmul.f32 $1.442695020e+00, v17  }
0x1b9: {  	v15 =	vld [tilespmem:s20+$0xFFFFFFF0];
	(erf) = vpow2.f32 v16;
	v30 =	vmul.f32 $2.000000030e-01, v24  }
0x1ba: {  	v20 =	vmul.f32 $1.442695020e+00, v20;
	v16 =	vld [tilespmem:s20+$0x0];
	(erf) = vpow2.f32 v23  }
0x1bb: {  	v23 =	vld [tilespmem:s12+$0x0];
	(erf) = vpow2.f32 v27;
	v18 =	vadd.f32 v18, v12;
	v24 =	vmax.f32 v24, v30  }
0x1bc: {  	v30 =	vld [tilespmem:s12+$0x10];
	(erf) = vpow2.f32 v17;
	v24 =	vmul.f32 v24, v5  }
0x1bd: {  	v17 =	vld [tilespmem:s20+$0x10];
	(erf) = vpow2.f32 v20;
	v20 =	vmul.f32 $2.000000030e-01, v18  }
0x1be: {  	v28 =	vld [tilespmem:s12+$0xFFFFFFC0];
	v46 =	vnsel vm0, $0x0, v22;
	v21 =	vmul.f32 $1.442695020e+00, v21;
	v27 =	vadd.f32 v13, v14  }
0x1bf: {  	v22 =	vadd.f32 v29, v15;
	v29 =	vperm.xlane v24, v1;
	v20 =	vmax.f32 v18, v20;
	v18 =	vld [tilespmem:s20+$0xFFFFFFC0]  }
0x1c0: {  	v31 =	vld [tilespmem:s12+$0x20];
	(erf) = vpow2.f32 v21;
	v21 =	vmul.f32 $2.000000030e-01, v27  }
0x1c1: {  	v13 =	vld [tilespmem:s20+$0x20];
	v48 =	vmul.f32 $2.000000030e-01, v22;
	v23 =	vadd.f32 v23, v16;
	v24 =	vadd.f32 v24, v29  }
0x1c2: {  	v20 =	vmul.f32 v20, v5;
	v47 =	vpop (erf);
	v21 =	vmax.f32 v27, v21;
	v29 =	vadd.f32 v30, v17  }
0x1c3: {  	v22 =	vmax.f32 v22, v48;
	v27 =	vmul.f32 v47, v19;
	v30 =	vperm.xlane v24, v2  }
0x1c4: {  	v19 =	vmul.f32 $2.000000030e-01, v23;
	v49 =	vperm.xlane v20, v1;
	v28 =	vadd.f32 v28, v18  }
0x1c5: {  	v21 =	vmul.f32 v21, v5;
	v50 =	vmul.f32 $2.000000030e-01, v29;
	v24 =	vadd.f32 v24, v30  }
0x1c6: {  	v22 =	vmul.f32 v22, v5;
	v30 =	vadd.f32 v31, v13;
	v31 =	vmul.f32 $2.000000030e-01, v28  }
0x1c7: {  	v19 =	vmax.f32 v23, v19;
	v23 =	vmax.f32 v29, v50;
	v29 =	vperm.xlane v24, v3  }
0x1c8: {  	v19 =	vmul.f32 v19, v5;
	v51 =	vmul.f32 $2.000000030e-01, v30;
	v28 =	vmax.f32 v28, v31  }
0x1c9: {  	v23 =	vmul.f32 v23, v5;
	v24 =	vadd.f32 v24, v29;
	v28 =	vmul.f32 v28, v5  }
0x1ca: {  	v53 =	vperm.xlane v19, v1;
	v29 =	vmax.f32 v30, v51;
	v30 =	vperm.xlane v21, v1  }
0x1cb: {  	v20 =	vadd.f32 v20, v49;
	v31 =	vperm.xlane v24, v4;
	v52 =	vperm.xlane v28, v1  }
0x1cc: {  	v29 =	vmul.f32 v29, v5;
	v21 =	vadd.f32 v21, v30;
	v30 =	vperm.xlane v22, v1  }
0x1cd: {  	v54 =	vperm.xlane v23, v1;
	v24 =	vadd.f32 v24, v31;
	v28 =	vadd.f32 v28, v52  }
0x1ce: {  	v19 =	vadd.f32 v19, v53;
	v22 =	vadd.f32 v22, v30;
	v30 =	vperm.xlane v29, v1  }
0x1cf: {  	v55 =	vadd.f32 v23, v54;
	v24 =	vmul.f32 $1.442695020e+00, v24;
	v56 =	vperm.xlane v28, v2  }
0x1d0: {  	v31 =	vperm.xlane v20, v2;
	v23 =	vperm.xlane v21, v2;
	v29 =	vadd.f32 v29, v30  }
0x1d1: {  	v30 =	vperm.xlane v22, v2;
	(erf) = vpow2.f32 v24;
	v28 =	vadd.f32 v28, v56  }
0x1d2: {  	v20 =	vadd.f32 v20, v31;
	v31 =	vperm.xlane v19, v2;
	v58 =	vperm.xlane v29, v2  }
0x1d3: {  	v59 =	vadd.f32 v21, v23;
	v30 =	vadd.f32 v22, v30;
	v22 =	vperm.xlane v28, v3  }
0x1d4: {  	v57 =	vperm.xlane v55, v2;
	v38 =	vperm.xlane v20, v3;
	v24 =	vpop (erf);
	v36 =	vadd.f32 v29, v58  }
0x1d5: {  	s11 =	simm.s32 $0x4480;
	v33 =	vnsel vm0, $0x0, v47;
	v39 =	vadd.f32 v19, v31;
	v19 =	vperm.xlane v59, v3;
	v23 =	vpop (erf)  }
0x1d6: {  	[tilespmem:s11+$0x60] =	vst v26;
	v34 =	vadd.f32 v55, v57;
	v38 =	vadd.f32 v20, v38;
	v21 =	vpop (erf);
	v26 =	vperm.xlane v36, v3  }
0x1d7: {  	v60 =	vperm.xlane v30, v3;
	v31 =	vadd.f32 v59, v19;
	v40 =	vadd.f32 v28, v22;
	v22 =	vpop (erf)  }
0x1d8: {  	v41 =	vperm.xlane v34, v3;
	v61 =	vnsel vm0, $0x0, v24;
	v28 =	vperm.xlane v39, v3;
	v20 =	vpop (erf)  }
0x1d9: {  	[tilespmem:s11+$0x70] =	vst v46;
	v29 =	vadd.f32 v30, v60;
	v63 =	vperm.xlane v38, v4;
	v37 =	vperm.xlane v31, v4;
	v19 =	vpop (erf)  }
0x1da: {  	[tilespmem:s11+$0xFFFFFF80] =	vst v27;
	v27 =	vadd.f32 v36, v26;
	v30 =	vadd.f32 v39, v28;
	v62 =	vperm.xlane v40, v4;
	v26 =	vpop (erf)  }
0x1db: {  	[tilespmem:s11+$0xFFFFFF90] =	vst v33;
	v32 =	vadd.f32 v38, v63;
	v28 =	vadd.f32 v34, v41;
	v34 =	vmul.f32 v26, v25  }
0x1dc: {  	s10 =	simm.s32 $0x4580;
	s14 =	simm.s32 $0x8;
	s20 =	simm.s32 $0x540;
	[tilespmem:s11+$0xFFFFFFB0] =	vst v61;
	v35 =	vperm.xlane v29, v4;
	v33 =	vadd.f32 v40, v62;
	v36 =	vperm.xlane v30, v4  }
.LBB2_9:
0x1dd: {  	v25 =	vld [tilespmem:s20+$0x30];
	v31 =	vadd.f32 v31, v37;
	v37 =	vperm.xlane v28, v4;
	v38 =	vperm.xlane v27, v4;
	[tilespmem:s10+$0x60] =	vst v34;
	s12 =	sadd.s32 $0x80, s12  }
0x1de: {  	s14 =	sadd.s32 $0x8, s14;
	v33 =	vmul.f32 $1.442695020e+00, v33;
	v34 =	vld [tilespmem:s12+$0x30];
	v29 =	vadd.f32 v29, v35;
	v30 =	vadd.f32 v30, v36  }
0x1df: {  	p0 =	slt.u32 s14, $0x78;
	v32 =	vmul.f32 $1.442695020e+00, v32;
	v35 =	vld [tilespmem:s12+$0xFFFFFFC0];
	v28 =	vadd.f32 v28, v37;
	v27 =	vadd.f32 v27, v38  }
0x1e0: {  	v31 =	vmul.f32 $1.442695020e+00, v31;
	v37 =	vnsel vm0, $0x0, v23;
	v36 =	vld [tilespmem:s20+$0xFFFFFFD0];
	v29 =	vmul.f32 $1.442695020e+00, v29  }
0x1e1: {  	v30 =	vmul.f32 $1.442695020e+00, v30;
	v38 =	vld [tilespmem:s12+$0xFFFFFFD0];
	v28 =	vmul.f32 $1.442695020e+00, v28;
	[tilespmem:s11+$0xFFFFFFD0] =	vst v37;
	v37 =	vnsel vm0, $0x0, v21  }
0x1e2: {  	v27 =	vmul.f32 $1.442695020e+00, v27;
	v39 =	vld [tilespmem:s20+$0xFFFFFFE0];
	(erf) = vpow2.f32 v33;
	[tilespmem:s11+$0xFFFFFFF0] =	vst v37;
	v33 =	vnsel vm0, $0x0, v22  }
0x1e3: {  	v24 =	vmul.f32 v24, v9;
	v9 =	vmovc v12;
	v37 =	vld [tilespmem:s12+$0xFFFFFFE0];
	v34 =	vadd.f32 v34, v25;
	(erf) = vpow2.f32 v32;
	[tilespmem:s11+$0x10] =	vst v33  }
0x1e4: {  	v23 =	vmul.f32 v23, v8;
	v8 =	vmovc v14;
	v32 =	vld [tilespmem:s20+$0xFFFFFFF0];
	(erf) = vpow2.f32 v31;
	v31 =	vnsel vm0, $0x0, v20  }
0x1e5: {  	v33 =	vld [tilespmem:s12+$0xFFFFFFF0];
	v40 =	vmul.f32 $2.000000030e-01, v34;
	(erf) = vpow2.f32 v29;
	[tilespmem:s11+$0xFFFFFFA0] =	vst v24;
	v24 =	vnsel vm0, $0x0, v19;
	v12 =	vmovc v36  }
0x1e6: {  	v21 =	vmul.f32 v21, v7;
	v7 =	vmovc v15;
	v29 =	vadd.f32 v38, v12;
	v36 =	vld [tilespmem:s20+$0x0];
	(erf) = vpow2.f32 v30;
	[tilespmem:s11+$0xFFFFFFC0] =	vst v23  }
0x1e7: {  	v22 =	vmul.f32 v22, v10;
	v23 =	vld [tilespmem:s12+$0x0];
	v38 =	vmax.f32 v34, v40;
	(erf) = vpow2.f32 v28;
	[tilespmem:s11+$0x30] =	vst v31;
	v14 =	vmovc v39  }
0x1e8: {  	v10 =	vmovc v16;
	v28 =	vmul.f32 $2.000000030e-01, v29;
	v30 =	vadd.f32 v37, v14;
	v31 =	vld [tilespmem:s20+$0x10];
	v34 =	vmul.f32 v38, v5;
	[tilespmem:s11+$0xFFFFFFE0] =	vst v21  }
0x1e9: {  	v26 =	vnsel vm0, $0x0, v26;
	v37 =	vmul.f32 v20, v6;
	v6 =	vmovc v17;
	v21 =	vld [tilespmem:s12+$0x10];
	(erf) = vpow2.f32 v27;
	[tilespmem:s11+$0x0] =	vst v22;
	v15 =	vmovc v32  }
0x1ea: {  	v17 =	vmul.f32 $2.000000030e-01, v30;
	v20 =	vadd.f32 v33, v15;
	v27 =	vld [tilespmem:s20+$0x20];
	v22 =	vperm.xlane v34, v1;
	[tilespmem:s11+$0x50] =	vst v24  }
0x1eb: {  	v11 =	vmul.f32 v19, v11;
	v28 =	vmax.f32 v29, v28;
	v29 =	vld [tilespmem:s12+$0x20];
	v32 =	vpop (erf);
	[tilespmem:s11+$0x20] =	vst v37;
	v16 =	vmov v36  }
0x1ec: {  	v33 =	vld [tilespmem:s20+$0xFFFFFFC0];
	v19 =	vmul.f32 $2.000000030e-01, v20;
	v36 =	vadd.f32 v23, v16;
	v34 =	vadd.f32 v34, v22;
	[tilespmem:s10+$0x70] =	vst v26;
	v24 =	vpop (erf)  }
0x1ed: {  	v26 =	vmul.f32 v28, v5;
	v17 =	vmax.f32 v30, v17;
	v18 =	vmul.f32 v32, v18;
	v23 =	vpop (erf);
	[tilespmem:s11+$0x40] =	vst v11;
	s11 =	smov.u32 s10  }
0x1ee: {  	v11 =	vmul.f32 $2.000000030e-01, v36;
	v28 =	vadd.f32 v21, v31;
	v30 =	vperm.xlane v34, v2;
	v21 =	vpop (erf)  }
0x1ef: {  	v38 =	vmul.f32 v17, v5;
	v37 =	vperm.xlane v26, v1;
	v19 =	vmax.f32 v20, v19;
	[tilespmem:s10+$0xFFFFFF80] =	vst v18;
	v22 =	vpop (erf)  }
0x1f0: {  	v18 =	vmul.f32 $2.000000030e-01, v28;
	v29 =	vadd.f32 v29, v27;
	v30 =	vadd.f32 v34, v30;
	v20 =	vpop (erf)  }
0x1f1: {  	v17 =	vmovc v31;
	v39 =	vmax.f32 v36, v11;
	v34 =	vadd.f32 v35, v33;
	v35 =	vmul.f32 v19, v5  }
0x1f2: {  	v40 =	vmax.f32 v28, v18;
	v28 =	vmul.f32 $2.000000030e-01, v29;
	v31 =	vperm.xlane v30, v3;
	v19 =	vpop (erf)  }
0x1f3: {  	v26 =	vadd.f32 v26, v37;
	v37 =	vmul.f32 v39, v5;
	v11 =	vmovc v13;
	v13 =	vmovc v27;
	v36 =	vmul.f32 $2.000000030e-01, v34  }
0x1f4: {  	v27 =	vmul.f32 v40, v5;
	v28 =	vmax.f32 v29, v28;
	v29 =	vadd.f32 v30, v31;
	v18 =	vmovc v33  }
0x1f5: {  	v31 =	vperm.xlane v38, v1;
	v30 =	vmax.f32 v34, v36;
	v28 =	vmul.f32 v28, v5  }
0x1f6: {  	v32 =	vnsel vm0, $0x0, v32;
	v30 =	vmul.f32 v30, v5;
	v33 =	vperm.xlane v29, v4  }
0x1f7: {  	v34 =	vperm.xlane v35, v1;
	v36 =	vperm.xlane v37, v1;
	v31 =	vadd.f32 v38, v31;
	[tilespmem:s10+$0xFFFFFF90] =	vst v32  }
0x1f8: {  	v38 =	vperm.xlane v27, v1;
	v32 =	vperm.xlane v30, v1;
	v29 =	vadd.f32 v29, v33  }
0x1f9: {  	v33 =	vadd.f32 v35, v34;
	v34 =	vadd.f32 v37, v36;
	v35 =	vperm.xlane v28, v1  }
0x1fa: {  	v27 =	vadd.f32 v27, v38;
	v30 =	vadd.f32 v30, v32;
	v29 =	vmul.f32 $1.442695020e+00, v29  }
0x1fb: {  	v36 =	vperm.xlane v31, v2;
	v32 =	vperm.xlane v26, v2;
	v28 =	vadd.f32 v28, v35  }
0x1fc: {  	v35 =	vperm.xlane v30, v2;
	(erf) = vpow2.f32 v29;
	v29 =	vnsel vm0, $0x0, v24  }
0x1fd: {  	v37 =	vperm.xlane v34, v2;
	v26 =	vadd.f32 v26, v32;
	v32 =	vperm.xlane v33, v2;
	[tilespmem:s10+$0xFFFFFFB0] =	vst v29  }
0x1fe: {  	v29 =	vadd.f32 v30, v35;
	v30 =	vperm.xlane v27, v2;
	v35 =	vperm.xlane v28, v2  }
0x1ff: {  	v31 =	vadd.f32 v31, v36;
	v38 =	vperm.xlane v26, v3;
	v32 =	vadd.f32 v33, v32  }
0x200: {  	v34 =	vadd.f32 v34, v37;
	v33 =	vperm.xlane v29, v3;
	v27 =	vadd.f32 v27, v30  }
0x201: {  	v30 =	vperm.xlane v31, v3;
	v36 =	vperm.xlane v32, v3;
	v35 =	vadd.f32 v28, v35  }
0x202: {  	v28 =	vperm.xlane v34, v3;
	v33 =	vadd.f32 v29, v33;
	v37 =	vperm.xlane v27, v3  }
.Ltmp3:
0x203: {  	v38 =	vadd.f32 v26, v38;
	v31 =	vadd.f32 v31, v30;
	v40 =	vperm.xlane v35, v3;
	(pc) =	sbr.rel @p0 .LBB2_9-.Ltmp3, $4  }
0x204: {  	v29 =	vadd.f32 v32, v36;
	v30 =	vadd.f32 v34, v28;
	v39 =	vperm.xlane v33, v4  }
0x205: {  	v32 =	vperm.xlane v38, v4;
	v28 =	vadd.f32 v27, v37;
	v27 =	vadd.f32 v35, v40;
	v26 =	vpop (erf)  }
0x206: {  	v37 =	vperm.xlane v31, v4;
	v33 =	vadd.f32 v33, v39;
	v34 =	vmul.f32 v26, v25  }
0x207: {  	s20 =	sadd.s32 $0x80, s20;
	s10 =	sadd.s32 $0x100, s10;
	v32 =	vadd.f32 v38, v32;
	v35 =	vperm.xlane v29, v4;
	v36 =	vperm.xlane v30, v4  }
0x208: {  	v25 =	vadd.f32 v31, v37  }
0x209: {  	v31 =	vperm.xlane v28, v4;
	v33 =	vmul.f32 $1.442695020e+00, v33;
	v43 =	vnsel vm0, $0x0, v23  }
0x20a: {  	[tilespmem:s10+$0x60] =	vst v34;
	v44 =	vnsel vm0, $0x0, v21;
	v9 =	vmul.f32 v24, v9;
	v8 =	vmul.f32 v23, v8  }
0x20b: {  	v45 =	vnsel vm0, $0x0, v22;
	v7 =	vmul.f32 v21, v7;
	[tilespmem:s11+$0xFFFFFFD0] =	vst v43;
	(erf) = vpow2.f32 v33  }
0x20c: {  	v10 =	vmul.f32 v22, v10;
	v29 =	vadd.f32 v29, v35;
	v32 =	vmul.f32 $1.442695020e+00, v32;
	[tilespmem:s11+$0xFFFFFFF0] =	vst v44  }
0x20d: {  	v6 =	vmul.f32 v20, v6;
	v30 =	vadd.f32 v30, v36;
	[tilespmem:s11+$0x10] =	vst v45;
	v25 =	vmul.f32 $1.442695020e+00, v25  }
0x20e: {  	[tilespmem:s11+$0xFFFFFFA0] =	vst v9;
	v9 =	vnsel vm0, $0x0, v20;
	v24 =	vmul.f32 $1.442695020e+00, v29;
	(erf) = vpow2.f32 v32  }
0x20f: {  	[tilespmem:s11+$0xFFFFFFC0] =	vst v8;
	v8 =	vadd.f32 v28, v31;
	v23 =	vmul.f32 $1.442695020e+00, v30;
	(erf) = vpow2.f32 v25  }
0x210: {  	[tilespmem:s11+$0x30] =	vst v9;
	v9 =	vperm.xlane v27, v4;
	(erf) = vpow2.f32 v24  }
0x211: {  	[tilespmem:s11+$0xFFFFFFE0] =	vst v7;
	v7 =	vmul.f32 $1.442695020e+00, v8;
	v8 =	vnsel vm0, $0x0, v19;
	(erf) = vpow2.f32 v23  }
0x212: {  	[tilespmem:s11+$0x0] =	vst v10  }
0x213: {  	[tilespmem:s11+$0x20] =	vst v6;
	v6 =	vmul.f32 v19, v11;
	v9 =	vadd.f32 v27, v9  }
0x214: {  	[tilespmem:s11+$0x50] =	vst v8;
	(erf) = vpow2.f32 v7;
	v7 =	vnsel vm0, $0x0, v26;
	v8 =	vpop (erf)  }
0x215: {  	v9 =	vmul.f32 $1.442695020e+00, v9;
	[tilespmem:s10+$0x70] =	vst v7;
	v7 =	vmul.f32 v8, v18  }
0x216: {  	[tilespmem:s11+$0x40] =	vst v6  }
0x217: {  	v6 =	vpop (erf);
	[tilespmem:s10+$0xFFFFFF80] =	vst v7;
	v7 =	vnsel vm0, $0x0, v8  }
0x218: {  	(erf) = vpow2.f32 v9;
	v8 =	vpop (erf);
	[tilespmem:s10+$0xFFFFFF90] =	vst v7;
	v7 =	vnsel vm0, $0x0, v6  }
0x219: {  	v9 =	vpop (erf);
	[tilespmem:s10+$0xFFFFFFB0] =	vst v7;
	v7 =	vnsel vm0, $0x0, v8  }
0x21a: {  	v10 =	vpop (erf);
	[tilespmem:s10+$0xFFFFFFD0] =	vst v7;
	v7 =	vnsel vm0, $0x0, v9  }
0x21b: {  	v6 =	vmul.f32 v6, v12;
	[tilespmem:s10+$0xFFFFFFF0] =	vst v7;
	v7 =	vnsel vm0, $0x0, v10  }
0x21c: {  	[tilespmem:s10+$0x10] =	vst v7;
	v7 =	vmul.f32 v8, v14  }
0x21d: {  	[tilespmem:s10+$0xFFFFFFA0] =	vst v6;
	v8 =	vpop (erf)  }
0x21e: {  	v6 =	vnsel vm0, $0x0, v8;
	v8 =	vmul.f32 v8, v17;
	[tilespmem:s10+$0xFFFFFFC0] =	vst v7  }
0x21f: {  	v7 =	vmul.f32 v9, v15;
	[tilespmem:s10+$0x30] =	vst v6  }
0x220: {  	v9 =	vmul.f32 v10, v16;
	[tilespmem:s10+$0x20] =	vst v8  }
0x221: {  	v6 =	vpop (erf);
	[tilespmem:s10+$0xFFFFFFE0] =	vst v7  }
0x222: {  	[tilespmem:s10+$0x0] =	vst v9;
	v7 =	vnsel vm0, $0x0, v6;
	v6 =	vmul.f32 v6, v13  }
0x223: {  	[tilespmem:s10+$0x50] =	vst v7  }
0x224: {  	[tilespmem:s10+$0x40] =	vst v6  }
0x225: {  	_ =	swait.ge [sflag:s24], $0x800  }
0x226: {  	[sflag:s24] =	ssyncset.done $0x0  }
0x227: {  	[sflag:s24] =	ssyncadd.s32 $0xFFFFF800  }
0x228: {  	_ =	swait.ge [sflag:s25], $0x800  }
0x229: {  	[sflag:s25] =	ssyncset.done $0x0  }
0x22a: {  	s12 =	simm.s32 $0x1440;
	[sflag:s25] =	ssyncadd.s32 $0xFFFFF800  }
0x22b: {  	s14 =	simm.s32 $0x1C40;
	v12 =	vld [tilespmem:s12+$0x30]  }
0x22c: {  	v6 =	vld [tilespmem:s14+$0x30]  }
0x22d: {  	v13 =	vld [tilespmem:s14+$0xFFFFFFC0]  }
0x22e: {  	v9 =	vld [tilespmem:s12+$0xFFFFFFD0]  }
0x22f: {  	v11 =	vld [tilespmem:s14+$0xFFFFFFD0]  }
0x230: {  	v8 =	vld [tilespmem:s12+$0xFFFFFFE0]  }
0x231: {  	v14 =	vld [tilespmem:s14+$0xFFFFFFE0]  }
0x232: {  	v7 =	vld [tilespmem:s12+$0xFFFFFFF0]  }
0x233: {  	v15 =	vld [tilespmem:s14+$0xFFFFFFF0];
	v6 =	vadd.f32 v6, v12  }
0x234: {  	v10 =	vld [tilespmem:s12+$0x0]  }
0x235: {  	v17 =	vld [tilespmem:s14+$0x0];
	v18 =	vadd.f32 v11, v9;
	v16 =	vmul.f32 $2.000000030e-01, v6  }
0x236: {  	v20 =	vld [tilespmem:s14+$0x10]  }
0x237: {  	v23 =	vld [tilespmem:s14+$0x20];
	v19 =	vmul.f32 $2.000000030e-01, v18;
	v16 =	vmax.f32 v6, v16  }
0x238: {  	v14 =	vadd.f32 v14, v8;
	v6 =	vld [tilespmem:s12+$0x10];
	v16 =	vmul.f32 v16, v5  }
0x239: {  	v18 =	vmax.f32 v18, v19;
	v19 =	vld [tilespmem:s12+$0xFFFFFFC0]  }
0x23a: {  	v11 =	vld [tilespmem:s12+$0x20];
	v22 =	vmul.f32 $2.000000030e-01, v14;
	v21 =	vperm.xlane v16, v1  }
0x23b: {  	v15 =	vadd.f32 v15, v7;
	v17 =	vadd.f32 v17, v10  }
0x23c: {  	v14 =	vmax.f32 v14, v22;
	v16 =	vadd.f32 v16, v21  }
0x23d: {  	v22 =	vmul.f32 $2.000000030e-01, v17;
	v21 =	vmul.f32 $2.000000030e-01, v15;
	v20 =	vadd.f32 v20, v6  }
0x23e: {  	v18 =	vmul.f32 v18, v5;
	v13 =	vadd.f32 v13, v19;
	v24 =	vperm.xlane v16, v2  }
0x23f: {  	v15 =	vmax.f32 v15, v21;
	v21 =	vadd.f32 v23, v11;
	v23 =	vmul.f32 $2.000000030e-01, v20  }
0x240: {  	v14 =	vmul.f32 v14, v5;
	v17 =	vmax.f32 v17, v22;
	v25 =	vperm.xlane v18, v1  }
0x241: {  	v16 =	vadd.f32 v16, v24;
	v20 =	vmax.f32 v20, v23;
	v23 =	vmul.f32 $2.000000030e-01, v13  }
0x242: {  	v17 =	vmul.f32 v17, v5;
	v18 =	vadd.f32 v18, v25;
	v22 =	vmul.f32 $2.000000030e-01, v21  }
0x243: {  	v15 =	vmul.f32 v15, v5;
	v24 =	vperm.xlane v16, v3;
	v13 =	vmax.f32 v13, v23  }
0x244: {  	v21 =	vmax.f32 v21, v22;
	v22 =	vperm.xlane v14, v1;
	v13 =	vmul.f32 v13, v5  }
0x245: {  	v25 =	vperm.xlane v17, v1;
	v21 =	vmul.f32 v21, v5;
	v16 =	vadd.f32 v16, v24  }
0x246: {  	v24 =	vperm.xlane v15, v1;
	v14 =	vadd.f32 v14, v22;
	v22 =	vperm.xlane v13, v1  }
0x247: {  	v20 =	vmul.f32 v20, v5;
	v23 =	vperm.xlane v16, v4  }
0x248: {  	v15 =	vadd.f32 v15, v24;
	v24 =	vperm.xlane v21, v1;
	v13 =	vadd.f32 v13, v22  }
0x249: {  	v16 =	vadd.f32 v16, v23;
	v23 =	vperm.xlane v20, v1  }
0x24a: {  	v17 =	vadd.f32 v17, v25;
	v21 =	vadd.f32 v21, v24;
	v24 =	vperm.xlane v13, v2  }
0x24b: {  	v22 =	vperm.xlane v18, v2;
	v16 =	vmul.f32 $1.442695020e+00, v16;
	v20 =	vadd.f32 v20, v23  }
0x24c: {  	v23 =	vperm.xlane v14, v2;
	v25 =	vperm.xlane v21, v2;
	v13 =	vadd.f32 v13, v24  }
0x24d: {  	(erf) = vpow2.f32 v16;
	v16 =	vadd.f32 v18, v22;
	v18 =	vperm.xlane v15, v2  }
0x24e: {  	v22 =	vperm.xlane v17, v2;
	v24 =	vperm.xlane v20, v2;
	v14 =	vadd.f32 v14, v23  }
0x24f: {  	v21 =	vadd.f32 v21, v25;
	v15 =	vadd.f32 v15, v18;
	v18 =	vperm.xlane v13, v3  }
0x250: {  	v26 =	vperm.xlane v16, v3;
	v17 =	vadd.f32 v17, v22;
	v20 =	vadd.f32 v20, v24  }
0x251: {  	v22 =	vperm.xlane v14, v3;
	v23 =	vperm.xlane v15, v3;
	v13 =	vadd.f32 v13, v18  }
0x252: {  	v18 =	vperm.xlane v17, v3;
	v24 =	vperm.xlane v20, v3;
	v16 =	vadd.f32 v16, v26  }
0x253: {  	v14 =	vadd.f32 v14, v22;
	v22 =	vperm.xlane v21, v3;
	v26 =	vperm.xlane v13, v4  }
0x254: {  	s20 =	simm.s32 $0x14C0;
	v15 =	vadd.f32 v15, v23;
	v17 =	vadd.f32 v17, v18;
	v18 =	vperm.xlane v16, v4  }
0x255: {  	s12 =	simm.s32 $0x1CC0;
	v25 =	vld [tilespmem:s20+$0x30];
	v20 =	vadd.f32 v20, v24;
	v21 =	vadd.f32 v21, v22;
	v23 =	vperm.xlane v14, v4  }
0x256: {  	v24 =	vld [tilespmem:s12+$0x30];
	v13 =	vadd.f32 v13, v26;
	v16 =	vadd.f32 v16, v18;
	v18 =	vperm.xlane v15, v4  }
0x257: {  	v27 =	vperm.xlane v17, v4;
	v14 =	vadd.f32 v14, v23;
	v23 =	vperm.xlane v20, v4;
	v22 =	vpop (erf)  }
0x258: {  	v29 =	vperm.xlane v21, v4;
	v26 =	vmul.f32 v22, v12;
	v12 =	vld [tilespmem:s20+$0xFFFFFFD0]  }
0x259: {  	v13 =	vmul.f32 $1.442695020e+00, v13;
	v15 =	vadd.f32 v15, v18;
	v17 =	vadd.f32 v17, v27;
	v18 =	vld [tilespmem:s12+$0xFFFFFFD0]  }
0x25a: {  	v16 =	vmul.f32 $1.442695020e+00, v16;
	v20 =	vadd.f32 v20, v23;
	v23 =	vmul.f32 $1.442695020e+00, v14;
	v14 =	vld [tilespmem:s20+$0xFFFFFFE0]  }
0x25b: {  	v21 =	vadd.f32 v21, v29;
	v29 =	vld [tilespmem:s12+$0xFFFFFFF0];
	v24 =	vadd.f32 v24, v25;
	v27 =	vmul.f32 $1.442695020e+00, v15  }
0x25c: {  	(erf) = vpow2.f32 v13;
	v13 =	vld [tilespmem:s12+$0xFFFFFFE0];
	v17 =	vmul.f32 $1.442695020e+00, v17  }
0x25d: {  	v15 =	vld [tilespmem:s20+$0xFFFFFFF0];
	(erf) = vpow2.f32 v16;
	v30 =	vmul.f32 $2.000000030e-01, v24  }
0x25e: {  	v20 =	vmul.f32 $1.442695020e+00, v20;
	v16 =	vld [tilespmem:s20+$0x0];
	(erf) = vpow2.f32 v23  }
0x25f: {  	v23 =	vld [tilespmem:s12+$0x0];
	(erf) = vpow2.f32 v27;
	v18 =	vadd.f32 v18, v12;
	v24 =	vmax.f32 v24, v30  }
0x260: {  	v30 =	vld [tilespmem:s12+$0x10];
	(erf) = vpow2.f32 v17;
	v24 =	vmul.f32 v24, v5  }
0x261: {  	v17 =	vld [tilespmem:s20+$0x10];
	(erf) = vpow2.f32 v20;
	v20 =	vmul.f32 $2.000000030e-01, v18  }
0x262: {  	v28 =	vld [tilespmem:s12+$0xFFFFFFC0];
	v46 =	vnsel vm0, $0x0, v22;
	v21 =	vmul.f32 $1.442695020e+00, v21;
	v27 =	vadd.f32 v13, v14  }
0x263: {  	v22 =	vadd.f32 v29, v15;
	v29 =	vperm.xlane v24, v1;
	v20 =	vmax.f32 v18, v20;
	v18 =	vld [tilespmem:s20+$0xFFFFFFC0]  }
0x264: {  	v31 =	vld [tilespmem:s12+$0x20];
	(erf) = vpow2.f32 v21;
	v21 =	vmul.f32 $2.000000030e-01, v27  }
0x265: {  	v13 =	vld [tilespmem:s20+$0x20];
	v48 =	vmul.f32 $2.000000030e-01, v22;
	v23 =	vadd.f32 v23, v16;
	v24 =	vadd.f32 v24, v29  }
0x266: {  	v20 =	vmul.f32 v20, v5;
	v47 =	vpop (erf);
	v21 =	vmax.f32 v27, v21;
	v29 =	vadd.f32 v30, v17  }
0x267: {  	v22 =	vmax.f32 v22, v48;
	v27 =	vmul.f32 v47, v19;
	v30 =	vperm.xlane v24, v2  }
0x268: {  	v19 =	vmul.f32 $2.000000030e-01, v23;
	v49 =	vperm.xlane v20, v1;
	v28 =	vadd.f32 v28, v18  }
0x269: {  	v21 =	vmul.f32 v21, v5;
	v50 =	vmul.f32 $2.000000030e-01, v29;
	v24 =	vadd.f32 v24, v30  }
0x26a: {  	v22 =	vmul.f32 v22, v5;
	v30 =	vadd.f32 v31, v13;
	v31 =	vmul.f32 $2.000000030e-01, v28  }
0x26b: {  	v19 =	vmax.f32 v23, v19;
	v23 =	vmax.f32 v29, v50;
	v29 =	vperm.xlane v24, v3  }
0x26c: {  	v19 =	vmul.f32 v19, v5;
	v51 =	vmul.f32 $2.000000030e-01, v30;
	v28 =	vmax.f32 v28, v31  }
0x26d: {  	v23 =	vmul.f32 v23, v5;
	v24 =	vadd.f32 v24, v29;
	v28 =	vmul.f32 v28, v5  }
0x26e: {  	v53 =	vperm.xlane v19, v1;
	v29 =	vmax.f32 v30, v51;
	v30 =	vperm.xlane v21, v1  }
0x26f: {  	v20 =	vadd.f32 v20, v49;
	v31 =	vperm.xlane v24, v4;
	v52 =	vperm.xlane v28, v1  }
0x270: {  	v29 =	vmul.f32 v29, v5;
	v21 =	vadd.f32 v21, v30;
	v30 =	vperm.xlane v22, v1  }
0x271: {  	v54 =	vperm.xlane v23, v1;
	v24 =	vadd.f32 v24, v31;
	v28 =	vadd.f32 v28, v52  }
0x272: {  	v19 =	vadd.f32 v19, v53;
	v22 =	vadd.f32 v22, v30;
	v30 =	vperm.xlane v29, v1  }
0x273: {  	v55 =	vadd.f32 v23, v54;
	v24 =	vmul.f32 $1.442695020e+00, v24;
	v56 =	vperm.xlane v28, v2  }
0x274: {  	v31 =	vperm.xlane v20, v2;
	v23 =	vperm.xlane v21, v2;
	v29 =	vadd.f32 v29, v30  }
0x275: {  	v30 =	vperm.xlane v22, v2;
	(erf) = vpow2.f32 v24;
	v28 =	vadd.f32 v28, v56  }
0x276: {  	v20 =	vadd.f32 v20, v31;
	v31 =	vperm.xlane v19, v2;
	v58 =	vperm.xlane v29, v2  }
0x277: {  	v59 =	vadd.f32 v21, v23;
	v30 =	vadd.f32 v22, v30;
	v22 =	vperm.xlane v28, v3  }
0x278: {  	v57 =	vperm.xlane v55, v2;
	v38 =	vperm.xlane v20, v3;
	v24 =	vpop (erf);
	v36 =	vadd.f32 v29, v58  }
0x279: {  	s11 =	simm.s32 $0x5480;
	v33 =	vnsel vm0, $0x0, v47;
	v39 =	vadd.f32 v19, v31;
	v19 =	vperm.xlane v59, v3;
	v23 =	vpop (erf)  }
0x27a: {  	[tilespmem:s11+$0x60] =	vst v26;
	v34 =	vadd.f32 v55, v57;
	v38 =	vadd.f32 v20, v38;
	v21 =	vpop (erf);
	v26 =	vperm.xlane v36, v3  }
0x27b: {  	v60 =	vperm.xlane v30, v3;
	v31 =	vadd.f32 v59, v19;
	v40 =	vadd.f32 v28, v22;
	v22 =	vpop (erf)  }
0x27c: {  	v41 =	vperm.xlane v34, v3;
	v61 =	vnsel vm0, $0x0, v24;
	v28 =	vperm.xlane v39, v3;
	v20 =	vpop (erf)  }
0x27d: {  	[tilespmem:s11+$0x70] =	vst v46;
	v29 =	vadd.f32 v30, v60;
	v63 =	vperm.xlane v38, v4;
	v37 =	vperm.xlane v31, v4;
	v19 =	vpop (erf)  }
0x27e: {  	[tilespmem:s11+$0xFFFFFF80] =	vst v27;
	v27 =	vadd.f32 v36, v26;
	v30 =	vadd.f32 v39, v28;
	v62 =	vperm.xlane v40, v4;
	v26 =	vpop (erf)  }
0x27f: {  	[tilespmem:s11+$0xFFFFFF90] =	vst v33;
	v32 =	vadd.f32 v38, v63;
	v28 =	vadd.f32 v34, v41;
	v34 =	vmul.f32 v26, v25  }
0x280: {  	s10 =	simm.s32 $0x5580;
	s14 =	simm.s32 $0x8;
	s20 =	simm.s32 $0x1540;
	[tilespmem:s11+$0xFFFFFFB0] =	vst v61;
	v35 =	vperm.xlane v29, v4;
	v33 =	vadd.f32 v40, v62;
	v36 =	vperm.xlane v30, v4  }
.LBB2_11:
0x281: {  	v25 =	vld [tilespmem:s20+$0x30];
	v31 =	vadd.f32 v31, v37;
	v37 =	vperm.xlane v28, v4;
	v38 =	vperm.xlane v27, v4;
	[tilespmem:s10+$0x60] =	vst v34;
	s12 =	sadd.s32 $0x80, s12  }
0x282: {  	s14 =	sadd.s32 $0x8, s14;
	v33 =	vmul.f32 $1.442695020e+00, v33;
	v34 =	vld [tilespmem:s12+$0x30];
	v29 =	vadd.f32 v29, v35;
	v30 =	vadd.f32 v30, v36  }
0x283: {  	p0 =	slt.u32 s14, $0x78;
	v32 =	vmul.f32 $1.442695020e+00, v32;
	v35 =	vld [tilespmem:s12+$0xFFFFFFC0];
	v28 =	vadd.f32 v28, v37;
	v27 =	vadd.f32 v27, v38  }
0x284: {  	v31 =	vmul.f32 $1.442695020e+00, v31;
	v37 =	vnsel vm0, $0x0, v23;
	v36 =	vld [tilespmem:s20+$0xFFFFFFD0];
	v29 =	vmul.f32 $1.442695020e+00, v29  }
0x285: {  	v30 =	vmul.f32 $1.442695020e+00, v30;
	v38 =	vld [tilespmem:s12+$0xFFFFFFD0];
	v28 =	vmul.f32 $1.442695020e+00, v28;
	[tilespmem:s11+$0xFFFFFFD0] =	vst v37;
	v37 =	vnsel vm0, $0x0, v21  }
0x286: {  	v27 =	vmul.f32 $1.442695020e+00, v27;
	v39 =	vld [tilespmem:s20+$0xFFFFFFE0];
	(erf) = vpow2.f32 v33;
	[tilespmem:s11+$0xFFFFFFF0] =	vst v37;
	v33 =	vnsel vm0, $0x0, v22  }
0x287: {  	v24 =	vmul.f32 v24, v9;
	v9 =	vmovc v12;
	v37 =	vld [tilespmem:s12+$0xFFFFFFE0];
	v34 =	vadd.f32 v34, v25;
	(erf) = vpow2.f32 v32;
	[tilespmem:s11+$0x10] =	vst v33  }
0x288: {  	v23 =	vmul.f32 v23, v8;
	v8 =	vmovc v14;
	v32 =	vld [tilespmem:s20+$0xFFFFFFF0];
	(erf) = vpow2.f32 v31;
	v31 =	vnsel vm0, $0x0, v20  }
0x289: {  	v33 =	vld [tilespmem:s12+$0xFFFFFFF0];
	v40 =	vmul.f32 $2.000000030e-01, v34;
	(erf) = vpow2.f32 v29;
	[tilespmem:s11+$0xFFFFFFA0] =	vst v24;
	v24 =	vnsel vm0, $0x0, v19;
	v12 =	vmovc v36  }
0x28a: {  	v21 =	vmul.f32 v21, v7;
	v7 =	vmovc v15;
	v29 =	vadd.f32 v38, v12;
	v36 =	vld [tilespmem:s20+$0x0];
	(erf) = vpow2.f32 v30;
	[tilespmem:s11+$0xFFFFFFC0] =	vst v23  }
0x28b: {  	v22 =	vmul.f32 v22, v10;
	v23 =	vld [tilespmem:s12+$0x0];
	v38 =	vmax.f32 v34, v40;
	(erf) = vpow2.f32 v28;
	[tilespmem:s11+$0x30] =	vst v31;
	v14 =	vmovc v39  }
0x28c: {  	v10 =	vmovc v16;
	v28 =	vmul.f32 $2.000000030e-01, v29;
	v30 =	vadd.f32 v37, v14;
	v31 =	vld [tilespmem:s20+$0x10];
	v34 =	vmul.f32 v38, v5;
	[tilespmem:s11+$0xFFFFFFE0] =	vst v21  }
0x28d: {  	v26 =	vnsel vm0, $0x0, v26;
	v37 =	vmul.f32 v20, v6;
	v6 =	vmovc v17;
	v21 =	vld [tilespmem:s12+$0x10];
	(erf) = vpow2.f32 v27;
	[tilespmem:s11+$0x0] =	vst v22;
	v15 =	vmovc v32  }
0x28e: {  	v17 =	vmul.f32 $2.000000030e-01, v30;
	v20 =	vadd.f32 v33, v15;
	v27 =	vld [tilespmem:s20+$0x20];
	v22 =	vperm.xlane v34, v1;
	[tilespmem:s11+$0x50] =	vst v24  }
0x28f: {  	v11 =	vmul.f32 v19, v11;
	v28 =	vmax.f32 v29, v28;
	v29 =	vld [tilespmem:s12+$0x20];
	v32 =	vpop (erf);
	[tilespmem:s11+$0x20] =	vst v37;
	v16 =	vmov v36  }
0x290: {  	v33 =	vld [tilespmem:s20+$0xFFFFFFC0];
	v19 =	vmul.f32 $2.000000030e-01, v20;
	v36 =	vadd.f32 v23, v16;
	v34 =	vadd.f32 v34, v22;
	[tilespmem:s10+$0x70] =	vst v26;
	v24 =	vpop (erf)  }
0x291: {  	v26 =	vmul.f32 v28, v5;
	v17 =	vmax.f32 v30, v17;
	v18 =	vmul.f32 v32, v18;
	v23 =	vpop (erf);
	[tilespmem:s11+$0x40] =	vst v11;
	s11 =	smov.u32 s10  }
0x292: {  	v11 =	vmul.f32 $2.000000030e-01, v36;
	v28 =	vadd.f32 v21, v31;
	v30 =	vperm.xlane v34, v2;
	v21 =	vpop (erf)  }
0x293: {  	v38 =	vmul.f32 v17, v5;
	v37 =	vperm.xlane v26, v1;
	v19 =	vmax.f32 v20, v19;
	[tilespmem:s10+$0xFFFFFF80] =	vst v18;
	v22 =	vpop (erf)  }
0x294: {  	v18 =	vmul.f32 $2.000000030e-01, v28;
	v29 =	vadd.f32 v29, v27;
	v30 =	vadd.f32 v34, v30;
	v20 =	vpop (erf)  }
0x295: {  	v17 =	vmovc v31;
	v39 =	vmax.f32 v36, v11;
	v34 =	vadd.f32 v35, v33;
	v35 =	vmul.f32 v19, v5  }
0x296: {  	v40 =	vmax.f32 v28, v18;
	v28 =	vmul.f32 $2.000000030e-01, v29;
	v31 =	vperm.xlane v30, v3;
	v19 =	vpop (erf)  }
0x297: {  	v26 =	vadd.f32 v26, v37;
	v37 =	vmul.f32 v39, v5;
	v11 =	vmovc v13;
	v13 =	vmovc v27;
	v36 =	vmul.f32 $2.000000030e-01, v34  }
0x298: {  	v27 =	vmul.f32 v40, v5;
	v28 =	vmax.f32 v29, v28;
	v29 =	vadd.f32 v30, v31;
	v18 =	vmovc v33  }
0x299: {  	v31 =	vperm.xlane v38, v1;
	v30 =	vmax.f32 v34, v36;
	v28 =	vmul.f32 v28, v5  }
0x29a: {  	v32 =	vnsel vm0, $0x0, v32;
	v30 =	vmul.f32 v30, v5;
	v33 =	vperm.xlane v29, v4  }
0x29b: {  	v34 =	vperm.xlane v35, v1;
	v36 =	vperm.xlane v37, v1;
	v31 =	vadd.f32 v38, v31;
	[tilespmem:s10+$0xFFFFFF90] =	vst v32  }
0x29c: {  	v38 =	vperm.xlane v27, v1;
	v32 =	vperm.xlane v30, v1;
	v29 =	vadd.f32 v29, v33  }
0x29d: {  	v33 =	vadd.f32 v35, v34;
	v34 =	vadd.f32 v37, v36;
	v35 =	vperm.xlane v28, v1  }
0x29e: {  	v27 =	vadd.f32 v27, v38;
	v30 =	vadd.f32 v30, v32;
	v29 =	vmul.f32 $1.442695020e+00, v29  }
0x29f: {  	v36 =	vperm.xlane v31, v2;
	v32 =	vperm.xlane v26, v2;
	v28 =	vadd.f32 v28, v35  }
0x2a0: {  	v35 =	vperm.xlane v30, v2;
	(erf) = vpow2.f32 v29;
	v29 =	vnsel vm0, $0x0, v24  }
0x2a1: {  	v37 =	vperm.xlane v34, v2;
	v26 =	vadd.f32 v26, v32;
	v32 =	vperm.xlane v33, v2;
	[tilespmem:s10+$0xFFFFFFB0] =	vst v29  }
0x2a2: {  	v29 =	vadd.f32 v30, v35;
	v30 =	vperm.xlane v27, v2;
	v35 =	vperm.xlane v28, v2  }
0x2a3: {  	v31 =	vadd.f32 v31, v36;
	v38 =	vperm.xlane v26, v3;
	v32 =	vadd.f32 v33, v32  }
0x2a4: {  	v34 =	vadd.f32 v34, v37;
	v33 =	vperm.xlane v29, v3;
	v27 =	vadd.f32 v27, v30  }
0x2a5: {  	v30 =	vperm.xlane v31, v3;
	v36 =	vperm.xlane v32, v3;
	v35 =	vadd.f32 v28, v35  }
0x2a6: {  	v28 =	vperm.xlane v34, v3;
	v33 =	vadd.f32 v29, v33;
	v37 =	vperm.xlane v27, v3  }
.Ltmp4:
0x2a7: {  	v38 =	vadd.f32 v26, v38;
	v31 =	vadd.f32 v31, v30;
	v40 =	vperm.xlane v35, v3;
	(pc) =	sbr.rel @p0 .LBB2_11-.Ltmp4, $4  }
0x2a8: {  	v29 =	vadd.f32 v32, v36;
	v30 =	vadd.f32 v34, v28;
	v39 =	vperm.xlane v33, v4  }
0x2a9: {  	v32 =	vperm.xlane v38, v4;
	v28 =	vadd.f32 v27, v37;
	v27 =	vadd.f32 v35, v40;
	v26 =	vpop (erf)  }
0x2aa: {  	v37 =	vperm.xlane v31, v4;
	v33 =	vadd.f32 v33, v39;
	v34 =	vmul.f32 v26, v25  }
0x2ab: {  	s20 =	sadd.s32 $0x80, s20;
	s10 =	sadd.s32 $0x100, s10;
	v32 =	vadd.f32 v38, v32;
	v35 =	vperm.xlane v29, v4;
	v36 =	vperm.xlane v30, v4  }
0x2ac: {  	v25 =	vadd.f32 v31, v37;
	v48 =	vperm.xlane v28, v4  }
0x2ad: {  	v33 =	vmul.f32 $1.442695020e+00, v33;
	v49 =	vnsel vm0, $0x0, v23;
	v50 =	vnsel vm0, $0x0, v21  }
0x2ae: {  	[tilespmem:s10+$0x60] =	vst v34;
	v51 =	vnsel vm0, $0x0, v22;
	v9 =	vmul.f32 v24, v9;
	v8 =	vmul.f32 v23, v8  }
0x2af: {  	v54 =	vnsel vm0, $0x0, v20;
	v7 =	vmul.f32 v21, v7;
	[tilespmem:s11+$0xFFFFFFD0] =	vst v49;
	(erf) = vpow2.f32 v33  }
0x2b0: {  	v10 =	vmul.f32 v22, v10;
	v29 =	vadd.f32 v29, v35;
	v32 =	vmul.f32 $1.442695020e+00, v32;
	[tilespmem:s11+$0xFFFFFFF0] =	vst v50  }
0x2b1: {  	v57 =	vnsel vm0, $0x0, v19;
	v30 =	vadd.f32 v30, v36;
	[tilespmem:s11+$0x10] =	vst v51;
	v25 =	vmul.f32 $1.442695020e+00, v25  }
0x2b2: {  	[tilespmem:s11+$0x30] =	vst v54;
	v55 =	vadd.f32 v28, v48;
	v52 =	vmul.f32 $1.442695020e+00, v29;
	(erf) = vpow2.f32 v32  }
0x2b3: {  	[tilespmem:s11+$0x50] =	vst v57;
	v53 =	vmul.f32 $1.442695020e+00, v30;
	(erf) = vpow2.f32 v25  }
0x2b4: {  	[tilespmem:s11+$0xFFFFFFE0] =	vst v7;
	v7 =	vmul.f32 $1.442695020e+00, v55;
	(erf) = vpow2.f32 v52  }
0x2b5: {  	v6 =	vmul.f32 v20, v6;
	[tilespmem:s11+$0xFFFFFFA0] =	vst v9;
	(erf) = vpow2.f32 v53  }
0x2b6: {  	v56 =	vperm.xlane v27, v4;
	[tilespmem:s11+$0xFFFFFFC0] =	vst v8;
	(erf) = vpow2.f32 v7  }
0x2b7: {  	[tilespmem:s11+$0x20] =	vst v6;
	v6 =	vmul.f32 v19, v11  }
0x2b8: {  	[tilespmem:s11+$0x0] =	vst v10;
	v9 =	vadd.f32 v27, v56;
	v7 =	vnsel vm0, $0x0, v26;
	v58 =	vpop (erf)  }
0x2b9: {  	[tilespmem:s10+$0x70] =	vst v7;
	v7 =	vmul.f32 v58, v18  }
0x2ba: {  	v9 =	vmul.f32 $1.442695020e+00, v9;
	[tilespmem:s11+$0x40] =	vst v6  }
0x2bb: {  	v6 =	vpop (erf);
	[tilespmem:s10+$0xFFFFFF80] =	vst v7;
	v7 =	vnsel vm0, $0x0, v58  }
0x2bc: {  	(erf) = vpow2.f32 v9;
	v59 =	vpop (erf);
	[tilespmem:s10+$0xFFFFFF90] =	vst v7;
	v7 =	vnsel vm0, $0x0, v6  }
0x2bd: {  	v60 =	vpop (erf);
	v6 =	vmul.f32 v6, v12;
	[tilespmem:s10+$0xFFFFFFB0] =	vst v7;
	v7 =	vnsel vm0, $0x0, v59  }
0x2be: {  	v61 =	vpop (erf);
	[tilespmem:s10+$0xFFFFFFD0] =	vst v7  }
0x2bf: {  	v62 =	vpop (erf);
	v7 =	vnsel vm0, $0x0, v60;
	[tilespmem:s10+$0xFFFFFFA0] =	vst v6  }
0x2c0: {  	v6 =	vnsel vm0, $0x0, v62;
	[tilespmem:s10+$0xFFFFFFF0] =	vst v7  }
0x2c1: {  	v63 =	vmul.f32 v61, v16;
	v7 =	vnsel vm0, $0x0, v61;
	[tilespmem:s10+$0x30] =	vst v6  }
0x2c2: {  	[tilespmem:s10+$0x10] =	vst v7;
	v7 =	vmul.f32 v59, v14  }
0x2c3: {  	v8 =	vmul.f32 v62, v17;
	[tilespmem:s10+$0x0] =	vst v63  }
0x2c4: {  	[tilespmem:s10+$0xFFFFFFC0] =	vst v7;
	v7 =	vmul.f32 v60, v15  }
0x2c5: {  	[tilespmem:s10+$0x20] =	vst v8;
	v6 =	vpop (erf)  }
0x2c6: {  	[tilespmem:s10+$0xFFFFFFE0] =	vst v7;
	v7 =	vnsel vm0, $0x0, v6;
	v6 =	vmul.f32 v6, v13  }
0x2c7: {  	[tilespmem:s10+$0x50] =	vst v7  }
0x2c8: {  	[tilespmem:s10+$0x40] =	vst v6  }
0x2c9: {  	[spmem:s4] =	stream.indirect.scatter.add.f32 [tilespmem:s31], [sflag:$0x5], $0x20, s15, s15, $0xb8;
	[tilespmem:$0x10210] =	vst v63  }
0x2ca: {  	_ =	swait.ge [sflag:s13], $0x1000  }
0x2cb: {  	[sflag:s13] =	ssyncset.done $0x0  }
0x2cc: {  	[sflag:s13] =	ssyncadd.s32 $0xFFFFF000  }
0x2cd: {  	[spmem:s4] =	stream.indirect.scatter.add.f32 [tilespmem:s0], [sflag:$0x5], $0x20, s22, s15, $0xb8;
	[tilespmem:$0x10210] =	vst v63  }
0x2ce: {  	_ =	swait.ge [sflag:s13], $0x1000  }
0x2cf: {  	[sflag:s13] =	ssyncset.done $0x0  }
0x2d0: {  	[sflag:s13] =	ssyncadd.s32 $0xFFFFF000  }
0x2d1: {  	[spmem:s4] =	stream.indirect.scatter.add.f32 [tilespmem:s2], [sflag:$0x5], $0x20, s28, s15, $0xb8;
	[tilespmem:$0x10210] =	vst v63  }
0x2d2: {  	s9 =	sadd.s32 $0x1, s9;
	_ =	swait.ge [sflag:s13], $0x1000  }
0x2d3: {  	p0 =	sne.s32 s9, $0x14;
	[sflag:s13] =	ssyncset.done $0x0  }
.Ltmp5:
0x2d4: {  	[sflag:s13] =	ssyncadd.s32 $0xFFFFF000;
	(pc) =	sbr.rel @p0 .LBB2_4-.Ltmp5, $4  }
0x2d5: {  	[spmem:s4] =	stream.indirect.scatter.add.f32 [tilespmem:s3], [sflag:$0x5], $0x20, s30, s15, $0xb8;
	[tilespmem:$0x10210] =	vst v63  }
0x2d6: {  	_ =	swait.ge [sflag:s13], $0x1000  }
0x2d7: {  	[sflag:s13] =	ssyncset.done $0x0  }
0x2d8: {  	[sflag:s13] =	ssyncadd.s32 $0xFFFFF000  }
0x2d9: {  	[bflag:$0x0] =	sbarrier.arrive $0xFFFF  }
0x2da: {  	s12 =	simm.s32 $0x6410;
	s14 =	rddreg [dreg:$0x6]  }
0x2db: {  	[tilespmem:s12], [sflag:$0x5] =	stream.linear.gather [spmem:s14], $0x4F00, $0x38;
	[tilespmem:$0x10210] =	vst v63  }
0x2dc: {  	_ =	swait.ge [sflag:s13], $0x4F00  }
0x2dd: {  	[sflag:s13] =	ssyncset.done $0x0  }
0x2de: {  	s9 =	rddreg [dreg:$0x5];
	[sflag:s13] =	ssyncadd.s32 $0xFFFFB100  }
0x2df: {  	[hbm4b:s9+s5] =	stream.linear.scatter [tilespmem:s12], [sflag:$0x5], $0x4F00, $0x38;
	[tilespmem:$0x10210] =	vst v63  }
0x2e0: {  	_ =	swait.ge [sflag:s13], $0x4F00  }
0x2e1: {  	s10 =	rddreg [dreg:$0x8]  }
0x2e2: {  	s20 =	rddreg [dreg:$0x7];
	s10 =	sadd.s32 $0x1, s10  }
0x2e3: {  	p0 =	sne.s32 s10, s20  }
.Ltmp6:
0x2e4: {  	_ = 	snop;
	(pc) =	sbr.rel @p0 .LBB2_1-.Ltmp6, $3  }
0x2e5: {  	_ =	sdelay $0x1  }
0x2e6: {  	[sflag:s13] =	ssyncset.done $0x0  }
0x2e7: {  	[sflag:s13] =	ssyncadd.s32 $0xFFFFB100  }
0x2e8: {  	_ =	sfence.sel $0x180000  }
0x2e9: {  	[bflag:$0x0] =	sbarrier.arrive $0xFFFF  }
0x2ea: {  	_ =	strace $0x90000047  }
0x2eb: {  	s0 =	stileid.u32;
	[bflag:$0x2] =	sbarrier.arrive $0xFFFF  }
0x2ec: {  	p0 =	sne.s32 s0, $0x0;
	s0 =	rddreg [dreg:$0x4]  }
0x2ed: {  	s0 =	sadd.s32 @!p0 $0x100000, s0  }
0x2ee: {  	[sflag:s0] =	ssyncadd.tile.s32 @!p0 $0x1;
	_ =	shalt  }
.Lfunc_end2:
_tile_overlayer_lowered:
.L_overlay_start_2:
0x2ef: {  	(tag) =	ssettag $0x2  }
0x2f0: {  	s0 =	rddreg [dreg:$0x0];
	s2 =	stileid.u32  }
0x2f1: {  	s1 =	rddreg [dreg:$0x1];
	p0 =	sne.s32 s2, $0x0  }
0x2f2: {  	s3 =	rddreg [dreg:$0x2];
	[bflag:$0x3] =	sbarrier.arrive $0xFFFF;
	s2 =	simm.s32 @!p0 $0x1C05  }
0x2f3: {  	[timem:s3], [sflag:s2] =	dma.local @!p0 [hbm:s0], s1  }
0x2f4: {  	s0 =	simm.s32 @!p0 $0x5  }
0x2f5: {  	_ =	swait.ge @!p0 [sflag:s0], s1  }
0x2f6: {  	s1 =	ssub.s32 @!p0 $0x0, s1;
	[sflag:s0] =	ssyncset.done @!p0 $0x0  }
0x2f7: {  	[sflag:s0] =	ssyncadd.s32 @!p0 s1  }
0x2f8: {  	[bflag:$0x3] =	sbarrier.arrive $0xFFFF  }
0x2f9: {  	_ =	shalt  }

</sc_bundles>
